<compile_context>
chip_gen: v7x
topology: tpu7x:2x2x1
jax: 0.10.2.dev20260603
libtpu: 0.0.44.dev20260713+nightly
codegen_flags: <defaults>
</compile_context>

<pallas_src>
import jax
import jax.numpy as jnp
from jax import lax
from jax.experimental import pallas as pl
from jax.experimental.pallas import tpu as pltpu
from jax.experimental.pallas import tpu_sc as plsc

N_NODES = 10000
D = 128

NC = 2
NS = 16
NW = NC * NS
CHUNK = 128
N_CHUNKS = 80
HALF = N_CHUNKS // 2
C0_STAGES = (40, 40, 40, 20)
C1_STAGES = (20,)
E0 = NS * sum(C0_STAGES) * CHUNK
E1 = NS * sum(C1_STAGES) * CHUNK
E_PAD = NW * N_CHUNKS * CHUNK

ACC_ROWS = 10240
ZROWS = ACC_ROWS // NS

_mesh = plsc.VectorSubcoreMesh(core_axis_name="c", subcore_axis_name="s")



def _sc_count_body(dst_hbm, zeros_hbm, ones_hbm, out_hbm, dst_v, ones_v, acc):
  c = lax.axis_index("c")
  s = lax.axis_index("s")
  wid = s * NC + c
  pltpu.sync_copy(dst_hbm.at[wid], dst_v)
  pltpu.sync_copy(ones_hbm, ones_v)
  pltpu.sync_copy(zeros_hbm, acc.at[pl.ds(s * ZROWS, ZROWS)])
  plsc.subcore_barrier()

  @pl.loop(0, N_CHUNKS)
  def _(j):
    pltpu.sync_copy(ones_v, acc.at[dst_v.at[j]], add=True)

  plsc.subcore_barrier()
  pltpu.sync_copy(acc.at[pl.ds(s * ZROWS, ZROWS)],
                  out_hbm.at[c, pl.ds(s * ZROWS, ZROWS)])


_sc_count = pl.kernel(
    _sc_count_body,
    out_type=jax.ShapeDtypeStruct((NC, ACC_ROWS, D), jnp.float32),
    mesh=_mesh,
    scratch_types=[
        pltpu.VMEM((N_CHUNKS, CHUNK), jnp.int32),
        pltpu.VMEM((CHUNK, D), jnp.float32),
        pltpu.VMEM_SHARED((ACC_ROWS, D), jnp.float32),
    ],
)


def _emit_edge_pipeline(g_hbm, src_hbm, dst_hbm, s, stages, acc,
                        src_v, dst_v, buf0, buf1,
                        sem_g0, sem_g1, sem_s0, sem_s1):
  base = 0
  for sz in stages:
    pltpu.sync_copy(src_hbm.at[s, pl.ds(base, sz)], src_v.at[pl.ds(0, sz)])
    pltpu.sync_copy(dst_hbm.at[s, pl.ds(base, sz)], dst_v.at[pl.ds(0, sz)])
    base += sz
    pltpu.async_copy(g_hbm.at[src_v.at[0]], buf0, sem_g0)
    pltpu.async_copy(g_hbm.at[src_v.at[1]], buf1, sem_g1)

    @pl.loop(0, sz // 2 - 1)
    def _(i):
      j0 = 2 * i
      j1 = j0 + 1
      pltpu.make_async_copy(g_hbm.at[src_v.at[j0]], buf0, sem_g0).wait()
      pltpu.async_copy(buf0, acc.at[dst_v.at[j0]], sem_s0, add=True)
      pltpu.make_async_copy(g_hbm.at[src_v.at[j1]], buf1, sem_g1).wait()
      pltpu.async_copy(buf1, acc.at[dst_v.at[j1]], sem_s1, add=True)
      pltpu.make_async_copy(buf0, acc.at[dst_v.at[j0]], sem_s0).wait()
      pltpu.async_copy(g_hbm.at[src_v.at[j0 + 2]], buf0, sem_g0)
      pltpu.make_async_copy(buf1, acc.at[dst_v.at[j1]], sem_s1).wait()
      pltpu.async_copy(g_hbm.at[src_v.at[j1 + 2]], buf1, sem_g1)

    jl0 = sz - 2
    jl1 = sz - 1
    pltpu.make_async_copy(g_hbm.at[src_v.at[jl0]], buf0, sem_g0).wait()
    pltpu.async_copy(buf0, acc.at[dst_v.at[jl0]], sem_s0, add=True)
    pltpu.make_async_copy(g_hbm.at[src_v.at[jl1]], buf1, sem_g1).wait()
    pltpu.async_copy(buf1, acc.at[dst_v.at[jl1]], sem_s1, add=True)
    pltpu.make_async_copy(buf0, acc.at[dst_v.at[jl0]], sem_s0).wait()
    pltpu.make_async_copy(buf1, acc.at[dst_v.at[jl1]], sem_s1).wait()


def _sc_segsum_body(g_hbm, src0_hbm, dst0_hbm, src1_hbm, dst1_hbm,
                    zeros_hbm, out_hbm,
                    src_v, dst_v, buf0, buf1, acc,
                    sem_g0, sem_g1, sem_s0, sem_s1):
  c = lax.axis_index("c")
  s = lax.axis_index("s")
  pltpu.sync_copy(zeros_hbm, acc.at[pl.ds(s * ZROWS, ZROWS)])
  plsc.subcore_barrier()

  @pl.when(c == 0)
  def _():
    _emit_edge_pipeline(g_hbm, src0_hbm, dst0_hbm, s, C0_STAGES, acc,
                        src_v, dst_v, buf0, buf1,
                        sem_g0, sem_g1, sem_s0, sem_s1)

  @pl.when(c == 1)
  def _():
    _emit_edge_pipeline(g_hbm, src1_hbm, dst1_hbm, s, C1_STAGES, acc,
                        src_v, dst_v, buf0, buf1,
                        sem_g0, sem_g1, sem_s0, sem_s1)

  plsc.subcore_barrier()
  pltpu.sync_copy(acc.at[pl.ds(s * ZROWS, ZROWS)],
                  out_hbm.at[c, pl.ds(s * ZROWS, ZROWS)])


_sc_segsum = pl.kernel(
    _sc_segsum_body,
    out_type=jax.ShapeDtypeStruct((NC, ACC_ROWS, D), jnp.float32),
    mesh=_mesh,
    scratch_types=[
        pltpu.VMEM((HALF, CHUNK), jnp.int32),
        pltpu.VMEM((HALF, CHUNK), jnp.int32),
        pltpu.VMEM((CHUNK, D), jnp.float32),
        pltpu.VMEM((CHUNK, D), jnp.float32),
        pltpu.VMEM_SHARED((ACC_ROWS, D), jnp.float32),
        pltpu.SemaphoreType.DMA,
        pltpu.SemaphoreType.DMA,
        pltpu.SemaphoreType.DMA,
        pltpu.SemaphoreType.DMA,
    ],
)



_ROWS = 1000
_GRID = N_NODES // _ROWS


def _dis_from_cnt(cnt):
  indeg = cnt[0, :, :1] + cnt[1, :, :1]
  return lax.rsqrt(indeg + 1.0)


def _tc1a_body(x_ref, w_ref, h_ref):
  h_ref[...] = jnp.dot(x_ref[...], w_ref[...],
                       preferred_element_type=jnp.float32)


def _tc1b_body(cnt_ref, h_ref, g_ref):
  g_ref[...] = h_ref[...] * _dis_from_cnt(cnt_ref[...])


def _tc2_body(cnt_ref, s_ref, g_ref, b_ref, w_ref, o_ref):
  dis = _dis_from_cnt(cnt_ref[...])
  tot = s_ref[0] + s_ref[1] + g_ref[...]
  pre = dis * tot + b_ref[...]
  z = 1.0507009873554805 * jnp.where(
      pre > 0, pre, 1.6732632423543772 * (jnp.exp(jnp.minimum(pre, 0.0)) - 1.0))
  h2 = jnp.dot(z, w_ref[...], preferred_element_type=jnp.float32)
  o_ref[...] = h2 * dis


def _tc3_body(cnt_ref, s_ref, g_ref, b_ref, o_ref):
  dis = _dis_from_cnt(cnt_ref[...])
  tot = s_ref[0] + s_ref[1] + g_ref[...]
  o = dis * tot + b_ref[...]
  m = jnp.max(o, axis=1, keepdims=True)
  e = o - m
  lse = jnp.log(jnp.sum(jnp.exp(e), axis=1, keepdims=True))
  o_ref[...] = e - lse


_cnt_spec = pl.BlockSpec((NC, _ROWS, D), lambda i: (0, i, 0))
_row_spec = pl.BlockSpec((_ROWS, D), lambda i: (i, 0))
_par_spec = pl.BlockSpec((NC, _ROWS, D), lambda i: (0, i, 0))
_w_spec = pl.BlockSpec((D, D), lambda i: (0, 0))
_b_spec = pl.BlockSpec((1, D), lambda i: (0, 0))
_out_sds = jax.ShapeDtypeStruct((N_NODES, D), jnp.float32)

_tc1a = pl.pallas_call(
    _tc1a_body, grid=(_GRID,),
    in_specs=[_row_spec, _w_spec],
    out_specs=_row_spec, out_shape=_out_sds)

_tc1b = pl.pallas_call(
    _tc1b_body, grid=(_GRID,),
    in_specs=[_cnt_spec, _row_spec],
    out_specs=_row_spec, out_shape=_out_sds)

_tc2 = pl.pallas_call(
    _tc2_body, grid=(_GRID,),
    in_specs=[_cnt_spec, _par_spec, _row_spec, _b_spec, _w_spec],
    out_specs=_row_spec, out_shape=_out_sds)

_tc3 = pl.pallas_call(
    _tc3_body, grid=(_GRID,),
    in_specs=[_cnt_spec, _par_spec, _row_spec, _b_spec],
    out_specs=_row_spec, out_shape=_out_sds)



@jax.jit
def _run(x, edge_index, W1, b1, W2, b2):
  src = edge_index[0].astype(jnp.int32)
  dst = edge_index[1].astype(jnp.int32)
  n_edges = src.shape[0]
  pad = E_PAD - n_edges
  src_f = jnp.concatenate([src, jnp.zeros((pad,), jnp.int32)])
  dst_f = jnp.concatenate([dst, jnp.full((pad,), N_NODES, jnp.int32)])
  dst_p = dst_f.reshape(NW, N_CHUNKS, CHUNK)
  src0 = src_f[:E0].reshape(NS, sum(C0_STAGES), CHUNK)
  dst0 = dst_f[:E0].reshape(NS, sum(C0_STAGES), CHUNK)
  src1 = src_f[E0:].reshape(NS, sum(C1_STAGES), CHUNK)
  dst1 = dst_f[E0:].reshape(NS, sum(C1_STAGES), CHUNK)

  zerosD = jnp.zeros((ZROWS, D), jnp.float32)
  onesD = jnp.ones((CHUNK, D), jnp.float32)

  cnt = _sc_count(dst_p, zerosD, onesD)
  h1 = _tc1a(x, W1)
  g1 = _tc1b(cnt, h1)
  s1 = _sc_segsum(g1, src0, dst0, src1, dst1, zerosD)
  g2 = _tc2(cnt, s1, g1, b1.reshape(1, D), W2)
  s2 = _sc_segsum(g2, src0, dst0, src1, dst1, zerosD)
  return _tc3(cnt, s2, g2, b2.reshape(1, D))


def kernel(x, edge_index, W1, b1, W2, b2):
  return _run(x, edge_index, W1, b1, W2, b2)

# --- scband reference (transcript-rebuilt; emitter-appended) ---
"""Pipeline reference for scband-gcn-35416300322991 (READ-ONLY COPY).

The authoritative reference and input builder live on the scoring server;
editing this copy changes nothing except your own understanding.
"""

import jax, jax.numpy as jnp
import numpy as np

N_NODES = 10000
N_EDGES = 320000
D_IN = 128
D_HID = 128
D_OUT = 128


def setup_inputs(seed: int = 0) -> dict:
    key = jax.random.key(seed)
    k1, k2, k3, k4, k5, k6 = jax.random.split(key, 6)
    x = jax.random.normal(k1, (N_NODES, D_IN), dtype=jnp.float32)
    edge_index = jax.random.randint(k2, (2, N_EDGES), 0, N_NODES, dtype=jnp.int64)
    # GCNConv linear weights (glorot-style scale) and biases
    W1 = jax.random.normal(k3, (D_IN, D_HID), dtype=jnp.float32) * (1.0 / np.sqrt(D_IN))
    b1 = jnp.zeros((D_HID,), dtype=jnp.float32)
    W2 = jax.random.normal(k4, (D_HID, D_OUT), dtype=jnp.float32) * (1.0 / np.sqrt(D_HID))
    b2 = jnp.zeros((D_OUT,), dtype=jnp.float32)
    return {"x": x, "edge_index": edge_index, "W1": W1, "b1": b1, "W2": W2, "b2": b2}


def _gcn_conv(x, src, dst, W, b, n_nodes):
    # x' = D^{-1/2} (A + I) D^{-1/2} (x W) + b   (PyG GCNConv semantics)
    h = x @ W
    deg = jax.ops.segment_sum(jnp.ones_like(dst, dtype=h.dtype), dst, num_segments=n_nodes)
    deg_inv_sqrt = jnp.where(deg > 0, jax.lax.rsqrt(deg), 0.0)
    norm = deg_inv_sqrt[src] * deg_inv_sqrt[dst]
    msg = h[src] * norm[:, None]
    out = jax.ops.segment_sum(msg, dst, num_segments=n_nodes)
    return out + b


def reference(x, edge_index, W1, b1, W2, b2):
    n = x.shape[0]
    loop = jnp.arange(n, dtype=edge_index.dtype)
    src = jnp.concatenate([edge_index[0], loop])
    dst = jnp.concatenate([edge_index[1], loop])
    h = _gcn_conv(x, src, dst, W1, b1, n)
    h = jax.nn.selu(h)
    # dropout is identity in eval mode
    h = _gcn_conv(h, src, dst, W2, b2, n)
    return jax.nn.log_softmax(h, axis=1)

if __name__ == "__main__":
    import jax
    _d = setup_inputs()
    print(jax.jit(kernel)(*tuple(_d.values())))

</pallas_src>

<mosaic_0001>
#map = affine_map<(d0, d1) -> (0, 0)>
#map1 = affine_map<(d0, d1) -> (0, 0, 0)>
module attributes {stable_mosaic.version = 14 : i64} {
  func.func @_sc_segsum_body(%arg0: i32, %arg1: i32, %arg2: memref<10000x128xf32, #tpu.memory_space<hbm>>, %arg3: memref<16x140x128xi32, #tpu.memory_space<hbm>>, %arg4: memref<16x140x128xi32, #tpu.memory_space<hbm>>, %arg5: memref<16x20x128xi32, #tpu.memory_space<hbm>>, %arg6: memref<16x20x128xi32, #tpu.memory_space<hbm>>, %arg7: memref<640x128xf32, #tpu.memory_space<hbm>>, %arg8: memref<2x10240x128xf32, #tpu.memory_space<hbm>>, %arg9: memref<40x128xi32, #tpu.memory_space<vmem>>, %arg10: memref<40x128xi32, #tpu.memory_space<vmem>>, %arg11: memref<128x128xf32, #tpu.memory_space<vmem>>, %arg12: memref<128x128xf32, #tpu.memory_space<vmem>>, %arg13: memref<10240x128xf32, #tpu.memory_space<vmem_shared>>, %arg14: memref<!tpu.dma_semaphore, #tpu.memory_space<semaphore_mem>>, %arg15: memref<!tpu.dma_semaphore, #tpu.memory_space<semaphore_mem>>, %arg16: memref<!tpu.dma_semaphore, #tpu.memory_space<semaphore_mem>>, %arg17: memref<!tpu.dma_semaphore, #tpu.memory_space<semaphore_mem>>) attributes {dimension_semantics = [#tpu.dimension_semantics<core_parallel>, #tpu.dimension_semantics<subcore_parallel>], iteration_bounds = array<i64: 2, 16>, scalar_prefetch = 0 : i64, scratch_operands = 9 : i64, tpu.core_type = #tpu.core_type<sc_vector_subcore>, window_params = [{transform_indices = #map}, {transform_indices = #map1}, {transform_indices = #map1}, {transform_indices = #map1}, {transform_indices = #map1}, {transform_indices = #map}, {transform_indices = #map1}]} {
    %mul3A = arith.constant 640 : i32
    %mul3A_0 = arith.muli %arg1, %mul3A : i32
    "tpu.region"() ({
      %run_scoped3A = tpu.sem_alloc : memref<!tpu.dma_semaphore, #tpu.memory_space<semaphore_mem>>
      %dma_start3A = arith.constant 0 : i32
      %dma_start3A_13 = tpu.memref_slice %arg13[%mul3A_0, %dma_start3A] : memref<10240x128xf32, #tpu.memory_space<vmem_shared>> -> memref<640x128xf32, #tpu.memory_space<vmem_shared>>
      tpu.enqueue_dma source(%arg7 : memref<640x128xf32, #tpu.memory_space<hbm>>) target(%dma_start3A_13 : memref<640x128xf32, #tpu.memory_space<vmem_shared>>) target_semaphore(%run_scoped3A : memref<!tpu.dma_semaphore, #tpu.memory_space<semaphore_mem>>)
      %dma_wait3A = arith.constant 0 : i32
      %dma_wait3A_14 = tpu.memref_slice %arg13[%mul3A_0, %dma_wait3A] : memref<10240x128xf32, #tpu.memory_space<vmem_shared>> -> memref<640x128xf32, #tpu.memory_space<vmem_shared>>
      tpu.wait_dma2 semaphore(%run_scoped3A : memref<!tpu.dma_semaphore, #tpu.memory_space<semaphore_mem>>) src(%arg7 : memref<640x128xf32, #tpu.memory_space<hbm>>) dst(%dma_wait3A_14 : memref<640x128xf32, #tpu.memory_space<vmem_shared>>)
      tpu.yield
    }) : () -> ()
    %barrier3A = arith.constant 0 : index
    tpu.barrier barrier_id(%barrier3A)
    %eq3A = arith.constant 0 : i32
    %eq3A_1 = arith.cmpi eq, %arg0, %eq3A : i32
    %convert_element_type3A = arith.extui %eq3A_1 : i1 to i32
    %cond3A = arith.constant 0 : i32
    %cond3A_2 = arith.cmpi ne, %convert_element_type3A, %cond3A : i32
    scf.if %cond3A_2 {
      "tpu.region"() ({
        %run_scoped3A = tpu.sem_alloc : memref<!tpu.dma_semaphore, #tpu.memory_space<semaphore_mem>>
        %dma_start3A_254 = arith.constant 0 : i32
        %dma_start3A_255 = arith.constant 0 : i32
        %dma_start3A_256 = tpu.memref_slice %arg9[%dma_start3A_254, %dma_start3A_255] : memref<40x128xi32, #tpu.memory_space<vmem>> -> memref<40x128xi32, #tpu.memory_space<vmem>>
        %dma_start3A_257 = arith.constant 0 : i32
        %dma_start3A_258 = arith.constant 0 : i32
        %dma_start3A_259 = tpu.memref_slice %arg3[%arg1, %dma_start3A_257, %dma_start3A_258] : memref<16x140x128xi32, #tpu.memory_space<hbm>> -> memref<1x40x128xi32, #tpu.memory_space<hbm>>
        %dma_start3A_260 = tpu.memref_squeeze %dma_start3A_259 : memref<1x40x128xi32, #tpu.memory_space<hbm>> -> memref<40x128xi32, #tpu.memory_space<hbm>>
        %dma_start3A_261 = arith.constant 0 : i32
        %dma_start3A_262 = arith.constant 0 : i32
        %dma_start3A_263 = tpu.memref_slice %arg9[%dma_start3A_261, %dma_start3A_262] : memref<40x128xi32, #tpu.memory_space<vmem>> -> memref<40x128xi32, #tpu.memory_space<vmem>>
        %dma_start3A_264 = arith.constant 0 : i32
        %dma_start3A_265 = arith.constant 0 : i32
        %dma_start3A_266 = tpu.memref_slice %arg3[%arg1, %dma_start3A_264, %dma_start3A_265] : memref<16x140x128xi32, #tpu.memory_space<hbm>> -> memref<1x40x128xi32, #tpu.memory_space<hbm>>
        %dma_start3A_267 = tpu.memref_squeeze %dma_start3A_266 : memref<1x40x128xi32, #tpu.memory_space<hbm>> -> memref<40x128xi32, #tpu.memory_space<hbm>>
        tpu.enqueue_dma source(%dma_start3A_267 : memref<40x128xi32, #tpu.memory_space<hbm>>) target(%dma_start3A_263 : memref<40x128xi32, #tpu.memory_space<vmem>>) target_semaphore(%run_scoped3A : memref<!tpu.dma_semaphore, #tpu.memory_space<semaphore_mem>>)
        %dma_wait3A_268 = arith.constant 0 : i32
        %dma_wait3A_269 = arith.constant 0 : i32
        %dma_wait3A_270 = tpu.memref_slice %arg9[%dma_wait3A_268, %dma_wait3A_269] : memref<40x128xi32, #tpu.memory_space<vmem>> -> memref<40x128xi32, #tpu.memory_space<vmem>>
        %dma_wait3A_271 = arith.constant 0 : i32
        %dma_wait3A_272 = arith.constant 0 : i32
        %dma_wait3A_273 = tpu.memref_slice %arg3[%arg1, %dma_wait3A_271, %dma_wait3A_272] : memref<16x140x128xi32, #tpu.memory_space<hbm>> -> memref<1x40x128xi32, #tpu.memory_space<hbm>>
        %dma_wait3A_274 = tpu.memref_squeeze %dma_wait3A_273 : memref<1x40x128xi32, #tpu.memory_space<hbm>> -> memref<40x128xi32, #tpu.memory_space<hbm>>
        %dma_wait3A_275 = arith.constant 0 : i32
        %dma_wait3A_276 = arith.constant 0 : i32
        %dma_wait3A_277 = tpu.memref_slice %arg9[%dma_wait3A_275, %dma_wait3A_276] : memref<40x128xi32, #tpu.memory_space<vmem>> -> memref<40x128xi32, #tpu.memory_space<vmem>>
        %dma_wait3A_278 = arith.constant 0 : i32
        %dma_wait3A_279 = arith.constant 0 : i32
        %dma_wait3A_280 = tpu.memref_slice %arg3[%arg1, %dma_wait3A_278, %dma_wait3A_279] : memref<16x140x128xi32, #tpu.memory_space<hbm>> -> memref<1x40x128xi32, #tpu.memory_space<hbm>>
        %dma_wait3A_281 = tpu.memref_squeeze %dma_wait3A_280 : memref<1x40x128xi32, #tpu.memory_space<hbm>> -> memref<40x128xi32, #tpu.memory_space<hbm>>
        tpu.wait_dma2 semaphore(%run_scoped3A : memref<!tpu.dma_semaphore, #tpu.memory_space<semaphore_mem>>) src(%dma_wait3A_281 : memref<40x128xi32, #tpu.memory_space<hbm>>) dst(%dma_wait3A_277 : memref<40x128xi32, #tpu.memory_space<vmem>>)
        tpu.yield
      }) : () -> ()
      "tpu.region"() ({
        %run_scoped3A = tpu.sem_alloc : memref<!tpu.dma_semaphore, #tpu.memory_space<semaphore_mem>>
        %dma_start3A_254 = arith.constant 0 : i32
        %dma_start3A_255 = arith.constant 0 : i32
        %dma_start3A_256 = tpu.memref_slice %arg10[%dma_start3A_254, %dma_start3A_255] : memref<40x128xi32, #tpu.memory_space<vmem>> -> memref<40x128xi32, #tpu.memory_space<vmem>>
        %dma_start3A_257 = arith.constant 0 : i32
        %dma_start3A_258 = arith.constant 0 : i32
        %dma_start3A_259 = tpu.memref_slice %arg4[%arg1, %dma_start3A_257, %dma_start3A_258] : memref<16x140x128xi32, #tpu.memory_space<hbm>> -> memref<1x40x128xi32, #tpu.memory_space<hbm>>
        %dma_start3A_260 = tpu.memref_squeeze %dma_start3A_259 : memref<1x40x128xi32, #tpu.memory_space<hbm>> -> memref<40x128xi32, #tpu.memory_space<hbm>>
        %dma_start3A_261 = arith.constant 0 : i32
        %dma_start3A_262 = arith.constant 0 : i32
        %dma_start3A_263 = tpu.memref_slice %arg10[%dma_start3A_261, %dma_start3A_262] : memref<40x128xi32, #tpu.memory_space<vmem>> -> memref<40x128xi32, #tpu.memory_space<vmem>>
        %dma_start3A_264 = arith.constant 0 : i32
        %dma_start3A_265 = arith.constant 0 : i32
        %dma_start3A_266 = tpu.memref_slice %arg4[%arg1, %dma_start3A_264, %dma_start3A_265] : memref<16x140x128xi32, #tpu.memory_space<hbm>> -> memref<1x40x128xi32, #tpu.memory_space<hbm>>
        %dma_start3A_267 = tpu.memref_squeeze %dma_start3A_266 : memref<1x40x128xi32, #tpu.memory_space<hbm>> -> memref<40x128xi32, #tpu.memory_space<hbm>>
        tpu.enqueue_dma source(%dma_start3A_267 : memref<40x128xi32, #tpu.memory_space<hbm>>) target(%dma_start3A_263 : memref<40x128xi32, #tpu.memory_space<vmem>>) target_semaphore(%run_scoped3A : memref<!tpu.dma_semaphore, #tpu.memory_space<semaphore_mem>>)
        %dma_wait3A_268 = arith.constant 0 : i32
        %dma_wait3A_269 = arith.constant 0 : i32
        %dma_wait3A_270 = tpu.memref_slice %arg10[%dma_wait3A_268, %dma_wait3A_269] : memref<40x128xi32, #tpu.memory_space<vmem>> -> memref<40x128xi32, #tpu.memory_space<vmem>>
        %dma_wait3A_271 = arith.constant 0 : i32
        %dma_wait3A_272 = arith.constant 0 : i32
        %dma_wait3A_273 = tpu.memref_slice %arg4[%arg1, %dma_wait3A_271, %dma_wait3A_272] : memref<16x140x128xi32, #tpu.memory_space<hbm>> -> memref<1x40x128xi32, #tpu.memory_space<hbm>>
        %dma_wait3A_274 = tpu.memref_squeeze %dma_wait3A_273 : memref<1x40x128xi32, #tpu.memory_space<hbm>> -> memref<40x128xi32, #tpu.memory_space<hbm>>
        %dma_wait3A_275 = arith.constant 0 : i32
        %dma_wait3A_276 = arith.constant 0 : i32
        %dma_wait3A_277 = tpu.memref_slice %arg10[%dma_wait3A_275, %dma_wait3A_276] : memref<40x128xi32, #tpu.memory_space<vmem>> -> memref<40x128xi32, #tpu.memory_space<vmem>>
        %dma_wait3A_278 = arith.constant 0 : i32
        %dma_wait3A_279 = arith.constant 0 : i32
        %dma_wait3A_280 = tpu.memref_slice %arg4[%arg1, %dma_wait3A_278, %dma_wait3A_279] : memref<16x140x128xi32, #tpu.memory_space<hbm>> -> memref<1x40x128xi32, #tpu.memory_space<hbm>>
        %dma_wait3A_281 = tpu.memref_squeeze %dma_wait3A_280 : memref<1x40x128xi32, #tpu.memory_space<hbm>> -> memref<40x128xi32, #tpu.memory_space<hbm>>
        tpu.wait_dma2 semaphore(%run_scoped3A : memref<!tpu.dma_semaphore, #tpu.memory_space<semaphore_mem>>) src(%dma_wait3A_281 : memref<40x128xi32, #tpu.memory_space<hbm>>) dst(%dma_wait3A_277 : memref<40x128xi32, #tpu.memory_space<vmem>>)
        tpu.yield
      }) : () -> ()
      %dma_start3A = arith.constant 0 : i32
      %dma_start3A_13 = arith.constant 0 : i32
      %dma_start3A_14 = tpu.memref_slice %arg9[%dma_start3A, %dma_start3A_13] : memref<40x128xi32, #tpu.memory_space<vmem>> -> memref<1x128xi32, #tpu.memory_space<vmem>>
      %dma_start3A_15 = tpu.memref_squeeze %dma_start3A_14 : memref<1x128xi32, #tpu.memory_space<vmem>> -> memref<128xi32, #tpu.memory_space<vmem>>
      %dma_start3A_16 = arith.constant 0 : i32
      %dma_start3A_17 = arith.constant 0 : i32
      %dma_start3A_18 = tpu.memref_slice %arg2[%dma_start3A_16, %dma_start3A_17] : memref<10000x128xf32, #tpu.memory_space<hbm>> -> memref<10000x128xf32, #tpu.memory_space<hbm>>
      tpu.enqueue_indirect_dma source(%dma_start3A_18 : memref<10000x128xf32, #tpu.memory_space<hbm>>) target(%arg11 : memref<128x128xf32, #tpu.memory_space<vmem>>) offsets(%dma_start3A_15 : memref<128xi32, #tpu.memory_space<vmem>>) semaphore(%arg14 : memref<!tpu.dma_semaphore, #tpu.memory_space<semaphore_mem>>)
      %dma_start3A_19 = arith.constant 1 : i32
      %dma_start3A_20 = arith.constant 0 : i32
      %dma_start3A_21 = tpu.memref_slice %arg9[%dma_start3A_19, %dma_start3A_20] : memref<40x128xi32, #tpu.memory_space<vmem>> -> memref<1x128xi32, #tpu.memory_space<vmem>>
      %dma_start3A_22 = tpu.memref_squeeze %dma_start3A_21 : memref<1x128xi32, #tpu.memory_space<vmem>> -> memref<128xi32, #tpu.memory_space<vmem>>
      %dma_start3A_23 = arith.constant 0 : i32
      %dma_start3A_24 = arith.constant 0 : i32
      %dma_start3A_25 = tpu.memref_slice %arg2[%dma_start3A_23, %dma_start3A_24] : memref<10000x128xf32, #tpu.memory_space<hbm>> -> memref<10000x128xf32, #tpu.memory_space<hbm>>
      tpu.enqueue_indirect_dma source(%dma_start3A_25 : memref<10000x128xf32, #tpu.memory_space<hbm>>) target(%arg12 : memref<128x128xf32, #tpu.memory_space<vmem>>) offsets(%dma_start3A_22 : memref<128xi32, #tpu.memory_space<vmem>>) semaphore(%arg15 : memref<!tpu.dma_semaphore, #tpu.memory_space<semaphore_mem>>)
      %scan3A = arith.constant 0 : i32
      %scan3A_26 = arith.constant 19 : i32
      %scan3A_27 = arith.addi %scan3A, %scan3A_26 : i32
      %scan3A_28 = arith.constant 1 : i32
      scf.for %scan3A_254 = %scan3A to %scan3A_27 step %scan3A_28  : i32 {
        %mul3A_255 = arith.constant 1 : i32
        %mul3A_256 = arith.muli %scan3A_254, %mul3A_255 : i32
        %add3A = arith.constant 0 : i32
        %add3A_257 = arith.addi %add3A, %mul3A_256 : i32
        %mul3A_258 = arith.constant 2 : i32
        %mul3A_259 = arith.muli %mul3A_258, %add3A_257 : i32
        %add3A_260 = arith.constant 1 : i32
        %add3A_261 = arith.addi %mul3A_259, %add3A_260 : i32
        %dma_wait3A_262 = arith.constant 0 : i32
        %dma_wait3A_263 = tpu.memref_slice %arg9[%mul3A_259, %dma_wait3A_262] : memref<40x128xi32, #tpu.memory_space<vmem>> -> memref<1x128xi32, #tpu.memory_space<vmem>>
        %dma_wait3A_264 = tpu.memref_squeeze %dma_wait3A_263 : memref<1x128xi32, #tpu.memory_space<vmem>> -> memref<128xi32, #tpu.memory_space<vmem>>
        %dma_wait3A_265 = arith.constant 0 : i32
        %dma_wait3A_266 = arith.constant 0 : i32
        %dma_wait3A_267 = tpu.memref_slice %arg2[%dma_wait3A_265, %dma_wait3A_266] : memref<10000x128xf32, #tpu.memory_space<hbm>> -> memref<10000x128xf32, #tpu.memory_space<hbm>>
        tpu.wait_indirect_dma semaphore(%arg14 : memref<!tpu.dma_semaphore, #tpu.memory_space<semaphore_mem>>) src(%dma_wait3A_267 : memref<10000x128xf32, #tpu.memory_space<hbm>>) dst(%arg11 : memref<128x128xf32, #tpu.memory_space<vmem>>)
        %dma_start3A_268 = arith.constant 0 : i32
        %dma_start3A_269 = tpu.memref_slice %arg10[%mul3A_259, %dma_start3A_268] : memref<40x128xi32, #tpu.memory_space<vmem>> -> memref<1x128xi32, #tpu.memory_space<vmem>>
        %dma_start3A_270 = tpu.memref_squeeze %dma_start3A_269 : memref<1x128xi32, #tpu.memory_space<vmem>> -> memref<128xi32, #tpu.memory_space<vmem>>
        %dma_start3A_271 = arith.constant 0 : i32
        %dma_start3A_272 = arith.constant 0 : i32
        %dma_start3A_273 = tpu.memref_slice %arg13[%dma_start3A_271, %dma_start3A_272] : memref<10240x128xf32, #tpu.memory_space<vmem_shared>> -> memref<10240x128xf32, #tpu.memory_space<vmem_shared>>
        tpu.enqueue_indirect_dma source(%arg11 : memref<128x128xf32, #tpu.memory_space<vmem>>) target(%dma_start3A_273 : memref<10240x128xf32, #tpu.memory_space<vmem_shared>>) offsets(%dma_start3A_270 : memref<128xi32, #tpu.memory_space<vmem>>) semaphore(%arg16 : memref<!tpu.dma_semaphore, #tpu.memory_space<semaphore_mem>>) {add = true}
        %dma_wait3A_274 = arith.constant 0 : i32
        %dma_wait3A_275 = tpu.memref_slice %arg9[%add3A_261, %dma_wait3A_274] : memref<40x128xi32, #tpu.memory_space<vmem>> -> memref<1x128xi32, #tpu.memory_space<vmem>>
        %dma_wait3A_276 = tpu.memref_squeeze %dma_wait3A_275 : memref<1x128xi32, #tpu.memory_space<vmem>> -> memref<128xi32, #tpu.memory_space<vmem>>
        %dma_wait3A_277 = arith.constant 0 : i32
        %dma_wait3A_278 = arith.constant 0 : i32
        %dma_wait3A_279 = tpu.memref_slice %arg2[%dma_wait3A_277, %dma_wait3A_278] : memref<10000x128xf32, #tpu.memory_space<hbm>> -> memref<10000x128xf32, #tpu.memory_space<hbm>>
        tpu.wait_indirect_dma semaphore(%arg15 : memref<!tpu.dma_semaphore, #tpu.memory_space<semaphore_mem>>) src(%dma_wait3A_279 : memref<10000x128xf32, #tpu.memory_space<hbm>>) dst(%arg12 : memref<128x128xf32, #tpu.memory_space<vmem>>)
        %dma_start3A_280 = arith.constant 0 : i32
        %dma_start3A_281 = tpu.memref_slice %arg10[%add3A_261, %dma_start3A_280] : memref<40x128xi32, #tpu.memory_space<vmem>> -> memref<1x128xi32, #tpu.memory_space<vmem>>
        %dma_start3A_282 = tpu.memref_squeeze %dma_start3A_281 : memref<1x128xi32, #tpu.memory_space<vmem>> -> memref<128xi32, #tpu.memory_space<vmem>>
        %dma_start3A_283 = arith.constant 0 : i32
        %dma_start3A_284 = arith.constant 0 : i32
        %dma_start3A_285 = tpu.memref_slice %arg13[%dma_start3A_283, %dma_start3A_284] : memref<10240x128xf32, #tpu.memory_space<vmem_shared>> -> memref<10240x128xf32, #tpu.memory_space<vmem_shared>>
        tpu.enqueue_indirect_dma source(%arg12 : memref<128x128xf32, #tpu.memory_space<vmem>>) target(%dma_start3A_285 : memref<10240x128xf32, #tpu.memory_space<vmem_shared>>) offsets(%dma_start3A_282 : memref<128xi32, #tpu.memory_space<vmem>>) semaphore(%arg17 : memref<!tpu.dma_semaphore, #tpu.memory_space<semaphore_mem>>) {add = true}
        %dma_wait3A_286 = arith.constant 0 : i32
        %dma_wait3A_287 = tpu.memref_slice %arg10[%mul3A_259, %dma_wait3A_286] : memref<40x128xi32, #tpu.memory_space<vmem>> -> memref<1x128xi32, #tpu.memory_space<vmem>>
        %dma_wait3A_288 = tpu.memref_squeeze %dma_wait3A_287 : memref<1x128xi32, #tpu.memory_space<vmem>> -> memref<128xi32, #tpu.memory_space<vmem>>
        %dma_wait3A_289 = arith.constant 0 : i32
        %dma_wait3A_290 = arith.constant 0 : i32
        %dma_wait3A_291 = tpu.memref_slice %arg13[%dma_wait3A_289, %dma_wait3A_290] : memref<10240x128xf32, #tpu.memory_space<vmem_shared>> -> memref<10240x128xf32, #tpu.memory_space<vmem_shared>>
        tpu.wait_indirect_dma semaphore(%arg16 : memref<!tpu.dma_semaphore, #tpu.memory_space<semaphore_mem>>) src(%arg11 : memref<128x128xf32, #tpu.memory_space<vmem>>) dst(%dma_wait3A_291 : memref<10240x128xf32, #tpu.memory_space<vmem_shared>>)
        %add3A_292 = arith.constant 2 : i32
        %add3A_293 = arith.addi %mul3A_259, %add3A_292 : i32
        %dma_start3A_294 = arith.constant 0 : i32
        %dma_start3A_295 = tpu.memref_slice %arg9[%add3A_293, %dma_start3A_294] : memref<40x128xi32, #tpu.memory_space<vmem>> -> memref<1x128xi32, #tpu.memory_space<vmem>>
        %dma_start3A_296 = tpu.memref_squeeze %dma_start3A_295 : memref<1x128xi32, #tpu.memory_space<vmem>> -> memref<128xi32, #tpu.memory_space<vmem>>
        %dma_start3A_297 = arith.constant 0 : i32
        %dma_start3A_298 = arith.constant 0 : i32
        %dma_start3A_299 = tpu.memref_slice %arg2[%dma_start3A_297, %dma_start3A_298] : memref<10000x128xf32, #tpu.memory_space<hbm>> -> memref<10000x128xf32, #tpu.memory_space<hbm>>
        tpu.enqueue_indirect_dma source(%dma_start3A_299 : memref<10000x128xf32, #tpu.memory_space<hbm>>) target(%arg11 : memref<128x128xf32, #tpu.memory_space<vmem>>) offsets(%dma_start3A_296 : memref<128xi32, #tpu.memory_space<vmem>>) semaphore(%arg14 : memref<!tpu.dma_semaphore, #tpu.memory_space<semaphore_mem>>)
        %dma_wait3A_300 = arith.constant 0 : i32
        %dma_wait3A_301 = tpu.memref_slice %arg10[%add3A_261, %dma_wait3A_300] : memref<40x128xi32, #tpu.memory_space<vmem>> -> memref<1x128xi32, #tpu.memory_space<vmem>>
        %dma_wait3A_302 = tpu.memref_squeeze %dma_wait3A_301 : memref<1x128xi32, #tpu.memory_space<vmem>> -> memref<128xi32, #tpu.memory_space<vmem>>
        %dma_wait3A_303 = arith.constant 0 : i32
        %dma_wait3A_304 = arith.constant 0 : i32
        %dma_wait3A_305 = tpu.memref_slice %arg13[%dma_wait3A_303, %dma_wait3A_304] : memref<10240x128xf32, #tpu.memory_space<vmem_shared>> -> memref<10240x128xf32, #tpu.memory_space<vmem_shared>>
        tpu.wait_indirect_dma semaphore(%arg17 : memref<!tpu.dma_semaphore, #tpu.memory_space<semaphore_mem>>) src(%arg12 : memref<128x128xf32, #tpu.memory_space<vmem>>) dst(%dma_wait3A_305 : memref<10240x128xf32, #tpu.memory_space<vmem_shared>>)
        %add3A_306 = arith.constant 2 : i32
        %add3A_307 = arith.addi %add3A_261, %add3A_306 : i32
        %dma_start3A_308 = arith.constant 0 : i32
        %dma_start3A_309 = tpu.memref_slice %arg9[%add3A_307, %dma_start3A_308] : memref<40x128xi32, #tpu.memory_space<vmem>> -> memref<1x128xi32, #tpu.memory_space<vmem>>
        %dma_start3A_310 = tpu.memref_squeeze %dma_start3A_309 : memref<1x128xi32, #tpu.memory_space<vmem>> -> memref<128xi32, #tpu.memory_space<vmem>>
        %dma_start3A_311 = arith.constant 0 : i32
        %dma_start3A_312 = arith.constant 0 : i32
        %dma_start3A_313 = tpu.memref_slice %arg2[%dma_start3A_311, %dma_start3A_312] : memref<10000x128xf32, #tpu.memory_space<hbm>> -> memref<10000x128xf32, #tpu.memory_space<hbm>>
        tpu.enqueue_indirect_dma source(%dma_start3A_313 : memref<10000x128xf32, #tpu.memory_space<hbm>>) target(%arg12 : memref<128x128xf32, #tpu.memory_space<vmem>>) offsets(%dma_start3A_310 : memref<128xi32, #tpu.memory_space<vmem>>) semaphore(%arg15 : memref<!tpu.dma_semaphore, #tpu.memory_space<semaphore_mem>>)
      }
      %scan3A_29 = arith.constant 19 : i32
      %dma_wait3A = arith.constant 38 : i32
      %dma_wait3A_30 = arith.constant 0 : i32
      %dma_wait3A_31 = tpu.memref_slice %arg9[%dma_wait3A, %dma_wait3A_30] : memref<40x128xi32, #tpu.memory_space<vmem>> -> memref<1x128xi32, #tpu.memory_space<vmem>>
      %dma_wait3A_32 = tpu.memref_squeeze %dma_wait3A_31 : memref<1x128xi32, #tpu.memory_space<vmem>> -> memref<128xi32, #tpu.memory_space<vmem>>
      %dma_wait3A_33 = arith.constant 0 : i32
      %dma_wait3A_34 = arith.constant 0 : i32
      %dma_wait3A_35 = tpu.memref_slice %arg2[%dma_wait3A_33, %dma_wait3A_34] : memref<10000x128xf32, #tpu.memory_space<hbm>> -> memref<10000x128xf32, #tpu.memory_space<hbm>>
      tpu.wait_indirect_dma semaphore(%arg14 : memref<!tpu.dma_semaphore, #tpu.memory_space<semaphore_mem>>) src(%dma_wait3A_35 : memref<10000x128xf32, #tpu.memory_space<hbm>>) dst(%arg11 : memref<128x128xf32, #tpu.memory_space<vmem>>)
      %dma_start3A_36 = arith.constant 38 : i32
      %dma_start3A_37 = arith.constant 0 : i32
      %dma_start3A_38 = tpu.memref_slice %arg10[%dma_start3A_36, %dma_start3A_37] : memref<40x128xi32, #tpu.memory_space<vmem>> -> memref<1x128xi32, #tpu.memory_space<vmem>>
      %dma_start3A_39 = tpu.memref_squeeze %dma_start3A_38 : memref<1x128xi32, #tpu.memory_space<vmem>> -> memref<128xi32, #tpu.memory_space<vmem>>
      %dma_start3A_40 = arith.constant 0 : i32
      %dma_start3A_41 = arith.constant 0 : i32
      %dma_start3A_42 = tpu.memref_slice %arg13[%dma_start3A_40, %dma_start3A_41] : memref<10240x128xf32, #tpu.memory_space<vmem_shared>> -> memref<10240x128xf32, #tpu.memory_space<vmem_shared>>
      tpu.enqueue_indirect_dma source(%arg11 : memref<128x128xf32, #tpu.memory_space<vmem>>) target(%dma_start3A_42 : memref<10240x128xf32, #tpu.memory_space<vmem_shared>>) offsets(%dma_start3A_39 : memref<128xi32, #tpu.memory_space<vmem>>) semaphore(%arg16 : memref<!tpu.dma_semaphore, #tpu.memory_space<semaphore_mem>>) {add = true}
      %dma_wait3A_43 = arith.constant 39 : i32
      %dma_wait3A_44 = arith.constant 0 : i32
      %dma_wait3A_45 = tpu.memref_slice %arg9[%dma_wait3A_43, %dma_wait3A_44] : memref<40x128xi32, #tpu.memory_space<vmem>> -> memref<1x128xi32, #tpu.memory_space<vmem>>
      %dma_wait3A_46 = tpu.memref_squeeze %dma_wait3A_45 : memref<1x128xi32, #tpu.memory_space<vmem>> -> memref<128xi32, #tpu.memory_space<vmem>>
      %dma_wait3A_47 = arith.constant 0 : i32
      %dma_wait3A_48 = arith.constant 0 : i32
      %dma_wait3A_49 = tpu.memref_slice %arg2[%dma_wait3A_47, %dma_wait3A_48] : memref<10000x128xf32, #tpu.memory_space<hbm>> -> memref<10000x128xf32, #tpu.memory_space<hbm>>
      tpu.wait_indirect_dma semaphore(%arg15 : memref<!tpu.dma_semaphore, #tpu.memory_space<semaphore_mem>>) src(%dma_wait3A_49 : memref<10000x128xf32, #tpu.memory_space<hbm>>) dst(%arg12 : memref<128x128xf32, #tpu.memory_space<vmem>>)
      %dma_start3A_50 = arith.constant 39 : i32
      %dma_start3A_51 = arith.constant 0 : i32
      %dma_start3A_52 = tpu.memref_slice %arg10[%dma_start3A_50, %dma_start3A_51] : memref<40x128xi32, #tpu.memory_space<vmem>> -> memref<1x128xi32, #tpu.memory_space<vmem>>
      %dma_start3A_53 = tpu.memref_squeeze %dma_start3A_52 : memref<1x128xi32, #tpu.memory_space<vmem>> -> memref<128xi32, #tpu.memory_space<vmem>>
      %dma_start3A_54 = arith.constant 0 : i32
      %dma_start3A_55 = arith.constant 0 : i32
      %dma_start3A_56 = tpu.memref_slice %arg13[%dma_start3A_54, %dma_start3A_55] : memref<10240x128xf32, #tpu.memory_space<vmem_shared>> -> memref<10240x128xf32, #tpu.memory_space<vmem_shared>>
      tpu.enqueue_indirect_dma source(%arg12 : memref<128x128xf32, #tpu.memory_space<vmem>>) target(%dma_start3A_56 : memref<10240x128xf32, #tpu.memory_space<vmem_shared>>) offsets(%dma_start3A_53 : memref<128xi32, #tpu.memory_space<vmem>>) semaphore(%arg17 : memref<!tpu.dma_semaphore, #tpu.memory_space<semaphore_mem>>) {add = true}
      %dma_wait3A_57 = arith.constant 38 : i32
      %dma_wait3A_58 = arith.constant 0 : i32
      %dma_wait3A_59 = tpu.memref_slice %arg10[%dma_wait3A_57, %dma_wait3A_58] : memref<40x128xi32, #tpu.memory_space<vmem>> -> memref<1x128xi32, #tpu.memory_space<vmem>>
      %dma_wait3A_60 = tpu.memref_squeeze %dma_wait3A_59 : memref<1x128xi32, #tpu.memory_space<vmem>> -> memref<128xi32, #tpu.memory_space<vmem>>
      %dma_wait3A_61 = arith.constant 0 : i32
      %dma_wait3A_62 = arith.constant 0 : i32
      %dma_wait3A_63 = tpu.memref_slice %arg13[%dma_wait3A_61, %dma_wait3A_62] : memref<10240x128xf32, #tpu.memory_space<vmem_shared>> -> memref<10240x128xf32, #tpu.memory_space<vmem_shared>>
      tpu.wait_indirect_dma semaphore(%arg16 : memref<!tpu.dma_semaphore, #tpu.memory_space<semaphore_mem>>) src(%arg11 : memref<128x128xf32, #tpu.memory_space<vmem>>) dst(%dma_wait3A_63 : memref<10240x128xf32, #tpu.memory_space<vmem_shared>>)
      %dma_wait3A_64 = arith.constant 39 : i32
      %dma_wait3A_65 = arith.constant 0 : i32
      %dma_wait3A_66 = tpu.memref_slice %arg10[%dma_wait3A_64, %dma_wait3A_65] : memref<40x128xi32, #tpu.memory_space<vmem>> -> memref<1x128xi32, #tpu.memory_space<vmem>>
      %dma_wait3A_67 = tpu.memref_squeeze %dma_wait3A_66 : memref<1x128xi32, #tpu.memory_space<vmem>> -> memref<128xi32, #tpu.memory_space<vmem>>
      %dma_wait3A_68 = arith.constant 0 : i32
      %dma_wait3A_69 = arith.constant 0 : i32
      %dma_wait3A_70 = tpu.memref_slice %arg13[%dma_wait3A_68, %dma_wait3A_69] : memref<10240x128xf32, #tpu.memory_space<vmem_shared>> -> memref<10240x128xf32, #tpu.memory_space<vmem_shared>>
      tpu.wait_indirect_dma semaphore(%arg17 : memref<!tpu.dma_semaphore, #tpu.memory_space<semaphore_mem>>) src(%arg12 : memref<128x128xf32, #tpu.memory_space<vmem>>) dst(%dma_wait3A_70 : memref<10240x128xf32, #tpu.memory_space<vmem_shared>>)
      "tpu.region"() ({
        %run_scoped3A = tpu.sem_alloc : memref<!tpu.dma_semaphore, #tpu.memory_space<semaphore_mem>>
        %dma_start3A_254 = arith.constant 0 : i32
        %dma_start3A_255 = arith.constant 0 : i32
        %dma_start3A_256 = tpu.memref_slice %arg9[%dma_start3A_254, %dma_start3A_255] : memref<40x128xi32, #tpu.memory_space<vmem>> -> memref<40x128xi32, #tpu.memory_space<vmem>>
        %dma_start3A_257 = arith.constant 40 : i32
        %dma_start3A_258 = arith.constant 0 : i32
        %dma_start3A_259 = tpu.memref_slice %arg3[%arg1, %dma_start3A_257, %dma_start3A_258] : memref<16x140x128xi32, #tpu.memory_space<hbm>> -> memref<1x40x128xi32, #tpu.memory_space<hbm>>
        %dma_start3A_260 = tpu.memref_squeeze %dma_start3A_259 : memref<1x40x128xi32, #tpu.memory_space<hbm>> -> memref<40x128xi32, #tpu.memory_space<hbm>>
        %dma_start3A_261 = arith.constant 0 : i32
        %dma_start3A_262 = arith.constant 0 : i32
        %dma_start3A_263 = tpu.memref_slice %arg9[%dma_start3A_261, %dma_start3A_262] : memref<40x128xi32, #tpu.memory_space<vmem>> -> memref<40x128xi32, #tpu.memory_space<vmem>>
        %dma_start3A_264 = arith.constant 40 : i32
        %dma_start3A_265 = arith.constant 0 : i32
        %dma_start3A_266 = tpu.memref_slice %arg3[%arg1, %dma_start3A_264, %dma_start3A_265] : memref<16x140x128xi32, #tpu.memory_space<hbm>> -> memref<1x40x128xi32, #tpu.memory_space<hbm>>
        %dma_start3A_267 = tpu.memref_squeeze %dma_start3A_266 : memref<1x40x128xi32, #tpu.memory_space<hbm>> -> memref<40x128xi32, #tpu.memory_space<hbm>>
        tpu.enqueue_dma source(%dma_start3A_267 : memref<40x128xi32, #tpu.memory_space<hbm>>) target(%dma_start3A_263 : memref<40x128xi32, #tpu.memory_space<vmem>>) target_semaphore(%run_scoped3A : memref<!tpu.dma_semaphore, #tpu.memory_space<semaphore_mem>>)
        %dma_wait3A_268 = arith.constant 0 : i32
        %dma_wait3A_269 = arith.constant 0 : i32
        %dma_wait3A_270 = tpu.memref_slice %arg9[%dma_wait3A_268, %dma_wait3A_269] : memref<40x128xi32, #tpu.memory_space<vmem>> -> memref<40x128xi32, #tpu.memory_space<vmem>>
        %dma_wait3A_271 = arith.constant 40 : i32
        %dma_wait3A_272 = arith.constant 0 : i32
        %dma_wait3A_273 = tpu.memref_slice %arg3[%arg1, %dma_wait3A_271, %dma_wait3A_272] : memref<16x140x128xi32, #tpu.memory_space<hbm>> -> memref<1x40x128xi32, #tpu.memory_space<hbm>>
        %dma_wait3A_274 = tpu.memref_squeeze %dma_wait3A_273 : memref<1x40x128xi32, #tpu.memory_space<hbm>> -> memref<40x128xi32, #tpu.memory_space<hbm>>
        %dma_wait3A_275 = arith.constant 0 : i32
        %dma_wait3A_276 = arith.constant 0 : i32
        %dma_wait3A_277 = tpu.memref_slice %arg9[%dma_wait3A_275, %dma_wait3A_276] : memref<40x128xi32, #tpu.memory_space<vmem>> -> memref<40x128xi32, #tpu.memory_space<vmem>>
        %dma_wait3A_278 = arith.constant 40 : i32
        %dma_wait3A_279 = arith.constant 0 : i32
        %dma_wait3A_280 = tpu.memref_slice %arg3[%arg1, %dma_wait3A_278, %dma_wait3A_279] : memref<16x140x128xi32, #tpu.memory_space<hbm>> -> memref<1x40x128xi32, #tpu.memory_space<hbm>>
        %dma_wait3A_281 = tpu.memref_squeeze %dma_wait3A_280 : memref<1x40x128xi32, #tpu.memory_space<hbm>> -> memref<40x128xi32, #tpu.memory_space<hbm>>
        tpu.wait_dma2 semaphore(%run_scoped3A : memref<!tpu.dma_semaphore, #tpu.memory_space<semaphore_mem>>) src(%dma_wait3A_281 : memref<40x128xi32, #tpu.memory_space<hbm>>) dst(%dma_wait3A_277 : memref<40x128xi32, #tpu.memory_space<vmem>>)
        tpu.yield
      }) : () -> ()
      "tpu.region"() ({
        %run_scoped3A = tpu.sem_alloc : memref<!tpu.dma_semaphore, #tpu.memory_space<semaphore_mem>>
        %dma_start3A_254 = arith.constant 0 : i32
        %dma_start3A_255 = arith.constant 0 : i32
        %dma_start3A_256 = tpu.memref_slice %arg10[%dma_start3A_254, %dma_start3A_255] : memref<40x128xi32, #tpu.memory_space<vmem>> -> memref<40x128xi32, #tpu.memory_space<vmem>>
        %dma_start3A_257 = arith.constant 40 : i32
        %dma_start3A_258 = arith.constant 0 : i32
        %dma_start3A_259 = tpu.memref_slice %arg4[%arg1, %dma_start3A_257, %dma_start3A_258] : memref<16x140x128xi32, #tpu.memory_space<hbm>> -> memref<1x40x128xi32, #tpu.memory_space<hbm>>
        %dma_start3A_260 = tpu.memref_squeeze %dma_start3A_259 : memref<1x40x128xi32, #tpu.memory_space<hbm>> -> memref<40x128xi32, #tpu.memory_space<hbm>>
        %dma_start3A_261 = arith.constant 0 : i32
        %dma_start3A_262 = arith.constant 0 : i32
        %dma_start3A_263 = tpu.memref_slice %arg10[%dma_start3A_261, %dma_start3A_262] : memref<40x128xi32, #tpu.memory_space<vmem>> -> memref<40x128xi32, #tpu.memory_space<vmem>>
        %dma_start3A_264 = arith.constant 40 : i32
        %dma_start3A_265 = arith.constant 0 : i32
        %dma_start3A_266 = tpu.memref_slice %arg4[%arg1, %dma_start3A_264, %dma_start3A_265] : memref<16x140x128xi32, #tpu.memory_space<hbm>> -> memref<1x40x128xi32, #tpu.memory_space<hbm>>
        %dma_start3A_267 = tpu.memref_squeeze %dma_start3A_266 : memref<1x40x128xi32, #tpu.memory_space<hbm>> -> memref<40x128xi32, #tpu.memory_space<hbm>>
        tpu.enqueue_dma source(%dma_start3A_267 : memref<40x128xi32, #tpu.memory_space<hbm>>) target(%dma_start3A_263 : memref<40x128xi32, #tpu.memory_space<vmem>>) target_semaphore(%run_scoped3A : memref<!tpu.dma_semaphore, #tpu.memory_space<semaphore_mem>>)
        %dma_wait3A_268 = arith.constant 0 : i32
        %dma_wait3A_269 = arith.constant 0 : i32
        %dma_wait3A_270 = tpu.memref_slice %arg10[%dma_wait3A_268, %dma_wait3A_269] : memref<40x128xi32, #tpu.memory_space<vmem>> -> memref<40x128xi32, #tpu.memory_space<vmem>>
        %dma_wait3A_271 = arith.constant 40 : i32
        %dma_wait3A_272 = arith.constant 0 : i32
        %dma_wait3A_273 = tpu.memref_slice %arg4[%arg1, %dma_wait3A_271, %dma_wait3A_272] : memref<16x140x128xi32, #tpu.memory_space<hbm>> -> memref<1x40x128xi32, #tpu.memory_space<hbm>>
        %dma_wait3A_274 = tpu.memref_squeeze %dma_wait3A_273 : memref<1x40x128xi32, #tpu.memory_space<hbm>> -> memref<40x128xi32, #tpu.memory_space<hbm>>
        %dma_wait3A_275 = arith.constant 0 : i32
        %dma_wait3A_276 = arith.constant 0 : i32
        %dma_wait3A_277 = tpu.memref_slice %arg10[%dma_wait3A_275, %dma_wait3A_276] : memref<40x128xi32, #tpu.memory_space<vmem>> -> memref<40x128xi32, #tpu.memory_space<vmem>>
        %dma_wait3A_278 = arith.constant 40 : i32
        %dma_wait3A_279 = arith.constant 0 : i32
        %dma_wait3A_280 = tpu.memref_slice %arg4[%arg1, %dma_wait3A_278, %dma_wait3A_279] : memref<16x140x128xi32, #tpu.memory_space<hbm>> -> memref<1x40x128xi32, #tpu.memory_space<hbm>>
        %dma_wait3A_281 = tpu.memref_squeeze %dma_wait3A_280 : memref<1x40x128xi32, #tpu.memory_space<hbm>> -> memref<40x128xi32, #tpu.memory_space<hbm>>
        tpu.wait_dma2 semaphore(%run_scoped3A : memref<!tpu.dma_semaphore, #tpu.memory_space<semaphore_mem>>) src(%dma_wait3A_281 : memref<40x128xi32, #tpu.memory_space<hbm>>) dst(%dma_wait3A_277 : memref<40x128xi32, #tpu.memory_space<vmem>>)
        tpu.yield
      }) : () -> ()
      %dma_start3A_71 = arith.constant 0 : i32
      %dma_start3A_72 = arith.constant 0 : i32
      %dma_start3A_73 = tpu.memref_slice %arg9[%dma_start3A_71, %dma_start3A_72] : memref<40x128xi32, #tpu.memory_space<vmem>> -> memref<1x128xi32, #tpu.memory_space<vmem>>
      %dma_start3A_74 = tpu.memref_squeeze %dma_start3A_73 : memref<1x128xi32, #tpu.memory_space<vmem>> -> memref<128xi32, #tpu.memory_space<vmem>>
      %dma_start3A_75 = arith.constant 0 : i32
      %dma_start3A_76 = arith.constant 0 : i32
      %dma_start3A_77 = tpu.memref_slice %arg2[%dma_start3A_75, %dma_start3A_76] : memref<10000x128xf32, #tpu.memory_space<hbm>> -> memref<10000x128xf32, #tpu.memory_space<hbm>>
      tpu.enqueue_indirect_dma source(%dma_start3A_77 : memref<10000x128xf32, #tpu.memory_space<hbm>>) target(%arg11 : memref<128x128xf32, #tpu.memory_space<vmem>>) offsets(%dma_start3A_74 : memref<128xi32, #tpu.memory_space<vmem>>) semaphore(%arg14 : memref<!tpu.dma_semaphore, #tpu.memory_space<semaphore_mem>>)
      %dma_start3A_78 = arith.constant 1 : i32
      %dma_start3A_79 = arith.constant 0 : i32
      %dma_start3A_80 = tpu.memref_slice %arg9[%dma_start3A_78, %dma_start3A_79] : memref<40x128xi32, #tpu.memory_space<vmem>> -> memref<1x128xi32, #tpu.memory_space<vmem>>
      %dma_start3A_81 = tpu.memref_squeeze %dma_start3A_80 : memref<1x128xi32, #tpu.memory_space<vmem>> -> memref<128xi32, #tpu.memory_space<vmem>>
      %dma_start3A_82 = arith.constant 0 : i32
      %dma_start3A_83 = arith.constant 0 : i32
      %dma_start3A_84 = tpu.memref_slice %arg2[%dma_start3A_82, %dma_start3A_83] : memref<10000x128xf32, #tpu.memory_space<hbm>> -> memref<10000x128xf32, #tpu.memory_space<hbm>>
      tpu.enqueue_indirect_dma source(%dma_start3A_84 : memref<10000x128xf32, #tpu.memory_space<hbm>>) target(%arg12 : memref<128x128xf32, #tpu.memory_space<vmem>>) offsets(%dma_start3A_81 : memref<128xi32, #tpu.memory_space<vmem>>) semaphore(%arg15 : memref<!tpu.dma_semaphore, #tpu.memory_space<semaphore_mem>>)
      %scan3A_85 = arith.constant 0 : i32
      %scan3A_86 = arith.constant 19 : i32
      %scan3A_87 = arith.addi %scan3A_85, %scan3A_86 : i32
      %scan3A_88 = arith.constant 1 : i32
      scf.for %scan3A_254 = %scan3A_85 to %scan3A_87 step %scan3A_88  : i32 {
        %mul3A_255 = arith.constant 1 : i32
        %mul3A_256 = arith.muli %scan3A_254, %mul3A_255 : i32
        %add3A = arith.constant 0 : i32
        %add3A_257 = arith.addi %add3A, %mul3A_256 : i32
        %mul3A_258 = arith.constant 2 : i32
        %mul3A_259 = arith.muli %mul3A_258, %add3A_257 : i32
        %add3A_260 = arith.constant 1 : i32
        %add3A_261 = arith.addi %mul3A_259, %add3A_260 : i32
        %dma_wait3A_262 = arith.constant 0 : i32
        %dma_wait3A_263 = tpu.memref_slice %arg9[%mul3A_259, %dma_wait3A_262] : memref<40x128xi32, #tpu.memory_space<vmem>> -> memref<1x128xi32, #tpu.memory_space<vmem>>
        %dma_wait3A_264 = tpu.memref_squeeze %dma_wait3A_263 : memref<1x128xi32, #tpu.memory_space<vmem>> -> memref<128xi32, #tpu.memory_space<vmem>>
        %dma_wait3A_265 = arith.constant 0 : i32
        %dma_wait3A_266 = arith.constant 0 : i32
        %dma_wait3A_267 = tpu.memref_slice %arg2[%dma_wait3A_265, %dma_wait3A_266] : memref<10000x128xf32, #tpu.memory_space<hbm>> -> memref<10000x128xf32, #tpu.memory_space<hbm>>
        tpu.wait_indirect_dma semaphore(%arg14 : memref<!tpu.dma_semaphore, #tpu.memory_space<semaphore_mem>>) src(%dma_wait3A_267 : memref<10000x128xf32, #tpu.memory_space<hbm>>) dst(%arg11 : memref<128x128xf32, #tpu.memory_space<vmem>>)
        %dma_start3A_268 = arith.constant 0 : i32
        %dma_start3A_269 = tpu.memref_slice %arg10[%mul3A_259, %dma_start3A_268] : memref<40x128xi32, #tpu.memory_space<vmem>> -> memref<1x128xi32, #tpu.memory_space<vmem>>
        %dma_start3A_270 = tpu.memref_squeeze %dma_start3A_269 : memref<1x128xi32, #tpu.memory_space<vmem>> -> memref<128xi32, #tpu.memory_space<vmem>>
        %dma_start3A_271 = arith.constant 0 : i32
        %dma_start3A_272 = arith.constant 0 : i32
        %dma_start3A_273 = tpu.memref_slice %arg13[%dma_start3A_271, %dma_start3A_272] : memref<10240x128xf32, #tpu.memory_space<vmem_shared>> -> memref<10240x128xf32, #tpu.memory_space<vmem_shared>>
        tpu.enqueue_indirect_dma source(%arg11 : memref<128x128xf32, #tpu.memory_space<vmem>>) target(%dma_start3A_273 : memref<10240x128xf32, #tpu.memory_space<vmem_shared>>) offsets(%dma_start3A_270 : memref<128xi32, #tpu.memory_space<vmem>>) semaphore(%arg16 : memref<!tpu.dma_semaphore, #tpu.memory_space<semaphore_mem>>) {add = true}
        %dma_wait3A_274 = arith.constant 0 : i32
        %dma_wait3A_275 = tpu.memref_slice %arg9[%add3A_261, %dma_wait3A_274] : memref<40x128xi32, #tpu.memory_space<vmem>> -> memref<1x128xi32, #tpu.memory_space<vmem>>
        %dma_wait3A_276 = tpu.memref_squeeze %dma_wait3A_275 : memref<1x128xi32, #tpu.memory_space<vmem>> -> memref<128xi32, #tpu.memory_space<vmem>>
        %dma_wait3A_277 = arith.constant 0 : i32
        %dma_wait3A_278 = arith.constant 0 : i32
        %dma_wait3A_279 = tpu.memref_slice %arg2[%dma_wait3A_277, %dma_wait3A_278] : memref<10000x128xf32, #tpu.memory_space<hbm>> -> memref<10000x128xf32, #tpu.memory_space<hbm>>
        tpu.wait_indirect_dma semaphore(%arg15 : memref<!tpu.dma_semaphore, #tpu.memory_space<semaphore_mem>>) src(%dma_wait3A_279 : memref<10000x128xf32, #tpu.memory_space<hbm>>) dst(%arg12 : memref<128x128xf32, #tpu.memory_space<vmem>>)
        %dma_start3A_280 = arith.constant 0 : i32
        %dma_start3A_281 = tpu.memref_slice %arg10[%add3A_261, %dma_start3A_280] : memref<40x128xi32, #tpu.memory_space<vmem>> -> memref<1x128xi32, #tpu.memory_space<vmem>>
        %dma_start3A_282 = tpu.memref_squeeze %dma_start3A_281 : memref<1x128xi32, #tpu.memory_space<vmem>> -> memref<128xi32, #tpu.memory_space<vmem>>
        %dma_start3A_283 = arith.constant 0 : i32
        %dma_start3A_284 = arith.constant 0 : i32
        %dma_start3A_285 = tpu.memref_slice %arg13[%dma_start3A_283, %dma_start3A_284] : memref<10240x128xf32, #tpu.memory_space<vmem_shared>> -> memref<10240x128xf32, #tpu.memory_space<vmem_shared>>
        tpu.enqueue_indirect_dma source(%arg12 : memref<128x128xf32, #tpu.memory_space<vmem>>) target(%dma_start3A_285 : memref<10240x128xf32, #tpu.memory_space<vmem_shared>>) offsets(%dma_start3A_282 : memref<128xi32, #tpu.memory_space<vmem>>) semaphore(%arg17 : memref<!tpu.dma_semaphore, #tpu.memory_space<semaphore_mem>>) {add = true}
        %dma_wait3A_286 = arith.constant 0 : i32
        %dma_wait3A_287 = tpu.memref_slice %arg10[%mul3A_259, %dma_wait3A_286] : memref<40x128xi32, #tpu.memory_space<vmem>> -> memref<1x128xi32, #tpu.memory_space<vmem>>
        %dma_wait3A_288 = tpu.memref_squeeze %dma_wait3A_287 : memref<1x128xi32, #tpu.memory_space<vmem>> -> memref<128xi32, #tpu.memory_space<vmem>>
        %dma_wait3A_289 = arith.constant 0 : i32
        %dma_wait3A_290 = arith.constant 0 : i32
        %dma_wait3A_291 = tpu.memref_slice %arg13[%dma_wait3A_289, %dma_wait3A_290] : memref<10240x128xf32, #tpu.memory_space<vmem_shared>> -> memref<10240x128xf32, #tpu.memory_space<vmem_shared>>
        tpu.wait_indirect_dma semaphore(%arg16 : memref<!tpu.dma_semaphore, #tpu.memory_space<semaphore_mem>>) src(%arg11 : memref<128x128xf32, #tpu.memory_space<vmem>>) dst(%dma_wait3A_291 : memref<10240x128xf32, #tpu.memory_space<vmem_shared>>)
        %add3A_292 = arith.constant 2 : i32
        %add3A_293 = arith.addi %mul3A_259, %add3A_292 : i32
        %dma_start3A_294 = arith.constant 0 : i32
        %dma_start3A_295 = tpu.memref_slice %arg9[%add3A_293, %dma_start3A_294] : memref<40x128xi32, #tpu.memory_space<vmem>> -> memref<1x128xi32, #tpu.memory_space<vmem>>
        %dma_start3A_296 = tpu.memref_squeeze %dma_start3A_295 : memref<1x128xi32, #tpu.memory_space<vmem>> -> memref<128xi32, #tpu.memory_space<vmem>>
        %dma_start3A_297 = arith.constant 0 : i32
        %dma_start3A_298 = arith.constant 0 : i32
        %dma_start3A_299 = tpu.memref_slice %arg2[%dma_start3A_297, %dma_start3A_298] : memref<10000x128xf32, #tpu.memory_space<hbm>> -> memref<10000x128xf32, #tpu.memory_space<hbm>>
        tpu.enqueue_indirect_dma source(%dma_start3A_299 : memref<10000x128xf32, #tpu.memory_space<hbm>>) target(%arg11 : memref<128x128xf32, #tpu.memory_space<vmem>>) offsets(%dma_start3A_296 : memref<128xi32, #tpu.memory_space<vmem>>) semaphore(%arg14 : memref<!tpu.dma_semaphore, #tpu.memory_space<semaphore_mem>>)
        %dma_wait3A_300 = arith.constant 0 : i32
        %dma_wait3A_301 = tpu.memref_slice %arg10[%add3A_261, %dma_wait3A_300] : memref<40x128xi32, #tpu.memory_space<vmem>> -> memref<1x128xi32, #tpu.memory_space<vmem>>
        %dma_wait3A_302 = tpu.memref_squeeze %dma_wait3A_301 : memref<1x128xi32, #tpu.memory_space<vmem>> -> memref<128xi32, #tpu.memory_space<vmem>>
        %dma_wait3A_303 = arith.constant 0 : i32
        %dma_wait3A_304 = arith.constant 0 : i32
        %dma_wait3A_305 = tpu.memref_slice %arg13[%dma_wait3A_303, %dma_wait3A_304] : memref<10240x128xf32, #tpu.memory_space<vmem_shared>> -> memref<10240x128xf32, #tpu.memory_space<vmem_shared>>
        tpu.wait_indirect_dma semaphore(%arg17 : memref<!tpu.dma_semaphore, #tpu.memory_space<semaphore_mem>>) src(%arg12 : memref<128x128xf32, #tpu.memory_space<vmem>>) dst(%dma_wait3A_305 : memref<10240x128xf32, #tpu.memory_space<vmem_shared>>)
        %add3A_306 = arith.constant 2 : i32
        %add3A_307 = arith.addi %add3A_261, %add3A_306 : i32
        %dma_start3A_308 = arith.constant 0 : i32
        %dma_start3A_309 = tpu.memref_slice %arg9[%add3A_307, %dma_start3A_308] : memref<40x128xi32, #tpu.memory_space<vmem>> -> memref<1x128xi32, #tpu.memory_space<vmem>>
        %dma_start3A_310 = tpu.memref_squeeze %dma_start3A_309 : memref<1x128xi32, #tpu.memory_space<vmem>> -> memref<128xi32, #tpu.memory_space<vmem>>
        %dma_start3A_311 = arith.constant 0 : i32
        %dma_start3A_312 = arith.constant 0 : i32
        %dma_start3A_313 = tpu.memref_slice %arg2[%dma_start3A_311, %dma_start3A_312] : memref<10000x128xf32, #tpu.memory_space<hbm>> -> memref<10000x128xf32, #tpu.memory_space<hbm>>
        tpu.enqueue_indirect_dma source(%dma_start3A_313 : memref<10000x128xf32, #tpu.memory_space<hbm>>) target(%arg12 : memref<128x128xf32, #tpu.memory_space<vmem>>) offsets(%dma_start3A_310 : memref<128xi32, #tpu.memory_space<vmem>>) semaphore(%arg15 : memref<!tpu.dma_semaphore, #tpu.memory_space<semaphore_mem>>)
      }
      %scan3A_89 = arith.constant 19 : i32
      %dma_wait3A_90 = arith.constant 38 : i32
      %dma_wait3A_91 = arith.constant 0 : i32
      %dma_wait3A_92 = tpu.memref_slice %arg9[%dma_wait3A_90, %dma_wait3A_91] : memref<40x128xi32, #tpu.memory_space<vmem>> -> memref<1x128xi32, #tpu.memory_space<vmem>>
      %dma_wait3A_93 = tpu.memref_squeeze %dma_wait3A_92 : memref<1x128xi32, #tpu.memory_space<vmem>> -> memref<128xi32, #tpu.memory_space<vmem>>
      %dma_wait3A_94 = arith.constant 0 : i32
      %dma_wait3A_95 = arith.constant 0 : i32
      %dma_wait3A_96 = tpu.memref_slice %arg2[%dma_wait3A_94, %dma_wait3A_95] : memref<10000x128xf32, #tpu.memory_space<hbm>> -> memref<10000x128xf32, #tpu.memory_space<hbm>>
      tpu.wait_indirect_dma semaphore(%arg14 : memref<!tpu.dma_semaphore, #tpu.memory_space<semaphore_mem>>) src(%dma_wait3A_96 : memref<10000x128xf32, #tpu.memory_space<hbm>>) dst(%arg11 : memref<128x128xf32, #tpu.memory_space<vmem>>)
      %dma_start3A_97 = arith.constant 38 : i32
      %dma_start3A_98 = arith.constant 0 : i32
      %dma_start3A_99 = tpu.memref_slice %arg10[%dma_start3A_97, %dma_start3A_98] : memref<40x128xi32, #tpu.memory_space<vmem>> -> memref<1x128xi32, #tpu.memory_space<vmem>>
      %dma_start3A_100 = tpu.memref_squeeze %dma_start3A_99 : memref<1x128xi32, #tpu.memory_space<vmem>> -> memref<128xi32, #tpu.memory_space<vmem>>
      %dma_start3A_101 = arith.constant 0 : i32
      %dma_start3A_102 = arith.constant 0 : i32
      %dma_start3A_103 = tpu.memref_slice %arg13[%dma_start3A_101, %dma_start3A_102] : memref<10240x128xf32, #tpu.memory_space<vmem_shared>> -> memref<10240x128xf32, #tpu.memory_space<vmem_shared>>
      tpu.enqueue_indirect_dma source(%arg11 : memref<128x128xf32, #tpu.memory_space<vmem>>) target(%dma_start3A_103 : memref<10240x128xf32, #tpu.memory_space<vmem_shared>>) offsets(%dma_start3A_100 : memref<128xi32, #tpu.memory_space<vmem>>) semaphore(%arg16 : memref<!tpu.dma_semaphore, #tpu.memory_space<semaphore_mem>>) {add = true}
      %dma_wait3A_104 = arith.constant 39 : i32
      %dma_wait3A_105 = arith.constant 0 : i32
      %dma_wait3A_106 = tpu.memref_slice %arg9[%dma_wait3A_104, %dma_wait3A_105] : memref<40x128xi32, #tpu.memory_space<vmem>> -> memref<1x128xi32, #tpu.memory_space<vmem>>
      %dma_wait3A_107 = tpu.memref_squeeze %dma_wait3A_106 : memref<1x128xi32, #tpu.memory_space<vmem>> -> memref<128xi32, #tpu.memory_space<vmem>>
      %dma_wait3A_108 = arith.constant 0 : i32
      %dma_wait3A_109 = arith.constant 0 : i32
      %dma_wait3A_110 = tpu.memref_slice %arg2[%dma_wait3A_108, %dma_wait3A_109] : memref<10000x128xf32, #tpu.memory_space<hbm>> -> memref<10000x128xf32, #tpu.memory_space<hbm>>
      tpu.wait_indirect_dma semaphore(%arg15 : memref<!tpu.dma_semaphore, #tpu.memory_space<semaphore_mem>>) src(%dma_wait3A_110 : memref<10000x128xf32, #tpu.memory_space<hbm>>) dst(%arg12 : memref<128x128xf32, #tpu.memory_space<vmem>>)
      %dma_start3A_111 = arith.constant 39 : i32
      %dma_start3A_112 = arith.constant 0 : i32
      %dma_start3A_113 = tpu.memref_slice %arg10[%dma_start3A_111, %dma_start3A_112] : memref<40x128xi32, #tpu.memory_space<vmem>> -> memref<1x128xi32, #tpu.memory_space<vmem>>
      %dma_start3A_114 = tpu.memref_squeeze %dma_start3A_113 : memref<1x128xi32, #tpu.memory_space<vmem>> -> memref<128xi32, #tpu.memory_space<vmem>>
      %dma_start3A_115 = arith.constant 0 : i32
      %dma_start3A_116 = arith.constant 0 : i32
      %dma_start3A_117 = tpu.memref_slice %arg13[%dma_start3A_115, %dma_start3A_116] : memref<10240x128xf32, #tpu.memory_space<vmem_shared>> -> memref<10240x128xf32, #tpu.memory_space<vmem_shared>>
      tpu.enqueue_indirect_dma source(%arg12 : memref<128x128xf32, #tpu.memory_space<vmem>>) target(%dma_start3A_117 : memref<10240x128xf32, #tpu.memory_space<vmem_shared>>) offsets(%dma_start3A_114 : memref<128xi32, #tpu.memory_space<vmem>>) semaphore(%arg17 : memref<!tpu.dma_semaphore, #tpu.memory_space<semaphore_mem>>) {add = true}
      %dma_wait3A_118 = arith.constant 38 : i32
      %dma_wait3A_119 = arith.constant 0 : i32
      %dma_wait3A_120 = tpu.memref_slice %arg10[%dma_wait3A_118, %dma_wait3A_119] : memref<40x128xi32, #tpu.memory_space<vmem>> -> memref<1x128xi32, #tpu.memory_space<vmem>>
      %dma_wait3A_121 = tpu.memref_squeeze %dma_wait3A_120 : memref<1x128xi32, #tpu.memory_space<vmem>> -> memref<128xi32, #tpu.memory_space<vmem>>
      %dma_wait3A_122 = arith.constant 0 : i32
      %dma_wait3A_123 = arith.constant 0 : i32
      %dma_wait3A_124 = tpu.memref_slice %arg13[%dma_wait3A_122, %dma_wait3A_123] : memref<10240x128xf32, #tpu.memory_space<vmem_shared>> -> memref<10240x128xf32, #tpu.memory_space<vmem_shared>>
      tpu.wait_indirect_dma semaphore(%arg16 : memref<!tpu.dma_semaphore, #tpu.memory_space<semaphore_mem>>) src(%arg11 : memref<128x128xf32, #tpu.memory_space<vmem>>) dst(%dma_wait3A_124 : memref<10240x128xf32, #tpu.memory_space<vmem_shared>>)
      %dma_wait3A_125 = arith.constant 39 : i32
      %dma_wait3A_126 = arith.constant 0 : i32
      %dma_wait3A_127 = tpu.memref_slice %arg10[%dma_wait3A_125, %dma_wait3A_126] : memref<40x128xi32, #tpu.memory_space<vmem>> -> memref<1x128xi32, #tpu.memory_space<vmem>>
      %dma_wait3A_128 = tpu.memref_squeeze %dma_wait3A_127 : memref<1x128xi32, #tpu.memory_space<vmem>> -> memref<128xi32, #tpu.memory_space<vmem>>
      %dma_wait3A_129 = arith.constant 0 : i32
      %dma_wait3A_130 = arith.constant 0 : i32
      %dma_wait3A_131 = tpu.memref_slice %arg13[%dma_wait3A_129, %dma_wait3A_130] : memref<10240x128xf32, #tpu.memory_space<vmem_shared>> -> memref<10240x128xf32, #tpu.memory_space<vmem_shared>>
      tpu.wait_indirect_dma semaphore(%arg17 : memref<!tpu.dma_semaphore, #tpu.memory_space<semaphore_mem>>) src(%arg12 : memref<128x128xf32, #tpu.memory_space<vmem>>) dst(%dma_wait3A_131 : memref<10240x128xf32, #tpu.memory_space<vmem_shared>>)
      "tpu.region"() ({
        %run_scoped3A = tpu.sem_alloc : memref<!tpu.dma_semaphore, #tpu.memory_space<semaphore_mem>>
        %dma_start3A_254 = arith.constant 0 : i32
        %dma_start3A_255 = arith.constant 0 : i32
        %dma_start3A_256 = tpu.memref_slice %arg9[%dma_start3A_254, %dma_start3A_255] : memref<40x128xi32, #tpu.memory_space<vmem>> -> memref<40x128xi32, #tpu.memory_space<vmem>>
        %dma_start3A_257 = arith.constant 80 : i32
        %dma_start3A_258 = arith.constant 0 : i32
        %dma_start3A_259 = tpu.memref_slice %arg3[%arg1, %dma_start3A_257, %dma_start3A_258] : memref<16x140x128xi32, #tpu.memory_space<hbm>> -> memref<1x40x128xi32, #tpu.memory_space<hbm>>
        %dma_start3A_260 = tpu.memref_squeeze %dma_start3A_259 : memref<1x40x128xi32, #tpu.memory_space<hbm>> -> memref<40x128xi32, #tpu.memory_space<hbm>>
        %dma_start3A_261 = arith.constant 0 : i32
        %dma_start3A_262 = arith.constant 0 : i32
        %dma_start3A_263 = tpu.memref_slice %arg9[%dma_start3A_261, %dma_start3A_262] : memref<40x128xi32, #tpu.memory_space<vmem>> -> memref<40x128xi32, #tpu.memory_space<vmem>>
        %dma_start3A_264 = arith.constant 80 : i32
        %dma_start3A_265 = arith.constant 0 : i32
        %dma_start3A_266 = tpu.memref_slice %arg3[%arg1, %dma_start3A_264, %dma_start3A_265] : memref<16x140x128xi32, #tpu.memory_space<hbm>> -> memref<1x40x128xi32, #tpu.memory_space<hbm>>
        %dma_start3A_267 = tpu.memref_squeeze %dma_start3A_266 : memref<1x40x128xi32, #tpu.memory_space<hbm>> -> memref<40x128xi32, #tpu.memory_space<hbm>>
        tpu.enqueue_dma source(%dma_start3A_267 : memref<40x128xi32, #tpu.memory_space<hbm>>) target(%dma_start3A_263 : memref<40x128xi32, #tpu.memory_space<vmem>>) target_semaphore(%run_scoped3A : memref<!tpu.dma_semaphore, #tpu.memory_space<semaphore_mem>>)
        %dma_wait3A_268 = arith.constant 0 : i32
        %dma_wait3A_269 = arith.constant 0 : i32
        %dma_wait3A_270 = tpu.memref_slice %arg9[%dma_wait3A_268, %dma_wait3A_269] : memref<40x128xi32, #tpu.memory_space<vmem>> -> memref<40x128xi32, #tpu.memory_space<vmem>>
        %dma_wait3A_271 = arith.constant 80 : i32
        %dma_wait3A_272 = arith.constant 0 : i32
        %dma_wait3A_273 = tpu.memref_slice %arg3[%arg1, %dma_wait3A_271, %dma_wait3A_272] : memref<16x140x128xi32, #tpu.memory_space<hbm>> -> memref<1x40x128xi32, #tpu.memory_space<hbm>>
        %dma_wait3A_274 = tpu.memref_squeeze %dma_wait3A_273 : memref<1x40x128xi32, #tpu.memory_space<hbm>> -> memref<40x128xi32, #tpu.memory_space<hbm>>
        %dma_wait3A_275 = arith.constant 0 : i32
        %dma_wait3A_276 = arith.constant 0 : i32
        %dma_wait3A_277 = tpu.memref_slice %arg9[%dma_wait3A_275, %dma_wait3A_276] : memref<40x128xi32, #tpu.memory_space<vmem>> -> memref<40x128xi32, #tpu.memory_space<vmem>>
        %dma_wait3A_278 = arith.constant 80 : i32
        %dma_wait3A_279 = arith.constant 0 : i32
        %dma_wait3A_280 = tpu.memref_slice %arg3[%arg1, %dma_wait3A_278, %dma_wait3A_279] : memref<16x140x128xi32, #tpu.memory_space<hbm>> -> memref<1x40x128xi32, #tpu.memory_space<hbm>>
        %dma_wait3A_281 = tpu.memref_squeeze %dma_wait3A_280 : memref<1x40x128xi32, #tpu.memory_space<hbm>> -> memref<40x128xi32, #tpu.memory_space<hbm>>
        tpu.wait_dma2 semaphore(%run_scoped3A : memref<!tpu.dma_semaphore, #tpu.memory_space<semaphore_mem>>) src(%dma_wait3A_281 : memref<40x128xi32, #tpu.memory_space<hbm>>) dst(%dma_wait3A_277 : memref<40x128xi32, #tpu.memory_space<vmem>>)
        tpu.yield
      }) : () -> ()
      "tpu.region"() ({
        %run_scoped3A = tpu.sem_alloc : memref<!tpu.dma_semaphore, #tpu.memory_space<semaphore_mem>>
        %dma_start3A_254 = arith.constant 0 : i32
        %dma_start3A_255 = arith.constant 0 : i32
        %dma_start3A_256 = tpu.memref_slice %arg10[%dma_start3A_254, %dma_start3A_255] : memref<40x128xi32, #tpu.memory_space<vmem>> -> memref<40x128xi32, #tpu.memory_space<vmem>>
        %dma_start3A_257 = arith.constant 80 : i32
        %dma_start3A_258 = arith.constant 0 : i32
        %dma_start3A_259 = tpu.memref_slice %arg4[%arg1, %dma_start3A_257, %dma_start3A_258] : memref<16x140x128xi32, #tpu.memory_space<hbm>> -> memref<1x40x128xi32, #tpu.memory_space<hbm>>
        %dma_start3A_260 = tpu.memref_squeeze %dma_start3A_259 : memref<1x40x128xi32, #tpu.memory_space<hbm>> -> memref<40x128xi32, #tpu.memory_space<hbm>>
        %dma_start3A_261 = arith.constant 0 : i32
        %dma_start3A_262 = arith.constant 0 : i32
        %dma_start3A_263 = tpu.memref_slice %arg10[%dma_start3A_261, %dma_start3A_262] : memref<40x128xi32, #tpu.memory_space<vmem>> -> memref<40x128xi32, #tpu.memory_space<vmem>>
        %dma_start3A_264 = arith.constant 80 : i32
        %dma_start3A_265 = arith.constant 0 : i32
        %dma_start3A_266 = tpu.memref_slice %arg4[%arg1, %dma_start3A_264, %dma_start3A_265] : memref<16x140x128xi32, #tpu.memory_space<hbm>> -> memref<1x40x128xi32, #tpu.memory_space<hbm>>
        %dma_start3A_267 = tpu.memref_squeeze %dma_start3A_266 : memref<1x40x128xi32, #tpu.memory_space<hbm>> -> memref<40x128xi32, #tpu.memory_space<hbm>>
        tpu.enqueue_dma source(%dma_start3A_267 : memref<40x128xi32, #tpu.memory_space<hbm>>) target(%dma_start3A_263 : memref<40x128xi32, #tpu.memory_space<vmem>>) target_semaphore(%run_scoped3A : memref<!tpu.dma_semaphore, #tpu.memory_space<semaphore_mem>>)
        %dma_wait3A_268 = arith.constant 0 : i32
        %dma_wait3A_269 = arith.constant 0 : i32
        %dma_wait3A_270 = tpu.memref_slice %arg10[%dma_wait3A_268, %dma_wait3A_269] : memref<40x128xi32, #tpu.memory_space<vmem>> -> memref<40x128xi32, #tpu.memory_space<vmem>>
        %dma_wait3A_271 = arith.constant 80 : i32
        %dma_wait3A_272 = arith.constant 0 : i32
        %dma_wait3A_273 = tpu.memref_slice %arg4[%arg1, %dma_wait3A_271, %dma_wait3A_272] : memref<16x140x128xi32, #tpu.memory_space<hbm>> -> memref<1x40x128xi32, #tpu.memory_space<hbm>>
        %dma_wait3A_274 = tpu.memref_squeeze %dma_wait3A_273 : memref<1x40x128xi32, #tpu.memory_space<hbm>> -> memref<40x128xi32, #tpu.memory_space<hbm>>
        %dma_wait3A_275 = arith.constant 0 : i32
        %dma_wait3A_276 = arith.constant 0 : i32
        %dma_wait3A_277 = tpu.memref_slice %arg10[%dma_wait3A_275, %dma_wait3A_276] : memref<40x128xi32, #tpu.memory_space<vmem>> -> memref<40x128xi32, #tpu.memory_space<vmem>>
        %dma_wait3A_278 = arith.constant 80 : i32
        %dma_wait3A_279 = arith.constant 0 : i32
        %dma_wait3A_280 = tpu.memref_slice %arg4[%arg1, %dma_wait3A_278, %dma_wait3A_279] : memref<16x140x128xi32, #tpu.memory_space<hbm>> -> memref<1x40x128xi32, #tpu.memory_space<hbm>>
        %dma_wait3A_281 = tpu.memref_squeeze %dma_wait3A_280 : memref<1x40x128xi32, #tpu.memory_space<hbm>> -> memref<40x128xi32, #tpu.memory_space<hbm>>
        tpu.wait_dma2 semaphore(%run_scoped3A : memref<!tpu.dma_semaphore, #tpu.memory_space<semaphore_mem>>) src(%dma_wait3A_281 : memref<40x128xi32, #tpu.memory_space<hbm>>) dst(%dma_wait3A_277 : memref<40x128xi32, #tpu.memory_space<vmem>>)
        tpu.yield
      }) : () -> ()
      %dma_start3A_132 = arith.constant 0 : i32
      %dma_start3A_133 = arith.constant 0 : i32
      %dma_start3A_134 = tpu.memref_slice %arg9[%dma_start3A_132, %dma_start3A_133] : memref<40x128xi32, #tpu.memory_space<vmem>> -> memref<1x128xi32, #tpu.memory_space<vmem>>
      %dma_start3A_135 = tpu.memref_squeeze %dma_start3A_134 : memref<1x128xi32, #tpu.memory_space<vmem>> -> memref<128xi32, #tpu.memory_space<vmem>>
      %dma_start3A_136 = arith.constant 0 : i32
      %dma_start3A_137 = arith.constant 0 : i32
      %dma_start3A_138 = tpu.memref_slice %arg2[%dma_start3A_136, %dma_start3A_137] : memref<10000x128xf32, #tpu.memory_space<hbm>> -> memref<10000x128xf32, #tpu.memory_space<hbm>>
      tpu.enqueue_indirect_dma source(%dma_start3A_138 : memref<10000x128xf32, #tpu.memory_space<hbm>>) target(%arg11 : memref<128x128xf32, #tpu.memory_space<vmem>>) offsets(%dma_start3A_135 : memref<128xi32, #tpu.memory_space<vmem>>) semaphore(%arg14 : memref<!tpu.dma_semaphore, #tpu.memory_space<semaphore_mem>>)
      %dma_start3A_139 = arith.constant 1 : i32
      %dma_start3A_140 = arith.constant 0 : i32
      %dma_start3A_141 = tpu.memref_slice %arg9[%dma_start3A_139, %dma_start3A_140] : memref<40x128xi32, #tpu.memory_space<vmem>> -> memref<1x128xi32, #tpu.memory_space<vmem>>
      %dma_start3A_142 = tpu.memref_squeeze %dma_start3A_141 : memref<1x128xi32, #tpu.memory_space<vmem>> -> memref<128xi32, #tpu.memory_space<vmem>>
      %dma_start3A_143 = arith.constant 0 : i32
      %dma_start3A_144 = arith.constant 0 : i32
      %dma_start3A_145 = tpu.memref_slice %arg2[%dma_start3A_143, %dma_start3A_144] : memref<10000x128xf32, #tpu.memory_space<hbm>> -> memref<10000x128xf32, #tpu.memory_space<hbm>>
      tpu.enqueue_indirect_dma source(%dma_start3A_145 : memref<10000x128xf32, #tpu.memory_space<hbm>>) target(%arg12 : memref<128x128xf32, #tpu.memory_space<vmem>>) offsets(%dma_start3A_142 : memref<128xi32, #tpu.memory_space<vmem>>) semaphore(%arg15 : memref<!tpu.dma_semaphore, #tpu.memory_space<semaphore_mem>>)
      %scan3A_146 = arith.constant 0 : i32
      %scan3A_147 = arith.constant 19 : i32
      %scan3A_148 = arith.addi %scan3A_146, %scan3A_147 : i32
      %scan3A_149 = arith.constant 1 : i32
      scf.for %scan3A_254 = %scan3A_146 to %scan3A_148 step %scan3A_149  : i32 {
        %mul3A_255 = arith.constant 1 : i32
        %mul3A_256 = arith.muli %scan3A_254, %mul3A_255 : i32
        %add3A = arith.constant 0 : i32
        %add3A_257 = arith.addi %add3A, %mul3A_256 : i32
        %mul3A_258 = arith.constant 2 : i32
        %mul3A_259 = arith.muli %mul3A_258, %add3A_257 : i32
        %add3A_260 = arith.constant 1 : i32
        %add3A_261 = arith.addi %mul3A_259, %add3A_260 : i32
        %dma_wait3A_262 = arith.constant 0 : i32
        %dma_wait3A_263 = tpu.memref_slice %arg9[%mul3A_259, %dma_wait3A_262] : memref<40x128xi32, #tpu.memory_space<vmem>> -> memref<1x128xi32, #tpu.memory_space<vmem>>
        %dma_wait3A_264 = tpu.memref_squeeze %dma_wait3A_263 : memref<1x128xi32, #tpu.memory_space<vmem>> -> memref<128xi32, #tpu.memory_space<vmem>>
        %dma_wait3A_265 = arith.constant 0 : i32
        %dma_wait3A_266 = arith.constant 0 : i32
        %dma_wait3A_267 = tpu.memref_slice %arg2[%dma_wait3A_265, %dma_wait3A_266] : memref<10000x128xf32, #tpu.memory_space<hbm>> -> memref<10000x128xf32, #tpu.memory_space<hbm>>
        tpu.wait_indirect_dma semaphore(%arg14 : memref<!tpu.dma_semaphore, #tpu.memory_space<semaphore_mem>>) src(%dma_wait3A_267 : memref<10000x128xf32, #tpu.memory_space<hbm>>) dst(%arg11 : memref<128x128xf32, #tpu.memory_space<vmem>>)
        %dma_start3A_268 = arith.constant 0 : i32
        %dma_start3A_269 = tpu.memref_slice %arg10[%mul3A_259, %dma_start3A_268] : memref<40x128xi32, #tpu.memory_space<vmem>> -> memref<1x128xi32, #tpu.memory_space<vmem>>
        %dma_start3A_270 = tpu.memref_squeeze %dma_start3A_269 : memref<1x128xi32, #tpu.memory_space<vmem>> -> memref<128xi32, #tpu.memory_space<vmem>>
        %dma_start3A_271 = arith.constant 0 : i32
        %dma_start3A_272 = arith.constant 0 : i32
        %dma_start3A_273 = tpu.memref_slice %arg13[%dma_start3A_271, %dma_start3A_272] : memref<10240x128xf32, #tpu.memory_space<vmem_shared>> -> memref<10240x128xf32, #tpu.memory_space<vmem_shared>>
        tpu.enqueue_indirect_dma source(%arg11 : memref<128x128xf32, #tpu.memory_space<vmem>>) target(%dma_start3A_273 : memref<10240x128xf32, #tpu.memory_space<vmem_shared>>) offsets(%dma_start3A_270 : memref<128xi32, #tpu.memory_space<vmem>>) semaphore(%arg16 : memref<!tpu.dma_semaphore, #tpu.memory_space<semaphore_mem>>) {add = true}
        %dma_wait3A_274 = arith.constant 0 : i32
        %dma_wait3A_275 = tpu.memref_slice %arg9[%add3A_261, %dma_wait3A_274] : memref<40x128xi32, #tpu.memory_space<vmem>> -> memref<1x128xi32, #tpu.memory_space<vmem>>
        %dma_wait3A_276 = tpu.memref_squeeze %dma_wait3A_275 : memref<1x128xi32, #tpu.memory_space<vmem>> -> memref<128xi32, #tpu.memory_space<vmem>>
        %dma_wait3A_277 = arith.constant 0 : i32
        %dma_wait3A_278 = arith.constant 0 : i32
        %dma_wait3A_279 = tpu.memref_slice %arg2[%dma_wait3A_277, %dma_wait3A_278] : memref<10000x128xf32, #tpu.memory_space<hbm>> -> memref<10000x128xf32, #tpu.memory_space<hbm>>
        tpu.wait_indirect_dma semaphore(%arg15 : memref<!tpu.dma_semaphore, #tpu.memory_space<semaphore_mem>>) src(%dma_wait3A_279 : memref<10000x128xf32, #tpu.memory_space<hbm>>) dst(%arg12 : memref<128x128xf32, #tpu.memory_space<vmem>>)
        %dma_start3A_280 = arith.constant 0 : i32
        %dma_start3A_281 = tpu.memref_slice %arg10[%add3A_261, %dma_start3A_280] : memref<40x128xi32, #tpu.memory_space<vmem>> -> memref<1x128xi32, #tpu.memory_space<vmem>>
        %dma_start3A_282 = tpu.memref_squeeze %dma_start3A_281 : memref<1x128xi32, #tpu.memory_space<vmem>> -> memref<128xi32, #tpu.memory_space<vmem>>
        %dma_start3A_283 = arith.constant 0 : i32
        %dma_start3A_284 = arith.constant 0 : i32
        %dma_start3A_285 = tpu.memref_slice %arg13[%dma_start3A_283, %dma_start3A_284] : memref<10240x128xf32, #tpu.memory_space<vmem_shared>> -> memref<10240x128xf32, #tpu.memory_space<vmem_shared>>
        tpu.enqueue_indirect_dma source(%arg12 : memref<128x128xf32, #tpu.memory_space<vmem>>) target(%dma_start3A_285 : memref<10240x128xf32, #tpu.memory_space<vmem_shared>>) offsets(%dma_start3A_282 : memref<128xi32, #tpu.memory_space<vmem>>) semaphore(%arg17 : memref<!tpu.dma_semaphore, #tpu.memory_space<semaphore_mem>>) {add = true}
        %dma_wait3A_286 = arith.constant 0 : i32
        %dma_wait3A_287 = tpu.memref_slice %arg10[%mul3A_259, %dma_wait3A_286] : memref<40x128xi32, #tpu.memory_space<vmem>> -> memref<1x128xi32, #tpu.memory_space<vmem>>
        %dma_wait3A_288 = tpu.memref_squeeze %dma_wait3A_287 : memref<1x128xi32, #tpu.memory_space<vmem>> -> memref<128xi32, #tpu.memory_space<vmem>>
        %dma_wait3A_289 = arith.constant 0 : i32
        %dma_wait3A_290 = arith.constant 0 : i32
        %dma_wait3A_291 = tpu.memref_slice %arg13[%dma_wait3A_289, %dma_wait3A_290] : memref<10240x128xf32, #tpu.memory_space<vmem_shared>> -> memref<10240x128xf32, #tpu.memory_space<vmem_shared>>
        tpu.wait_indirect_dma semaphore(%arg16 : memref<!tpu.dma_semaphore, #tpu.memory_space<semaphore_mem>>) src(%arg11 : memref<128x128xf32, #tpu.memory_space<vmem>>) dst(%dma_wait3A_291 : memref<10240x128xf32, #tpu.memory_space<vmem_shared>>)
        %add3A_292 = arith.constant 2 : i32
        %add3A_293 = arith.addi %mul3A_259, %add3A_292 : i32
        %dma_start3A_294 = arith.constant 0 : i32
        %dma_start3A_295 = tpu.memref_slice %arg9[%add3A_293, %dma_start3A_294] : memref<40x128xi32, #tpu.memory_space<vmem>> -> memref<1x128xi32, #tpu.memory_space<vmem>>
        %dma_start3A_296 = tpu.memref_squeeze %dma_start3A_295 : memref<1x128xi32, #tpu.memory_space<vmem>> -> memref<128xi32, #tpu.memory_space<vmem>>
        %dma_start3A_297 = arith.constant 0 : i32
        %dma_start3A_298 = arith.constant 0 : i32
        %dma_start3A_299 = tpu.memref_slice %arg2[%dma_start3A_297, %dma_start3A_298] : memref<10000x128xf32, #tpu.memory_space<hbm>> -> memref<10000x128xf32, #tpu.memory_space<hbm>>
        tpu.enqueue_indirect_dma source(%dma_start3A_299 : memref<10000x128xf32, #tpu.memory_space<hbm>>) target(%arg11 : memref<128x128xf32, #tpu.memory_space<vmem>>) offsets(%dma_start3A_296 : memref<128xi32, #tpu.memory_space<vmem>>) semaphore(%arg14 : memref<!tpu.dma_semaphore, #tpu.memory_space<semaphore_mem>>)
        %dma_wait3A_300 = arith.constant 0 : i32
        %dma_wait3A_301 = tpu.memref_slice %arg10[%add3A_261, %dma_wait3A_300] : memref<40x128xi32, #tpu.memory_space<vmem>> -> memref<1x128xi32, #tpu.memory_space<vmem>>
        %dma_wait3A_302 = tpu.memref_squeeze %dma_wait3A_301 : memref<1x128xi32, #tpu.memory_space<vmem>> -> memref<128xi32, #tpu.memory_space<vmem>>
        %dma_wait3A_303 = arith.constant 0 : i32
        %dma_wait3A_304 = arith.constant 0 : i32
        %dma_wait3A_305 = tpu.memref_slice %arg13[%dma_wait3A_303, %dma_wait3A_304] : memref<10240x128xf32, #tpu.memory_space<vmem_shared>> -> memref<10240x128xf32, #tpu.memory_space<vmem_shared>>
        tpu.wait_indirect_dma semaphore(%arg17 : memref<!tpu.dma_semaphore, #tpu.memory_space<semaphore_mem>>) src(%arg12 : memref<128x128xf32, #tpu.memory_space<vmem>>) dst(%dma_wait3A_305 : memref<10240x128xf32, #tpu.memory_space<vmem_shared>>)
        %add3A_306 = arith.constant 2 : i32
        %add3A_307 = arith.addi %add3A_261, %add3A_306 : i32
        %dma_start3A_308 = arith.constant 0 : i32
        %dma_start3A_309 = tpu.memref_slice %arg9[%add3A_307, %dma_start3A_308] : memref<40x128xi32, #tpu.memory_space<vmem>> -> memref<1x128xi32, #tpu.memory_space<vmem>>
        %dma_start3A_310 = tpu.memref_squeeze %dma_start3A_309 : memref<1x128xi32, #tpu.memory_space<vmem>> -> memref<128xi32, #tpu.memory_space<vmem>>
        %dma_start3A_311 = arith.constant 0 : i32
        %dma_start3A_312 = arith.constant 0 : i32
        %dma_start3A_313 = tpu.memref_slice %arg2[%dma_start3A_311, %dma_start3A_312] : memref<10000x128xf32, #tpu.memory_space<hbm>> -> memref<10000x128xf32, #tpu.memory_space<hbm>>
        tpu.enqueue_indirect_dma source(%dma_start3A_313 : memref<10000x128xf32, #tpu.memory_space<hbm>>) target(%arg12 : memref<128x128xf32, #tpu.memory_space<vmem>>) offsets(%dma_start3A_310 : memref<128xi32, #tpu.memory_space<vmem>>) semaphore(%arg15 : memref<!tpu.dma_semaphore, #tpu.memory_space<semaphore_mem>>)
      }
      %scan3A_150 = arith.constant 19 : i32
      %dma_wait3A_151 = arith.constant 38 : i32
      %dma_wait3A_152 = arith.constant 0 : i32
      %dma_wait3A_153 = tpu.memref_slice %arg9[%dma_wait3A_151, %dma_wait3A_152] : memref<40x128xi32, #tpu.memory_space<vmem>> -> memref<1x128xi32, #tpu.memory_space<vmem>>
      %dma_wait3A_154 = tpu.memref_squeeze %dma_wait3A_153 : memref<1x128xi32, #tpu.memory_space<vmem>> -> memref<128xi32, #tpu.memory_space<vmem>>
      %dma_wait3A_155 = arith.constant 0 : i32
      %dma_wait3A_156 = arith.constant 0 : i32
      %dma_wait3A_157 = tpu.memref_slice %arg2[%dma_wait3A_155, %dma_wait3A_156] : memref<10000x128xf32, #tpu.memory_space<hbm>> -> memref<10000x128xf32, #tpu.memory_space<hbm>>
      tpu.wait_indirect_dma semaphore(%arg14 : memref<!tpu.dma_semaphore, #tpu.memory_space<semaphore_mem>>) src(%dma_wait3A_157 : memref<10000x128xf32, #tpu.memory_space<hbm>>) dst(%arg11 : memref<128x128xf32, #tpu.memory_space<vmem>>)
      %dma_start3A_158 = arith.constant 38 : i32
      %dma_start3A_159 = arith.constant 0 : i32
      %dma_start3A_160 = tpu.memref_slice %arg10[%dma_start3A_158, %dma_start3A_159] : memref<40x128xi32, #tpu.memory_space<vmem>> -> memref<1x128xi32, #tpu.memory_space<vmem>>
      %dma_start3A_161 = tpu.memref_squeeze %dma_start3A_160 : memref<1x128xi32, #tpu.memory_space<vmem>> -> memref<128xi32, #tpu.memory_space<vmem>>
      %dma_start3A_162 = arith.constant 0 : i32
      %dma_start3A_163 = arith.constant 0 : i32
      %dma_start3A_164 = tpu.memref_slice %arg13[%dma_start3A_162, %dma_start3A_163] : memref<10240x128xf32, #tpu.memory_space<vmem_shared>> -> memref<10240x128xf32, #tpu.memory_space<vmem_shared>>
      tpu.enqueue_indirect_dma source(%arg11 : memref<128x128xf32, #tpu.memory_space<vmem>>) target(%dma_start3A_164 : memref<10240x128xf32, #tpu.memory_space<vmem_shared>>) offsets(%dma_start3A_161 : memref<128xi32, #tpu.memory_space<vmem>>) semaphore(%arg16 : memref<!tpu.dma_semaphore, #tpu.memory_space<semaphore_mem>>) {add = true}
      %dma_wait3A_165 = arith.constant 39 : i32
      %dma_wait3A_166 = arith.constant 0 : i32
      %dma_wait3A_167 = tpu.memref_slice %arg9[%dma_wait3A_165, %dma_wait3A_166] : memref<40x128xi32, #tpu.memory_space<vmem>> -> memref<1x128xi32, #tpu.memory_space<vmem>>
      %dma_wait3A_168 = tpu.memref_squeeze %dma_wait3A_167 : memref<1x128xi32, #tpu.memory_space<vmem>> -> memref<128xi32, #tpu.memory_space<vmem>>
      %dma_wait3A_169 = arith.constant 0 : i32
      %dma_wait3A_170 = arith.constant 0 : i32
      %dma_wait3A_171 = tpu.memref_slice %arg2[%dma_wait3A_169, %dma_wait3A_170] : memref<10000x128xf32, #tpu.memory_space<hbm>> -> memref<10000x128xf32, #tpu.memory_space<hbm>>
      tpu.wait_indirect_dma semaphore(%arg15 : memref<!tpu.dma_semaphore, #tpu.memory_space<semaphore_mem>>) src(%dma_wait3A_171 : memref<10000x128xf32, #tpu.memory_space<hbm>>) dst(%arg12 : memref<128x128xf32, #tpu.memory_space<vmem>>)
      %dma_start3A_172 = arith.constant 39 : i32
      %dma_start3A_173 = arith.constant 0 : i32
      %dma_start3A_174 = tpu.memref_slice %arg10[%dma_start3A_172, %dma_start3A_173] : memref<40x128xi32, #tpu.memory_space<vmem>> -> memref<1x128xi32, #tpu.memory_space<vmem>>
      %dma_start3A_175 = tpu.memref_squeeze %dma_start3A_174 : memref<1x128xi32, #tpu.memory_space<vmem>> -> memref<128xi32, #tpu.memory_space<vmem>>
      %dma_start3A_176 = arith.constant 0 : i32
      %dma_start3A_177 = arith.constant 0 : i32
      %dma_start3A_178 = tpu.memref_slice %arg13[%dma_start3A_176, %dma_start3A_177] : memref<10240x128xf32, #tpu.memory_space<vmem_shared>> -> memref<10240x128xf32, #tpu.memory_space<vmem_shared>>
      tpu.enqueue_indirect_dma source(%arg12 : memref<128x128xf32, #tpu.memory_space<vmem>>) target(%dma_start3A_178 : memref<10240x128xf32, #tpu.memory_space<vmem_shared>>) offsets(%dma_start3A_175 : memref<128xi32, #tpu.memory_space<vmem>>) semaphore(%arg17 : memref<!tpu.dma_semaphore, #tpu.memory_space<semaphore_mem>>) {add = true}
      %dma_wait3A_179 = arith.constant 38 : i32
      %dma_wait3A_180 = arith.constant 0 : i32
      %dma_wait3A_181 = tpu.memref_slice %arg10[%dma_wait3A_179, %dma_wait3A_180] : memref<40x128xi32, #tpu.memory_space<vmem>> -> memref<1x128xi32, #tpu.memory_space<vmem>>
      %dma_wait3A_182 = tpu.memref_squeeze %dma_wait3A_181 : memref<1x128xi32, #tpu.memory_space<vmem>> -> memref<128xi32, #tpu.memory_space<vmem>>
      %dma_wait3A_183 = arith.constant 0 : i32
      %dma_wait3A_184 = arith.constant 0 : i32
      %dma_wait3A_185 = tpu.memref_slice %arg13[%dma_wait3A_183, %dma_wait3A_184] : memref<10240x128xf32, #tpu.memory_space<vmem_shared>> -> memref<10240x128xf32, #tpu.memory_space<vmem_shared>>
      tpu.wait_indirect_dma semaphore(%arg16 : memref<!tpu.dma_semaphore, #tpu.memory_space<semaphore_mem>>) src(%arg11 : memref<128x128xf32, #tpu.memory_space<vmem>>) dst(%dma_wait3A_185 : memref<10240x128xf32, #tpu.memory_space<vmem_shared>>)
      %dma_wait3A_186 = arith.constant 39 : i32
      %dma_wait3A_187 = arith.constant 0 : i32
      %dma_wait3A_188 = tpu.memref_slice %arg10[%dma_wait3A_186, %dma_wait3A_187] : memref<40x128xi32, #tpu.memory_space<vmem>> -> memref<1x128xi32, #tpu.memory_space<vmem>>
      %dma_wait3A_189 = tpu.memref_squeeze %dma_wait3A_188 : memref<1x128xi32, #tpu.memory_space<vmem>> -> memref<128xi32, #tpu.memory_space<vmem>>
      %dma_wait3A_190 = arith.constant 0 : i32
      %dma_wait3A_191 = arith.constant 0 : i32
      %dma_wait3A_192 = tpu.memref_slice %arg13[%dma_wait3A_190, %dma_wait3A_191] : memref<10240x128xf32, #tpu.memory_space<vmem_shared>> -> memref<10240x128xf32, #tpu.memory_space<vmem_shared>>
      tpu.wait_indirect_dma semaphore(%arg17 : memref<!tpu.dma_semaphore, #tpu.memory_space<semaphore_mem>>) src(%arg12 : memref<128x128xf32, #tpu.memory_space<vmem>>) dst(%dma_wait3A_192 : memref<10240x128xf32, #tpu.memory_space<vmem_shared>>)
      "tpu.region"() ({
        %run_scoped3A = tpu.sem_alloc : memref<!tpu.dma_semaphore, #tpu.memory_space<semaphore_mem>>
        %dma_start3A_254 = arith.constant 0 : i32
        %dma_start3A_255 = arith.constant 0 : i32
        %dma_start3A_256 = tpu.memref_slice %arg9[%dma_start3A_254, %dma_start3A_255] : memref<40x128xi32, #tpu.memory_space<vmem>> -> memref<20x128xi32, #tpu.memory_space<vmem>>
        %dma_start3A_257 = arith.constant 120 : i32
        %dma_start3A_258 = arith.constant 0 : i32
        %dma_start3A_259 = tpu.memref_slice %arg3[%arg1, %dma_start3A_257, %dma_start3A_258] : memref<16x140x128xi32, #tpu.memory_space<hbm>> -> memref<1x20x128xi32, #tpu.memory_space<hbm>>
        %dma_start3A_260 = tpu.memref_squeeze %dma_start3A_259 : memref<1x20x128xi32, #tpu.memory_space<hbm>> -> memref<20x128xi32, #tpu.memory_space<hbm>>
        %dma_start3A_261 = arith.constant 0 : i32
        %dma_start3A_262 = arith.constant 0 : i32
        %dma_start3A_263 = tpu.memref_slice %arg9[%dma_start3A_261, %dma_start3A_262] : memref<40x128xi32, #tpu.memory_space<vmem>> -> memref<20x128xi32, #tpu.memory_space<vmem>>
        %dma_start3A_264 = arith.constant 120 : i32
        %dma_start3A_265 = arith.constant 0 : i32
        %dma_start3A_266 = tpu.memref_slice %arg3[%arg1, %dma_start3A_264, %dma_start3A_265] : memref<16x140x128xi32, #tpu.memory_space<hbm>> -> memref<1x20x128xi32, #tpu.memory_space<hbm>>
        %dma_start3A_267 = tpu.memref_squeeze %dma_start3A_266 : memref<1x20x128xi32, #tpu.memory_space<hbm>> -> memref<20x128xi32, #tpu.memory_space<hbm>>
        tpu.enqueue_dma source(%dma_start3A_267 : memref<20x128xi32, #tpu.memory_space<hbm>>) target(%dma_start3A_263 : memref<20x128xi32, #tpu.memory_space<vmem>>) target_semaphore(%run_scoped3A : memref<!tpu.dma_semaphore, #tpu.memory_space<semaphore_mem>>)
        %dma_wait3A_268 = arith.constant 0 : i32
        %dma_wait3A_269 = arith.constant 0 : i32
        %dma_wait3A_270 = tpu.memref_slice %arg9[%dma_wait3A_268, %dma_wait3A_269] : memref<40x128xi32, #tpu.memory_space<vmem>> -> memref<20x128xi32, #tpu.memory_space<vmem>>
        %dma_wait3A_271 = arith.constant 120 : i32
        %dma_wait3A_272 = arith.constant 0 : i32
        %dma_wait3A_273 = tpu.memref_slice %arg3[%arg1, %dma_wait3A_271, %dma_wait3A_272] : memref<16x140x128xi32, #tpu.memory_space<hbm>> -> memref<1x20x128xi32, #tpu.memory_space<hbm>>
        %dma_wait3A_274 = tpu.memref_squeeze %dma_wait3A_273 : memref<1x20x128xi32, #tpu.memory_space<hbm>> -> memref<20x128xi32, #tpu.memory_space<hbm>>
        %dma_wait3A_275 = arith.constant 0 : i32
        %dma_wait3A_276 = arith.constant 0 : i32
        %dma_wait3A_277 = tpu.memref_slice %arg9[%dma_wait3A_275, %dma_wait3A_276] : memref<40x128xi32, #tpu.memory_space<vmem>> -> memref<20x128xi32, #tpu.memory_space<vmem>>
        %dma_wait3A_278 = arith.constant 120 : i32
        %dma_wait3A_279 = arith.constant 0 : i32
        %dma_wait3A_280 = tpu.memref_slice %arg3[%arg1, %dma_wait3A_278, %dma_wait3A_279] : memref<16x140x128xi32, #tpu.memory_space<hbm>> -> memref<1x20x128xi32, #tpu.memory_space<hbm>>
        %dma_wait3A_281 = tpu.memref_squeeze %dma_wait3A_280 : memref<1x20x128xi32, #tpu.memory_space<hbm>> -> memref<20x128xi32, #tpu.memory_space<hbm>>
        tpu.wait_dma2 semaphore(%run_scoped3A : memref<!tpu.dma_semaphore, #tpu.memory_space<semaphore_mem>>) src(%dma_wait3A_281 : memref<20x128xi32, #tpu.memory_space<hbm>>) dst(%dma_wait3A_277 : memref<20x128xi32, #tpu.memory_space<vmem>>)
        tpu.yield
      }) : () -> ()
      "tpu.region"() ({
        %run_scoped3A = tpu.sem_alloc : memref<!tpu.dma_semaphore, #tpu.memory_space<semaphore_mem>>
        %dma_start3A_254 = arith.constant 0 : i32
        %dma_start3A_255 = arith.constant 0 : i32
        %dma_start3A_256 = tpu.memref_slice %arg10[%dma_start3A_254, %dma_start3A_255] : memref<40x128xi32, #tpu.memory_space<vmem>> -> memref<20x128xi32, #tpu.memory_space<vmem>>
        %dma_start3A_257 = arith.constant 120 : i32
        %dma_start3A_258 = arith.constant 0 : i32
        %dma_start3A_259 = tpu.memref_slice %arg4[%arg1, %dma_start3A_257, %dma_start3A_258] : memref<16x140x128xi32, #tpu.memory_space<hbm>> -> memref<1x20x128xi32, #tpu.memory_space<hbm>>
        %dma_start3A_260 = tpu.memref_squeeze %dma_start3A_259 : memref<1x20x128xi32, #tpu.memory_space<hbm>> -> memref<20x128xi32, #tpu.memory_space<hbm>>
        %dma_start3A_261 = arith.constant 0 : i32
        %dma_start3A_262 = arith.constant 0 : i32
        %dma_start3A_263 = tpu.memref_slice %arg10[%dma_start3A_261, %dma_start3A_262] : memref<40x128xi32, #tpu.memory_space<vmem>> -> memref<20x128xi32, #tpu.memory_space<vmem>>
        %dma_start3A_264 = arith.constant 120 : i32
        %dma_start3A_265 = arith.constant 0 : i32
        %dma_start3A_266 = tpu.memref_slice %arg4[%arg1, %dma_start3A_264, %dma_start3A_265] : memref<16x140x128xi32, #tpu.memory_space<hbm>> -> memref<1x20x128xi32, #tpu.memory_space<hbm>>
        %dma_start3A_267 = tpu.memref_squeeze %dma_start3A_266 : memref<1x20x128xi32, #tpu.memory_space<hbm>> -> memref<20x128xi32, #tpu.memory_space<hbm>>
        tpu.enqueue_dma source(%dma_start3A_267 : memref<20x128xi32, #tpu.memory_space<hbm>>) target(%dma_start3A_263 : memref<20x128xi32, #tpu.memory_space<vmem>>) target_semaphore(%run_scoped3A : memref<!tpu.dma_semaphore, #tpu.memory_space<semaphore_mem>>)
        %dma_wait3A_268 = arith.constant 0 : i32
        %dma_wait3A_269 = arith.constant 0 : i32
        %dma_wait3A_270 = tpu.memref_slice %arg10[%dma_wait3A_268, %dma_wait3A_269] : memref<40x128xi32, #tpu.memory_space<vmem>> -> memref<20x128xi32, #tpu.memory_space<vmem>>
        %dma_wait3A_271 = arith.constant 120 : i32
        %dma_wait3A_272 = arith.constant 0 : i32
        %dma_wait3A_273 = tpu.memref_slice %arg4[%arg1, %dma_wait3A_271, %dma_wait3A_272] : memref<16x140x128xi32, #tpu.memory_space<hbm>> -> memref<1x20x128xi32, #tpu.memory_space<hbm>>
        %dma_wait3A_274 = tpu.memref_squeeze %dma_wait3A_273 : memref<1x20x128xi32, #tpu.memory_space<hbm>> -> memref<20x128xi32, #tpu.memory_space<hbm>>
        %dma_wait3A_275 = arith.constant 0 : i32
        %dma_wait3A_276 = arith.constant 0 : i32
        %dma_wait3A_277 = tpu.memref_slice %arg10[%dma_wait3A_275, %dma_wait3A_276] : memref<40x128xi32, #tpu.memory_space<vmem>> -> memref<20x128xi32, #tpu.memory_space<vmem>>
        %dma_wait3A_278 = arith.constant 120 : i32
        %dma_wait3A_279 = arith.constant 0 : i32
        %dma_wait3A_280 = tpu.memref_slice %arg4[%arg1, %dma_wait3A_278, %dma_wait3A_279] : memref<16x140x128xi32, #tpu.memory_space<hbm>> -> memref<1x20x128xi32, #tpu.memory_space<hbm>>
        %dma_wait3A_281 = tpu.memref_squeeze %dma_wait3A_280 : memref<1x20x128xi32, #tpu.memory_space<hbm>> -> memref<20x128xi32, #tpu.memory_space<hbm>>
        tpu.wait_dma2 semaphore(%run_scoped3A : memref<!tpu.dma_semaphore, #tpu.memory_space<semaphore_mem>>) src(%dma_wait3A_281 : memref<20x128xi32, #tpu.memory_space<hbm>>) dst(%dma_wait3A_277 : memref<20x128xi32, #tpu.memory_space<vmem>>)
        tpu.yield
      }) : () -> ()
      %dma_start3A_193 = arith.constant 0 : i32
      %dma_start3A_194 = arith.constant 0 : i32
      %dma_start3A_195 = tpu.memref_slice %arg9[%dma_start3A_193, %dma_start3A_194] : memref<40x128xi32, #tpu.memory_space<vmem>> -> memref<1x128xi32, #tpu.memory_space<vmem>>
      %dma_start3A_196 = tpu.memref_squeeze %dma_start3A_195 : memref<1x128xi32, #tpu.memory_space<vmem>> -> memref<128xi32, #tpu.memory_space<vmem>>
      %dma_start3A_197 = arith.constant 0 : i32
      %dma_start3A_198 = arith.constant 0 : i32
      %dma_start3A_199 = tpu.memref_slice %arg2[%dma_start3A_197, %dma_start3A_198] : memref<10000x128xf32, #tpu.memory_space<hbm>> -> memref<10000x128xf32, #tpu.memory_space<hbm>>
      tpu.enqueue_indirect_dma source(%dma_start3A_199 : memref<10000x128xf32, #tpu.memory_space<hbm>>) target(%arg11 : memref<128x128xf32, #tpu.memory_space<vmem>>) offsets(%dma_start3A_196 : memref<128xi32, #tpu.memory_space<vmem>>) semaphore(%arg14 : memref<!tpu.dma_semaphore, #tpu.memory_space<semaphore_mem>>)
      %dma_start3A_200 = arith.constant 1 : i32
      %dma_start3A_201 = arith.constant 0 : i32
      %dma_start3A_202 = tpu.memref_slice %arg9[%dma_start3A_200, %dma_start3A_201] : memref<40x128xi32, #tpu.memory_space<vmem>> -> memref<1x128xi32, #tpu.memory_space<vmem>>
      %dma_start3A_203 = tpu.memref_squeeze %dma_start3A_202 : memref<1x128xi32, #tpu.memory_space<vmem>> -> memref<128xi32, #tpu.memory_space<vmem>>
      %dma_start3A_204 = arith.constant 0 : i32
      %dma_start3A_205 = arith.constant 0 : i32
      %dma_start3A_206 = tpu.memref_slice %arg2[%dma_start3A_204, %dma_start3A_205] : memref<10000x128xf32, #tpu.memory_space<hbm>> -> memref<10000x128xf32, #tpu.memory_space<hbm>>
      tpu.enqueue_indirect_dma source(%dma_start3A_206 : memref<10000x128xf32, #tpu.memory_space<hbm>>) target(%arg12 : memref<128x128xf32, #tpu.memory_space<vmem>>) offsets(%dma_start3A_203 : memref<128xi32, #tpu.memory_space<vmem>>) semaphore(%arg15 : memref<!tpu.dma_semaphore, #tpu.memory_space<semaphore_mem>>)
      %scan3A_207 = arith.constant 0 : i32
      %scan3A_208 = arith.constant 9 : i32
      %scan3A_209 = arith.addi %scan3A_207, %scan3A_208 : i32
      %scan3A_210 = arith.constant 1 : i32
      scf.for %scan3A_254 = %scan3A_207 to %scan3A_209 step %scan3A_210  : i32 {
        %mul3A_255 = arith.constant 1 : i32
        %mul3A_256 = arith.muli %scan3A_254, %mul3A_255 : i32
        %add3A = arith.constant 0 : i32
        %add3A_257 = arith.addi %add3A, %mul3A_256 : i32
        %mul3A_258 = arith.constant 2 : i32
        %mul3A_259 = arith.muli %mul3A_258, %add3A_257 : i32
        %add3A_260 = arith.constant 1 : i32
        %add3A_261 = arith.addi %mul3A_259, %add3A_260 : i32
        %dma_wait3A_262 = arith.constant 0 : i32
        %dma_wait3A_263 = tpu.memref_slice %arg9[%mul3A_259, %dma_wait3A_262] : memref<40x128xi32, #tpu.memory_space<vmem>> -> memref<1x128xi32, #tpu.memory_space<vmem>>
        %dma_wait3A_264 = tpu.memref_squeeze %dma_wait3A_263 : memref<1x128xi32, #tpu.memory_space<vmem>> -> memref<128xi32, #tpu.memory_space<vmem>>
        %dma_wait3A_265 = arith.constant 0 : i32
        %dma_wait3A_266 = arith.constant 0 : i32
        %dma_wait3A_267 = tpu.memref_slice %arg2[%dma_wait3A_265, %dma_wait3A_266] : memref<10000x128xf32, #tpu.memory_space<hbm>> -> memref<10000x128xf32, #tpu.memory_space<hbm>>
        tpu.wait_indirect_dma semaphore(%arg14 : memref<!tpu.dma_semaphore, #tpu.memory_space<semaphore_mem>>) src(%dma_wait3A_267 : memref<10000x128xf32, #tpu.memory_space<hbm>>) dst(%arg11 : memref<128x128xf32, #tpu.memory_space<vmem>>)
        %dma_start3A_268 = arith.constant 0 : i32
        %dma_start3A_269 = tpu.memref_slice %arg10[%mul3A_259, %dma_start3A_268] : memref<40x128xi32, #tpu.memory_space<vmem>> -> memref<1x128xi32, #tpu.memory_space<vmem>>
        %dma_start3A_270 = tpu.memref_squeeze %dma_start3A_269 : memref<1x128xi32, #tpu.memory_space<vmem>> -> memref<128xi32, #tpu.memory_space<vmem>>
        %dma_start3A_271 = arith.constant 0 : i32
        %dma_start3A_272 = arith.constant 0 : i32
        %dma_start3A_273 = tpu.memref_slice %arg13[%dma_start3A_271, %dma_start3A_272] : memref<10240x128xf32, #tpu.memory_space<vmem_shared>> -> memref<10240x128xf32, #tpu.memory_space<vmem_shared>>
        tpu.enqueue_indirect_dma source(%arg11 : memref<128x128xf32, #tpu.memory_space<vmem>>) target(%dma_start3A_273 : memref<10240x128xf32, #tpu.memory_space<vmem_shared>>) offsets(%dma_start3A_270 : memref<128xi32, #tpu.memory_space<vmem>>) semaphore(%arg16 : memref<!tpu.dma_semaphore, #tpu.memory_space<semaphore_mem>>) {add = true}
        %dma_wait3A_274 = arith.constant 0 : i32
        %dma_wait3A_275 = tpu.memref_slice %arg9[%add3A_261, %dma_wait3A_274] : memref<40x128xi32, #tpu.memory_space<vmem>> -> memref<1x128xi32, #tpu.memory_space<vmem>>
        %dma_wait3A_276 = tpu.memref_squeeze %dma_wait3A_275 : memref<1x128xi32, #tpu.memory_space<vmem>> -> memref<128xi32, #tpu.memory_space<vmem>>
        %dma_wait3A_277 = arith.constant 0 : i32
        %dma_wait3A_278 = arith.constant 0 : i32
        %dma_wait3A_279 = tpu.memref_slice %arg2[%dma_wait3A_277, %dma_wait3A_278] : memref<10000x128xf32, #tpu.memory_space<hbm>> -> memref<10000x128xf32, #tpu.memory_space<hbm>>
        tpu.wait_indirect_dma semaphore(%arg15 : memref<!tpu.dma_semaphore, #tpu.memory_space<semaphore_mem>>) src(%dma_wait3A_279 : memref<10000x128xf32, #tpu.memory_space<hbm>>) dst(%arg12 : memref<128x128xf32, #tpu.memory_space<vmem>>)
        %dma_start3A_280 = arith.constant 0 : i32
        %dma_start3A_281 = tpu.memref_slice %arg10[%add3A_261, %dma_start3A_280] : memref<40x128xi32, #tpu.memory_space<vmem>> -> memref<1x128xi32, #tpu.memory_space<vmem>>
        %dma_start3A_282 = tpu.memref_squeeze %dma_start3A_281 : memref<1x128xi32, #tpu.memory_space<vmem>> -> memref<128xi32, #tpu.memory_space<vmem>>
        %dma_start3A_283 = arith.constant 0 : i32
        %dma_start3A_284 = arith.constant 0 : i32
        %dma_start3A_285 = tpu.memref_slice %arg13[%dma_start3A_283, %dma_start3A_284] : memref<10240x128xf32, #tpu.memory_space<vmem_shared>> -> memref<10240x128xf32, #tpu.memory_space<vmem_shared>>
        tpu.enqueue_indirect_dma source(%arg12 : memref<128x128xf32, #tpu.memory_space<vmem>>) target(%dma_start3A_285 : memref<10240x128xf32, #tpu.memory_space<vmem_shared>>) offsets(%dma_start3A_282 : memref<128xi32, #tpu.memory_space<vmem>>) semaphore(%arg17 : memref<!tpu.dma_semaphore, #tpu.memory_space<semaphore_mem>>) {add = true}
        %dma_wait3A_286 = arith.constant 0 : i32
        %dma_wait3A_287 = tpu.memref_slice %arg10[%mul3A_259, %dma_wait3A_286] : memref<40x128xi32, #tpu.memory_space<vmem>> -> memref<1x128xi32, #tpu.memory_space<vmem>>
        %dma_wait3A_288 = tpu.memref_squeeze %dma_wait3A_287 : memref<1x128xi32, #tpu.memory_space<vmem>> -> memref<128xi32, #tpu.memory_space<vmem>>
        %dma_wait3A_289 = arith.constant 0 : i32
        %dma_wait3A_290 = arith.constant 0 : i32
        %dma_wait3A_291 = tpu.memref_slice %arg13[%dma_wait3A_289, %dma_wait3A_290] : memref<10240x128xf32, #tpu.memory_space<vmem_shared>> -> memref<10240x128xf32, #tpu.memory_space<vmem_shared>>
        tpu.wait_indirect_dma semaphore(%arg16 : memref<!tpu.dma_semaphore, #tpu.memory_space<semaphore_mem>>) src(%arg11 : memref<128x128xf32, #tpu.memory_space<vmem>>) dst(%dma_wait3A_291 : memref<10240x128xf32, #tpu.memory_space<vmem_shared>>)
        %add3A_292 = arith.constant 2 : i32
        %add3A_293 = arith.addi %mul3A_259, %add3A_292 : i32
        %dma_start3A_294 = arith.constant 0 : i32
        %dma_start3A_295 = tpu.memref_slice %arg9[%add3A_293, %dma_start3A_294] : memref<40x128xi32, #tpu.memory_space<vmem>> -> memref<1x128xi32, #tpu.memory_space<vmem>>
        %dma_start3A_296 = tpu.memref_squeeze %dma_start3A_295 : memref<1x128xi32, #tpu.memory_space<vmem>> -> memref<128xi32, #tpu.memory_space<vmem>>
        %dma_start3A_297 = arith.constant 0 : i32
        %dma_start3A_298 = arith.constant 0 : i32
        %dma_start3A_299 = tpu.memref_slice %arg2[%dma_start3A_297, %dma_start3A_298] : memref<10000x128xf32, #tpu.memory_space<hbm>> -> memref<10000x128xf32, #tpu.memory_space<hbm>>
        tpu.enqueue_indirect_dma source(%dma_start3A_299 : memref<10000x128xf32, #tpu.memory_space<hbm>>) target(%arg11 : memref<128x128xf32, #tpu.memory_space<vmem>>) offsets(%dma_start3A_296 : memref<128xi32, #tpu.memory_space<vmem>>) semaphore(%arg14 : memref<!tpu.dma_semaphore, #tpu.memory_space<semaphore_mem>>)
        %dma_wait3A_300 = arith.constant 0 : i32
        %dma_wait3A_301 = tpu.memref_slice %arg10[%add3A_261, %dma_wait3A_300] : memref<40x128xi32, #tpu.memory_space<vmem>> -> memref<1x128xi32, #tpu.memory_space<vmem>>
        %dma_wait3A_302 = tpu.memref_squeeze %dma_wait3A_301 : memref<1x128xi32, #tpu.memory_space<vmem>> -> memref<128xi32, #tpu.memory_space<vmem>>
        %dma_wait3A_303 = arith.constant 0 : i32
        %dma_wait3A_304 = arith.constant 0 : i32
        %dma_wait3A_305 = tpu.memref_slice %arg13[%dma_wait3A_303, %dma_wait3A_304] : memref<10240x128xf32, #tpu.memory_space<vmem_shared>> -> memref<10240x128xf32, #tpu.memory_space<vmem_shared>>
        tpu.wait_indirect_dma semaphore(%arg17 : memref<!tpu.dma_semaphore, #tpu.memory_space<semaphore_mem>>) src(%arg12 : memref<128x128xf32, #tpu.memory_space<vmem>>) dst(%dma_wait3A_305 : memref<10240x128xf32, #tpu.memory_space<vmem_shared>>)
        %add3A_306 = arith.constant 2 : i32
        %add3A_307 = arith.addi %add3A_261, %add3A_306 : i32
        %dma_start3A_308 = arith.constant 0 : i32
        %dma_start3A_309 = tpu.memref_slice %arg9[%add3A_307, %dma_start3A_308] : memref<40x128xi32, #tpu.memory_space<vmem>> -> memref<1x128xi32, #tpu.memory_space<vmem>>
        %dma_start3A_310 = tpu.memref_squeeze %dma_start3A_309 : memref<1x128xi32, #tpu.memory_space<vmem>> -> memref<128xi32, #tpu.memory_space<vmem>>
        %dma_start3A_311 = arith.constant 0 : i32
        %dma_start3A_312 = arith.constant 0 : i32
        %dma_start3A_313 = tpu.memref_slice %arg2[%dma_start3A_311, %dma_start3A_312] : memref<10000x128xf32, #tpu.memory_space<hbm>> -> memref<10000x128xf32, #tpu.memory_space<hbm>>
        tpu.enqueue_indirect_dma source(%dma_start3A_313 : memref<10000x128xf32, #tpu.memory_space<hbm>>) target(%arg12 : memref<128x128xf32, #tpu.memory_space<vmem>>) offsets(%dma_start3A_310 : memref<128xi32, #tpu.memory_space<vmem>>) semaphore(%arg15 : memref<!tpu.dma_semaphore, #tpu.memory_space<semaphore_mem>>)
      }
      %scan3A_211 = arith.constant 9 : i32
      %dma_wait3A_212 = arith.constant 18 : i32
      %dma_wait3A_213 = arith.constant 0 : i32
      %dma_wait3A_214 = tpu.memref_slice %arg9[%dma_wait3A_212, %dma_wait3A_213] : memref<40x128xi32, #tpu.memory_space<vmem>> -> memref<1x128xi32, #tpu.memory_space<vmem>>
      %dma_wait3A_215 = tpu.memref_squeeze %dma_wait3A_214 : memref<1x128xi32, #tpu.memory_space<vmem>> -> memref<128xi32, #tpu.memory_space<vmem>>
      %dma_wait3A_216 = arith.constant 0 : i32
      %dma_wait3A_217 = arith.constant 0 : i32
      %dma_wait3A_218 = tpu.memref_slice %arg2[%dma_wait3A_216, %dma_wait3A_217] : memref<10000x128xf32, #tpu.memory_space<hbm>> -> memref<10000x128xf32, #tpu.memory_space<hbm>>
      tpu.wait_indirect_dma semaphore(%arg14 : memref<!tpu.dma_semaphore, #tpu.memory_space<semaphore_mem>>) src(%dma_wait3A_218 : memref<10000x128xf32, #tpu.memory_space<hbm>>) dst(%arg11 : memref<128x128xf32, #tpu.memory_space<vmem>>)
      %dma_start3A_219 = arith.constant 18 : i32
      %dma_start3A_220 = arith.constant 0 : i32
      %dma_start3A_221 = tpu.memref_slice %arg10[%dma_start3A_219, %dma_start3A_220] : memref<40x128xi32, #tpu.memory_space<vmem>> -> memref<1x128xi32, #tpu.memory_space<vmem>>
      %dma_start3A_222 = tpu.memref_squeeze %dma_start3A_221 : memref<1x128xi32, #tpu.memory_space<vmem>> -> memref<128xi32, #tpu.memory_space<vmem>>
      %dma_start3A_223 = arith.constant 0 : i32
      %dma_start3A_224 = arith.constant 0 : i32
      %dma_start3A_225 = tpu.memref_slice %arg13[%dma_start3A_223, %dma_start3A_224] : memref<10240x128xf32, #tpu.memory_space<vmem_shared>> -> memref<10240x128xf32, #tpu.memory_space<vmem_shared>>
      tpu.enqueue_indirect_dma source(%arg11 : memref<128x128xf32, #tpu.memory_space<vmem>>) target(%dma_start3A_225 : memref<10240x128xf32, #tpu.memory_space<vmem_shared>>) offsets(%dma_start3A_222 : memref<128xi32, #tpu.memory_space<vmem>>) semaphore(%arg16 : memref<!tpu.dma_semaphore, #tpu.memory_space<semaphore_mem>>) {add = true}
      %dma_wait3A_226 = arith.constant 19 : i32
      %dma_wait3A_227 = arith.constant 0 : i32
      %dma_wait3A_228 = tpu.memref_slice %arg9[%dma_wait3A_226, %dma_wait3A_227] : memref<40x128xi32, #tpu.memory_space<vmem>> -> memref<1x128xi32, #tpu.memory_space<vmem>>
      %dma_wait3A_229 = tpu.memref_squeeze %dma_wait3A_228 : memref<1x128xi32, #tpu.memory_space<vmem>> -> memref<128xi32, #tpu.memory_space<vmem>>
      %dma_wait3A_230 = arith.constant 0 : i32
      %dma_wait3A_231 = arith.constant 0 : i32
      %dma_wait3A_232 = tpu.memref_slice %arg2[%dma_wait3A_230, %dma_wait3A_231] : memref<10000x128xf32, #tpu.memory_space<hbm>> -> memref<10000x128xf32, #tpu.memory_space<hbm>>
      tpu.wait_indirect_dma semaphore(%arg15 : memref<!tpu.dma_semaphore, #tpu.memory_space<semaphore_mem>>) src(%dma_wait3A_232 : memref<10000x128xf32, #tpu.memory_space<hbm>>) dst(%arg12 : memref<128x128xf32, #tpu.memory_space<vmem>>)
      %dma_start3A_233 = arith.constant 19 : i32
      %dma_start3A_234 = arith.constant 0 : i32
      %dma_start3A_235 = tpu.memref_slice %arg10[%dma_start3A_233, %dma_start3A_234] : memref<40x128xi32, #tpu.memory_space<vmem>> -> memref<1x128xi32, #tpu.memory_space<vmem>>
      %dma_start3A_236 = tpu.memref_squeeze %dma_start3A_235 : memref<1x128xi32, #tpu.memory_space<vmem>> -> memref<128xi32, #tpu.memory_space<vmem>>
      %dma_start3A_237 = arith.constant 0 : i32
      %dma_start3A_238 = arith.constant 0 : i32
      %dma_start3A_239 = tpu.memref_slice %arg13[%dma_start3A_237, %dma_start3A_238] : memref<10240x128xf32, #tpu.memory_space<vmem_shared>> -> memref<10240x128xf32, #tpu.memory_space<vmem_shared>>
      tpu.enqueue_indirect_dma source(%arg12 : memref<128x128xf32, #tpu.memory_space<vmem>>) target(%dma_start3A_239 : memref<10240x128xf32, #tpu.memory_space<vmem_shared>>) offsets(%dma_start3A_236 : memref<128xi32, #tpu.memory_space<vmem>>) semaphore(%arg17 : memref<!tpu.dma_semaphore, #tpu.memory_space<semaphore_mem>>) {add = true}
      %dma_wait3A_240 = arith.constant 18 : i32
      %dma_wait3A_241 = arith.constant 0 : i32
      %dma_wait3A_242 = tpu.memref_slice %arg10[%dma_wait3A_240, %dma_wait3A_241] : memref<40x128xi32, #tpu.memory_space<vmem>> -> memref<1x128xi32, #tpu.memory_space<vmem>>
      %dma_wait3A_243 = tpu.memref_squeeze %dma_wait3A_242 : memref<1x128xi32, #tpu.memory_space<vmem>> -> memref<128xi32, #tpu.memory_space<vmem>>
      %dma_wait3A_244 = arith.constant 0 : i32
      %dma_wait3A_245 = arith.constant 0 : i32
      %dma_wait3A_246 = tpu.memref_slice %arg13[%dma_wait3A_244, %dma_wait3A_245] : memref<10240x128xf32, #tpu.memory_space<vmem_shared>> -> memref<10240x128xf32, #tpu.memory_space<vmem_shared>>
      tpu.wait_indirect_dma semaphore(%arg16 : memref<!tpu.dma_semaphore, #tpu.memory_space<semaphore_mem>>) src(%arg11 : memref<128x128xf32, #tpu.memory_space<vmem>>) dst(%dma_wait3A_246 : memref<10240x128xf32, #tpu.memory_space<vmem_shared>>)
      %dma_wait3A_247 = arith.constant 19 : i32
      %dma_wait3A_248 = arith.constant 0 : i32
      %dma_wait3A_249 = tpu.memref_slice %arg10[%dma_wait3A_247, %dma_wait3A_248] : memref<40x128xi32, #tpu.memory_space<vmem>> -> memref<1x128xi32, #tpu.memory_space<vmem>>
      %dma_wait3A_250 = tpu.memref_squeeze %dma_wait3A_249 : memref<1x128xi32, #tpu.memory_space<vmem>> -> memref<128xi32, #tpu.memory_space<vmem>>
      %dma_wait3A_251 = arith.constant 0 : i32
      %dma_wait3A_252 = arith.constant 0 : i32
      %dma_wait3A_253 = tpu.memref_slice %arg13[%dma_wait3A_251, %dma_wait3A_252] : memref<10240x128xf32, #tpu.memory_space<vmem_shared>> -> memref<10240x128xf32, #tpu.memory_space<vmem_shared>>
      tpu.wait_indirect_dma semaphore(%arg17 : memref<!tpu.dma_semaphore, #tpu.memory_space<semaphore_mem>>) src(%arg12 : memref<128x128xf32, #tpu.memory_space<vmem>>) dst(%dma_wait3A_253 : memref<10240x128xf32, #tpu.memory_space<vmem_shared>>)
    } else {
    }
    %eq3A_3 = arith.constant 1 : i32
    %eq3A_4 = arith.cmpi eq, %arg0, %eq3A_3 : i32
    %convert_element_type3A_5 = arith.extui %eq3A_4 : i1 to i32
    %cond3A_6 = arith.constant 0 : i32
    %cond3A_7 = arith.cmpi ne, %convert_element_type3A_5, %cond3A_6 : i32
    scf.if %cond3A_7 {
      "tpu.region"() ({
        %run_scoped3A = tpu.sem_alloc : memref<!tpu.dma_semaphore, #tpu.memory_space<semaphore_mem>>
        %dma_start3A_71 = arith.constant 0 : i32
        %dma_start3A_72 = arith.constant 0 : i32
        %dma_start3A_73 = tpu.memref_slice %arg9[%dma_start3A_71, %dma_start3A_72] : memref<40x128xi32, #tpu.memory_space<vmem>> -> memref<20x128xi32, #tpu.memory_space<vmem>>
        %dma_start3A_74 = arith.constant 0 : i32
        %dma_start3A_75 = arith.constant 0 : i32
        %dma_start3A_76 = tpu.memref_slice %arg5[%arg1, %dma_start3A_74, %dma_start3A_75] : memref<16x20x128xi32, #tpu.memory_space<hbm>> -> memref<1x20x128xi32, #tpu.memory_space<hbm>>
        %dma_start3A_77 = tpu.memref_squeeze %dma_start3A_76 : memref<1x20x128xi32, #tpu.memory_space<hbm>> -> memref<20x128xi32, #tpu.memory_space<hbm>>
        %dma_start3A_78 = arith.constant 0 : i32
        %dma_start3A_79 = arith.constant 0 : i32
        %dma_start3A_80 = tpu.memref_slice %arg9[%dma_start3A_78, %dma_start3A_79] : memref<40x128xi32, #tpu.memory_space<vmem>> -> memref<20x128xi32, #tpu.memory_space<vmem>>
        %dma_start3A_81 = arith.constant 0 : i32
        %dma_start3A_82 = arith.constant 0 : i32
        %dma_start3A_83 = tpu.memref_slice %arg5[%arg1, %dma_start3A_81, %dma_start3A_82] : memref<16x20x128xi32, #tpu.memory_space<hbm>> -> memref<1x20x128xi32, #tpu.memory_space<hbm>>
        %dma_start3A_84 = tpu.memref_squeeze %dma_start3A_83 : memref<1x20x128xi32, #tpu.memory_space<hbm>> -> memref<20x128xi32, #tpu.memory_space<hbm>>
        tpu.enqueue_dma source(%dma_start3A_84 : memref<20x128xi32, #tpu.memory_space<hbm>>) target(%dma_start3A_80 : memref<20x128xi32, #tpu.memory_space<vmem>>) target_semaphore(%run_scoped3A : memref<!tpu.dma_semaphore, #tpu.memory_space<semaphore_mem>>)
        %dma_wait3A_85 = arith.constant 0 : i32
        %dma_wait3A_86 = arith.constant 0 : i32
        %dma_wait3A_87 = tpu.memref_slice %arg9[%dma_wait3A_85, %dma_wait3A_86] : memref<40x128xi32, #tpu.memory_space<vmem>> -> memref<20x128xi32, #tpu.memory_space<vmem>>
        %dma_wait3A_88 = arith.constant 0 : i32
        %dma_wait3A_89 = arith.constant 0 : i32
        %dma_wait3A_90 = tpu.memref_slice %arg5[%arg1, %dma_wait3A_88, %dma_wait3A_89] : memref<16x20x128xi32, #tpu.memory_space<hbm>> -> memref<1x20x128xi32, #tpu.memory_space<hbm>>
        %dma_wait3A_91 = tpu.memref_squeeze %dma_wait3A_90 : memref<1x20x128xi32, #tpu.memory_space<hbm>> -> memref<20x128xi32, #tpu.memory_space<hbm>>
        %dma_wait3A_92 = arith.constant 0 : i32
        %dma_wait3A_93 = arith.constant 0 : i32
        %dma_wait3A_94 = tpu.memref_slice %arg9[%dma_wait3A_92, %dma_wait3A_93] : memref<40x128xi32, #tpu.memory_space<vmem>> -> memref<20x128xi32, #tpu.memory_space<vmem>>
        %dma_wait3A_95 = arith.constant 0 : i32
        %dma_wait3A_96 = arith.constant 0 : i32
        %dma_wait3A_97 = tpu.memref_slice %arg5[%arg1, %dma_wait3A_95, %dma_wait3A_96] : memref<16x20x128xi32, #tpu.memory_space<hbm>> -> memref<1x20x128xi32, #tpu.memory_space<hbm>>
        %dma_wait3A_98 = tpu.memref_squeeze %dma_wait3A_97 : memref<1x20x128xi32, #tpu.memory_space<hbm>> -> memref<20x128xi32, #tpu.memory_space<hbm>>
        tpu.wait_dma2 semaphore(%run_scoped3A : memref<!tpu.dma_semaphore, #tpu.memory_space<semaphore_mem>>) src(%dma_wait3A_98 : memref<20x128xi32, #tpu.memory_space<hbm>>) dst(%dma_wait3A_94 : memref<20x128xi32, #tpu.memory_space<vmem>>)
        tpu.yield
      }) : () -> ()
      "tpu.region"() ({
        %run_scoped3A = tpu.sem_alloc : memref<!tpu.dma_semaphore, #tpu.memory_space<semaphore_mem>>
        %dma_start3A_71 = arith.constant 0 : i32
        %dma_start3A_72 = arith.constant 0 : i32
        %dma_start3A_73 = tpu.memref_slice %arg10[%dma_start3A_71, %dma_start3A_72] : memref<40x128xi32, #tpu.memory_space<vmem>> -> memref<20x128xi32, #tpu.memory_space<vmem>>
        %dma_start3A_74 = arith.constant 0 : i32
        %dma_start3A_75 = arith.constant 0 : i32
        %dma_start3A_76 = tpu.memref_slice %arg6[%arg1, %dma_start3A_74, %dma_start3A_75] : memref<16x20x128xi32, #tpu.memory_space<hbm>> -> memref<1x20x128xi32, #tpu.memory_space<hbm>>
        %dma_start3A_77 = tpu.memref_squeeze %dma_start3A_76 : memref<1x20x128xi32, #tpu.memory_space<hbm>> -> memref<20x128xi32, #tpu.memory_space<hbm>>
        %dma_start3A_78 = arith.constant 0 : i32
        %dma_start3A_79 = arith.constant 0 : i32
        %dma_start3A_80 = tpu.memref_slice %arg10[%dma_start3A_78, %dma_start3A_79] : memref<40x128xi32, #tpu.memory_space<vmem>> -> memref<20x128xi32, #tpu.memory_space<vmem>>
        %dma_start3A_81 = arith.constant 0 : i32
        %dma_start3A_82 = arith.constant 0 : i32
        %dma_start3A_83 = tpu.memref_slice %arg6[%arg1, %dma_start3A_81, %dma_start3A_82] : memref<16x20x128xi32, #tpu.memory_space<hbm>> -> memref<1x20x128xi32, #tpu.memory_space<hbm>>
        %dma_start3A_84 = tpu.memref_squeeze %dma_start3A_83 : memref<1x20x128xi32, #tpu.memory_space<hbm>> -> memref<20x128xi32, #tpu.memory_space<hbm>>
        tpu.enqueue_dma source(%dma_start3A_84 : memref<20x128xi32, #tpu.memory_space<hbm>>) target(%dma_start3A_80 : memref<20x128xi32, #tpu.memory_space<vmem>>) target_semaphore(%run_scoped3A : memref<!tpu.dma_semaphore, #tpu.memory_space<semaphore_mem>>)
        %dma_wait3A_85 = arith.constant 0 : i32
        %dma_wait3A_86 = arith.constant 0 : i32
        %dma_wait3A_87 = tpu.memref_slice %arg10[%dma_wait3A_85, %dma_wait3A_86] : memref<40x128xi32, #tpu.memory_space<vmem>> -> memref<20x128xi32, #tpu.memory_space<vmem>>
        %dma_wait3A_88 = arith.constant 0 : i32
        %dma_wait3A_89 = arith.constant 0 : i32
        %dma_wait3A_90 = tpu.memref_slice %arg6[%arg1, %dma_wait3A_88, %dma_wait3A_89] : memref<16x20x128xi32, #tpu.memory_space<hbm>> -> memref<1x20x128xi32, #tpu.memory_space<hbm>>
        %dma_wait3A_91 = tpu.memref_squeeze %dma_wait3A_90 : memref<1x20x128xi32, #tpu.memory_space<hbm>> -> memref<20x128xi32, #tpu.memory_space<hbm>>
        %dma_wait3A_92 = arith.constant 0 : i32
        %dma_wait3A_93 = arith.constant 0 : i32
        %dma_wait3A_94 = tpu.memref_slice %arg10[%dma_wait3A_92, %dma_wait3A_93] : memref<40x128xi32, #tpu.memory_space<vmem>> -> memref<20x128xi32, #tpu.memory_space<vmem>>
        %dma_wait3A_95 = arith.constant 0 : i32
        %dma_wait3A_96 = arith.constant 0 : i32
        %dma_wait3A_97 = tpu.memref_slice %arg6[%arg1, %dma_wait3A_95, %dma_wait3A_96] : memref<16x20x128xi32, #tpu.memory_space<hbm>> -> memref<1x20x128xi32, #tpu.memory_space<hbm>>
        %dma_wait3A_98 = tpu.memref_squeeze %dma_wait3A_97 : memref<1x20x128xi32, #tpu.memory_space<hbm>> -> memref<20x128xi32, #tpu.memory_space<hbm>>
        tpu.wait_dma2 semaphore(%run_scoped3A : memref<!tpu.dma_semaphore, #tpu.memory_space<semaphore_mem>>) src(%dma_wait3A_98 : memref<20x128xi32, #tpu.memory_space<hbm>>) dst(%dma_wait3A_94 : memref<20x128xi32, #tpu.memory_space<vmem>>)
        tpu.yield
      }) : () -> ()
      %dma_start3A = arith.constant 0 : i32
      %dma_start3A_13 = arith.constant 0 : i32
      %dma_start3A_14 = tpu.memref_slice %arg9[%dma_start3A, %dma_start3A_13] : memref<40x128xi32, #tpu.memory_space<vmem>> -> memref<1x128xi32, #tpu.memory_space<vmem>>
      %dma_start3A_15 = tpu.memref_squeeze %dma_start3A_14 : memref<1x128xi32, #tpu.memory_space<vmem>> -> memref<128xi32, #tpu.memory_space<vmem>>
      %dma_start3A_16 = arith.constant 0 : i32
      %dma_start3A_17 = arith.constant 0 : i32
      %dma_start3A_18 = tpu.memref_slice %arg2[%dma_start3A_16, %dma_start3A_17] : memref<10000x128xf32, #tpu.memory_space<hbm>> -> memref<10000x128xf32, #tpu.memory_space<hbm>>
      tpu.enqueue_indirect_dma source(%dma_start3A_18 : memref<10000x128xf32, #tpu.memory_space<hbm>>) target(%arg11 : memref<128x128xf32, #tpu.memory_space<vmem>>) offsets(%dma_start3A_15 : memref<128xi32, #tpu.memory_space<vmem>>) semaphore(%arg14 : memref<!tpu.dma_semaphore, #tpu.memory_space<semaphore_mem>>)
      %dma_start3A_19 = arith.constant 1 : i32
      %dma_start3A_20 = arith.constant 0 : i32
      %dma_start3A_21 = tpu.memref_slice %arg9[%dma_start3A_19, %dma_start3A_20] : memref<40x128xi32, #tpu.memory_space<vmem>> -> memref<1x128xi32, #tpu.memory_space<vmem>>
      %dma_start3A_22 = tpu.memref_squeeze %dma_start3A_21 : memref<1x128xi32, #tpu.memory_space<vmem>> -> memref<128xi32, #tpu.memory_space<vmem>>
      %dma_start3A_23 = arith.constant 0 : i32
      %dma_start3A_24 = arith.constant 0 : i32
      %dma_start3A_25 = tpu.memref_slice %arg2[%dma_start3A_23, %dma_start3A_24] : memref<10000x128xf32, #tpu.memory_space<hbm>> -> memref<10000x128xf32, #tpu.memory_space<hbm>>
      tpu.enqueue_indirect_dma source(%dma_start3A_25 : memref<10000x128xf32, #tpu.memory_space<hbm>>) target(%arg12 : memref<128x128xf32, #tpu.memory_space<vmem>>) offsets(%dma_start3A_22 : memref<128xi32, #tpu.memory_space<vmem>>) semaphore(%arg15 : memref<!tpu.dma_semaphore, #tpu.memory_space<semaphore_mem>>)
      %scan3A = arith.constant 0 : i32
      %scan3A_26 = arith.constant 9 : i32
      %scan3A_27 = arith.addi %scan3A, %scan3A_26 : i32
      %scan3A_28 = arith.constant 1 : i32
      scf.for %scan3A_71 = %scan3A to %scan3A_27 step %scan3A_28  : i32 {
        %mul3A_72 = arith.constant 1 : i32
        %mul3A_73 = arith.muli %scan3A_71, %mul3A_72 : i32
        %add3A = arith.constant 0 : i32
        %add3A_74 = arith.addi %add3A, %mul3A_73 : i32
        %mul3A_75 = arith.constant 2 : i32
        %mul3A_76 = arith.muli %mul3A_75, %add3A_74 : i32
        %add3A_77 = arith.constant 1 : i32
        %add3A_78 = arith.addi %mul3A_76, %add3A_77 : i32
        %dma_wait3A_79 = arith.constant 0 : i32
        %dma_wait3A_80 = tpu.memref_slice %arg9[%mul3A_76, %dma_wait3A_79] : memref<40x128xi32, #tpu.memory_space<vmem>> -> memref<1x128xi32, #tpu.memory_space<vmem>>
        %dma_wait3A_81 = tpu.memref_squeeze %dma_wait3A_80 : memref<1x128xi32, #tpu.memory_space<vmem>> -> memref<128xi32, #tpu.memory_space<vmem>>
        %dma_wait3A_82 = arith.constant 0 : i32
        %dma_wait3A_83 = arith.constant 0 : i32
        %dma_wait3A_84 = tpu.memref_slice %arg2[%dma_wait3A_82, %dma_wait3A_83] : memref<10000x128xf32, #tpu.memory_space<hbm>> -> memref<10000x128xf32, #tpu.memory_space<hbm>>
        tpu.wait_indirect_dma semaphore(%arg14 : memref<!tpu.dma_semaphore, #tpu.memory_space<semaphore_mem>>) src(%dma_wait3A_84 : memref<10000x128xf32, #tpu.memory_space<hbm>>) dst(%arg11 : memref<128x128xf32, #tpu.memory_space<vmem>>)
        %dma_start3A_85 = arith.constant 0 : i32
        %dma_start3A_86 = tpu.memref_slice %arg10[%mul3A_76, %dma_start3A_85] : memref<40x128xi32, #tpu.memory_space<vmem>> -> memref<1x128xi32, #tpu.memory_space<vmem>>
        %dma_start3A_87 = tpu.memref_squeeze %dma_start3A_86 : memref<1x128xi32, #tpu.memory_space<vmem>> -> memref<128xi32, #tpu.memory_space<vmem>>
        %dma_start3A_88 = arith.constant 0 : i32
        %dma_start3A_89 = arith.constant 0 : i32
        %dma_start3A_90 = tpu.memref_slice %arg13[%dma_start3A_88, %dma_start3A_89] : memref<10240x128xf32, #tpu.memory_space<vmem_shared>> -> memref<10240x128xf32, #tpu.memory_space<vmem_shared>>
        tpu.enqueue_indirect_dma source(%arg11 : memref<128x128xf32, #tpu.memory_space<vmem>>) target(%dma_start3A_90 : memref<10240x128xf32, #tpu.memory_space<vmem_shared>>) offsets(%dma_start3A_87 : memref<128xi32, #tpu.memory_space<vmem>>) semaphore(%arg16 : memref<!tpu.dma_semaphore, #tpu.memory_space<semaphore_mem>>) {add = true}
        %dma_wait3A_91 = arith.constant 0 : i32
        %dma_wait3A_92 = tpu.memref_slice %arg9[%add3A_78, %dma_wait3A_91] : memref<40x128xi32, #tpu.memory_space<vmem>> -> memref<1x128xi32, #tpu.memory_space<vmem>>
        %dma_wait3A_93 = tpu.memref_squeeze %dma_wait3A_92 : memref<1x128xi32, #tpu.memory_space<vmem>> -> memref<128xi32, #tpu.memory_space<vmem>>
        %dma_wait3A_94 = arith.constant 0 : i32
        %dma_wait3A_95 = arith.constant 0 : i32
        %dma_wait3A_96 = tpu.memref_slice %arg2[%dma_wait3A_94, %dma_wait3A_95] : memref<10000x128xf32, #tpu.memory_space<hbm>> -> memref<10000x128xf32, #tpu.memory_space<hbm>>
        tpu.wait_indirect_dma semaphore(%arg15 : memref<!tpu.dma_semaphore, #tpu.memory_space<semaphore_mem>>) src(%dma_wait3A_96 : memref<10000x128xf32, #tpu.memory_space<hbm>>) dst(%arg12 : memref<128x128xf32, #tpu.memory_space<vmem>>)
        %dma_start3A_97 = arith.constant 0 : i32
        %dma_start3A_98 = tpu.memref_slice %arg10[%add3A_78, %dma_start3A_97] : memref<40x128xi32, #tpu.memory_space<vmem>> -> memref<1x128xi32, #tpu.memory_space<vmem>>
        %dma_start3A_99 = tpu.memref_squeeze %dma_start3A_98 : memref<1x128xi32, #tpu.memory_space<vmem>> -> memref<128xi32, #tpu.memory_space<vmem>>
        %dma_start3A_100 = arith.constant 0 : i32
        %dma_start3A_101 = arith.constant 0 : i32
        %dma_start3A_102 = tpu.memref_slice %arg13[%dma_start3A_100, %dma_start3A_101] : memref<10240x128xf32, #tpu.memory_space<vmem_shared>> -> memref<10240x128xf32, #tpu.memory_space<vmem_shared>>
        tpu.enqueue_indirect_dma source(%arg12 : memref<128x128xf32, #tpu.memory_space<vmem>>) target(%dma_start3A_102 : memref<10240x128xf32, #tpu.memory_space<vmem_shared>>) offsets(%dma_start3A_99 : memref<128xi32, #tpu.memory_space<vmem>>) semaphore(%arg17 : memref<!tpu.dma_semaphore, #tpu.memory_space<semaphore_mem>>) {add = true}
        %dma_wait3A_103 = arith.constant 0 : i32
        %dma_wait3A_104 = tpu.memref_slice %arg10[%mul3A_76, %dma_wait3A_103] : memref<40x128xi32, #tpu.memory_space<vmem>> -> memref<1x128xi32, #tpu.memory_space<vmem>>
        %dma_wait3A_105 = tpu.memref_squeeze %dma_wait3A_104 : memref<1x128xi32, #tpu.memory_space<vmem>> -> memref<128xi32, #tpu.memory_space<vmem>>
        %dma_wait3A_106 = arith.constant 0 : i32
        %dma_wait3A_107 = arith.constant 0 : i32
        %dma_wait3A_108 = tpu.memref_slice %arg13[%dma_wait3A_106, %dma_wait3A_107] : memref<10240x128xf32, #tpu.memory_space<vmem_shared>> -> memref<10240x128xf32, #tpu.memory_space<vmem_shared>>
        tpu.wait_indirect_dma semaphore(%arg16 : memref<!tpu.dma_semaphore, #tpu.memory_space<semaphore_mem>>) src(%arg11 : memref<128x128xf32, #tpu.memory_space<vmem>>) dst(%dma_wait3A_108 : memref<10240x128xf32, #tpu.memory_space<vmem_shared>>)
        %add3A_109 = arith.constant 2 : i32
        %add3A_110 = arith.addi %mul3A_76, %add3A_109 : i32
        %dma_start3A_111 = arith.constant 0 : i32
        %dma_start3A_112 = tpu.memref_slice %arg9[%add3A_110, %dma_start3A_111] : memref<40x128xi32, #tpu.memory_space<vmem>> -> memref<1x128xi32, #tpu.memory_space<vmem>>
        %dma_start3A_113 = tpu.memref_squeeze %dma_start3A_112 : memref<1x128xi32, #tpu.memory_space<vmem>> -> memref<128xi32, #tpu.memory_space<vmem>>
        %dma_start3A_114 = arith.constant 0 : i32
        %dma_start3A_115 = arith.constant 0 : i32
        %dma_start3A_116 = tpu.memref_slice %arg2[%dma_start3A_114, %dma_start3A_115] : memref<10000x128xf32, #tpu.memory_space<hbm>> -> memref<10000x128xf32, #tpu.memory_space<hbm>>
        tpu.enqueue_indirect_dma source(%dma_start3A_116 : memref<10000x128xf32, #tpu.memory_space<hbm>>) target(%arg11 : memref<128x128xf32, #tpu.memory_space<vmem>>) offsets(%dma_start3A_113 : memref<128xi32, #tpu.memory_space<vmem>>) semaphore(%arg14 : memref<!tpu.dma_semaphore, #tpu.memory_space<semaphore_mem>>)
        %dma_wait3A_117 = arith.constant 0 : i32
        %dma_wait3A_118 = tpu.memref_slice %arg10[%add3A_78, %dma_wait3A_117] : memref<40x128xi32, #tpu.memory_space<vmem>> -> memref<1x128xi32, #tpu.memory_space<vmem>>
        %dma_wait3A_119 = tpu.memref_squeeze %dma_wait3A_118 : memref<1x128xi32, #tpu.memory_space<vmem>> -> memref<128xi32, #tpu.memory_space<vmem>>
        %dma_wait3A_120 = arith.constant 0 : i32
        %dma_wait3A_121 = arith.constant 0 : i32
        %dma_wait3A_122 = tpu.memref_slice %arg13[%dma_wait3A_120, %dma_wait3A_121] : memref<10240x128xf32, #tpu.memory_space<vmem_shared>> -> memref<10240x128xf32, #tpu.memory_space<vmem_shared>>
        tpu.wait_indirect_dma semaphore(%arg17 : memref<!tpu.dma_semaphore, #tpu.memory_space<semaphore_mem>>) src(%arg12 : memref<128x128xf32, #tpu.memory_space<vmem>>) dst(%dma_wait3A_122 : memref<10240x128xf32, #tpu.memory_space<vmem_shared>>)
        %add3A_123 = arith.constant 2 : i32
        %add3A_124 = arith.addi %add3A_78, %add3A_123 : i32
        %dma_start3A_125 = arith.constant 0 : i32
        %dma_start3A_126 = tpu.memref_slice %arg9[%add3A_124, %dma_start3A_125] : memref<40x128xi32, #tpu.memory_space<vmem>> -> memref<1x128xi32, #tpu.memory_space<vmem>>
        %dma_start3A_127 = tpu.memref_squeeze %dma_start3A_126 : memref<1x128xi32, #tpu.memory_space<vmem>> -> memref<128xi32, #tpu.memory_space<vmem>>
        %dma_start3A_128 = arith.constant 0 : i32
        %dma_start3A_129 = arith.constant 0 : i32
        %dma_start3A_130 = tpu.memref_slice %arg2[%dma_start3A_128, %dma_start3A_129] : memref<10000x128xf32, #tpu.memory_space<hbm>> -> memref<10000x128xf32, #tpu.memory_space<hbm>>
        tpu.enqueue_indirect_dma source(%dma_start3A_130 : memref<10000x128xf32, #tpu.memory_space<hbm>>) target(%arg12 : memref<128x128xf32, #tpu.memory_space<vmem>>) offsets(%dma_start3A_127 : memref<128xi32, #tpu.memory_space<vmem>>) semaphore(%arg15 : memref<!tpu.dma_semaphore, #tpu.memory_space<semaphore_mem>>)
      }
      %scan3A_29 = arith.constant 9 : i32
      %dma_wait3A = arith.constant 18 : i32
      %dma_wait3A_30 = arith.constant 0 : i32
      %dma_wait3A_31 = tpu.memref_slice %arg9[%dma_wait3A, %dma_wait3A_30] : memref<40x128xi32, #tpu.memory_space<vmem>> -> memref<1x128xi32, #tpu.memory_space<vmem>>
      %dma_wait3A_32 = tpu.memref_squeeze %dma_wait3A_31 : memref<1x128xi32, #tpu.memory_space<vmem>> -> memref<128xi32, #tpu.memory_space<vmem>>
      %dma_wait3A_33 = arith.constant 0 : i32
      %dma_wait3A_34 = arith.constant 0 : i32
      %dma_wait3A_35 = tpu.memref_slice %arg2[%dma_wait3A_33, %dma_wait3A_34] : memref<10000x128xf32, #tpu.memory_space<hbm>> -> memref<10000x128xf32, #tpu.memory_space<hbm>>
      tpu.wait_indirect_dma semaphore(%arg14 : memref<!tpu.dma_semaphore, #tpu.memory_space<semaphore_mem>>) src(%dma_wait3A_35 : memref<10000x128xf32, #tpu.memory_space<hbm>>) dst(%arg11 : memref<128x128xf32, #tpu.memory_space<vmem>>)
      %dma_start3A_36 = arith.constant 18 : i32
      %dma_start3A_37 = arith.constant 0 : i32
      %dma_start3A_38 = tpu.memref_slice %arg10[%dma_start3A_36, %dma_start3A_37] : memref<40x128xi32, #tpu.memory_space<vmem>> -> memref<1x128xi32, #tpu.memory_space<vmem>>
      %dma_start3A_39 = tpu.memref_squeeze %dma_start3A_38 : memref<1x128xi32, #tpu.memory_space<vmem>> -> memref<128xi32, #tpu.memory_space<vmem>>
      %dma_start3A_40 = arith.constant 0 : i32
      %dma_start3A_41 = arith.constant 0 : i32
      %dma_start3A_42 = tpu.memref_slice %arg13[%dma_start3A_40, %dma_start3A_41] : memref<10240x128xf32, #tpu.memory_space<vmem_shared>> -> memref<10240x128xf32, #tpu.memory_space<vmem_shared>>
      tpu.enqueue_indirect_dma source(%arg11 : memref<128x128xf32, #tpu.memory_space<vmem>>) target(%dma_start3A_42 : memref<10240x128xf32, #tpu.memory_space<vmem_shared>>) offsets(%dma_start3A_39 : memref<128xi32, #tpu.memory_space<vmem>>) semaphore(%arg16 : memref<!tpu.dma_semaphore, #tpu.memory_space<semaphore_mem>>) {add = true}
      %dma_wait3A_43 = arith.constant 19 : i32
      %dma_wait3A_44 = arith.constant 0 : i32
      %dma_wait3A_45 = tpu.memref_slice %arg9[%dma_wait3A_43, %dma_wait3A_44] : memref<40x128xi32, #tpu.memory_space<vmem>> -> memref<1x128xi32, #tpu.memory_space<vmem>>
      %dma_wait3A_46 = tpu.memref_squeeze %dma_wait3A_45 : memref<1x128xi32, #tpu.memory_space<vmem>> -> memref<128xi32, #tpu.memory_space<vmem>>
      %dma_wait3A_47 = arith.constant 0 : i32
      %dma_wait3A_48 = arith.constant 0 : i32
      %dma_wait3A_49 = tpu.memref_slice %arg2[%dma_wait3A_47, %dma_wait3A_48] : memref<10000x128xf32, #tpu.memory_space<hbm>> -> memref<10000x128xf32, #tpu.memory_space<hbm>>
      tpu.wait_indirect_dma semaphore(%arg15 : memref<!tpu.dma_semaphore, #tpu.memory_space<semaphore_mem>>) src(%dma_wait3A_49 : memref<10000x128xf32, #tpu.memory_space<hbm>>) dst(%arg12 : memref<128x128xf32, #tpu.memory_space<vmem>>)
      %dma_start3A_50 = arith.constant 19 : i32
      %dma_start3A_51 = arith.constant 0 : i32
      %dma_start3A_52 = tpu.memref_slice %arg10[%dma_start3A_50, %dma_start3A_51] : memref<40x128xi32, #tpu.memory_space<vmem>> -> memref<1x128xi32, #tpu.memory_space<vmem>>
      %dma_start3A_53 = tpu.memref_squeeze %dma_start3A_52 : memref<1x128xi32, #tpu.memory_space<vmem>> -> memref<128xi32, #tpu.memory_space<vmem>>
      %dma_start3A_54 = arith.constant 0 : i32
      %dma_start3A_55 = arith.constant 0 : i32
      %dma_start3A_56 = tpu.memref_slice %arg13[%dma_start3A_54, %dma_start3A_55] : memref<10240x128xf32, #tpu.memory_space<vmem_shared>> -> memref<10240x128xf32, #tpu.memory_space<vmem_shared>>
      tpu.enqueue_indirect_dma source(%arg12 : memref<128x128xf32, #tpu.memory_space<vmem>>) target(%dma_start3A_56 : memref<10240x128xf32, #tpu.memory_space<vmem_shared>>) offsets(%dma_start3A_53 : memref<128xi32, #tpu.memory_space<vmem>>) semaphore(%arg17 : memref<!tpu.dma_semaphore, #tpu.memory_space<semaphore_mem>>) {add = true}
      %dma_wait3A_57 = arith.constant 18 : i32
      %dma_wait3A_58 = arith.constant 0 : i32
      %dma_wait3A_59 = tpu.memref_slice %arg10[%dma_wait3A_57, %dma_wait3A_58] : memref<40x128xi32, #tpu.memory_space<vmem>> -> memref<1x128xi32, #tpu.memory_space<vmem>>
      %dma_wait3A_60 = tpu.memref_squeeze %dma_wait3A_59 : memref<1x128xi32, #tpu.memory_space<vmem>> -> memref<128xi32, #tpu.memory_space<vmem>>
      %dma_wait3A_61 = arith.constant 0 : i32
      %dma_wait3A_62 = arith.constant 0 : i32
      %dma_wait3A_63 = tpu.memref_slice %arg13[%dma_wait3A_61, %dma_wait3A_62] : memref<10240x128xf32, #tpu.memory_space<vmem_shared>> -> memref<10240x128xf32, #tpu.memory_space<vmem_shared>>
      tpu.wait_indirect_dma semaphore(%arg16 : memref<!tpu.dma_semaphore, #tpu.memory_space<semaphore_mem>>) src(%arg11 : memref<128x128xf32, #tpu.memory_space<vmem>>) dst(%dma_wait3A_63 : memref<10240x128xf32, #tpu.memory_space<vmem_shared>>)
      %dma_wait3A_64 = arith.constant 19 : i32
      %dma_wait3A_65 = arith.constant 0 : i32
      %dma_wait3A_66 = tpu.memref_slice %arg10[%dma_wait3A_64, %dma_wait3A_65] : memref<40x128xi32, #tpu.memory_space<vmem>> -> memref<1x128xi32, #tpu.memory_space<vmem>>
      %dma_wait3A_67 = tpu.memref_squeeze %dma_wait3A_66 : memref<1x128xi32, #tpu.memory_space<vmem>> -> memref<128xi32, #tpu.memory_space<vmem>>
      %dma_wait3A_68 = arith.constant 0 : i32
      %dma_wait3A_69 = arith.constant 0 : i32
      %dma_wait3A_70 = tpu.memref_slice %arg13[%dma_wait3A_68, %dma_wait3A_69] : memref<10240x128xf32, #tpu.memory_space<vmem_shared>> -> memref<10240x128xf32, #tpu.memory_space<vmem_shared>>
      tpu.wait_indirect_dma semaphore(%arg17 : memref<!tpu.dma_semaphore, #tpu.memory_space<semaphore_mem>>) src(%arg12 : memref<128x128xf32, #tpu.memory_space<vmem>>) dst(%dma_wait3A_70 : memref<10240x128xf32, #tpu.memory_space<vmem_shared>>)
    } else {
    }
    %barrier3A_8 = arith.constant 0 : index
    tpu.barrier barrier_id(%barrier3A_8)
    %mul3A_9 = arith.constant 640 : i32
    %mul3A_10 = arith.muli %arg1, %mul3A_9 : i32
    %mul3A_11 = arith.constant 640 : i32
    %mul3A_12 = arith.muli %arg1, %mul3A_11 : i32
    "tpu.region"() ({
      %run_scoped3A = tpu.sem_alloc : memref<!tpu.dma_semaphore, #tpu.memory_space<semaphore_mem>>
      %dma_start3A = arith.constant 0 : i32
      %dma_start3A_13 = tpu.memref_slice %arg8[%arg0, %mul3A_12, %dma_start3A] : memref<2x10240x128xf32, #tpu.memory_space<hbm>> -> memref<1x640x128xf32, #tpu.memory_space<hbm>>
      %dma_start3A_14 = tpu.memref_squeeze %dma_start3A_13 : memref<1x640x128xf32, #tpu.memory_space<hbm>> -> memref<640x128xf32, #tpu.memory_space<hbm>>
      %dma_start3A_15 = arith.constant 0 : i32
      %dma_start3A_16 = tpu.memref_slice %arg13[%mul3A_10, %dma_start3A_15] : memref<10240x128xf32, #tpu.memory_space<vmem_shared>> -> memref<640x128xf32, #tpu.memory_space<vmem_shared>>
      tpu.enqueue_dma source(%dma_start3A_16 : memref<640x128xf32, #tpu.memory_space<vmem_shared>>) target(%dma_start3A_14 : memref<640x128xf32, #tpu.memory_space<hbm>>) target_semaphore(%run_scoped3A : memref<!tpu.dma_semaphore, #tpu.memory_space<semaphore_mem>>)
      %dma_wait3A = arith.constant 0 : i32
      %dma_wait3A_17 = tpu.memref_slice %arg8[%arg0, %mul3A_12, %dma_wait3A] : memref<2x10240x128xf32, #tpu.memory_space<hbm>> -> memref<1x640x128xf32, #tpu.memory_space<hbm>>
      %dma_wait3A_18 = tpu.memref_squeeze %dma_wait3A_17 : memref<1x640x128xf32, #tpu.memory_space<hbm>> -> memref<640x128xf32, #tpu.memory_space<hbm>>
      %dma_wait3A_19 = arith.constant 0 : i32
      %dma_wait3A_20 = tpu.memref_slice %arg13[%mul3A_10, %dma_wait3A_19] : memref<10240x128xf32, #tpu.memory_space<vmem_shared>> -> memref<640x128xf32, #tpu.memory_space<vmem_shared>>
      tpu.wait_dma2 semaphore(%run_scoped3A : memref<!tpu.dma_semaphore, #tpu.memory_space<semaphore_mem>>) src(%dma_wait3A_20 : memref<640x128xf32, #tpu.memory_space<vmem_shared>>) dst(%dma_wait3A_18 : memref<640x128xf32, #tpu.memory_space<hbm>>)
      tpu.yield
    }) : () -> ()
    return
  }
}

#map = affine_map<(d0, d1) -> (0, 0, 0)>
#map1 = affine_map<(d0, d1) -> (0, 0)>
module attributes {stable_mosaic.version = 14 : i64} {
  func.func @_sc_count_body(%arg0: i32, %arg1: i32, %arg2: memref<32x80x128xi32, #tpu.memory_space<hbm>>, %arg3: memref<640x128xf32, #tpu.memory_space<hbm>>, %arg4: memref<128x128xf32, #tpu.memory_space<hbm>>, %arg5: memref<2x10240x128xf32, #tpu.memory_space<hbm>>, %arg6: memref<80x128xi32, #tpu.memory_space<vmem>>, %arg7: memref<128x128xf32, #tpu.memory_space<vmem>>, %arg8: memref<10240x128xf32, #tpu.memory_space<vmem_shared>>) attributes {dimension_semantics = [#tpu.dimension_semantics<core_parallel>, #tpu.dimension_semantics<subcore_parallel>], iteration_bounds = array<i64: 2, 16>, scalar_prefetch = 0 : i64, scratch_operands = 3 : i64, tpu.core_type = #tpu.core_type<sc_vector_subcore>, window_params = [{transform_indices = #map}, {transform_indices = #map1}, {transform_indices = #map1}, {transform_indices = #map}]} {
    %mul3A = arith.constant 2 : i32
    %mul3A_0 = arith.muli %arg1, %mul3A : i32
    %add3A = arith.addi %mul3A_0, %arg0 : i32
    "tpu.region"() ({
      %run_scoped3A = tpu.sem_alloc : memref<!tpu.dma_semaphore, #tpu.memory_space<semaphore_mem>>
      %dma_start3A = arith.constant 0 : i32
      %dma_start3A_12 = arith.constant 0 : i32
      %dma_start3A_13 = tpu.memref_slice %arg2[%add3A, %dma_start3A, %dma_start3A_12] : memref<32x80x128xi32, #tpu.memory_space<hbm>> -> memref<1x80x128xi32, #tpu.memory_space<hbm>>
      %dma_start3A_14 = tpu.memref_squeeze %dma_start3A_13 : memref<1x80x128xi32, #tpu.memory_space<hbm>> -> memref<80x128xi32, #tpu.memory_space<hbm>>
      %dma_start3A_15 = arith.constant 0 : i32
      %dma_start3A_16 = arith.constant 0 : i32
      %dma_start3A_17 = tpu.memref_slice %arg2[%add3A, %dma_start3A_15, %dma_start3A_16] : memref<32x80x128xi32, #tpu.memory_space<hbm>> -> memref<1x80x128xi32, #tpu.memory_space<hbm>>
      %dma_start3A_18 = tpu.memref_squeeze %dma_start3A_17 : memref<1x80x128xi32, #tpu.memory_space<hbm>> -> memref<80x128xi32, #tpu.memory_space<hbm>>
      tpu.enqueue_dma source(%dma_start3A_18 : memref<80x128xi32, #tpu.memory_space<hbm>>) target(%arg6 : memref<80x128xi32, #tpu.memory_space<vmem>>) target_semaphore(%run_scoped3A : memref<!tpu.dma_semaphore, #tpu.memory_space<semaphore_mem>>)
      %dma_wait3A = arith.constant 0 : i32
      %dma_wait3A_19 = arith.constant 0 : i32
      %dma_wait3A_20 = tpu.memref_slice %arg2[%add3A, %dma_wait3A, %dma_wait3A_19] : memref<32x80x128xi32, #tpu.memory_space<hbm>> -> memref<1x80x128xi32, #tpu.memory_space<hbm>>
      %dma_wait3A_21 = tpu.memref_squeeze %dma_wait3A_20 : memref<1x80x128xi32, #tpu.memory_space<hbm>> -> memref<80x128xi32, #tpu.memory_space<hbm>>
      %dma_wait3A_22 = arith.constant 0 : i32
      %dma_wait3A_23 = arith.constant 0 : i32
      %dma_wait3A_24 = tpu.memref_slice %arg2[%add3A, %dma_wait3A_22, %dma_wait3A_23] : memref<32x80x128xi32, #tpu.memory_space<hbm>> -> memref<1x80x128xi32, #tpu.memory_space<hbm>>
      %dma_wait3A_25 = tpu.memref_squeeze %dma_wait3A_24 : memref<1x80x128xi32, #tpu.memory_space<hbm>> -> memref<80x128xi32, #tpu.memory_space<hbm>>
      tpu.wait_dma2 semaphore(%run_scoped3A : memref<!tpu.dma_semaphore, #tpu.memory_space<semaphore_mem>>) src(%dma_wait3A_25 : memref<80x128xi32, #tpu.memory_space<hbm>>) dst(%arg6 : memref<80x128xi32, #tpu.memory_space<vmem>>)
      tpu.yield
    }) : () -> ()
    "tpu.region"() ({
      %run_scoped3A = tpu.sem_alloc : memref<!tpu.dma_semaphore, #tpu.memory_space<semaphore_mem>>
      tpu.enqueue_dma source(%arg4 : memref<128x128xf32, #tpu.memory_space<hbm>>) target(%arg7 : memref<128x128xf32, #tpu.memory_space<vmem>>) target_semaphore(%run_scoped3A : memref<!tpu.dma_semaphore, #tpu.memory_space<semaphore_mem>>)
      tpu.wait_dma2 semaphore(%run_scoped3A : memref<!tpu.dma_semaphore, #tpu.memory_space<semaphore_mem>>) src(%arg4 : memref<128x128xf32, #tpu.memory_space<hbm>>) dst(%arg7 : memref<128x128xf32, #tpu.memory_space<vmem>>)
      tpu.yield
    }) : () -> ()
    %mul3A_1 = arith.constant 640 : i32
    %mul3A_2 = arith.muli %arg1, %mul3A_1 : i32
    "tpu.region"() ({
      %run_scoped3A = tpu.sem_alloc : memref<!tpu.dma_semaphore, #tpu.memory_space<semaphore_mem>>
      %dma_start3A = arith.constant 0 : i32
      %dma_start3A_12 = tpu.memref_slice %arg8[%mul3A_2, %dma_start3A] : memref<10240x128xf32, #tpu.memory_space<vmem_shared>> -> memref<640x128xf32, #tpu.memory_space<vmem_shared>>
      tpu.enqueue_dma source(%arg3 : memref<640x128xf32, #tpu.memory_space<hbm>>) target(%dma_start3A_12 : memref<640x128xf32, #tpu.memory_space<vmem_shared>>) target_semaphore(%run_scoped3A : memref<!tpu.dma_semaphore, #tpu.memory_space<semaphore_mem>>)
      %dma_wait3A = arith.constant 0 : i32
      %dma_wait3A_13 = tpu.memref_slice %arg8[%mul3A_2, %dma_wait3A] : memref<10240x128xf32, #tpu.memory_space<vmem_shared>> -> memref<640x128xf32, #tpu.memory_space<vmem_shared>>
      tpu.wait_dma2 semaphore(%run_scoped3A : memref<!tpu.dma_semaphore, #tpu.memory_space<semaphore_mem>>) src(%arg3 : memref<640x128xf32, #tpu.memory_space<hbm>>) dst(%dma_wait3A_13 : memref<640x128xf32, #tpu.memory_space<vmem_shared>>)
      tpu.yield
    }) : () -> ()
    %barrier3A = arith.constant 0 : index
    tpu.barrier barrier_id(%barrier3A)
    %scan3A = arith.constant 0 : i32
    %scan3A_3 = arith.constant 80 : i32
    %scan3A_4 = arith.addi %scan3A, %scan3A_3 : i32
    %scan3A_5 = arith.constant 1 : i32
    scf.for %scan3A_12 = %scan3A to %scan3A_4 step %scan3A_5  : i32 {
      %mul3A_13 = arith.constant 1 : i32
      %mul3A_14 = arith.muli %scan3A_12, %mul3A_13 : i32
      %add3A_15 = arith.constant 0 : i32
      %add3A_16 = arith.addi %add3A_15, %mul3A_14 : i32
      "tpu.region"() ({
        %run_scoped3A = tpu.sem_alloc : memref<!tpu.dma_semaphore, #tpu.memory_space<semaphore_mem>>
        %dma_start3A = arith.constant 0 : i32
        %dma_start3A_17 = tpu.memref_slice %arg6[%add3A_16, %dma_start3A] : memref<80x128xi32, #tpu.memory_space<vmem>> -> memref<1x128xi32, #tpu.memory_space<vmem>>
        %dma_start3A_18 = tpu.memref_squeeze %dma_start3A_17 : memref<1x128xi32, #tpu.memory_space<vmem>> -> memref<128xi32, #tpu.memory_space<vmem>>
        %dma_start3A_19 = arith.constant 0 : i32
        %dma_start3A_20 = arith.constant 0 : i32
        %dma_start3A_21 = tpu.memref_slice %arg8[%dma_start3A_19, %dma_start3A_20] : memref<10240x128xf32, #tpu.memory_space<vmem_shared>> -> memref<10240x128xf32, #tpu.memory_space<vmem_shared>>
        tpu.enqueue_indirect_dma source(%arg7 : memref<128x128xf32, #tpu.memory_space<vmem>>) target(%dma_start3A_21 : memref<10240x128xf32, #tpu.memory_space<vmem_shared>>) offsets(%dma_start3A_18 : memref<128xi32, #tpu.memory_space<vmem>>) semaphore(%run_scoped3A : memref<!tpu.dma_semaphore, #tpu.memory_space<semaphore_mem>>) {add = true}
        %dma_wait3A = arith.constant 0 : i32
        %dma_wait3A_22 = tpu.memref_slice %arg6[%add3A_16, %dma_wait3A] : memref<80x128xi32, #tpu.memory_space<vmem>> -> memref<1x128xi32, #tpu.memory_space<vmem>>
        %dma_wait3A_23 = tpu.memref_squeeze %dma_wait3A_22 : memref<1x128xi32, #tpu.memory_space<vmem>> -> memref<128xi32, #tpu.memory_space<vmem>>
        %dma_wait3A_24 = arith.constant 0 : i32
        %dma_wait3A_25 = arith.constant 0 : i32
        %dma_wait3A_26 = tpu.memref_slice %arg8[%dma_wait3A_24, %dma_wait3A_25] : memref<10240x128xf32, #tpu.memory_space<vmem_shared>> -> memref<10240x128xf32, #tpu.memory_space<vmem_shared>>
        tpu.wait_indirect_dma semaphore(%run_scoped3A : memref<!tpu.dma_semaphore, #tpu.memory_space<semaphore_mem>>) src(%arg7 : memref<128x128xf32, #tpu.memory_space<vmem>>) dst(%dma_wait3A_26 : memref<10240x128xf32, #tpu.memory_space<vmem_shared>>)
        tpu.yield
      }) : () -> ()
    }
    %scan3A_6 = arith.constant 80 : i32
    %barrier3A_7 = arith.constant 0 : index
    tpu.barrier barrier_id(%barrier3A_7)
    %mul3A_8 = arith.constant 640 : i32
    %mul3A_9 = arith.muli %arg1, %mul3A_8 : i32
    %mul3A_10 = arith.constant 640 : i32
    %mul3A_11 = arith.muli %arg1, %mul3A_10 : i32
    "tpu.region"() ({
      %run_scoped3A = tpu.sem_alloc : memref<!tpu.dma_semaphore, #tpu.memory_space<semaphore_mem>>
      %dma_start3A = arith.constant 0 : i32
      %dma_start3A_12 = tpu.memref_slice %arg5[%arg0, %mul3A_11, %dma_start3A] : memref<2x10240x128xf32, #tpu.memory_space<hbm>> -> memref<1x640x128xf32, #tpu.memory_space<hbm>>
      %dma_start3A_13 = tpu.memref_squeeze %dma_start3A_12 : memref<1x640x128xf32, #tpu.memory_space<hbm>> -> memref<640x128xf32, #tpu.memory_space<hbm>>
      %dma_start3A_14 = arith.constant 0 : i32
      %dma_start3A_15 = tpu.memref_slice %arg8[%mul3A_9, %dma_start3A_14] : memref<10240x128xf32, #tpu.memory_space<vmem_shared>> -> memref<640x128xf32, #tpu.memory_space<vmem_shared>>
      tpu.enqueue_dma source(%dma_start3A_15 : memref<640x128xf32, #tpu.memory_space<vmem_shared>>) target(%dma_start3A_13 : memref<640x128xf32, #tpu.memory_space<hbm>>) target_semaphore(%run_scoped3A : memref<!tpu.dma_semaphore, #tpu.memory_space<semaphore_mem>>)
      %dma_wait3A = arith.constant 0 : i32
      %dma_wait3A_16 = tpu.memref_slice %arg5[%arg0, %mul3A_11, %dma_wait3A] : memref<2x10240x128xf32, #tpu.memory_space<hbm>> -> memref<1x640x128xf32, #tpu.memory_space<hbm>>
      %dma_wait3A_17 = tpu.memref_squeeze %dma_wait3A_16 : memref<1x640x128xf32, #tpu.memory_space<hbm>> -> memref<640x128xf32, #tpu.memory_space<hbm>>
      %dma_wait3A_18 = arith.constant 0 : i32
      %dma_wait3A_19 = tpu.memref_slice %arg8[%mul3A_9, %dma_wait3A_18] : memref<10240x128xf32, #tpu.memory_space<vmem_shared>> -> memref<640x128xf32, #tpu.memory_space<vmem_shared>>
      tpu.wait_dma2 semaphore(%run_scoped3A : memref<!tpu.dma_semaphore, #tpu.memory_space<semaphore_mem>>) src(%dma_wait3A_19 : memref<640x128xf32, #tpu.memory_space<vmem_shared>>) dst(%dma_wait3A_17 : memref<640x128xf32, #tpu.memory_space<hbm>>)
      tpu.yield
    }) : () -> ()
    return
  }
}

#map = affine_map<(d0, d1) -> (0, 0)>
#map1 = affine_map<(d0, d1) -> (0, 0, 0)>
module attributes {stable_mosaic.version = 14 : i64} {
  func.func @_sc_segsum_body(%arg0: i32, %arg1: i32, %arg2: memref<10000x128xf32, #tpu.memory_space<hbm>>, %arg3: memref<16x140x128xi32, #tpu.memory_space<hbm>>, %arg4: memref<16x140x128xi32, #tpu.memory_space<hbm>>, %arg5: memref<16x20x128xi32, #tpu.memory_space<hbm>>, %arg6: memref<16x20x128xi32, #tpu.memory_space<hbm>>, %arg7: memref<640x128xf32, #tpu.memory_space<hbm>>, %arg8: memref<2x10240x128xf32, #tpu.memory_space<hbm>>, %arg9: memref<40x128xi32, #tpu.memory_space<vmem>>, %arg10: memref<40x128xi32, #tpu.memory_space<vmem>>, %arg11: memref<128x128xf32, #tpu.memory_space<vmem>>, %arg12: memref<128x128xf32, #tpu.memory_space<vmem>>, %arg13: memref<10240x128xf32, #tpu.memory_space<vmem_shared>>, %arg14: memref<!tpu.dma_semaphore, #tpu.memory_space<semaphore_mem>>, %arg15: memref<!tpu.dma_semaphore, #tpu.memory_space<semaphore_mem>>, %arg16: memref<!tpu.dma_semaphore, #tpu.memory_space<semaphore_mem>>, %arg17: memref<!tpu.dma_semaphore, #tpu.memory_space<semaphore_mem>>) attributes {dimension_semantics = [#tpu.dimension_semantics<core_parallel>, #tpu.dimension_semantics<subcore_parallel>], iteration_bounds = array<i64: 2, 16>, scalar_prefetch = 0 : i64, scratch_operands = 9 : i64, tpu.core_type = #tpu.core_type<sc_vector_subcore>, window_params = [{transform_indices = #map}, {transform_indices = #map1}, {transform_indices = #map1}, {transform_indices = #map1}, {transform_indices = #map1}, {transform_indices = #map}, {transform_indices = #map1}]} {
    %mul3A = arith.constant 640 : i32
    %mul3A_0 = arith.muli %arg1, %mul3A : i32
    "tpu.region"() ({
      %run_scoped3A = tpu.sem_alloc : memref<!tpu.dma_semaphore, #tpu.memory_space<semaphore_mem>>
      %dma_start3A = arith.constant 0 : i32
      %dma_start3A_13 = tpu.memref_slice %arg13[%mul3A_0, %dma_start3A] : memref<10240x128xf32, #tpu.memory_space<vmem_shared>> -> memref<640x128xf32, #tpu.memory_space<vmem_shared>>
      tpu.enqueue_dma source(%arg7 : memref<640x128xf32, #tpu.memory_space<hbm>>) target(%dma_start3A_13 : memref<640x128xf32, #tpu.memory_space<vmem_shared>>) target_semaphore(%run_scoped3A : memref<!tpu.dma_semaphore, #tpu.memory_space<semaphore_mem>>)
      %dma_wait3A = arith.constant 0 : i32
      %dma_wait3A_14 = tpu.memref_slice %arg13[%mul3A_0, %dma_wait3A] : memref<10240x128xf32, #tpu.memory_space<vmem_shared>> -> memref<640x128xf32, #tpu.memory_space<vmem_shared>>
      tpu.wait_dma2 semaphore(%run_scoped3A : memref<!tpu.dma_semaphore, #tpu.memory_space<semaphore_mem>>) src(%arg7 : memref<640x128xf32, #tpu.memory_space<hbm>>) dst(%dma_wait3A_14 : memref<640x128xf32, #tpu.memory_space<vmem_shared>>)
      tpu.yield
    }) : () -> ()
    %barrier3A = arith.constant 0 : index
    tpu.barrier barrier_id(%barrier3A)
    %eq3A = arith.constant 0 : i32
    %eq3A_1 = arith.cmpi eq, %arg0, %eq3A : i32
    %convert_element_type3A = arith.extui %eq3A_1 : i1 to i32
    %cond3A = arith.constant 0 : i32
    %cond3A_2 = arith.cmpi ne, %convert_element_type3A, %cond3A : i32
    scf.if %cond3A_2 {
      "tpu.region"() ({
        %run_scoped3A = tpu.sem_alloc : memref<!tpu.dma_semaphore, #tpu.memory_space<semaphore_mem>>
        %dma_start3A_254 = arith.constant 0 : i32
        %dma_start3A_255 = arith.constant 0 : i32
        %dma_start3A_256 = tpu.memref_slice %arg9[%dma_start3A_254, %dma_start3A_255] : memref<40x128xi32, #tpu.memory_space<vmem>> -> memref<40x128xi32, #tpu.memory_space<vmem>>
        %dma_start3A_257 = arith.constant 0 : i32
        %dma_start3A_258 = arith.constant 0 : i32
        %dma_start3A_259 = tpu.memref_slice %arg3[%arg1, %dma_start3A_257, %dma_start3A_258] : memref<16x140x128xi32, #tpu.memory_space<hbm>> -> memref<1x40x128xi32, #tpu.memory_space<hbm>>
        %dma_start3A_260 = tpu.memref_squeeze %dma_start3A_259 : memref<1x40x128xi32, #tpu.memory_space<hbm>> -> memref<40x128xi32, #tpu.memory_space<hbm>>
        %dma_start3A_261 = arith.constant 0 : i32
        %dma_start3A_262 = arith.constant 0 : i32
        %dma_start3A_263 = tpu.memref_slice %arg9[%dma_start3A_261, %dma_start3A_262] : memref<40x128xi32, #tpu.memory_space<vmem>> -> memref<40x128xi32, #tpu.memory_space<vmem>>
        %dma_start3A_264 = arith.constant 0 : i32
        %dma_start3A_265 = arith.constant 0 : i32
        %dma_start3A_266 = tpu.memref_slice %arg3[%arg1, %dma_start3A_264, %dma_start3A_265] : memref<16x140x128xi32, #tpu.memory_space<hbm>> -> memref<1x40x128xi32, #tpu.memory_space<hbm>>
        %dma_start3A_267 = tpu.memref_squeeze %dma_start3A_266 : memref<1x40x128xi32, #tpu.memory_space<hbm>> -> memref<40x128xi32, #tpu.memory_space<hbm>>
        tpu.enqueue_dma source(%dma_start3A_267 : memref<40x128xi32, #tpu.memory_space<hbm>>) target(%dma_start3A_263 : memref<40x128xi32, #tpu.memory_space<vmem>>) target_semaphore(%run_scoped3A : memref<!tpu.dma_semaphore, #tpu.memory_space<semaphore_mem>>)
        %dma_wait3A_268 = arith.constant 0 : i32
        %dma_wait3A_269 = arith.constant 0 : i32
        %dma_wait3A_270 = tpu.memref_slice %arg9[%dma_wait3A_268, %dma_wait3A_269] : memref<40x128xi32, #tpu.memory_space<vmem>> -> memref<40x128xi32, #tpu.memory_space<vmem>>
        %dma_wait3A_271 = arith.constant 0 : i32
        %dma_wait3A_272 = arith.constant 0 : i32
        %dma_wait3A_273 = tpu.memref_slice %arg3[%arg1, %dma_wait3A_271, %dma_wait3A_272] : memref<16x140x128xi32, #tpu.memory_space<hbm>> -> memref<1x40x128xi32, #tpu.memory_space<hbm>>
        %dma_wait3A_274 = tpu.memref_squeeze %dma_wait3A_273 : memref<1x40x128xi32, #tpu.memory_space<hbm>> -> memref<40x128xi32, #tpu.memory_space<hbm>>
        %dma_wait3A_275 = arith.constant 0 : i32
        %dma_wait3A_276 = arith.constant 0 : i32
        %dma_wait3A_277 = tpu.memref_slice %arg9[%dma_wait3A_275, %dma_wait3A_276] : memref<40x128xi32, #tpu.memory_space<vmem>> -> memref<40x128xi32, #tpu.memory_space<vmem>>
        %dma_wait3A_278 = arith.constant 0 : i32
        %dma_wait3A_279 = arith.constant 0 : i32
        %dma_wait3A_280 = tpu.memref_slice %arg3[%arg1, %dma_wait3A_278, %dma_wait3A_279] : memref<16x140x128xi32, #tpu.memory_space<hbm>> -> memref<1x40x128xi32, #tpu.memory_space<hbm>>
        %dma_wait3A_281 = tpu.memref_squeeze %dma_wait3A_280 : memref<1x40x128xi32, #tpu.memory_space<hbm>> -> memref<40x128xi32, #tpu.memory_space<hbm>>
        tpu.wait_dma2 semaphore(%run_scoped3A : memref<!tpu.dma_semaphore, #tpu.memory_space<semaphore_mem>>) src(%dma_wait3A_281 : memref<40x128xi32, #tpu.memory_space<hbm>>) dst(%dma_wait3A_277 : memref<40x128xi32, #tpu.memory_space<vmem>>)
        tpu.yield
      }) : () -> ()
      "tpu.region"() ({
        %run_scoped3A = tpu.sem_alloc : memref<!tpu.dma_semaphore, #tpu.memory_space<semaphore_mem>>
        %dma_start3A_254 = arith.constant 0 : i32
        %dma_start3A_255 = arith.constant 0 : i32
        %dma_start3A_256 = tpu.memref_slice %arg10[%dma_start3A_254, %dma_start3A_255] : memref<40x128xi32, #tpu.memory_space<vmem>> -> memref<40x128xi32, #tpu.memory_space<vmem>>
        %dma_start3A_257 = arith.constant 0 : i32
        %dma_start3A_258 = arith.constant 0 : i32
        %dma_start3A_259 = tpu.memref_slice %arg4[%arg1, %dma_start3A_257, %dma_start3A_258] : memref<16x140x128xi32, #tpu.memory_space<hbm>> -> memref<1x40x128xi32, #tpu.memory_space<hbm>>
        %dma_start3A_260 = tpu.memref_squeeze %dma_start3A_259 : memref<1x40x128xi32, #tpu.memory_space<hbm>> -> memref<40x128xi32, #tpu.memory_space<hbm>>
        %dma_start3A_261 = arith.constant 0 : i32
        %dma_start3A_262 = arith.constant 0 : i32
        %dma_start3A_263 = tpu.memref_slice %arg10[%dma_start3A_261, %dma_start3A_262] : memref<40x128xi32, #tpu.memory_space<vmem>> -> memref<40x128xi32, #tpu.memory_space<vmem>>
        %dma_start3A_264 = arith.constant 0 : i32
        %dma_start3A_265 = arith.constant 0 : i32
        %dma_start3A_266 = tpu.memref_slice %arg4[%arg1, %dma_start3A_264, %dma_start3A_265] : memref<16x140x128xi32, #tpu.memory_space<hbm>> -> memref<1x40x128xi32, #tpu.memory_space<hbm>>
        %dma_start3A_267 = tpu.memref_squeeze %dma_start3A_266 : memref<1x40x128xi32, #tpu.memory_space<hbm>> -> memref<40x128xi32, #tpu.memory_space<hbm>>
        tpu.enqueue_dma source(%dma_start3A_267 : memref<40x128xi32, #tpu.memory_space<hbm>>) target(%dma_start3A_263 : memref<40x128xi32, #tpu.memory_space<vmem>>) target_semaphore(%run_scoped3A : memref<!tpu.dma_semaphore, #tpu.memory_space<semaphore_mem>>)
        %dma_wait3A_268 = arith.constant 0 : i32
        %dma_wait3A_269 = arith.constant 0 : i32
        %dma_wait3A_270 = tpu.memref_slice %arg10[%dma_wait3A_268, %dma_wait3A_269] : memref<40x128xi32, #tpu.memory_space<vmem>> -> memref<40x128xi32, #tpu.memory_space<vmem>>
        %dma_wait3A_271 = arith.constant 0 : i32
        %dma_wait3A_272 = arith.constant 0 : i32
        %dma_wait3A_273 = tpu.memref_slice %arg4[%arg1, %dma_wait3A_271, %dma_wait3A_272] : memref<16x140x128xi32, #tpu.memory_space<hbm>> -> memref<1x40x128xi32, #tpu.memory_space<hbm>>
        %dma_wait3A_274 = tpu.memref_squeeze %dma_wait3A_273 : memref<1x40x128xi32, #tpu.memory_space<hbm>> -> memref<40x128xi32, #tpu.memory_space<hbm>>
        %dma_wait3A_275 = arith.constant 0 : i32
        %dma_wait3A_276 = arith.constant 0 : i32
        %dma_wait3A_277 = tpu.memref_slice %arg10[%dma_wait3A_275, %dma_wait3A_276] : memref<40x128xi32, #tpu.memory_space<vmem>> -> memref<40x128xi32, #tpu.memory_space<vmem>>
        %dma_wait3A_278 = arith.constant 0 : i32
        %dma_wait3A_279 = arith.constant 0 : i32
        %dma_wait3A_280 = tpu.memref_slice %arg4[%arg1, %dma_wait3A_278, %dma_wait3A_279] : memref<16x140x128xi32, #tpu.memory_space<hbm>> -> memref<1x40x128xi32, #tpu.memory_space<hbm>>
        %dma_wait3A_281 = tpu.memref_squeeze %dma_wait3A_280 : memref<1x40x128xi32, #tpu.memory_space<hbm>> -> memref<40x128xi32, #tpu.memory_space<hbm>>
        tpu.wait_dma2 semaphore(%run_scoped3A : memref<!tpu.dma_semaphore, #tpu.memory_space<semaphore_mem>>) src(%dma_wait3A_281 : memref<40x128xi32, #tpu.memory_space<hbm>>) dst(%dma_wait3A_277 : memref<40x128xi32, #tpu.memory_space<vmem>>)
        tpu.yield
      }) : () -> ()
      %dma_start3A = arith.constant 0 : i32
      %dma_start3A_13 = arith.constant 0 : i32
      %dma_start3A_14 = tpu.memref_slice %arg9[%dma_start3A, %dma_start3A_13] : memref<40x128xi32, #tpu.memory_space<vmem>> -> memref<1x128xi32, #tpu.memory_space<vmem>>
      %dma_start3A_15 = tpu.memref_squeeze %dma_start3A_14 : memref<1x128xi32, #tpu.memory_space<vmem>> -> memref<128xi32, #tpu.memory_space<vmem>>
      %dma_start3A_16 = arith.constant 0 : i32
      %dma_start3A_17 = arith.constant 0 : i32
      %dma_start3A_18 = tpu.memref_slice %arg2[%dma_start3A_16, %dma_start3A_17] : memref<10000x128xf32, #tpu.memory_space<hbm>> -> memref<10000x128xf32, #tpu.memory_space<hbm>>
      tpu.enqueue_indirect_dma source(%dma_start3A_18 : memref<10000x128xf32, #tpu.memory_space<hbm>>) target(%arg11 : memref<128x128xf32, #tpu.memory_space<vmem>>) offsets(%dma_start3A_15 : memref<128xi32, #tpu.memory_space<vmem>>) semaphore(%arg14 : memref<!tpu.dma_semaphore, #tpu.memory_space<semaphore_mem>>)
      %dma_start3A_19 = arith.constant 1 : i32
      %dma_start3A_20 = arith.constant 0 : i32
      %dma_start3A_21 = tpu.memref_slice %arg9[%dma_start3A_19, %dma_start3A_20] : memref<40x128xi32, #tpu.memory_space<vmem>> -> memref<1x128xi32, #tpu.memory_space<vmem>>
      %dma_start3A_22 = tpu.memref_squeeze %dma_start3A_21 : memref<1x128xi32, #tpu.memory_space<vmem>> -> memref<128xi32, #tpu.memory_space<vmem>>
      %dma_start3A_23 = arith.constant 0 : i32
      %dma_start3A_24 = arith.constant 0 : i32
      %dma_start3A_25 = tpu.memref_slice %arg2[%dma_start3A_23, %dma_start3A_24] : memref<10000x128xf32, #tpu.memory_space<hbm>> -> memref<10000x128xf32, #tpu.memory_space<hbm>>
      tpu.enqueue_indirect_dma source(%dma_start3A_25 : memref<10000x128xf32, #tpu.memory_space<hbm>>) target(%arg12 : memref<128x128xf32, #tpu.memory_space<vmem>>) offsets(%dma_start3A_22 : memref<128xi32, #tpu.memory_space<vmem>>) semaphore(%arg15 : memref<!tpu.dma_semaphore, #tpu.memory_space<semaphore_mem>>)
      %scan3A = arith.constant 0 : i32
      %scan3A_26 = arith.constant 19 : i32
      %scan3A_27 = arith.addi %scan3A, %scan3A_26 : i32
      %scan3A_28 = arith.constant 1 : i32
      scf.for %scan3A_254 = %scan3A to %scan3A_27 step %scan3A_28  : i32 {
        %mul3A_255 = arith.constant 1 : i32
        %mul3A_256 = arith.muli %scan3A_254, %mul3A_255 : i32
        %add3A = arith.constant 0 : i32
        %add3A_257 = arith.addi %add3A, %mul3A_256 : i32
        %mul3A_258 = arith.constant 2 : i32
        %mul3A_259 = arith.muli %mul3A_258, %add3A_257 : i32
        %add3A_260 = arith.constant 1 : i32
        %add3A_261 = arith.addi %mul3A_259, %add3A_260 : i32
        %dma_wait3A_262 = arith.constant 0 : i32
        %dma_wait3A_263 = tpu.memref_slice %arg9[%mul3A_259, %dma_wait3A_262] : memref<40x128xi32, #tpu.memory_space<vmem>> -> memref<1x128xi32, #tpu.memory_space<vmem>>
        %dma_wait3A_264 = tpu.memref_squeeze %dma_wait3A_263 : memref<1x128xi32, #tpu.memory_space<vmem>> -> memref<128xi32, #tpu.memory_space<vmem>>
        %dma_wait3A_265 = arith.constant 0 : i32
        %dma_wait3A_266 = arith.constant 0 : i32
        %dma_wait3A_267 = tpu.memref_slice %arg2[%dma_wait3A_265, %dma_wait3A_266] : memref<10000x128xf32, #tpu.memory_space<hbm>> -> memref<10000x128xf32, #tpu.memory_space<hbm>>
        tpu.wait_indirect_dma semaphore(%arg14 : memref<!tpu.dma_semaphore, #tpu.memory_space<semaphore_mem>>) src(%dma_wait3A_267 : memref<10000x128xf32, #tpu.memory_space<hbm>>) dst(%arg11 : memref<128x128xf32, #tpu.memory_space<vmem>>)
        %dma_start3A_268 = arith.constant 0 : i32
        %dma_start3A_269 = tpu.memref_slice %arg10[%mul3A_259, %dma_start3A_268] : memref<40x128xi32, #tpu.memory_space<vmem>> -> memref<1x128xi32, #tpu.memory_space<vmem>>
        %dma_start3A_270 = tpu.memref_squeeze %dma_start3A_269 : memref<1x128xi32, #tpu.memory_space<vmem>> -> memref<128xi32, #tpu.memory_space<vmem>>
        %dma_start3A_271 = arith.constant 0 : i32
        %dma_start3A_272 = arith.constant 0 : i32
        %dma_start3A_273 = tpu.memref_slice %arg13[%dma_start3A_271, %dma_start3A_272] : memref<10240x128xf32, #tpu.memory_space<vmem_shared>> -> memref<10240x128xf32, #tpu.memory_space<vmem_shared>>
        tpu.enqueue_indirect_dma source(%arg11 : memref<128x128xf32, #tpu.memory_space<vmem>>) target(%dma_start3A_273 : memref<10240x128xf32, #tpu.memory_space<vmem_shared>>) offsets(%dma_start3A_270 : memref<128xi32, #tpu.memory_space<vmem>>) semaphore(%arg16 : memref<!tpu.dma_semaphore, #tpu.memory_space<semaphore_mem>>) {add = true}
        %dma_wait3A_274 = arith.constant 0 : i32
        %dma_wait3A_275 = tpu.memref_slice %arg9[%add3A_261, %dma_wait3A_274] : memref<40x128xi32, #tpu.memory_space<vmem>> -> memref<1x128xi32, #tpu.memory_space<vmem>>
        %dma_wait3A_276 = tpu.memref_squeeze %dma_wait3A_275 : memref<1x128xi32, #tpu.memory_space<vmem>> -> memref<128xi32, #tpu.memory_space<vmem>>
        %dma_wait3A_277 = arith.constant 0 : i32
        %dma_wait3A_278 = arith.constant 0 : i32
        %dma_wait3A_279 = tpu.memref_slice %arg2[%dma_wait3A_277, %dma_wait3A_278] : memref<10000x128xf32, #tpu.memory_space<hbm>> -> memref<10000x128xf32, #tpu.memory_space<hbm>>
        tpu.wait_indirect_dma semaphore(%arg15 : memref<!tpu.dma_semaphore, #tpu.memory_space<semaphore_mem>>) src(%dma_wait3A_279 : memref<10000x128xf32, #tpu.memory_space<hbm>>) dst(%arg12 : memref<128x128xf32, #tpu.memory_space<vmem>>)
        %dma_start3A_280 = arith.constant 0 : i32
        %dma_start3A_281 = tpu.memref_slice %arg10[%add3A_261, %dma_start3A_280] : memref<40x128xi32, #tpu.memory_space<vmem>> -> memref<1x128xi32, #tpu.memory_space<vmem>>
        %dma_start3A_282 = tpu.memref_squeeze %dma_start3A_281 : memref<1x128xi32, #tpu.memory_space<vmem>> -> memref<128xi32, #tpu.memory_space<vmem>>
        %dma_start3A_283 = arith.constant 0 : i32
        %dma_start3A_284 = arith.constant 0 : i32
        %dma_start3A_285 = tpu.memref_slice %arg13[%dma_start3A_283, %dma_start3A_284] : memref<10240x128xf32, #tpu.memory_space<vmem_shared>> -> memref<10240x128xf32, #tpu.memory_space<vmem_shared>>
        tpu.enqueue_indirect_dma source(%arg12 : memref<128x128xf32, #tpu.memory_space<vmem>>) target(%dma_start3A_285 : memref<10240x128xf32, #tpu.memory_space<vmem_shared>>) offsets(%dma_start3A_282 : memref<128xi32, #tpu.memory_space<vmem>>) semaphore(%arg17 : memref<!tpu.dma_semaphore, #tpu.memory_space<semaphore_mem>>) {add = true}
        %dma_wait3A_286 = arith.constant 0 : i32
        %dma_wait3A_287 = tpu.memref_slice %arg10[%mul3A_259, %dma_wait3A_286] : memref<40x128xi32, #tpu.memory_space<vmem>> -> memref<1x128xi32, #tpu.memory_space<vmem>>
        %dma_wait3A_288 = tpu.memref_squeeze %dma_wait3A_287 : memref<1x128xi32, #tpu.memory_space<vmem>> -> memref<128xi32, #tpu.memory_space<vmem>>
        %dma_wait3A_289 = arith.constant 0 : i32
        %dma_wait3A_290 = arith.constant 0 : i32
        %dma_wait3A_291 = tpu.memref_slice %arg13[%dma_wait3A_289, %dma_wait3A_290] : memref<10240x128xf32, #tpu.memory_space<vmem_shared>> -> memref<10240x128xf32, #tpu.memory_space<vmem_shared>>
        tpu.wait_indirect_dma semaphore(%arg16 : memref<!tpu.dma_semaphore, #tpu.memory_space<semaphore_mem>>) src(%arg11 : memref<128x128xf32, #tpu.memory_space<vmem>>) dst(%dma_wait3A_291 : memref<10240x128xf32, #tpu.memory_space<vmem_shared>>)
        %add3A_292 = arith.constant 2 : i32
        %add3A_293 = arith.addi %mul3A_259, %add3A_292 : i32
        %dma_start3A_294 = arith.constant 0 : i32
        %dma_start3A_295 = tpu.memref_slice %arg9[%add3A_293, %dma_start3A_294] : memref<40x128xi32, #tpu.memory_space<vmem>> -> memref<1x128xi32, #tpu.memory_space<vmem>>
        %dma_start3A_296 = tpu.memref_squeeze %dma_start3A_295 : memref<1x128xi32, #tpu.memory_space<vmem>> -> memref<128xi32, #tpu.memory_space<vmem>>
        %dma_start3A_297 = arith.constant 0 : i32
        %dma_start3A_298 = arith.constant 0 : i32
        %dma_start3A_299 = tpu.memref_slice %arg2[%dma_start3A_297, %dma_start3A_298] : memref<10000x128xf32, #tpu.memory_space<hbm>> -> memref<10000x128xf32, #tpu.memory_space<hbm>>
        tpu.enqueue_indirect_dma source(%dma_start3A_299 : memref<10000x128xf32, #tpu.memory_space<hbm>>) target(%arg11 : memref<128x128xf32, #tpu.memory_space<vmem>>) offsets(%dma_start3A_296 : memref<128xi32, #tpu.memory_space<vmem>>) semaphore(%arg14 : memref<!tpu.dma_semaphore, #tpu.memory_space<semaphore_mem>>)
        %dma_wait3A_300 = arith.constant 0 : i32
        %dma_wait3A_301 = tpu.memref_slice %arg10[%add3A_261, %dma_wait3A_300] : memref<40x128xi32, #tpu.memory_space<vmem>> -> memref<1x128xi32, #tpu.memory_space<vmem>>
        %dma_wait3A_302 = tpu.memref_squeeze %dma_wait3A_301 : memref<1x128xi32, #tpu.memory_space<vmem>> -> memref<128xi32, #tpu.memory_space<vmem>>
        %dma_wait3A_303 = arith.constant 0 : i32
        %dma_wait3A_304 = arith.constant 0 : i32
        %dma_wait3A_305 = tpu.memref_slice %arg13[%dma_wait3A_303, %dma_wait3A_304] : memref<10240x128xf32, #tpu.memory_space<vmem_shared>> -> memref<10240x128xf32, #tpu.memory_space<vmem_shared>>
        tpu.wait_indirect_dma semaphore(%arg17 : memref<!tpu.dma_semaphore, #tpu.memory_space<semaphore_mem>>) src(%arg12 : memref<128x128xf32, #tpu.memory_space<vmem>>) dst(%dma_wait3A_305 : memref<10240x128xf32, #tpu.memory_space<vmem_shared>>)
        %add3A_306 = arith.constant 2 : i32
        %add3A_307 = arith.addi %add3A_261, %add3A_306 : i32
        %dma_start3A_308 = arith.constant 0 : i32
        %dma_start3A_309 = tpu.memref_slice %arg9[%add3A_307, %dma_start3A_308] : memref<40x128xi32, #tpu.memory_space<vmem>> -> memref<1x128xi32, #tpu.memory_space<vmem>>
        %dma_start3A_310 = tpu.memref_squeeze %dma_start3A_309 : memref<1x128xi32, #tpu.memory_space<vmem>> -> memref<128xi32, #tpu.memory_space<vmem>>
        %dma_start3A_311 = arith.constant 0 : i32
        %dma_start3A_312 = arith.constant 0 : i32
        %dma_start3A_313 = tpu.memref_slice %arg2[%dma_start3A_311, %dma_start3A_312] : memref<10000x128xf32, #tpu.memory_space<hbm>> -> memref<10000x128xf32, #tpu.memory_space<hbm>>
        tpu.enqueue_indirect_dma source(%dma_start3A_313 : memref<10000x128xf32, #tpu.memory_space<hbm>>) target(%arg12 : memref<128x128xf32, #tpu.memory_space<vmem>>) offsets(%dma_start3A_310 : memref<128xi32, #tpu.memory_space<vmem>>) semaphore(%arg15 : memref<!tpu.dma_semaphore, #tpu.memory_space<semaphore_mem>>)
      }
      %scan3A_29 = arith.constant 19 : i32
      %dma_wait3A = arith.constant 38 : i32
      %dma_wait3A_30 = arith.constant 0 : i32
      %dma_wait3A_31 = tpu.memref_slice %arg9[%dma_wait3A, %dma_wait3A_30] : memref<40x128xi32, #tpu.memory_space<vmem>> -> memref<1x128xi32, #tpu.memory_space<vmem>>
      %dma_wait3A_32 = tpu.memref_squeeze %dma_wait3A_31 : memref<1x128xi32, #tpu.memory_space<vmem>> -> memref<128xi32, #tpu.memory_space<vmem>>
      %dma_wait3A_33 = arith.constant 0 : i32
      %dma_wait3A_34 = arith.constant 0 : i32
      %dma_wait3A_35 = tpu.memref_slice %arg2[%dma_wait3A_33, %dma_wait3A_34] : memref<10000x128xf32, #tpu.memory_space<hbm>> -> memref<10000x128xf32, #tpu.memory_space<hbm>>
      tpu.wait_indirect_dma semaphore(%arg14 : memref<!tpu.dma_semaphore, #tpu.memory_space<semaphore_mem>>) src(%dma_wait3A_35 : memref<10000x128xf32, #tpu.memory_space<hbm>>) dst(%arg11 : memref<128x128xf32, #tpu.memory_space<vmem>>)
      %dma_start3A_36 = arith.constant 38 : i32
      %dma_start3A_37 = arith.constant 0 : i32
      %dma_start3A_38 = tpu.memref_slice %arg10[%dma_start3A_36, %dma_start3A_37] : memref<40x128xi32, #tpu.memory_space<vmem>> -> memref<1x128xi32, #tpu.memory_space<vmem>>
      %dma_start3A_39 = tpu.memref_squeeze %dma_start3A_38 : memref<1x128xi32, #tpu.memory_space<vmem>> -> memref<128xi32, #tpu.memory_space<vmem>>
      %dma_start3A_40 = arith.constant 0 : i32
      %dma_start3A_41 = arith.constant 0 : i32
      %dma_start3A_42 = tpu.memref_slice %arg13[%dma_start3A_40, %dma_start3A_41] : memref<10240x128xf32, #tpu.memory_space<vmem_shared>> -> memref<10240x128xf32, #tpu.memory_space<vmem_shared>>
      tpu.enqueue_indirect_dma source(%arg11 : memref<128x128xf32, #tpu.memory_space<vmem>>) target(%dma_start3A_42 : memref<10240x128xf32, #tpu.memory_space<vmem_shared>>) offsets(%dma_start3A_39 : memref<128xi32, #tpu.memory_space<vmem>>) semaphore(%arg16 : memref<!tpu.dma_semaphore, #tpu.memory_space<semaphore_mem>>) {add = true}
      %dma_wait3A_43 = arith.constant 39 : i32
      %dma_wait3A_44 = arith.constant 0 : i32
      %dma_wait3A_45 = tpu.memref_slice %arg9[%dma_wait3A_43, %dma_wait3A_44] : memref<40x128xi32, #tpu.memory_space<vmem>> -> memref<1x128xi32, #tpu.memory_space<vmem>>
      %dma_wait3A_46 = tpu.memref_squeeze %dma_wait3A_45 : memref<1x128xi32, #tpu.memory_space<vmem>> -> memref<128xi32, #tpu.memory_space<vmem>>
      %dma_wait3A_47 = arith.constant 0 : i32
      %dma_wait3A_48 = arith.constant 0 : i32
      %dma_wait3A_49 = tpu.memref_slice %arg2[%dma_wait3A_47, %dma_wait3A_48] : memref<10000x128xf32, #tpu.memory_space<hbm>> -> memref<10000x128xf32, #tpu.memory_space<hbm>>
      tpu.wait_indirect_dma semaphore(%arg15 : memref<!tpu.dma_semaphore, #tpu.memory_space<semaphore_mem>>) src(%dma_wait3A_49 : memref<10000x128xf32, #tpu.memory_space<hbm>>) dst(%arg12 : memref<128x128xf32, #tpu.memory_space<vmem>>)
      %dma_start3A_50 = arith.constant 39 : i32
      %dma_start3A_51 = arith.constant 0 : i32
      %dma_start3A_52 = tpu.memref_slice %arg10[%dma_start3A_50, %dma_start3A_51] : memref<40x128xi32, #tpu.memory_space<vmem>> -> memref<1x128xi32, #tpu.memory_space<vmem>>
      %dma_start3A_53 = tpu.memref_squeeze %dma_start3A_52 : memref<1x128xi32, #tpu.memory_space<vmem>> -> memref<128xi32, #tpu.memory_space<vmem>>
      %dma_start3A_54 = arith.constant 0 : i32
      %dma_start3A_55 = arith.constant 0 : i32
      %dma_start3A_56 = tpu.memref_slice %arg13[%dma_start3A_54, %dma_start3A_55] : memref<10240x128xf32, #tpu.memory_space<vmem_shared>> -> memref<10240x128xf32, #tpu.memory_space<vmem_shared>>
      tpu.enqueue_indirect_dma source(%arg12 : memref<128x128xf32, #tpu.memory_space<vmem>>) target(%dma_start3A_56 : memref<10240x128xf32, #tpu.memory_space<vmem_shared>>) offsets(%dma_start3A_53 : memref<128xi32, #tpu.memory_space<vmem>>) semaphore(%arg17 : memref<!tpu.dma_semaphore, #tpu.memory_space<semaphore_mem>>) {add = true}
      %dma_wait3A_57 = arith.constant 38 : i32
      %dma_wait3A_58 = arith.constant 0 : i32
      %dma_wait3A_59 = tpu.memref_slice %arg10[%dma_wait3A_57, %dma_wait3A_58] : memref<40x128xi32, #tpu.memory_space<vmem>> -> memref<1x128xi32, #tpu.memory_space<vmem>>
      %dma_wait3A_60 = tpu.memref_squeeze %dma_wait3A_59 : memref<1x128xi32, #tpu.memory_space<vmem>> -> memref<128xi32, #tpu.memory_space<vmem>>
      %dma_wait3A_61 = arith.constant 0 : i32
      %dma_wait3A_62 = arith.constant 0 : i32
      %dma_wait3A_63 = tpu.memref_slice %arg13[%dma_wait3A_61, %dma_wait3A_62] : memref<10240x128xf32, #tpu.memory_space<vmem_shared>> -> memref<10240x128xf32, #tpu.memory_space<vmem_shared>>
      tpu.wait_indirect_dma semaphore(%arg16 : memref<!tpu.dma_semaphore, #tpu.memory_space<semaphore_mem>>) src(%arg11 : memref<128x128xf32, #tpu.memory_space<vmem>>) dst(%dma_wait3A_63 : memref<10240x128xf32, #tpu.memory_space<vmem_shared>>)
      %dma_wait3A_64 = arith.constant 39 : i32
      %dma_wait3A_65 = arith.constant 0 : i32
      %dma_wait3A_66 = tpu.memref_slice %arg10[%dma_wait3A_64, %dma_wait3A_65] : memref<40x128xi32, #tpu.memory_space<vmem>> -> memref<1x128xi32, #tpu.memory_space<vmem>>
      %dma_wait3A_67 = tpu.memref_squeeze %dma_wait3A_66 : memref<1x128xi32, #tpu.memory_space<vmem>> -> memref<128xi32, #tpu.memory_space<vmem>>
      %dma_wait3A_68 = arith.constant 0 : i32
      %dma_wait3A_69 = arith.constant 0 : i32
      %dma_wait3A_70 = tpu.memref_slice %arg13[%dma_wait3A_68, %dma_wait3A_69] : memref<10240x128xf32, #tpu.memory_space<vmem_shared>> -> memref<10240x128xf32, #tpu.memory_space<vmem_shared>>
      tpu.wait_indirect_dma semaphore(%arg17 : memref<!tpu.dma_semaphore, #tpu.memory_space<semaphore_mem>>) src(%arg12 : memref<128x128xf32, #tpu.memory_space<vmem>>) dst(%dma_wait3A_70 : memref<10240x128xf32, #tpu.memory_space<vmem_shared>>)
      "tpu.region"() ({
        %run_scoped3A = tpu.sem_alloc : memref<!tpu.dma_semaphore, #tpu.memory_space<semaphore_mem>>
        %dma_start3A_254 = arith.constant 0 : i32
        %dma_start3A_255 = arith.constant 0 : i32
        %dma_start3A_256 = tpu.memref_slice %arg9[%dma_start3A_254, %dma_start3A_255] : memref<40x128xi32, #tpu.memory_space<vmem>> -> memref<40x128xi32, #tpu.memory_space<vmem>>
        %dma_start3A_257 = arith.constant 40 : i32
        %dma_start3A_258 = arith.constant 0 : i32
        %dma_start3A_259 = tpu.memref_slice %arg3[%arg1, %dma_start3A_257, %dma_start3A_258] : memref<16x140x128xi32, #tpu.memory_space<hbm>> -> memref<1x40x128xi32, #tpu.memory_space<hbm>>
        %dma_start3A_260 = tpu.memref_squeeze %dma_start3A_259 : memref<1x40x128xi32, #tpu.memory_space<hbm>> -> memref<40x128xi32, #tpu.memory_space<hbm>>
        %dma_start3A_261 = arith.constant 0 : i32
        %dma_start3A_262 = arith.constant 0 : i32
        %dma_start3A_263 = tpu.memref_slice %arg9[%dma_start3A_261, %dma_start3A_262] : memref<40x128xi32, #tpu.memory_space<vmem>> -> memref<40x128xi32, #tpu.memory_space<vmem>>
        %dma_start3A_264 = arith.constant 40 : i32
        %dma_start3A_265 = arith.constant 0 : i32
        %dma_start3A_266 = tpu.memref_slice %arg3[%arg1, %dma_start3A_264, %dma_start3A_265] : memref<16x140x128xi32, #tpu.memory_space<hbm>> -> memref<1x40x128xi32, #tpu.memory_space<hbm>>
        %dma_start3A_267 = tpu.memref_squeeze %dma_start3A_266 : memref<1x40x128xi32, #tpu.memory_space<hbm>> -> memref<40x128xi32, #tpu.memory_space<hbm>>
        tpu.enqueue_dma source(%dma_start3A_267 : memref<40x128xi32, #tpu.memory_space<hbm>>) target(%dma_start3A_263 : memref<40x128xi32, #tpu.memory_space<vmem>>) target_semaphore(%run_scoped3A : memref<!tpu.dma_semaphore, #tpu.memory_space<semaphore_mem>>)
        %dma_wait3A_268 = arith.constant 0 : i32
        %dma_wait3A_269 = arith.constant 0 : i32
        %dma_wait3A_270 = tpu.memref_slice %arg9[%dma_wait3A_268, %dma_wait3A_269] : memref<40x128xi32, #tpu.memory_space<vmem>> -> memref<40x128xi32, #tpu.memory_space<vmem>>
        %dma_wait3A_271 = arith.constant 40 : i32
        %dma_wait3A_272 = arith.constant 0 : i32
        %dma_wait3A_273 = tpu.memref_slice %arg3[%arg1, %dma_wait3A_271, %dma_wait3A_272] : memref<16x140x128xi32, #tpu.memory_space<hbm>> -> memref<1x40x128xi32, #tpu.memory_space<hbm>>
        %dma_wait3A_274 = tpu.memref_squeeze %dma_wait3A_273 : memref<1x40x128xi32, #tpu.memory_space<hbm>> -> memref<40x128xi32, #tpu.memory_space<hbm>>
        %dma_wait3A_275 = arith.constant 0 : i32
        %dma_wait3A_276 = arith.constant 0 : i32
        %dma_wait3A_277 = tpu.memref_slice %arg9[%dma_wait3A_275, %dma_wait3A_276] : memref<40x128xi32, #tpu.memory_space<vmem>> -> memref<40x128xi32, #tpu.memory_space<vmem>>
        %dma_wait3A_278 = arith.constant 40 : i32
        %dma_wait3A_279 = arith.constant 0 : i32
        %dma_wait3A_280 = tpu.memref_slice %arg3[%arg1, %dma_wait3A_278, %dma_wait3A_279] : memref<16x140x128xi32, #tpu.memory_space<hbm>> -> memref<1x40x128xi32, #tpu.memory_space<hbm>>
        %dma_wait3A_281 = tpu.memref_squeeze %dma_wait3A_280 : memref<1x40x128xi32, #tpu.memory_space<hbm>> -> memref<40x128xi32, #tpu.memory_space<hbm>>
        tpu.wait_dma2 semaphore(%run_scoped3A : memref<!tpu.dma_semaphore, #tpu.memory_space<semaphore_mem>>) src(%dma_wait3A_281 : memref<40x128xi32, #tpu.memory_space<hbm>>) dst(%dma_wait3A_277 : memref<40x128xi32, #tpu.memory_space<vmem>>)
        tpu.yield
      }) : () -> ()
      "tpu.region"() ({
        %run_scoped3A = tpu.sem_alloc : memref<!tpu.dma_semaphore, #tpu.memory_space<semaphore_mem>>
        %dma_start3A_254 = arith.constant 0 : i32
        %dma_start3A_255 = arith.constant 0 : i32
        %dma_start3A_256 = tpu.memref_slice %arg10[%dma_start3A_254, %dma_start3A_255] : memref<40x128xi32, #tpu.memory_space<vmem>> -> memref<40x128xi32, #tpu.memory_space<vmem>>
        %dma_start3A_257 = arith.constant 40 : i32
        %dma_start3A_258 = arith.constant 0 : i32
        %dma_start3A_259 = tpu.memref_slice %arg4[%arg1, %dma_start3A_257, %dma_start3A_258] : memref<16x140x128xi32, #tpu.memory_space<hbm>> -> memref<1x40x128xi32, #tpu.memory_space<hbm>>
        %dma_start3A_260 = tpu.memref_squeeze %dma_start3A_259 : memref<1x40x128xi32, #tpu.memory_space<hbm>> -> memref<40x128xi32, #tpu.memory_space<hbm>>
        %dma_start3A_261 = arith.constant 0 : i32
        %dma_start3A_262 = arith.constant 0 : i32
        %dma_start3A_263 = tpu.memref_slice %arg10[%dma_start3A_261, %dma_start3A_262] : memref<40x128xi32, #tpu.memory_space<vmem>> -> memref<40x128xi32, #tpu.memory_space<vmem>>
        %dma_start3A_264 = arith.constant 40 : i32
        %dma_start3A_265 = arith.constant 0 : i32
        %dma_start3A_266 = tpu.memref_slice %arg4[%arg1, %dma_start3A_264, %dma_start3A_265] : memref<16x140x128xi32, #tpu.memory_space<hbm>> -> memref<1x40x128xi32, #tpu.memory_space<hbm>>
        %dma_start3A_267 = tpu.memref_squeeze %dma_start3A_266 : memref<1x40x128xi32, #tpu.memory_space<hbm>> -> memref<40x128xi32, #tpu.memory_space<hbm>>
        tpu.enqueue_dma source(%dma_start3A_267 : memref<40x128xi32, #tpu.memory_space<hbm>>) target(%dma_start3A_263 : memref<40x128xi32, #tpu.memory_space<vmem>>) target_semaphore(%run_scoped3A : memref<!tpu.dma_semaphore, #tpu.memory_space<semaphore_mem>>)
        %dma_wait3A_268 = arith.constant 0 : i32
        %dma_wait3A_269 = arith.constant 0 : i32
        %dma_wait3A_270 = tpu.memref_slice %arg10[%dma_wait3A_268, %dma_wait3A_269] : memref<40x128xi32, #tpu.memory_space<vmem>> -> memref<40x128xi32, #tpu.memory_space<vmem>>
        %dma_wait3A_271 = arith.constant 40 : i32
        %dma_wait3A_272 = arith.constant 0 : i32
        %dma_wait3A_273 = tpu.memref_slice %arg4[%arg1, %dma_wait3A_271, %dma_wait3A_272] : memref<16x140x128xi32, #tpu.memory_space<hbm>> -> memref<1x40x128xi32, #tpu.memory_space<hbm>>
        %dma_wait3A_274 = tpu.memref_squeeze %dma_wait3A_273 : memref<1x40x128xi32, #tpu.memory_space<hbm>> -> memref<40x128xi32, #tpu.memory_space<hbm>>
        %dma_wait3A_275 = arith.constant 0 : i32
        %dma_wait3A_276 = arith.constant 0 : i32
        %dma_wait3A_277 = tpu.memref_slice %arg10[%dma_wait3A_275, %dma_wait3A_276] : memref<40x128xi32, #tpu.memory_space<vmem>> -> memref<40x128xi32, #tpu.memory_space<vmem>>
        %dma_wait3A_278 = arith.constant 40 : i32
        %dma_wait3A_279 = arith.constant 0 : i32
        %dma_wait3A_280 = tpu.memref_slice %arg4[%arg1, %dma_wait3A_278, %dma_wait3A_279] : memref<16x140x128xi32, #tpu.memory_space<hbm>> -> memref<1x40x128xi32, #tpu.memory_space<hbm>>
        %dma_wait3A_281 = tpu.memref_squeeze %dma_wait3A_280 : memref<1x40x128xi32, #tpu.memory_space<hbm>> -> memref<40x128xi32, #tpu.memory_space<hbm>>
        tpu.wait_dma2 semaphore(%run_scoped3A : memref<!tpu.dma_semaphore, #tpu.memory_space<semaphore_mem>>) src(%dma_wait3A_281 : memref<40x128xi32, #tpu.memory_space<hbm>>) dst(%dma_wait3A_277 : memref<40x128xi32, #tpu.memory_space<vmem>>)
        tpu.yield
      }) : () -> ()
      %dma_start3A_71 = arith.constant 0 : i32
      %dma_start3A_72 = arith.constant 0 : i32
      %dma_start3A_73 = tpu.memref_slice %arg9[%dma_start3A_71, %dma_start3A_72] : memref<40x128xi32, #tpu.memory_space<vmem>> -> memref<1x128xi32, #tpu.memory_space<vmem>>
      %dma_start3A_74 = tpu.memref_squeeze %dma_start3A_73 : memref<1x128xi32, #tpu.memory_space<vmem>> -> memref<128xi32, #tpu.memory_space<vmem>>
      %dma_start3A_75 = arith.constant 0 : i32
      %dma_start3A_76 = arith.constant 0 : i32
      %dma_start3A_77 = tpu.memref_slice %arg2[%dma_start3A_75, %dma_start3A_76] : memref<10000x128xf32, #tpu.memory_space<hbm>> -> memref<10000x128xf32, #tpu.memory_space<hbm>>
      tpu.enqueue_indirect_dma source(%dma_start3A_77 : memref<10000x128xf32, #tpu.memory_space<hbm>>) target(%arg11 : memref<128x128xf32, #tpu.memory_space<vmem>>) offsets(%dma_start3A_74 : memref<128xi32, #tpu.memory_space<vmem>>) semaphore(%arg14 : memref<!tpu.dma_semaphore, #tpu.memory_space<semaphore_mem>>)
      %dma_start3A_78 = arith.constant 1 : i32
      %dma_start3A_79 = arith.constant 0 : i32
      %dma_start3A_80 = tpu.memref_slice %arg9[%dma_start3A_78, %dma_start3A_79] : memref<40x128xi32, #tpu.memory_space<vmem>> -> memref<1x128xi32, #tpu.memory_space<vmem>>
      %dma_start3A_81 = tpu.memref_squeeze %dma_start3A_80 : memref<1x128xi32, #tpu.memory_space<vmem>> -> memref<128xi32, #tpu.memory_space<vmem>>
      %dma_start3A_82 = arith.constant 0 : i32
      %dma_start3A_83 = arith.constant 0 : i32
      %dma_start3A_84 = tpu.memref_slice %arg2[%dma_start3A_82, %dma_start3A_83] : memref<10000x128xf32, #tpu.memory_space<hbm>> -> memref<10000x128xf32, #tpu.memory_space<hbm>>
      tpu.enqueue_indirect_dma source(%dma_start3A_84 : memref<10000x128xf32, #tpu.memory_space<hbm>>) target(%arg12 : memref<128x128xf32, #tpu.memory_space<vmem>>) offsets(%dma_start3A_81 : memref<128xi32, #tpu.memory_space<vmem>>) semaphore(%arg15 : memref<!tpu.dma_semaphore, #tpu.memory_space<semaphore_mem>>)
      %scan3A_85 = arith.constant 0 : i32
      %scan3A_86 = arith.constant 19 : i32
      %scan3A_87 = arith.addi %scan3A_85, %scan3A_86 : i32
      %scan3A_88 = arith.constant 1 : i32
      scf.for %scan3A_254 = %scan3A_85 to %scan3A_87 step %scan3A_88  : i32 {
        %mul3A_255 = arith.constant 1 : i32
        %mul3A_256 = arith.muli %scan3A_254, %mul3A_255 : i32
        %add3A = arith.constant 0 : i32
        %add3A_257 = arith.addi %add3A, %mul3A_256 : i32
        %mul3A_258 = arith.constant 2 : i32
        %mul3A_259 = arith.muli %mul3A_258, %add3A_257 : i32
        %add3A_260 = arith.constant 1 : i32
        %add3A_261 = arith.addi %mul3A_259, %add3A_260 : i32
        %dma_wait3A_262 = arith.constant 0 : i32
        %dma_wait3A_263 = tpu.memref_slice %arg9[%mul3A_259, %dma_wait3A_262] : memref<40x128xi32, #tpu.memory_space<vmem>> -> memref<1x128xi32, #tpu.memory_space<vmem>>
        %dma_wait3A_264 = tpu.memref_squeeze %dma_wait3A_263 : memref<1x128xi32, #tpu.memory_space<vmem>> -> memref<128xi32, #tpu.memory_space<vmem>>
        %dma_wait3A_265 = arith.constant 0 : i32
        %dma_wait3A_266 = arith.constant 0 : i32
        %dma_wait3A_267 = tpu.memref_slice %arg2[%dma_wait3A_265, %dma_wait3A_266] : memref<10000x128xf32, #tpu.memory_space<hbm>> -> memref<10000x128xf32, #tpu.memory_space<hbm>>
        tpu.wait_indirect_dma semaphore(%arg14 : memref<!tpu.dma_semaphore, #tpu.memory_space<semaphore_mem>>) src(%dma_wait3A_267 : memref<10000x128xf32, #tpu.memory_space<hbm>>) dst(%arg11 : memref<128x128xf32, #tpu.memory_space<vmem>>)
        %dma_start3A_268 = arith.constant 0 : i32
        %dma_start3A_269 = tpu.memref_slice %arg10[%mul3A_259, %dma_start3A_268] : memref<40x128xi32, #tpu.memory_space<vmem>> -> memref<1x128xi32, #tpu.memory_space<vmem>>
        %dma_start3A_270 = tpu.memref_squeeze %dma_start3A_269 : memref<1x128xi32, #tpu.memory_space<vmem>> -> memref<128xi32, #tpu.memory_space<vmem>>
        %dma_start3A_271 = arith.constant 0 : i32
        %dma_start3A_272 = arith.constant 0 : i32
        %dma_start3A_273 = tpu.memref_slice %arg13[%dma_start3A_271, %dma_start3A_272] : memref<10240x128xf32, #tpu.memory_space<vmem_shared>> -> memref<10240x128xf32, #tpu.memory_space<vmem_shared>>
        tpu.enqueue_indirect_dma source(%arg11 : memref<128x128xf32, #tpu.memory_space<vmem>>) target(%dma_start3A_273 : memref<10240x128xf32, #tpu.memory_space<vmem_shared>>) offsets(%dma_start3A_270 : memref<128xi32, #tpu.memory_space<vmem>>) semaphore(%arg16 : memref<!tpu.dma_semaphore, #tpu.memory_space<semaphore_mem>>) {add = true}
        %dma_wait3A_274 = arith.constant 0 : i32
        %dma_wait3A_275 = tpu.memref_slice %arg9[%add3A_261, %dma_wait3A_274] : memref<40x128xi32, #tpu.memory_space<vmem>> -> memref<1x128xi32, #tpu.memory_space<vmem>>
        %dma_wait3A_276 = tpu.memref_squeeze %dma_wait3A_275 : memref<1x128xi32, #tpu.memory_space<vmem>> -> memref<128xi32, #tpu.memory_space<vmem>>
        %dma_wait3A_277 = arith.constant 0 : i32
        %dma_wait3A_278 = arith.constant 0 : i32
        %dma_wait3A_279 = tpu.memref_slice %arg2[%dma_wait3A_277, %dma_wait3A_278] : memref<10000x128xf32, #tpu.memory_space<hbm>> -> memref<10000x128xf32, #tpu.memory_space<hbm>>
        tpu.wait_indirect_dma semaphore(%arg15 : memref<!tpu.dma_semaphore, #tpu.memory_space<semaphore_mem>>) src(%dma_wait3A_279 : memref<10000x128xf32, #tpu.memory_space<hbm>>) dst(%arg12 : memref<128x128xf32, #tpu.memory_space<vmem>>)
        %dma_start3A_280 = arith.constant 0 : i32
        %dma_start3A_281 = tpu.memref_slice %arg10[%add3A_261, %dma_start3A_280] : memref<40x128xi32, #tpu.memory_space<vmem>> -> memref<1x128xi32, #tpu.memory_space<vmem>>
        %dma_start3A_282 = tpu.memref_squeeze %dma_start3A_281 : memref<1x128xi32, #tpu.memory_space<vmem>> -> memref<128xi32, #tpu.memory_space<vmem>>
        %dma_start3A_283 = arith.constant 0 : i32
        %dma_start3A_284 = arith.constant 0 : i32
        %dma_start3A_285 = tpu.memref_slice %arg13[%dma_start3A_283, %dma_start3A_284] : memref<10240x128xf32, #tpu.memory_space<vmem_shared>> -> memref<10240x128xf32, #tpu.memory_space<vmem_shared>>
        tpu.enqueue_indirect_dma source(%arg12 : memref<128x128xf32, #tpu.memory_space<vmem>>) target(%dma_start3A_285 : memref<10240x128xf32, #tpu.memory_space<vmem_shared>>) offsets(%dma_start3A_282 : memref<128xi32, #tpu.memory_space<vmem>>) semaphore(%arg17 : memref<!tpu.dma_semaphore, #tpu.memory_space<semaphore_mem>>) {add = true}
        %dma_wait3A_286 = arith.constant 0 : i32
        %dma_wait3A_287 = tpu.memref_slice %arg10[%mul3A_259, %dma_wait3A_286] : memref<40x128xi32, #tpu.memory_space<vmem>> -> memref<1x128xi32, #tpu.memory_space<vmem>>
        %dma_wait3A_288 = tpu.memref_squeeze %dma_wait3A_287 : memref<1x128xi32, #tpu.memory_space<vmem>> -> memref<128xi32, #tpu.memory_space<vmem>>
        %dma_wait3A_289 = arith.constant 0 : i32
        %dma_wait3A_290 = arith.constant 0 : i32
        %dma_wait3A_291 = tpu.memref_slice %arg13[%dma_wait3A_289, %dma_wait3A_290] : memref<10240x128xf32, #tpu.memory_space<vmem_shared>> -> memref<10240x128xf32, #tpu.memory_space<vmem_shared>>
        tpu.wait_indirect_dma semaphore(%arg16 : memref<!tpu.dma_semaphore, #tpu.memory_space<semaphore_mem>>) src(%arg11 : memref<128x128xf32, #tpu.memory_space<vmem>>) dst(%dma_wait3A_291 : memref<10240x128xf32, #tpu.memory_space<vmem_shared>>)
        %add3A_292 = arith.constant 2 : i32
        %add3A_293 = arith.addi %mul3A_259, %add3A_292 : i32
        %dma_start3A_294 = arith.constant 0 : i32
        %dma_start3A_295 = tpu.memref_slice %arg9[%add3A_293, %dma_start3A_294] : memref<40x128xi32, #tpu.memory_space<vmem>> -> memref<1x128xi32, #tpu.memory_space<vmem>>
        %dma_start3A_296 = tpu.memref_squeeze %dma_start3A_295 : memref<1x128xi32, #tpu.memory_space<vmem>> -> memref<128xi32, #tpu.memory_space<vmem>>
        %dma_start3A_297 = arith.constant 0 : i32
        %dma_start3A_298 = arith.constant 0 : i32
        %dma_start3A_299 = tpu.memref_slice %arg2[%dma_start3A_297, %dma_start3A_298] : memref<10000x128xf32, #tpu.memory_space<hbm>> -> memref<10000x128xf32, #tpu.memory_space<hbm>>
        tpu.enqueue_indirect_dma source(%dma_start3A_299 : memref<10000x128xf32, #tpu.memory_space<hbm>>) target(%arg11 : memref<128x128xf32, #tpu.memory_space<vmem>>) offsets(%dma_start3A_296 : memref<128xi32, #tpu.memory_space<vmem>>) semaphore(%arg14 : memref<!tpu.dma_semaphore, #tpu.memory_space<semaphore_mem>>)
        %dma_wait3A_300 = arith.constant 0 : i32
        %dma_wait3A_301 = tpu.memref_slice %arg10[%add3A_261, %dma_wait3A_300] : memref<40x128xi32, #tpu.memory_space<vmem>> -> memref<1x128xi32, #tpu.memory_space<vmem>>
        %dma_wait3A_302 = tpu.memref_squeeze %dma_wait3A_301 : memref<1x128xi32, #tpu.memory_space<vmem>> -> memref<128xi32, #tpu.memory_space<vmem>>
        %dma_wait3A_303 = arith.constant 0 : i32
        %dma_wait3A_304 = arith.constant 0 : i32
        %dma_wait3A_305 = tpu.memref_slice %arg13[%dma_wait3A_303, %dma_wait3A_304] : memref<10240x128xf32, #tpu.memory_space<vmem_shared>> -> memref<10240x128xf32, #tpu.memory_space<vmem_shared>>
        tpu.wait_indirect_dma semaphore(%arg17 : memref<!tpu.dma_semaphore, #tpu.memory_space<semaphore_mem>>) src(%arg12 : memref<128x128xf32, #tpu.memory_space<vmem>>) dst(%dma_wait3A_305 : memref<10240x128xf32, #tpu.memory_space<vmem_shared>>)
        %add3A_306 = arith.constant 2 : i32
        %add3A_307 = arith.addi %add3A_261, %add3A_306 : i32
        %dma_start3A_308 = arith.constant 0 : i32
        %dma_start3A_309 = tpu.memref_slice %arg9[%add3A_307, %dma_start3A_308] : memref<40x128xi32, #tpu.memory_space<vmem>> -> memref<1x128xi32, #tpu.memory_space<vmem>>
        %dma_start3A_310 = tpu.memref_squeeze %dma_start3A_309 : memref<1x128xi32, #tpu.memory_space<vmem>> -> memref<128xi32, #tpu.memory_space<vmem>>
        %dma_start3A_311 = arith.constant 0 : i32
        %dma_start3A_312 = arith.constant 0 : i32
        %dma_start3A_313 = tpu.memref_slice %arg2[%dma_start3A_311, %dma_start3A_312] : memref<10000x128xf32, #tpu.memory_space<hbm>> -> memref<10000x128xf32, #tpu.memory_space<hbm>>
        tpu.enqueue_indirect_dma source(%dma_start3A_313 : memref<10000x128xf32, #tpu.memory_space<hbm>>) target(%arg12 : memref<128x128xf32, #tpu.memory_space<vmem>>) offsets(%dma_start3A_310 : memref<128xi32, #tpu.memory_space<vmem>>) semaphore(%arg15 : memref<!tpu.dma_semaphore, #tpu.memory_space<semaphore_mem>>)
      }
      %scan3A_89 = arith.constant 19 : i32
      %dma_wait3A_90 = arith.constant 38 : i32
      %dma_wait3A_91 = arith.constant 0 : i32
      %dma_wait3A_92 = tpu.memref_slice %arg9[%dma_wait3A_90, %dma_wait3A_91] : memref<40x128xi32, #tpu.memory_space<vmem>> -> memref<1x128xi32, #tpu.memory_space<vmem>>
      %dma_wait3A_93 = tpu.memref_squeeze %dma_wait3A_92 : memref<1x128xi32, #tpu.memory_space<vmem>> -> memref<128xi32, #tpu.memory_space<vmem>>
      %dma_wait3A_94 = arith.constant 0 : i32
      %dma_wait3A_95 = arith.constant 0 : i32
      %dma_wait3A_96 = tpu.memref_slice %arg2[%dma_wait3A_94, %dma_wait3A_95] : memref<10000x128xf32, #tpu.memory_space<hbm>> -> memref<10000x128xf32, #tpu.memory_space<hbm>>
      tpu.wait_indirect_dma semaphore(%arg14 : memref<!tpu.dma_semaphore, #tpu.memory_space<semaphore_mem>>) src(%dma_wait3A_96 : memref<10000x128xf32, #tpu.memory_space<hbm>>) dst(%arg11 : memref<128x128xf32, #tpu.memory_space<vmem>>)
      %dma_start3A_97 = arith.constant 38 : i32
      %dma_start3A_98 = arith.constant 0 : i32
      %dma_start3A_99 = tpu.memref_slice %arg10[%dma_start3A_97, %dma_start3A_98] : memref<40x128xi32, #tpu.memory_space<vmem>> -> memref<1x128xi32, #tpu.memory_space<vmem>>
      %dma_start3A_100 = tpu.memref_squeeze %dma_start3A_99 : memref<1x128xi32, #tpu.memory_space<vmem>> -> memref<128xi32, #tpu.memory_space<vmem>>
      %dma_start3A_101 = arith.constant 0 : i32
      %dma_start3A_102 = arith.constant 0 : i32
      %dma_start3A_103 = tpu.memref_slice %arg13[%dma_start3A_101, %dma_start3A_102] : memref<10240x128xf32, #tpu.memory_space<vmem_shared>> -> memref<10240x128xf32, #tpu.memory_space<vmem_shared>>
      tpu.enqueue_indirect_dma source(%arg11 : memref<128x128xf32, #tpu.memory_space<vmem>>) target(%dma_start3A_103 : memref<10240x128xf32, #tpu.memory_space<vmem_shared>>) offsets(%dma_start3A_100 : memref<128xi32, #tpu.memory_space<vmem>>) semaphore(%arg16 : memref<!tpu.dma_semaphore, #tpu.memory_space<semaphore_mem>>) {add = true}
      %dma_wait3A_104 = arith.constant 39 : i32
      %dma_wait3A_105 = arith.constant 0 : i32
      %dma_wait3A_106 = tpu.memref_slice %arg9[%dma_wait3A_104, %dma_wait3A_105] : memref<40x128xi32, #tpu.memory_space<vmem>> -> memref<1x128xi32, #tpu.memory_space<vmem>>
      %dma_wait3A_107 = tpu.memref_squeeze %dma_wait3A_106 : memref<1x128xi32, #tpu.memory_space<vmem>> -> memref<128xi32, #tpu.memory_space<vmem>>
      %dma_wait3A_108 = arith.constant 0 : i32
      %dma_wait3A_109 = arith.constant 0 : i32
      %dma_wait3A_110 = tpu.memref_slice %arg2[%dma_wait3A_108, %dma_wait3A_109] : memref<10000x128xf32, #tpu.memory_space<hbm>> -> memref<10000x128xf32, #tpu.memory_space<hbm>>
      tpu.wait_indirect_dma semaphore(%arg15 : memref<!tpu.dma_semaphore, #tpu.memory_space<semaphore_mem>>) src(%dma_wait3A_110 : memref<10000x128xf32, #tpu.memory_space<hbm>>) dst(%arg12 : memref<128x128xf32, #tpu.memory_space<vmem>>)
      %dma_start3A_111 = arith.constant 39 : i32
      %dma_start3A_112 = arith.constant 0 : i32
      %dma_start3A_113 = tpu.memref_slice %arg10[%dma_start3A_111, %dma_start3A_112] : memref<40x128xi32, #tpu.memory_space<vmem>> -> memref<1x128xi32, #tpu.memory_space<vmem>>
      %dma_start3A_114 = tpu.memref_squeeze %dma_start3A_113 : memref<1x128xi32, #tpu.memory_space<vmem>> -> memref<128xi32, #tpu.memory_space<vmem>>
      %dma_start3A_115 = arith.constant 0 : i32
      %dma_start3A_116 = arith.constant 0 : i32
      %dma_start3A_117 = tpu.memref_slice %arg13[%dma_start3A_115, %dma_start3A_116] : memref<10240x128xf32, #tpu.memory_space<vmem_shared>> -> memref<10240x128xf32, #tpu.memory_space<vmem_shared>>
      tpu.enqueue_indirect_dma source(%arg12 : memref<128x128xf32, #tpu.memory_space<vmem>>) target(%dma_start3A_117 : memref<10240x128xf32, #tpu.memory_space<vmem_shared>>) offsets(%dma_start3A_114 : memref<128xi32, #tpu.memory_space<vmem>>) semaphore(%arg17 : memref<!tpu.dma_semaphore, #tpu.memory_space<semaphore_mem>>) {add = true}
      %dma_wait3A_118 = arith.constant 38 : i32
      %dma_wait3A_119 = arith.constant 0 : i32
      %dma_wait3A_120 = tpu.memref_slice %arg10[%dma_wait3A_118, %dma_wait3A_119] : memref<40x128xi32, #tpu.memory_space<vmem>> -> memref<1x128xi32, #tpu.memory_space<vmem>>
      %dma_wait3A_121 = tpu.memref_squeeze %dma_wait3A_120 : memref<1x128xi32, #tpu.memory_space<vmem>> -> memref<128xi32, #tpu.memory_space<vmem>>
      %dma_wait3A_122 = arith.constant 0 : i32
      %dma_wait3A_123 = arith.constant 0 : i32
      %dma_wait3A_124 = tpu.memref_slice %arg13[%dma_wait3A_122, %dma_wait3A_123] : memref<10240x128xf32, #tpu.memory_space<vmem_shared>> -> memref<10240x128xf32, #tpu.memory_space<vmem_shared>>
      tpu.wait_indirect_dma semaphore(%arg16 : memref<!tpu.dma_semaphore, #tpu.memory_space<semaphore_mem>>) src(%arg11 : memref<128x128xf32, #tpu.memory_space<vmem>>) dst(%dma_wait3A_124 : memref<10240x128xf32, #tpu.memory_space<vmem_shared>>)
      %dma_wait3A_125 = arith.constant 39 : i32
      %dma_wait3A_126 = arith.constant 0 : i32
      %dma_wait3A_127 = tpu.memref_slice %arg10[%dma_wait3A_125, %dma_wait3A_126] : memref<40x128xi32, #tpu.memory_space<vmem>> -> memref<1x128xi32, #tpu.memory_space<vmem>>
      %dma_wait3A_128 = tpu.memref_squeeze %dma_wait3A_127 : memref<1x128xi32, #tpu.memory_space<vmem>> -> memref<128xi32, #tpu.memory_space<vmem>>
      %dma_wait3A_129 = arith.constant 0 : i32
      %dma_wait3A_130 = arith.constant 0 : i32
      %dma_wait3A_131 = tpu.memref_slice %arg13[%dma_wait3A_129, %dma_wait3A_130] : memref<10240x128xf32, #tpu.memory_space<vmem_shared>> -> memref<10240x128xf32, #tpu.memory_space<vmem_shared>>
      tpu.wait_indirect_dma semaphore(%arg17 : memref<!tpu.dma_semaphore, #tpu.memory_space<semaphore_mem>>) src(%arg12 : memref<128x128xf32, #tpu.memory_space<vmem>>) dst(%dma_wait3A_131 : memref<10240x128xf32, #tpu.memory_space<vmem_shared>>)
      "tpu.region"() ({
        %run_scoped3A = tpu.sem_alloc : memref<!tpu.dma_semaphore, #tpu.memory_space<semaphore_mem>>
        %dma_start3A_254 = arith.constant 0 : i32
        %dma_start3A_255 = arith.constant 0 : i32
        %dma_start3A_256 = tpu.memref_slice %arg9[%dma_start3A_254, %dma_start3A_255] : memref<40x128xi32, #tpu.memory_space<vmem>> -> memref<40x128xi32, #tpu.memory_space<vmem>>
        %dma_start3A_257 = arith.constant 80 : i32
        %dma_start3A_258 = arith.constant 0 : i32
        %dma_start3A_259 = tpu.memref_slice %arg3[%arg1, %dma_start3A_257, %dma_start3A_258] : memref<16x140x128xi32, #tpu.memory_space<hbm>> -> memref<1x40x128xi32, #tpu.memory_space<hbm>>
        %dma_start3A_260 = tpu.memref_squeeze %dma_start3A_259 : memref<1x40x128xi32, #tpu.memory_space<hbm>> -> memref<40x128xi32, #tpu.memory_space<hbm>>
        %dma_start3A_261 = arith.constant 0 : i32
        %dma_start3A_262 = arith.constant 0 : i32
        %dma_start3A_263 = tpu.memref_slice %arg9[%dma_start3A_261, %dma_start3A_262] : memref<40x128xi32, #tpu.memory_space<vmem>> -> memref<40x128xi32, #tpu.memory_space<vmem>>
        %dma_start3A_264 = arith.constant 80 : i32
        %dma_start3A_265 = arith.constant 0 : i32
        %dma_start3A_266 = tpu.memref_slice %arg3[%arg1, %dma_start3A_264, %dma_start3A_265] : memref<16x140x128xi32, #tpu.memory_space<hbm>> -> memref<1x40x128xi32, #tpu.memory_space<hbm>>
        %dma_start3A_267 = tpu.memref_squeeze %dma_start3A_266 : memref<1x40x128xi32, #tpu.memory_space<hbm>> -> memref<40x128xi32, #tpu.memory_space<hbm>>
        tpu.enqueue_dma source(%dma_start3A_267 : memref<40x128xi32, #tpu.memory_space<hbm>>) target(%dma_start3A_263 : memref<40x128xi32, #tpu.memory_space<vmem>>) target_semaphore(%run_scoped3A : memref<!tpu.dma_semaphore, #tpu.memory_space<semaphore_mem>>)
        %dma_wait3A_268 = arith.constant 0 : i32
        %dma_wait3A_269 = arith.constant 0 : i32
        %dma_wait3A_270 = tpu.memref_slice %arg9[%dma_wait3A_268, %dma_wait3A_269] : memref<40x128xi32, #tpu.memory_space<vmem>> -> memref<40x128xi32, #tpu.memory_space<vmem>>
        %dma_wait3A_271 = arith.constant 80 : i32
        %dma_wait3A_272 = arith.constant 0 : i32
        %dma_wait3A_273 = tpu.memref_slice %arg3[%arg1, %dma_wait3A_271, %dma_wait3A_272] : memref<16x140x128xi32, #tpu.memory_space<hbm>> -> memref<1x40x128xi32, #tpu.memory_space<hbm>>
        %dma_wait3A_274 = tpu.memref_squeeze %dma_wait3A_273 : memref<1x40x128xi32, #tpu.memory_space<hbm>> -> memref<40x128xi32, #tpu.memory_space<hbm>>
        %dma_wait3A_275 = arith.constant 0 : i32
        %dma_wait3A_276 = arith.constant 0 : i32
        %dma_wait3A_277 = tpu.memref_slice %arg9[%dma_wait3A_275, %dma_wait3A_276] : memref<40x128xi32, #tpu.memory_space<vmem>> -> memref<40x128xi32, #tpu.memory_space<vmem>>
        %dma_wait3A_278 = arith.constant 80 : i32
        %dma_wait3A_279 = arith.constant 0 : i32
        %dma_wait3A_280 = tpu.memref_slice %arg3[%arg1, %dma_wait3A_278, %dma_wait3A_279] : memref<16x140x128xi32, #tpu.memory_space<hbm>> -> memref<1x40x128xi32, #tpu.memory_space<hbm>>
        %dma_wait3A_281 = tpu.memref_squeeze %dma_wait3A_280 : memref<1x40x128xi32, #tpu.memory_space<hbm>> -> memref<40x128xi32, #tpu.memory_space<hbm>>
        tpu.wait_dma2 semaphore(%run_scoped3A : memref<!tpu.dma_semaphore, #tpu.memory_space<semaphore_mem>>) src(%dma_wait3A_281 : memref<40x128xi32, #tpu.memory_space<hbm>>) dst(%dma_wait3A_277 : memref<40x128xi32, #tpu.memory_space<vmem>>)
        tpu.yield
      }) : () -> ()
      "tpu.region"() ({
        %run_scoped3A = tpu.sem_alloc : memref<!tpu.dma_semaphore, #tpu.memory_space<semaphore_mem>>
        %dma_start3A_254 = arith.constant 0 : i32
        %dma_start3A_255 = arith.constant 0 : i32
        %dma_start3A_256 = tpu.memref_slice %arg10[%dma_start3A_254, %dma_start3A_255] : memref<40x128xi32, #tpu.memory_space<vmem>> -> memref<40x128xi32, #tpu.memory_space<vmem>>
        %dma_start3A_257 = arith.constant 80 : i32
        %dma_start3A_258 = arith.constant 0 : i32
        %dma_start3A_259 = tpu.memref_slice %arg4[%arg1, %dma_start3A_257, %dma_start3A_258] : memref<16x140x128xi32, #tpu.memory_space<hbm>> -> memref<1x40x128xi32, #tpu.memory_space<hbm>>
        %dma_start3A_260 = tpu.memref_squeeze %dma_start3A_259 : memref<1x40x128xi32, #tpu.memory_space<hbm>> -> memref<40x128xi32, #tpu.memory_space<hbm>>
        %dma_start3A_261 = arith.constant 0 : i32
        %dma_start3A_262 = arith.constant 0 : i32
        %dma_start3A_263 = tpu.memref_slice %arg10[%dma_start3A_261, %dma_start3A_262] : memref<40x128xi32, #tpu.memory_space<vmem>> -> memref<40x128xi32, #tpu.memory_space<vmem>>
        %dma_start3A_264 = arith.constant 80 : i32
        %dma_start3A_265 = arith.constant 0 : i32
        %dma_start3A_266 = tpu.memref_slice %arg4[%arg1, %dma_start3A_264, %dma_start3A_265] : memref<16x140x128xi32, #tpu.memory_space<hbm>> -> memref<1x40x128xi32, #tpu.memory_space<hbm>>
        %dma_start3A_267 = tpu.memref_squeeze %dma_start3A_266 : memref<1x40x128xi32, #tpu.memory_space<hbm>> -> memref<40x128xi32, #tpu.memory_space<hbm>>
        tpu.enqueue_dma source(%dma_start3A_267 : memref<40x128xi32, #tpu.memory_space<hbm>>) target(%dma_start3A_263 : memref<40x128xi32, #tpu.memory_space<vmem>>) target_semaphore(%run_scoped3A : memref<!tpu.dma_semaphore, #tpu.memory_space<semaphore_mem>>)
        %dma_wait3A_268 = arith.constant 0 : i32
        %dma_wait3A_269 = arith.constant 0 : i32
        %dma_wait3A_270 = tpu.memref_slice %arg10[%dma_wait3A_268, %dma_wait3A_269] : memref<40x128xi32, #tpu.memory_space<vmem>> -> memref<40x128xi32, #tpu.memory_space<vmem>>
        %dma_wait3A_271 = arith.constant 80 : i32
        %dma_wait3A_272 = arith.constant 0 : i32
        %dma_wait3A_273 = tpu.memref_slice %arg4[%arg1, %dma_wait3A_271, %dma_wait3A_272] : memref<16x140x128xi32, #tpu.memory_space<hbm>> -> memref<1x40x128xi32, #tpu.memory_space<hbm>>
        %dma_wait3A_274 = tpu.memref_squeeze %dma_wait3A_273 : memref<1x40x128xi32, #tpu.memory_space<hbm>> -> memref<40x128xi32, #tpu.memory_space<hbm>>
        %dma_wait3A_275 = arith.constant 0 : i32
        %dma_wait3A_276 = arith.constant 0 : i32
        %dma_wait3A_277 = tpu.memref_slice %arg10[%dma_wait3A_275, %dma_wait3A_276] : memref<40x128xi32, #tpu.memory_space<vmem>> -> memref<40x128xi32, #tpu.memory_space<vmem>>
        %dma_wait3A_278 = arith.constant 80 : i32
        %dma_wait3A_279 = arith.constant 0 : i32
        %dma_wait3A_280 = tpu.memref_slice %arg4[%arg1, %dma_wait3A_278, %dma_wait3A_279] : memref<16x140x128xi32, #tpu.memory_space<hbm>> -> memref<1x40x128xi32, #tpu.memory_space<hbm>>
        %dma_wait3A_281 = tpu.memref_squeeze %dma_wait3A_280 : memref<1x40x128xi32, #tpu.memory_space<hbm>> -> memref<40x128xi32, #tpu.memory_space<hbm>>
        tpu.wait_dma2 semaphore(%run_scoped3A : memref<!tpu.dma_semaphore, #tpu.memory_space<semaphore_mem>>) src(%dma_wait3A_281 : memref<40x128xi32, #tpu.memory_space<hbm>>) dst(%dma_wait3A_277 : memref<40x128xi32, #tpu.memory_space<vmem>>)
        tpu.yield
      }) : () -> ()
      %dma_start3A_132 = arith.constant 0 : i32
      %dma_start3A_133 = arith.constant 0 : i32
      %dma_start3A_134 = tpu.memref_slice %arg9[%dma_start3A_132, %dma_start3A_133] : memref<40x128xi32, #tpu.memory_space<vmem>> -> memref<1x128xi32, #tpu.memory_space<vmem>>
      %dma_start3A_135 = tpu.memref_squeeze %dma_start3A_134 : memref<1x128xi32, #tpu.memory_space<vmem>> -> memref<128xi32, #tpu.memory_space<vmem>>
      %dma_start3A_136 = arith.constant 0 : i32
      %dma_start3A_137 = arith.constant 0 : i32
      %dma_start3A_138 = tpu.memref_slice %arg2[%dma_start3A_136, %dma_start3A_137] : memref<10000x128xf32, #tpu.memory_space<hbm>> -> memref<10000x128xf32, #tpu.memory_space<hbm>>
      tpu.enqueue_indirect_dma source(%dma_start3A_138 : memref<10000x128xf32, #tpu.memory_space<hbm>>) target(%arg11 : memref<128x128xf32, #tpu.memory_space<vmem>>) offsets(%dma_start3A_135 : memref<128xi32, #tpu.memory_space<vmem>>) semaphore(%arg14 : memref<!tpu.dma_semaphore, #tpu.memory_space<semaphore_mem>>)
      %dma_start3A_139 = arith.constant 1 : i32
      %dma_start3A_140 = arith.constant 0 : i32
      %dma_start3A_141 = tpu.memref_slice %arg9[%dma_start3A_139, %dma_start3A_140] : memref<40x128xi32, #tpu.memory_space<vmem>> -> memref<1x128xi32, #tpu.memory_space<vmem>>
      %dma_start3A_142 = tpu.memref_squeeze %dma_start3A_141 : memref<1x128xi32, #tpu.memory_space<vmem>> -> memref<128xi32, #tpu.memory_space<vmem>>
      %dma_start3A_143 = arith.constant 0 : i32
      %dma_start3A_144 = arith.constant 0 : i32
      %dma_start3A_145 = tpu.memref_slice %arg2[%dma_start3A_143, %dma_start3A_144] : memref<10000x128xf32, #tpu.memory_space<hbm>> -> memref<10000x128xf32, #tpu.memory_space<hbm>>
      tpu.enqueue_indirect_dma source(%dma_start3A_145 : memref<10000x128xf32, #tpu.memory_space<hbm>>) target(%arg12 : memref<128x128xf32, #tpu.memory_space<vmem>>) offsets(%dma_start3A_142 : memref<128xi32, #tpu.memory_space<vmem>>) semaphore(%arg15 : memref<!tpu.dma_semaphore, #tpu.memory_space<semaphore_mem>>)
      %scan3A_146 = arith.constant 0 : i32
      %scan3A_147 = arith.constant 19 : i32
      %scan3A_148 = arith.addi %scan3A_146, %scan3A_147 : i32
      %scan3A_149 = arith.constant 1 : i32
      scf.for %scan3A_254 = %scan3A_146 to %scan3A_148 step %scan3A_149  : i32 {
        %mul3A_255 = arith.constant 1 : i32
        %mul3A_256 = arith.muli %scan3A_254, %mul3A_255 : i32
        %add3A = arith.constant 0 : i32
        %add3A_257 = arith.addi %add3A, %mul3A_256 : i32
        %mul3A_258 = arith.constant 2 : i32
        %mul3A_259 = arith.muli %mul3A_258, %add3A_257 : i32
        %add3A_260 = arith.constant 1 : i32
        %add3A_261 = arith.addi %mul3A_259, %add3A_260 : i32
        %dma_wait3A_262 = arith.constant 0 : i32
        %dma_wait3A_263 = tpu.memref_slice %arg9[%mul3A_259, %dma_wait3A_262] : memref<40x128xi32, #tpu.memory_space<vmem>> -> memref<1x128xi32, #tpu.memory_space<vmem>>
        %dma_wait3A_264 = tpu.memref_squeeze %dma_wait3A_263 : memref<1x128xi32, #tpu.memory_space<vmem>> -> memref<128xi32, #tpu.memory_space<vmem>>
        %dma_wait3A_265 = arith.constant 0 : i32
        %dma_wait3A_266 = arith.constant 0 : i32
        %dma_wait3A_267 = tpu.memref_slice %arg2[%dma_wait3A_265, %dma_wait3A_266] : memref<10000x128xf32, #tpu.memory_space<hbm>> -> memref<10000x128xf32, #tpu.memory_space<hbm>>
        tpu.wait_indirect_dma semaphore(%arg14 : memref<!tpu.dma_semaphore, #tpu.memory_space<semaphore_mem>>) src(%dma_wait3A_267 : memref<10000x128xf32, #tpu.memory_space<hbm>>) dst(%arg11 : memref<128x128xf32, #tpu.memory_space<vmem>>)
        %dma_start3A_268 = arith.constant 0 : i32
        %dma_start3A_269 = tpu.memref_slice %arg10[%mul3A_259, %dma_start3A_268] : memref<40x128xi32, #tpu.memory_space<vmem>> -> memref<1x128xi32, #tpu.memory_space<vmem>>
        %dma_start3A_270 = tpu.memref_squeeze %dma_start3A_269 : memref<1x128xi32, #tpu.memory_space<vmem>> -> memref<128xi32, #tpu.memory_space<vmem>>
        %dma_start3A_271 = arith.constant 0 : i32
        %dma_start3A_272 = arith.constant 0 : i32
        %dma_start3A_273 = tpu.memref_slice %arg13[%dma_start3A_271, %dma_start3A_272] : memref<10240x128xf32, #tpu.memory_space<vmem_shared>> -> memref<10240x128xf32, #tpu.memory_space<vmem_shared>>
        tpu.enqueue_indirect_dma source(%arg11 : memref<128x128xf32, #tpu.memory_space<vmem>>) target(%dma_start3A_273 : memref<10240x128xf32, #tpu.memory_space<vmem_shared>>) offsets(%dma_start3A_270 : memref<128xi32, #tpu.memory_space<vmem>>) semaphore(%arg16 : memref<!tpu.dma_semaphore, #tpu.memory_space<semaphore_mem>>) {add = true}
        %dma_wait3A_274 = arith.constant 0 : i32
        %dma_wait3A_275 = tpu.memref_slice %arg9[%add3A_261, %dma_wait3A_274] : memref<40x128xi32, #tpu.memory_space<vmem>> -> memref<1x128xi32, #tpu.memory_space<vmem>>
        %dma_wait3A_276 = tpu.memref_squeeze %dma_wait3A_275 : memref<1x128xi32, #tpu.memory_space<vmem>> -> memref<128xi32, #tpu.memory_space<vmem>>
        %dma_wait3A_277 = arith.constant 0 : i32
        %dma_wait3A_278 = arith.constant 0 : i32
        %dma_wait3A_279 = tpu.memref_slice %arg2[%dma_wait3A_277, %dma_wait3A_278] : memref<10000x128xf32, #tpu.memory_space<hbm>> -> memref<10000x128xf32, #tpu.memory_space<hbm>>
        tpu.wait_indirect_dma semaphore(%arg15 : memref<!tpu.dma_semaphore, #tpu.memory_space<semaphore_mem>>) src(%dma_wait3A_279 : memref<10000x128xf32, #tpu.memory_space<hbm>>) dst(%arg12 : memref<128x128xf32, #tpu.memory_space<vmem>>)
        %dma_start3A_280 = arith.constant 0 : i32
        %dma_start3A_281 = tpu.memref_slice %arg10[%add3A_261, %dma_start3A_280] : memref<40x128xi32, #tpu.memory_space<vmem>> -> memref<1x128xi32, #tpu.memory_space<vmem>>
        %dma_start3A_282 = tpu.memref_squeeze %dma_start3A_281 : memref<1x128xi32, #tpu.memory_space<vmem>> -> memref<128xi32, #tpu.memory_space<vmem>>
        %dma_start3A_283 = arith.constant 0 : i32
        %dma_start3A_284 = arith.constant 0 : i32
        %dma_start3A_285 = tpu.memref_slice %arg13[%dma_start3A_283, %dma_start3A_284] : memref<10240x128xf32, #tpu.memory_space<vmem_shared>> -> memref<10240x128xf32, #tpu.memory_space<vmem_shared>>
        tpu.enqueue_indirect_dma source(%arg12 : memref<128x128xf32, #tpu.memory_space<vmem>>) target(%dma_start3A_285 : memref<10240x128xf32, #tpu.memory_space<vmem_shared>>) offsets(%dma_start3A_282 : memref<128xi32, #tpu.memory_space<vmem>>) semaphore(%arg17 : memref<!tpu.dma_semaphore, #tpu.memory_space<semaphore_mem>>) {add = true}
        %dma_wait3A_286 = arith.constant 0 : i32
        %dma_wait3A_287 = tpu.memref_slice %arg10[%mul3A_259, %dma_wait3A_286] : memref<40x128xi32, #tpu.memory_space<vmem>> -> memref<1x128xi32, #tpu.memory_space<vmem>>
        %dma_wait3A_288 = tpu.memref_squeeze %dma_wait3A_287 : memref<1x128xi32, #tpu.memory_space<vmem>> -> memref<128xi32, #tpu.memory_space<vmem>>
        %dma_wait3A_289 = arith.constant 0 : i32
        %dma_wait3A_290 = arith.constant 0 : i32
        %dma_wait3A_291 = tpu.memref_slice %arg13[%dma_wait3A_289, %dma_wait3A_290] : memref<10240x128xf32, #tpu.memory_space<vmem_shared>> -> memref<10240x128xf32, #tpu.memory_space<vmem_shared>>
        tpu.wait_indirect_dma semaphore(%arg16 : memref<!tpu.dma_semaphore, #tpu.memory_space<semaphore_mem>>) src(%arg11 : memref<128x128xf32, #tpu.memory_space<vmem>>) dst(%dma_wait3A_291 : memref<10240x128xf32, #tpu.memory_space<vmem_shared>>)
        %add3A_292 = arith.constant 2 : i32
        %add3A_293 = arith.addi %mul3A_259, %add3A_292 : i32
        %dma_start3A_294 = arith.constant 0 : i32
        %dma_start3A_295 = tpu.memref_slice %arg9[%add3A_293, %dma_start3A_294] : memref<40x128xi32, #tpu.memory_space<vmem>> -> memref<1x128xi32, #tpu.memory_space<vmem>>
        %dma_start3A_296 = tpu.memref_squeeze %dma_start3A_295 : memref<1x128xi32, #tpu.memory_space<vmem>> -> memref<128xi32, #tpu.memory_space<vmem>>
        %dma_start3A_297 = arith.constant 0 : i32
        %dma_start3A_298 = arith.constant 0 : i32
        %dma_start3A_299 = tpu.memref_slice %arg2[%dma_start3A_297, %dma_start3A_298] : memref<10000x128xf32, #tpu.memory_space<hbm>> -> memref<10000x128xf32, #tpu.memory_space<hbm>>
        tpu.enqueue_indirect_dma source(%dma_start3A_299 : memref<10000x128xf32, #tpu.memory_space<hbm>>) target(%arg11 : memref<128x128xf32, #tpu.memory_space<vmem>>) offsets(%dma_start3A_296 : memref<128xi32, #tpu.memory_space<vmem>>) semaphore(%arg14 : memref<!tpu.dma_semaphore, #tpu.memory_space<semaphore_mem>>)
        %dma_wait3A_300 = arith.constant 0 : i32
        %dma_wait3A_301 = tpu.memref_slice %arg10[%add3A_261, %dma_wait3A_300] : memref<40x128xi32, #tpu.memory_space<vmem>> -> memref<1x128xi32, #tpu.memory_space<vmem>>
        %dma_wait3A_302 = tpu.memref_squeeze %dma_wait3A_301 : memref<1x128xi32, #tpu.memory_space<vmem>> -> memref<128xi32, #tpu.memory_space<vmem>>
        %dma_wait3A_303 = arith.constant 0 : i32
        %dma_wait3A_304 = arith.constant 0 : i32
        %dma_wait3A_305 = tpu.memref_slice %arg13[%dma_wait3A_303, %dma_wait3A_304] : memref<10240x128xf32, #tpu.memory_space<vmem_shared>> -> memref<10240x128xf32, #tpu.memory_space<vmem_shared>>
        tpu.wait_indirect_dma semaphore(%arg17 : memref<!tpu.dma_semaphore, #tpu.memory_space<semaphore_mem>>) src(%arg12 : memref<128x128xf32, #tpu.memory_space<vmem>>) dst(%dma_wait3A_305 : memref<10240x128xf32, #tpu.memory_space<vmem_shared>>)
        %add3A_306 = arith.constant 2 : i32
        %add3A_307 = arith.addi %add3A_261, %add3A_306 : i32
        %dma_start3A_308 = arith.constant 0 : i32
        %dma_start3A_309 = tpu.memref_slice %arg9[%add3A_307, %dma_start3A_308] : memref<40x128xi32, #tpu.memory_space<vmem>> -> memref<1x128xi32, #tpu.memory_space<vmem>>
        %dma_start3A_310 = tpu.memref_squeeze %dma_start3A_309 : memref<1x128xi32, #tpu.memory_space<vmem>> -> memref<128xi32, #tpu.memory_space<vmem>>
        %dma_start3A_311 = arith.constant 0 : i32
        %dma_start3A_312 = arith.constant 0 : i32
        %dma_start3A_313 = tpu.memref_slice %arg2[%dma_start3A_311, %dma_start3A_312] : memref<10000x128xf32, #tpu.memory_space<hbm>> -> memref<10000x128xf32, #tpu.memory_space<hbm>>
        tpu.enqueue_indirect_dma source(%dma_start3A_313 : memref<10000x128xf32, #tpu.memory_space<hbm>>) target(%arg12 : memref<128x128xf32, #tpu.memory_space<vmem>>) offsets(%dma_start3A_310 : memref<128xi32, #tpu.memory_space<vmem>>) semaphore(%arg15 : memref<!tpu.dma_semaphore, #tpu.memory_space<semaphore_mem>>)
      }
      %scan3A_150 = arith.constant 19 : i32
      %dma_wait3A_151 = arith.constant 38 : i32
      %dma_wait3A_152 = arith.constant 0 : i32
      %dma_wait3A_153 = tpu.memref_slice %arg9[%dma_wait3A_151, %dma_wait3A_152] : memref<40x128xi32, #tpu.memory_space<vmem>> -> memref<1x128xi32, #tpu.memory_space<vmem>>
      %dma_wait3A_154 = tpu.memref_squeeze %dma_wait3A_153 : memref<1x128xi32, #tpu.memory_space<vmem>> -> memref<128xi32, #tpu.memory_space<vmem>>
      %dma_wait3A_155 = arith.constant 0 : i32
      %dma_wait3A_156 = arith.constant 0 : i32
      %dma_wait3A_157 = tpu.memref_slice %arg2[%dma_wait3A_155, %dma_wait3A_156] : memref<10000x128xf32, #tpu.memory_space<hbm>> -> memref<10000x128xf32, #tpu.memory_space<hbm>>
      tpu.wait_indirect_dma semaphore(%arg14 : memref<!tpu.dma_semaphore, #tpu.memory_space<semaphore_mem>>) src(%dma_wait3A_157 : memref<10000x128xf32, #tpu.memory_space<hbm>>) dst(%arg11 : memref<128x128xf32, #tpu.memory_space<vmem>>)
      %dma_start3A_158 = arith.constant 38 : i32
      %dma_start3A_159 = arith.constant 0 : i32
      %dma_start3A_160 = tpu.memref_slice %arg10[%dma_start3A_158, %dma_start3A_159] : memref<40x128xi32, #tpu.memory_space<vmem>> -> memref<1x128xi32, #tpu.memory_space<vmem>>
      %dma_start3A_161 = tpu.memref_squeeze %dma_start3A_160 : memref<1x128xi32, #tpu.memory_space<vmem>> -> memref<128xi32, #tpu.memory_space<vmem>>
      %dma_start3A_162 = arith.constant 0 : i32
      %dma_start3A_163 = arith.constant 0 : i32
      %dma_start3A_164 = tpu.memref_slice %arg13[%dma_start3A_162, %dma_start3A_163] : memref<10240x128xf32, #tpu.memory_space<vmem_shared>> -> memref<10240x128xf32, #tpu.memory_space<vmem_shared>>
      tpu.enqueue_indirect_dma source(%arg11 : memref<128x128xf32, #tpu.memory_space<vmem>>) target(%dma_start3A_164 : memref<10240x128xf32, #tpu.memory_space<vmem_shared>>) offsets(%dma_start3A_161 : memref<128xi32, #tpu.memory_space<vmem>>) semaphore(%arg16 : memref<!tpu.dma_semaphore, #tpu.memory_space<semaphore_mem>>) {add = true}
      %dma_wait3A_165 = arith.constant 39 : i32
      %dma_wait3A_166 = arith.constant 0 : i32
      %dma_wait3A_167 = tpu.memref_slice %arg9[%dma_wait3A_165, %dma_wait3A_166] : memref<40x128xi32, #tpu.memory_space<vmem>> -> memref<1x128xi32, #tpu.memory_space<vmem>>
      %dma_wait3A_168 = tpu.memref_squeeze %dma_wait3A_167 : memref<1x128xi32, #tpu.memory_space<vmem>> -> memref<128xi32, #tpu.memory_space<vmem>>
      %dma_wait3A_169 = arith.constant 0 : i32
      %dma_wait3A_170 = arith.constant 0 : i32
      %dma_wait3A_171 = tpu.memref_slice %arg2[%dma_wait3A_169, %dma_wait3A_170] : memref<10000x128xf32, #tpu.memory_space<hbm>> -> memref<10000x128xf32, #tpu.memory_space<hbm>>
      tpu.wait_indirect_dma semaphore(%arg15 : memref<!tpu.dma_semaphore, #tpu.memory_space<semaphore_mem>>) src(%dma_wait3A_171 : memref<10000x128xf32, #tpu.memory_space<hbm>>) dst(%arg12 : memref<128x128xf32, #tpu.memory_space<vmem>>)
      %dma_start3A_172 = arith.constant 39 : i32
      %dma_start3A_173 = arith.constant 0 : i32
      %dma_start3A_174 = tpu.memref_slice %arg10[%dma_start3A_172, %dma_start3A_173] : memref<40x128xi32, #tpu.memory_space<vmem>> -> memref<1x128xi32, #tpu.memory_space<vmem>>
      %dma_start3A_175 = tpu.memref_squeeze %dma_start3A_174 : memref<1x128xi32, #tpu.memory_space<vmem>> -> memref<128xi32, #tpu.memory_space<vmem>>
      %dma_start3A_176 = arith.constant 0 : i32
      %dma_start3A_177 = arith.constant 0 : i32
      %dma_start3A_178 = tpu.memref_slice %arg13[%dma_start3A_176, %dma_start3A_177] : memref<10240x128xf32, #tpu.memory_space<vmem_shared>> -> memref<10240x128xf32, #tpu.memory_space<vmem_shared>>
      tpu.enqueue_indirect_dma source(%arg12 : memref<128x128xf32, #tpu.memory_space<vmem>>) target(%dma_start3A_178 : memref<10240x128xf32, #tpu.memory_space<vmem_shared>>) offsets(%dma_start3A_175 : memref<128xi32, #tpu.memory_space<vmem>>) semaphore(%arg17 : memref<!tpu.dma_semaphore, #tpu.memory_space<semaphore_mem>>) {add = true}
      %dma_wait3A_179 = arith.constant 38 : i32
      %dma_wait3A_180 = arith.constant 0 : i32
      %dma_wait3A_181 = tpu.memref_slice %arg10[%dma_wait3A_179, %dma_wait3A_180] : memref<40x128xi32, #tpu.memory_space<vmem>> -> memref<1x128xi32, #tpu.memory_space<vmem>>
      %dma_wait3A_182 = tpu.memref_squeeze %dma_wait3A_181 : memref<1x128xi32, #tpu.memory_space<vmem>> -> memref<128xi32, #tpu.memory_space<vmem>>
      %dma_wait3A_183 = arith.constant 0 : i32
      %dma_wait3A_184 = arith.constant 0 : i32
      %dma_wait3A_185 = tpu.memref_slice %arg13[%dma_wait3A_183, %dma_wait3A_184] : memref<10240x128xf32, #tpu.memory_space<vmem_shared>> -> memref<10240x128xf32, #tpu.memory_space<vmem_shared>>
      tpu.wait_indirect_dma semaphore(%arg16 : memref<!tpu.dma_semaphore, #tpu.memory_space<semaphore_mem>>) src(%arg11 : memref<128x128xf32, #tpu.memory_space<vmem>>) dst(%dma_wait3A_185 : memref<10240x128xf32, #tpu.memory_space<vmem_shared>>)
      %dma_wait3A_186 = arith.constant 39 : i32
      %dma_wait3A_187 = arith.constant 0 : i32
      %dma_wait3A_188 = tpu.memref_slice %arg10[%dma_wait3A_186, %dma_wait3A_187] : memref<40x128xi32, #tpu.memory_space<vmem>> -> memref<1x128xi32, #tpu.memory_space<vmem>>
      %dma_wait3A_189 = tpu.memref_squeeze %dma_wait3A_188 : memref<1x128xi32, #tpu.memory_space<vmem>> -> memref<128xi32, #tpu.memory_space<vmem>>
      %dma_wait3A_190 = arith.constant 0 : i32
      %dma_wait3A_191 = arith.constant 0 : i32
      %dma_wait3A_192 = tpu.memref_slice %arg13[%dma_wait3A_190, %dma_wait3A_191] : memref<10240x128xf32, #tpu.memory_space<vmem_shared>> -> memref<10240x128xf32, #tpu.memory_space<vmem_shared>>
      tpu.wait_indirect_dma semaphore(%arg17 : memref<!tpu.dma_semaphore, #tpu.memory_space<semaphore_mem>>) src(%arg12 : memref<128x128xf32, #tpu.memory_space<vmem>>) dst(%dma_wait3A_192 : memref<10240x128xf32, #tpu.memory_space<vmem_shared>>)
      "tpu.region"() ({
        %run_scoped3A = tpu.sem_alloc : memref<!tpu.dma_semaphore, #tpu.memory_space<semaphore_mem>>
        %dma_start3A_254 = arith.constant 0 : i32
        %dma_start3A_255 = arith.constant 0 : i32
        %dma_start3A_256 = tpu.memref_slice %arg9[%dma_start3A_254, %dma_start3A_255] : memref<40x128xi32, #tpu.memory_space<vmem>> -> memref<20x128xi32, #tpu.memory_space<vmem>>
        %dma_start3A_257 = arith.constant 120 : i32
        %dma_start3A_258 = arith.constant 0 : i32
        %dma_start3A_259 = tpu.memref_slice %arg3[%arg1, %dma_start3A_257, %dma_start3A_258] : memref<16x140x128xi32, #tpu.memory_space<hbm>> -> memref<1x20x128xi32, #tpu.memory_space<hbm>>
        %dma_start3A_260 = tpu.memref_squeeze %dma_start3A_259 : memref<1x20x128xi32, #tpu.memory_space<hbm>> -> memref<20x128xi32, #tpu.memory_space<hbm>>
        %dma_start3A_261 = arith.constant 0 : i32
        %dma_start3A_262 = arith.constant 0 : i32
        %dma_start3A_263 = tpu.memref_slice %arg9[%dma_start3A_261, %dma_start3A_262] : memref<40x128xi32, #tpu.memory_space<vmem>> -> memref<20x128xi32, #tpu.memory_space<vmem>>
        %dma_start3A_264 = arith.constant 120 : i32
        %dma_start3A_265 = arith.constant 0 : i32
        %dma_start3A_266 = tpu.memref_slice %arg3[%arg1, %dma_start3A_264, %dma_start3A_265] : memref<16x140x128xi32, #tpu.memory_space<hbm>> -> memref<1x20x128xi32, #tpu.memory_space<hbm>>
        %dma_start3A_267 = tpu.memref_squeeze %dma_start3A_266 : memref<1x20x128xi32, #tpu.memory_space<hbm>> -> memref<20x128xi32, #tpu.memory_space<hbm>>
        tpu.enqueue_dma source(%dma_start3A_267 : memref<20x128xi32, #tpu.memory_space<hbm>>) target(%dma_start3A_263 : memref<20x128xi32, #tpu.memory_space<vmem>>) target_semaphore(%run_scoped3A : memref<!tpu.dma_semaphore, #tpu.memory_space<semaphore_mem>>)
        %dma_wait3A_268 = arith.constant 0 : i32
        %dma_wait3A_269 = arith.constant 0 : i32
        %dma_wait3A_270 = tpu.memref_slice %arg9[%dma_wait3A_268, %dma_wait3A_269] : memref<40x128xi32, #tpu.memory_space<vmem>> -> memref<20x128xi32, #tpu.memory_space<vmem>>
        %dma_wait3A_271 = arith.constant 120 : i32
        %dma_wait3A_272 = arith.constant 0 : i32
        %dma_wait3A_273 = tpu.memref_slice %arg3[%arg1, %dma_wait3A_271, %dma_wait3A_272] : memref<16x140x128xi32, #tpu.memory_space<hbm>> -> memref<1x20x128xi32, #tpu.memory_space<hbm>>
        %dma_wait3A_274 = tpu.memref_squeeze %dma_wait3A_273 : memref<1x20x128xi32, #tpu.memory_space<hbm>> -> memref<20x128xi32, #tpu.memory_space<hbm>>
        %dma_wait3A_275 = arith.constant 0 : i32
        %dma_wait3A_276 = arith.constant 0 : i32
        %dma_wait3A_277 = tpu.memref_slice %arg9[%dma_wait3A_275, %dma_wait3A_276] : memref<40x128xi32, #tpu.memory_space<vmem>> -> memref<20x128xi32, #tpu.memory_space<vmem>>
        %dma_wait3A_278 = arith.constant 120 : i32
        %dma_wait3A_279 = arith.constant 0 : i32
        %dma_wait3A_280 = tpu.memref_slice %arg3[%arg1, %dma_wait3A_278, %dma_wait3A_279] : memref<16x140x128xi32, #tpu.memory_space<hbm>> -> memref<1x20x128xi32, #tpu.memory_space<hbm>>
        %dma_wait3A_281 = tpu.memref_squeeze %dma_wait3A_280 : memref<1x20x128xi32, #tpu.memory_space<hbm>> -> memref<20x128xi32, #tpu.memory_space<hbm>>
        tpu.wait_dma2 semaphore(%run_scoped3A : memref<!tpu.dma_semaphore, #tpu.memory_space<semaphore_mem>>) src(%dma_wait3A_281 : memref<20x128xi32, #tpu.memory_space<hbm>>) dst(%dma_wait3A_277 : memref<20x128xi32, #tpu.memory_space<vmem>>)
        tpu.yield
      }) : () -> ()
      "tpu.region"() ({
        %run_scoped3A = tpu.sem_alloc : memref<!tpu.dma_semaphore, #tpu.memory_space<semaphore_mem>>
        %dma_start3A_254 = arith.constant 0 : i32
        %dma_start3A_255 = arith.constant 0 : i32
        %dma_start3A_256 = tpu.memref_slice %arg10[%dma_start3A_254, %dma_start3A_255] : memref<40x128xi32, #tpu.memory_space<vmem>> -> memref<20x128xi32, #tpu.memory_space<vmem>>
        %dma_start3A_257 = arith.constant 120 : i32
        %dma_start3A_258 = arith.constant 0 : i32
        %dma_start3A_259 = tpu.memref_slice %arg4[%arg1, %dma_start3A_257, %dma_start3A_258] : memref<16x140x128xi32, #tpu.memory_space<hbm>> -> memref<1x20x128xi32, #tpu.memory_space<hbm>>
        %dma_start3A_260 = tpu.memref_squeeze %dma_start3A_259 : memref<1x20x128xi32, #tpu.memory_space<hbm>> -> memref<20x128xi32, #tpu.memory_space<hbm>>
        %dma_start3A_261 = arith.constant 0 : i32
        %dma_start3A_262 = arith.constant 0 : i32
        %dma_start3A_263 = tpu.memref_slice %arg10[%dma_start3A_261, %dma_start3A_262] : memref<40x128xi32, #tpu.memory_space<vmem>> -> memref<20x128xi32, #tpu.memory_space<vmem>>
        %dma_start3A_264 = arith.constant 120 : i32
        %dma_start3A_265 = arith.constant 0 : i32
        %dma_start3A_266 = tpu.memref_slice %arg4[%arg1, %dma_start3A_264, %dma_start3A_265] : memref<16x140x128xi32, #tpu.memory_space<hbm>> -> memref<1x20x128xi32, #tpu.memory_space<hbm>>
        %dma_start3A_267 = tpu.memref_squeeze %dma_start3A_266 : memref<1x20x128xi32, #tpu.memory_space<hbm>> -> memref<20x128xi32, #tpu.memory_space<hbm>>
        tpu.enqueue_dma source(%dma_start3A_267 : memref<20x128xi32, #tpu.memory_space<hbm>>) target(%dma_start3A_263 : memref<20x128xi32, #tpu.memory_space<vmem>>) target_semaphore(%run_scoped3A : memref<!tpu.dma_semaphore, #tpu.memory_space<semaphore_mem>>)
        %dma_wait3A_268 = arith.constant 0 : i32
        %dma_wait3A_269 = arith.constant 0 : i32
        %dma_wait3A_270 = tpu.memref_slice %arg10[%dma_wait3A_268, %dma_wait3A_269] : memref<40x128xi32, #tpu.memory_space<vmem>> -> memref<20x128xi32, #tpu.memory_space<vmem>>
        %dma_wait3A_271 = arith.constant 120 : i32
        %dma_wait3A_272 = arith.constant 0 : i32
        %dma_wait3A_273 = tpu.memref_slice %arg4[%arg1, %dma_wait3A_271, %dma_wait3A_272] : memref<16x140x128xi32, #tpu.memory_space<hbm>> -> memref<1x20x128xi32, #tpu.memory_space<hbm>>
        %dma_wait3A_274 = tpu.memref_squeeze %dma_wait3A_273 : memref<1x20x128xi32, #tpu.memory_space<hbm>> -> memref<20x128xi32, #tpu.memory_space<hbm>>
        %dma_wait3A_275 = arith.constant 0 : i32
        %dma_wait3A_276 = arith.constant 0 : i32
        %dma_wait3A_277 = tpu.memref_slice %arg10[%dma_wait3A_275, %dma_wait3A_276] : memref<40x128xi32, #tpu.memory_space<vmem>> -> memref<20x128xi32, #tpu.memory_space<vmem>>
        %dma_wait3A_278 = arith.constant 120 : i32
        %dma_wait3A_279 = arith.constant 0 : i32
        %dma_wait3A_280 = tpu.memref_slice %arg4[%arg1, %dma_wait3A_278, %dma_wait3A_279] : memref<16x140x128xi32, #tpu.memory_space<hbm>> -> memref<1x20x128xi32, #tpu.memory_space<hbm>>
        %dma_wait3A_281 = tpu.memref_squeeze %dma_wait3A_280 : memref<1x20x128xi32, #tpu.memory_space<hbm>> -> memref<20x128xi32, #tpu.memory_space<hbm>>
        tpu.wait_dma2 semaphore(%run_scoped3A : memref<!tpu.dma_semaphore, #tpu.memory_space<semaphore_mem>>) src(%dma_wait3A_281 : memref<20x128xi32, #tpu.memory_space<hbm>>) dst(%dma_wait3A_277 : memref<20x128xi32, #tpu.memory_space<vmem>>)
        tpu.yield
      }) : () -> ()
      %dma_start3A_193 = arith.constant 0 : i32
      %dma_start3A_194 = arith.constant 0 : i32
      %dma_start3A_195 = tpu.memref_slice %arg9[%dma_start3A_193, %dma_start3A_194] : memref<40x128xi32, #tpu.memory_space<vmem>> -> memref<1x128xi32, #tpu.memory_space<vmem>>
      %dma_start3A_196 = tpu.memref_squeeze %dma_start3A_195 : memref<1x128xi32, #tpu.memory_space<vmem>> -> memref<128xi32, #tpu.memory_space<vmem>>
      %dma_start3A_197 = arith.constant 0 : i32
      %dma_start3A_198 = arith.constant 0 : i32
      %dma_start3A_199 = tpu.memref_slice %arg2[%dma_start3A_197, %dma_start3A_198] : memref<10000x128xf32, #tpu.memory_space<hbm>> -> memref<10000x128xf32, #tpu.memory_space<hbm>>
      tpu.enqueue_indirect_dma source(%dma_start3A_199 : memref<10000x128xf32, #tpu.memory_space<hbm>>) target(%arg11 : memref<128x128xf32, #tpu.memory_space<vmem>>) offsets(%dma_start3A_196 : memref<128xi32, #tpu.memory_space<vmem>>) semaphore(%arg14 : memref<!tpu.dma_semaphore, #tpu.memory_space<semaphore_mem>>)
      %dma_start3A_200 = arith.constant 1 : i32
      %dma_start3A_201 = arith.constant 0 : i32
      %dma_start3A_202 = tpu.memref_slice %arg9[%dma_start3A_200, %dma_start3A_201] : memref<40x128xi32, #tpu.memory_space<vmem>> -> memref<1x128xi32, #tpu.memory_space<vmem>>
      %dma_start3A_203 = tpu.memref_squeeze %dma_start3A_202 : memref<1x128xi32, #tpu.memory_space<vmem>> -> memref<128xi32, #tpu.memory_space<vmem>>
      %dma_start3A_204 = arith.constant 0 : i32
      %dma_start3A_205 = arith.constant 0 : i32
      %dma_start3A_206 = tpu.memref_slice %arg2[%dma_start3A_204, %dma_start3A_205] : memref<10000x128xf32, #tpu.memory_space<hbm>> -> memref<10000x128xf32, #tpu.memory_space<hbm>>
      tpu.enqueue_indirect_dma source(%dma_start3A_206 : memref<10000x128xf32, #tpu.memory_space<hbm>>) target(%arg12 : memref<128x128xf32, #tpu.memory_space<vmem>>) offsets(%dma_start3A_203 : memref<128xi32, #tpu.memory_space<vmem>>) semaphore(%arg15 : memref<!tpu.dma_semaphore, #tpu.memory_space<semaphore_mem>>)
      %scan3A_207 = arith.constant 0 : i32
      %scan3A_208 = arith.constant 9 : i32
      %scan3A_209 = arith.addi %scan3A_207, %scan3A_208 : i32
      %scan3A_210 = arith.constant 1 : i32
      scf.for %scan3A_254 = %scan3A_207 to %scan3A_209 step %scan3A_210  : i32 {
        %mul3A_255 = arith.constant 1 : i32
        %mul3A_256 = arith.muli %scan3A_254, %mul3A_255 : i32
        %add3A = arith.constant 0 : i32
        %add3A_257 = arith.addi %add3A, %mul3A_256 : i32
        %mul3A_258 = arith.constant 2 : i32
        %mul3A_259 = arith.muli %mul3A_258, %add3A_257 : i32
        %add3A_260 = arith.constant 1 : i32
        %add3A_261 = arith.addi %mul3A_259, %add3A_260 : i32
        %dma_wait3A_262 = arith.constant 0 : i32
        %dma_wait3A_263 = tpu.memref_slice %arg9[%mul3A_259, %dma_wait3A_262] : memref<40x128xi32, #tpu.memory_space<vmem>> -> memref<1x128xi32, #tpu.memory_space<vmem>>
        %dma_wait3A_264 = tpu.memref_squeeze %dma_wait3A_263 : memref<1x128xi32, #tpu.memory_space<vmem>> -> memref<128xi32, #tpu.memory_space<vmem>>
        %dma_wait3A_265 = arith.constant 0 : i32
        %dma_wait3A_266 = arith.constant 0 : i32
        %dma_wait3A_267 = tpu.memref_slice %arg2[%dma_wait3A_265, %dma_wait3A_266] : memref<10000x128xf32, #tpu.memory_space<hbm>> -> memref<10000x128xf32, #tpu.memory_space<hbm>>
        tpu.wait_indirect_dma semaphore(%arg14 : memref<!tpu.dma_semaphore, #tpu.memory_space<semaphore_mem>>) src(%dma_wait3A_267 : memref<10000x128xf32, #tpu.memory_space<hbm>>) dst(%arg11 : memref<128x128xf32, #tpu.memory_space<vmem>>)
        %dma_start3A_268 = arith.constant 0 : i32
        %dma_start3A_269 = tpu.memref_slice %arg10[%mul3A_259, %dma_start3A_268] : memref<40x128xi32, #tpu.memory_space<vmem>> -> memref<1x128xi32, #tpu.memory_space<vmem>>
        %dma_start3A_270 = tpu.memref_squeeze %dma_start3A_269 : memref<1x128xi32, #tpu.memory_space<vmem>> -> memref<128xi32, #tpu.memory_space<vmem>>
        %dma_start3A_271 = arith.constant 0 : i32
        %dma_start3A_272 = arith.constant 0 : i32
        %dma_start3A_273 = tpu.memref_slice %arg13[%dma_start3A_271, %dma_start3A_272] : memref<10240x128xf32, #tpu.memory_space<vmem_shared>> -> memref<10240x128xf32, #tpu.memory_space<vmem_shared>>
        tpu.enqueue_indirect_dma source(%arg11 : memref<128x128xf32, #tpu.memory_space<vmem>>) target(%dma_start3A_273 : memref<10240x128xf32, #tpu.memory_space<vmem_shared>>) offsets(%dma_start3A_270 : memref<128xi32, #tpu.memory_space<vmem>>) semaphore(%arg16 : memref<!tpu.dma_semaphore, #tpu.memory_space<semaphore_mem>>) {add = true}
        %dma_wait3A_274 = arith.constant 0 : i32
        %dma_wait3A_275 = tpu.memref_slice %arg9[%add3A_261, %dma_wait3A_274] : memref<40x128xi32, #tpu.memory_space<vmem>> -> memref<1x128xi32, #tpu.memory_space<vmem>>
        %dma_wait3A_276 = tpu.memref_squeeze %dma_wait3A_275 : memref<1x128xi32, #tpu.memory_space<vmem>> -> memref<128xi32, #tpu.memory_space<vmem>>
        %dma_wait3A_277 = arith.constant 0 : i32
        %dma_wait3A_278 = arith.constant 0 : i32
        %dma_wait3A_279 = tpu.memref_slice %arg2[%dma_wait3A_277, %dma_wait3A_278] : memref<10000x128xf32, #tpu.memory_space<hbm>> -> memref<10000x128xf32, #tpu.memory_space<hbm>>
        tpu.wait_indirect_dma semaphore(%arg15 : memref<!tpu.dma_semaphore, #tpu.memory_space<semaphore_mem>>) src(%dma_wait3A_279 : memref<10000x128xf32, #tpu.memory_space<hbm>>) dst(%arg12 : memref<128x128xf32, #tpu.memory_space<vmem>>)
        %dma_start3A_280 = arith.constant 0 : i32
        %dma_start3A_281 = tpu.memref_slice %arg10[%add3A_261, %dma_start3A_280] : memref<40x128xi32, #tpu.memory_space<vmem>> -> memref<1x128xi32, #tpu.memory_space<vmem>>
        %dma_start3A_282 = tpu.memref_squeeze %dma_start3A_281 : memref<1x128xi32, #tpu.memory_space<vmem>> -> memref<128xi32, #tpu.memory_space<vmem>>
        %dma_start3A_283 = arith.constant 0 : i32
        %dma_start3A_284 = arith.constant 0 : i32
        %dma_start3A_285 = tpu.memref_slice %arg13[%dma_start3A_283, %dma_start3A_284] : memref<10240x128xf32, #tpu.memory_space<vmem_shared>> -> memref<10240x128xf32, #tpu.memory_space<vmem_shared>>
        tpu.enqueue_indirect_dma source(%arg12 : memref<128x128xf32, #tpu.memory_space<vmem>>) target(%dma_start3A_285 : memref<10240x128xf32, #tpu.memory_space<vmem_shared>>) offsets(%dma_start3A_282 : memref<128xi32, #tpu.memory_space<vmem>>) semaphore(%arg17 : memref<!tpu.dma_semaphore, #tpu.memory_space<semaphore_mem>>) {add = true}
        %dma_wait3A_286 = arith.constant 0 : i32
        %dma_wait3A_287 = tpu.memref_slice %arg10[%mul3A_259, %dma_wait3A_286] : memref<40x128xi32, #tpu.memory_space<vmem>> -> memref<1x128xi32, #tpu.memory_space<vmem>>
        %dma_wait3A_288 = tpu.memref_squeeze %dma_wait3A_287 : memref<1x128xi32, #tpu.memory_space<vmem>> -> memref<128xi32, #tpu.memory_space<vmem>>
        %dma_wait3A_289 = arith.constant 0 : i32
        %dma_wait3A_290 = arith.constant 0 : i32
        %dma_wait3A_291 = tpu.memref_slice %arg13[%dma_wait3A_289, %dma_wait3A_290] : memref<10240x128xf32, #tpu.memory_space<vmem_shared>> -> memref<10240x128xf32, #tpu.memory_space<vmem_shared>>
        tpu.wait_indirect_dma semaphore(%arg16 : memref<!tpu.dma_semaphore, #tpu.memory_space<semaphore_mem>>) src(%arg11 : memref<128x128xf32, #tpu.memory_space<vmem>>) dst(%dma_wait3A_291 : memref<10240x128xf32, #tpu.memory_space<vmem_shared>>)
        %add3A_292 = arith.constant 2 : i32
        %add3A_293 = arith.addi %mul3A_259, %add3A_292 : i32
        %dma_start3A_294 = arith.constant 0 : i32
        %dma_start3A_295 = tpu.memref_slice %arg9[%add3A_293, %dma_start3A_294] : memref<40x128xi32, #tpu.memory_space<vmem>> -> memref<1x128xi32, #tpu.memory_space<vmem>>
        %dma_start3A_296 = tpu.memref_squeeze %dma_start3A_295 : memref<1x128xi32, #tpu.memory_space<vmem>> -> memref<128xi32, #tpu.memory_space<vmem>>
        %dma_start3A_297 = arith.constant 0 : i32
        %dma_start3A_298 = arith.constant 0 : i32
        %dma_start3A_299 = tpu.memref_slice %arg2[%dma_start3A_297, %dma_start3A_298] : memref<10000x128xf32, #tpu.memory_space<hbm>> -> memref<10000x128xf32, #tpu.memory_space<hbm>>
        tpu.enqueue_indirect_dma source(%dma_start3A_299 : memref<10000x128xf32, #tpu.memory_space<hbm>>) target(%arg11 : memref<128x128xf32, #tpu.memory_space<vmem>>) offsets(%dma_start3A_296 : memref<128xi32, #tpu.memory_space<vmem>>) semaphore(%arg14 : memref<!tpu.dma_semaphore, #tpu.memory_space<semaphore_mem>>)
        %dma_wait3A_300 = arith.constant 0 : i32
        %dma_wait3A_301 = tpu.memref_slice %arg10[%add3A_261, %dma_wait3A_300] : memref<40x128xi32, #tpu.memory_space<vmem>> -> memref<1x128xi32, #tpu.memory_space<vmem>>
        %dma_wait3A_302 = tpu.memref_squeeze %dma_wait3A_301 : memref<1x128xi32, #tpu.memory_space<vmem>> -> memref<128xi32, #tpu.memory_space<vmem>>
        %dma_wait3A_303 = arith.constant 0 : i32
        %dma_wait3A_304 = arith.constant 0 : i32
        %dma_wait3A_305 = tpu.memref_slice %arg13[%dma_wait3A_303, %dma_wait3A_304] : memref<10240x128xf32, #tpu.memory_space<vmem_shared>> -> memref<10240x128xf32, #tpu.memory_space<vmem_shared>>
        tpu.wait_indirect_dma semaphore(%arg17 : memref<!tpu.dma_semaphore, #tpu.memory_space<semaphore_mem>>) src(%arg12 : memref<128x128xf32, #tpu.memory_space<vmem>>) dst(%dma_wait3A_305 : memref<10240x128xf32, #tpu.memory_space<vmem_shared>>)
        %add3A_306 = arith.constant 2 : i32
        %add3A_307 = arith.addi %add3A_261, %add3A_306 : i32
        %dma_start3A_308 = arith.constant 0 : i32
        %dma_start3A_309 = tpu.memref_slice %arg9[%add3A_307, %dma_start3A_308] : memref<40x128xi32, #tpu.memory_space<vmem>> -> memref<1x128xi32, #tpu.memory_space<vmem>>
        %dma_start3A_310 = tpu.memref_squeeze %dma_start3A_309 : memref<1x128xi32, #tpu.memory_space<vmem>> -> memref<128xi32, #tpu.memory_space<vmem>>
        %dma_start3A_311 = arith.constant 0 : i32
        %dma_start3A_312 = arith.constant 0 : i32
        %dma_start3A_313 = tpu.memref_slice %arg2[%dma_start3A_311, %dma_start3A_312] : memref<10000x128xf32, #tpu.memory_space<hbm>> -> memref<10000x128xf32, #tpu.memory_space<hbm>>
        tpu.enqueue_indirect_dma source(%dma_start3A_313 : memref<10000x128xf32, #tpu.memory_space<hbm>>) target(%arg12 : memref<128x128xf32, #tpu.memory_space<vmem>>) offsets(%dma_start3A_310 : memref<128xi32, #tpu.memory_space<vmem>>) semaphore(%arg15 : memref<!tpu.dma_semaphore, #tpu.memory_space<semaphore_mem>>)
      }
      %scan3A_211 = arith.constant 9 : i32
      %dma_wait3A_212 = arith.constant 18 : i32
      %dma_wait3A_213 = arith.constant 0 : i32
      %dma_wait3A_214 = tpu.memref_slice %arg9[%dma_wait3A_212, %dma_wait3A_213] : memref<40x128xi32, #tpu.memory_space<vmem>> -> memref<1x128xi32, #tpu.memory_space<vmem>>
      %dma_wait3A_215 = tpu.memref_squeeze %dma_wait3A_214 : memref<1x128xi32, #tpu.memory_space<vmem>> -> memref<128xi32, #tpu.memory_space<vmem>>
      %dma_wait3A_216 = arith.constant 0 : i32
      %dma_wait3A_217 = arith.constant 0 : i32
      %dma_wait3A_218 = tpu.memref_slice %arg2[%dma_wait3A_216, %dma_wait3A_217] : memref<10000x128xf32, #tpu.memory_space<hbm>> -> memref<10000x128xf32, #tpu.memory_space<hbm>>
      tpu.wait_indirect_dma semaphore(%arg14 : memref<!tpu.dma_semaphore, #tpu.memory_space<semaphore_mem>>) src(%dma_wait3A_218 : memref<10000x128xf32, #tpu.memory_space<hbm>>) dst(%arg11 : memref<128x128xf32, #tpu.memory_space<vmem>>)
      %dma_start3A_219 = arith.constant 18 : i32
      %dma_start3A_220 = arith.constant 0 : i32
      %dma_start3A_221 = tpu.memref_slice %arg10[%dma_start3A_219, %dma_start3A_220] : memref<40x128xi32, #tpu.memory_space<vmem>> -> memref<1x128xi32, #tpu.memory_space<vmem>>
      %dma_start3A_222 = tpu.memref_squeeze %dma_start3A_221 : memref<1x128xi32, #tpu.memory_space<vmem>> -> memref<128xi32, #tpu.memory_space<vmem>>
      %dma_start3A_223 = arith.constant 0 : i32
      %dma_start3A_224 = arith.constant 0 : i32
      %dma_start3A_225 = tpu.memref_slice %arg13[%dma_start3A_223, %dma_start3A_224] : memref<10240x128xf32, #tpu.memory_space<vmem_shared>> -> memref<10240x128xf32, #tpu.memory_space<vmem_shared>>
      tpu.enqueue_indirect_dma source(%arg11 : memref<128x128xf32, #tpu.memory_space<vmem>>) target(%dma_start3A_225 : memref<10240x128xf32, #tpu.memory_space<vmem_shared>>) offsets(%dma_start3A_222 : memref<128xi32, #tpu.memory_space<vmem>>) semaphore(%arg16 : memref<!tpu.dma_semaphore, #tpu.memory_space<semaphore_mem>>) {add = true}
      %dma_wait3A_226 = arith.constant 19 : i32
      %dma_wait3A_227 = arith.constant 0 : i32
      %dma_wait3A_228 = tpu.memref_slice %arg9[%dma_wait3A_226, %dma_wait3A_227] : memref<40x128xi32, #tpu.memory_space<vmem>> -> memref<1x128xi32, #tpu.memory_space<vmem>>
      %dma_wait3A_229 = tpu.memref_squeeze %dma_wait3A_228 : memref<1x128xi32, #tpu.memory_space<vmem>> -> memref<128xi32, #tpu.memory_space<vmem>>
      %dma_wait3A_230 = arith.constant 0 : i32
      %dma_wait3A_231 = arith.constant 0 : i32
      %dma_wait3A_232 = tpu.memref_slice %arg2[%dma_wait3A_230, %dma_wait3A_231] : memref<10000x128xf32, #tpu.memory_space<hbm>> -> memref<10000x128xf32, #tpu.memory_space<hbm>>
      tpu.wait_indirect_dma semaphore(%arg15 : memref<!tpu.dma_semaphore, #tpu.memory_space<semaphore_mem>>) src(%dma_wait3A_232 : memref<10000x128xf32, #tpu.memory_space<hbm>>) dst(%arg12 : memref<128x128xf32, #tpu.memory_space<vmem>>)
      %dma_start3A_233 = arith.constant 19 : i32
      %dma_start3A_234 = arith.constant 0 : i32
      %dma_start3A_235 = tpu.memref_slice %arg10[%dma_start3A_233, %dma_start3A_234] : memref<40x128xi32, #tpu.memory_space<vmem>> -> memref<1x128xi32, #tpu.memory_space<vmem>>
      %dma_start3A_236 = tpu.memref_squeeze %dma_start3A_235 : memref<1x128xi32, #tpu.memory_space<vmem>> -> memref<128xi32, #tpu.memory_space<vmem>>
      %dma_start3A_237 = arith.constant 0 : i32
      %dma_start3A_238 = arith.constant 0 : i32
      %dma_start3A_239 = tpu.memref_slice %arg13[%dma_start3A_237, %dma_start3A_238] : memref<10240x128xf32, #tpu.memory_space<vmem_shared>> -> memref<10240x128xf32, #tpu.memory_space<vmem_shared>>
      tpu.enqueue_indirect_dma source(%arg12 : memref<128x128xf32, #tpu.memory_space<vmem>>) target(%dma_start3A_239 : memref<10240x128xf32, #tpu.memory_space<vmem_shared>>) offsets(%dma_start3A_236 : memref<128xi32, #tpu.memory_space<vmem>>) semaphore(%arg17 : memref<!tpu.dma_semaphore, #tpu.memory_space<semaphore_mem>>) {add = true}
      %dma_wait3A_240 = arith.constant 18 : i32
      %dma_wait3A_241 = arith.constant 0 : i32
      %dma_wait3A_242 = tpu.memref_slice %arg10[%dma_wait3A_240, %dma_wait3A_241] : memref<40x128xi32, #tpu.memory_space<vmem>> -> memref<1x128xi32, #tpu.memory_space<vmem>>
      %dma_wait3A_243 = tpu.memref_squeeze %dma_wait3A_242 : memref<1x128xi32, #tpu.memory_space<vmem>> -> memref<128xi32, #tpu.memory_space<vmem>>
      %dma_wait3A_244 = arith.constant 0 : i32
      %dma_wait3A_245 = arith.constant 0 : i32
      %dma_wait3A_246 = tpu.memref_slice %arg13[%dma_wait3A_244, %dma_wait3A_245] : memref<10240x128xf32, #tpu.memory_space<vmem_shared>> -> memref<10240x128xf32, #tpu.memory_space<vmem_shared>>
      tpu.wait_indirect_dma semaphore(%arg16 : memref<!tpu.dma_semaphore, #tpu.memory_space<semaphore_mem>>) src(%arg11 : memref<128x128xf32, #tpu.memory_space<vmem>>) dst(%dma_wait3A_246 : memref<10240x128xf32, #tpu.memory_space<vmem_shared>>)
      %dma_wait3A_247 = arith.constant 19 : i32
      %dma_wait3A_248 = arith.constant 0 : i32
      %dma_wait3A_249 = tpu.memref_slice %arg10[%dma_wait3A_247, %dma_wait3A_248] : memref<40x128xi32, #tpu.memory_space<vmem>> -> memref<1x128xi32, #tpu.memory_space<vmem>>
      %dma_wait3A_250 = tpu.memref_squeeze %dma_wait3A_249 : memref<1x128xi32, #tpu.memory_space<vmem>> -> memref<128xi32, #tpu.memory_space<vmem>>
      %dma_wait3A_251 = arith.constant 0 : i32
      %dma_wait3A_252 = arith.constant 0 : i32
      %dma_wait3A_253 = tpu.memref_slice %arg13[%dma_wait3A_251, %dma_wait3A_252] : memref<10240x128xf32, #tpu.memory_space<vmem_shared>> -> memref<10240x128xf32, #tpu.memory_space<vmem_shared>>
      tpu.wait_indirect_dma semaphore(%arg17 : memref<!tpu.dma_semaphore, #tpu.memory_space<semaphore_mem>>) src(%arg12 : memref<128x128xf32, #tpu.memory_space<vmem>>) dst(%dma_wait3A_253 : memref<10240x128xf32, #tpu.memory_space<vmem_shared>>)
    } else {
    }
    %eq3A_3 = arith.constant 1 : i32
    %eq3A_4 = arith.cmpi eq, %arg0, %eq3A_3 : i32
    %convert_element_type3A_5 = arith.extui %eq3A_4 : i1 to i32
    %cond3A_6 = arith.constant 0 : i32
    %cond3A_7 = arith.cmpi ne, %convert_element_type3A_5, %cond3A_6 : i32
    scf.if %cond3A_7 {
      "tpu.region"() ({
        %run_scoped3A = tpu.sem_alloc : memref<!tpu.dma_semaphore, #tpu.memory_space<semaphore_mem>>
        %dma_start3A_71 = arith.constant 0 : i32
        %dma_start3A_72 = arith.constant 0 : i32
        %dma_start3A_73 = tpu.memref_slice %arg9[%dma_start3A_71, %dma_start3A_72] : memref<40x128xi32, #tpu.memory_space<vmem>> -> memref<20x128xi32, #tpu.memory_space<vmem>>
        %dma_start3A_74 = arith.constant 0 : i32
        %dma_start3A_75 = arith.constant 0 : i32
        %dma_start3A_76 = tpu.memref_slice %arg5[%arg1, %dma_start3A_74, %dma_start3A_75] : memref<16x20x128xi32, #tpu.memory_space<hbm>> -> memref<1x20x128xi32, #tpu.memory_space<hbm>>
        %dma_start3A_77 = tpu.memref_squeeze %dma_start3A_76 : memref<1x20x128xi32, #tpu.memory_space<hbm>> -> memref<20x128xi32, #tpu.memory_space<hbm>>
        %dma_start3A_78 = arith.constant 0 : i32
        %dma_start3A_79 = arith.constant 0 : i32
        %dma_start3A_80 = tpu.memref_slice %arg9[%dma_start3A_78, %dma_start3A_79] : memref<40x128xi32, #tpu.memory_space<vmem>> -> memref<20x128xi32, #tpu.memory_space<vmem>>
        %dma_start3A_81 = arith.constant 0 : i32
        %dma_start3A_82 = arith.constant 0 : i32
        %dma_start3A_83 = tpu.memref_slice %arg5[%arg1, %dma_start3A_81, %dma_start3A_82] : memref<16x20x128xi32, #tpu.memory_space<hbm>> -> memref<1x20x128xi32, #tpu.memory_space<hbm>>
        %dma_start3A_84 = tpu.memref_squeeze %dma_start3A_83 : memref<1x20x128xi32, #tpu.memory_space<hbm>> -> memref<20x128xi32, #tpu.memory_space<hbm>>
        tpu.enqueue_dma source(%dma_start3A_84 : memref<20x128xi32, #tpu.memory_space<hbm>>) target(%dma_start3A_80 : memref<20x128xi32, #tpu.memory_space<vmem>>) target_semaphore(%run_scoped3A : memref<!tpu.dma_semaphore, #tpu.memory_space<semaphore_mem>>)
        %dma_wait3A_85 = arith.constant 0 : i32
        %dma_wait3A_86 = arith.constant 0 : i32
        %dma_wait3A_87 = tpu.memref_slice %arg9[%dma_wait3A_85, %dma_wait3A_86] : memref<40x128xi32, #tpu.memory_space<vmem>> -> memref<20x128xi32, #tpu.memory_space<vmem>>
        %dma_wait3A_88 = arith.constant 0 : i32
        %dma_wait3A_89 = arith.constant 0 : i32
        %dma_wait3A_90 = tpu.memref_slice %arg5[%arg1, %dma_wait3A_88, %dma_wait3A_89] : memref<16x20x128xi32, #tpu.memory_space<hbm>> -> memref<1x20x128xi32, #tpu.memory_space<hbm>>
        %dma_wait3A_91 = tpu.memref_squeeze %dma_wait3A_90 : memref<1x20x128xi32, #tpu.memory_space<hbm>> -> memref<20x128xi32, #tpu.memory_space<hbm>>
        %dma_wait3A_92 = arith.constant 0 : i32
        %dma_wait3A_93 = arith.constant 0 : i32
        %dma_wait3A_94 = tpu.memref_slice %arg9[%dma_wait3A_92, %dma_wait3A_93] : memref<40x128xi32, #tpu.memory_space<vmem>> -> memref<20x128xi32, #tpu.memory_space<vmem>>
        %dma_wait3A_95 = arith.constant 0 : i32
        %dma_wait3A_96 = arith.constant 0 : i32
        %dma_wait3A_97 = tpu.memref_slice %arg5[%arg1, %dma_wait3A_95, %dma_wait3A_96] : memref<16x20x128xi32, #tpu.memory_space<hbm>> -> memref<1x20x128xi32, #tpu.memory_space<hbm>>
        %dma_wait3A_98 = tpu.memref_squeeze %dma_wait3A_97 : memref<1x20x128xi32, #tpu.memory_space<hbm>> -> memref<20x128xi32, #tpu.memory_space<hbm>>
        tpu.wait_dma2 semaphore(%run_scoped3A : memref<!tpu.dma_semaphore, #tpu.memory_space<semaphore_mem>>) src(%dma_wait3A_98 : memref<20x128xi32, #tpu.memory_space<hbm>>) dst(%dma_wait3A_94 : memref<20x128xi32, #tpu.memory_space<vmem>>)
        tpu.yield
      }) : () -> ()
      "tpu.region"() ({
        %run_scoped3A = tpu.sem_alloc : memref<!tpu.dma_semaphore, #tpu.memory_space<semaphore_mem>>
        %dma_start3A_71 = arith.constant 0 : i32
        %dma_start3A_72 = arith.constant 0 : i32
        %dma_start3A_73 = tpu.memref_slice %arg10[%dma_start3A_71, %dma_start3A_72] : memref<40x128xi32, #tpu.memory_space<vmem>> -> memref<20x128xi32, #tpu.memory_space<vmem>>
        %dma_start3A_74 = arith.constant 0 : i32
        %dma_start3A_75 = arith.constant 0 : i32
        %dma_start3A_76 = tpu.memref_slice %arg6[%arg1, %dma_start3A_74, %dma_start3A_75] : memref<16x20x128xi32, #tpu.memory_space<hbm>> -> memref<1x20x128xi32, #tpu.memory_space<hbm>>
        %dma_start3A_77 = tpu.memref_squeeze %dma_start3A_76 : memref<1x20x128xi32, #tpu.memory_space<hbm>> -> memref<20x128xi32, #tpu.memory_space<hbm>>
        %dma_start3A_78 = arith.constant 0 : i32
        %dma_start3A_79 = arith.constant 0 : i32
        %dma_start3A_80 = tpu.memref_slice %arg10[%dma_start3A_78, %dma_start3A_79] : memref<40x128xi32, #tpu.memory_space<vmem>> -> memref<20x128xi32, #tpu.memory_space<vmem>>
        %dma_start3A_81 = arith.constant 0 : i32
        %dma_start3A_82 = arith.constant 0 : i32
        %dma_start3A_83 = tpu.memref_slice %arg6[%arg1, %dma_start3A_81, %dma_start3A_82] : memref<16x20x128xi32, #tpu.memory_space<hbm>> -> memref<1x20x128xi32, #tpu.memory_space<hbm>>
        %dma_start3A_84 = tpu.memref_squeeze %dma_start3A_83 : memref<1x20x128xi32, #tpu.memory_space<hbm>> -> memref<20x128xi32, #tpu.memory_space<hbm>>
        tpu.enqueue_dma source(%dma_start3A_84 : memref<20x128xi32, #tpu.memory_space<hbm>>) target(%dma_start3A_80 : memref<20x128xi32, #tpu.memory_space<vmem>>) target_semaphore(%run_scoped3A : memref<!tpu.dma_semaphore, #tpu.memory_space<semaphore_mem>>)
        %dma_wait3A_85 = arith.constant 0 : i32
        %dma_wait3A_86 = arith.constant 0 : i32
        %dma_wait3A_87 = tpu.memref_slice %arg10[%dma_wait3A_85, %dma_wait3A_86] : memref<40x128xi32, #tpu.memory_space<vmem>> -> memref<20x128xi32, #tpu.memory_space<vmem>>
        %dma_wait3A_88 = arith.constant 0 : i32
        %dma_wait3A_89 = arith.constant 0 : i32
        %dma_wait3A_90 = tpu.memref_slice %arg6[%arg1, %dma_wait3A_88, %dma_wait3A_89] : memref<16x20x128xi32, #tpu.memory_space<hbm>> -> memref<1x20x128xi32, #tpu.memory_space<hbm>>
        %dma_wait3A_91 = tpu.memref_squeeze %dma_wait3A_90 : memref<1x20x128xi32, #tpu.memory_space<hbm>> -> memref<20x128xi32, #tpu.memory_space<hbm>>
        %dma_wait3A_92 = arith.constant 0 : i32
        %dma_wait3A_93 = arith.constant 0 : i32
        %dma_wait3A_94 = tpu.memref_slice %arg10[%dma_wait3A_92, %dma_wait3A_93] : memref<40x128xi32, #tpu.memory_space<vmem>> -> memref<20x128xi32, #tpu.memory_space<vmem>>
        %dma_wait3A_95 = arith.constant 0 : i32
        %dma_wait3A_96 = arith.constant 0 : i32
        %dma_wait3A_97 = tpu.memref_slice %arg6[%arg1, %dma_wait3A_95, %dma_wait3A_96] : memref<16x20x128xi32, #tpu.memory_space<hbm>> -> memref<1x20x128xi32, #tpu.memory_space<hbm>>
        %dma_wait3A_98 = tpu.memref_squeeze %dma_wait3A_97 : memref<1x20x128xi32, #tpu.memory_space<hbm>> -> memref<20x128xi32, #tpu.memory_space<hbm>>
        tpu.wait_dma2 semaphore(%run_scoped3A : memref<!tpu.dma_semaphore, #tpu.memory_space<semaphore_mem>>) src(%dma_wait3A_98 : memref<20x128xi32, #tpu.memory_space<hbm>>) dst(%dma_wait3A_94 : memref<20x128xi32, #tpu.memory_space<vmem>>)
        tpu.yield
      }) : () -> ()
      %dma_start3A = arith.constant 0 : i32
      %dma_start3A_13 = arith.constant 0 : i32
      %dma_start3A_14 = tpu.memref_slice %arg9[%dma_start3A, %dma_start3A_13] : memref<40x128xi32, #tpu.memory_space<vmem>> -> memref<1x128xi32, #tpu.memory_space<vmem>>
      %dma_start3A_15 = tpu.memref_squeeze %dma_start3A_14 : memref<1x128xi32, #tpu.memory_space<vmem>> -> memref<128xi32, #tpu.memory_space<vmem>>
      %dma_start3A_16 = arith.constant 0 : i32
      %dma_start3A_17 = arith.constant 0 : i32
      %dma_start3A_18 = tpu.memref_slice %arg2[%dma_start3A_16, %dma_start3A_17] : memref<10000x128xf32, #tpu.memory_space<hbm>> -> memref<10000x128xf32, #tpu.memory_space<hbm>>
      tpu.enqueue_indirect_dma source(%dma_start3A_18 : memref<10000x128xf32, #tpu.memory_space<hbm>>) target(%arg11 : memref<128x128xf32, #tpu.memory_space<vmem>>) offsets(%dma_start3A_15 : memref<128xi32, #tpu.memory_space<vmem>>) semaphore(%arg14 : memref<!tpu.dma_semaphore, #tpu.memory_space<semaphore_mem>>)
      %dma_start3A_19 = arith.constant 1 : i32
      %dma_start3A_20 = arith.constant 0 : i32
      %dma_start3A_21 = tpu.memref_slice %arg9[%dma_start3A_19, %dma_start3A_20] : memref<40x128xi32, #tpu.memory_space<vmem>> -> memref<1x128xi32, #tpu.memory_space<vmem>>
      %dma_start3A_22 = tpu.memref_squeeze %dma_start3A_21 : memref<1x128xi32, #tpu.memory_space<vmem>> -> memref<128xi32, #tpu.memory_space<vmem>>
      %dma_start3A_23 = arith.constant 0 : i32
      %dma_start3A_24 = arith.constant 0 : i32
      %dma_start3A_25 = tpu.memref_slice %arg2[%dma_start3A_23, %dma_start3A_24] : memref<10000x128xf32, #tpu.memory_space<hbm>> -> memref<10000x128xf32, #tpu.memory_space<hbm>>
      tpu.enqueue_indirect_dma source(%dma_start3A_25 : memref<10000x128xf32, #tpu.memory_space<hbm>>) target(%arg12 : memref<128x128xf32, #tpu.memory_space<vmem>>) offsets(%dma_start3A_22 : memref<128xi32, #tpu.memory_space<vmem>>) semaphore(%arg15 : memref<!tpu.dma_semaphore, #tpu.memory_space<semaphore_mem>>)
      %scan3A = arith.constant 0 : i32
      %scan3A_26 = arith.constant 9 : i32
      %scan3A_27 = arith.addi %scan3A, %scan3A_26 : i32
      %scan3A_28 = arith.constant 1 : i32
      scf.for %scan3A_71 = %scan3A to %scan3A_27 step %scan3A_28  : i32 {
        %mul3A_72 = arith.constant 1 : i32
        %mul3A_73 = arith.muli %scan3A_71, %mul3A_72 : i32
        %add3A = arith.constant 0 : i32
        %add3A_74 = arith.addi %add3A, %mul3A_73 : i32
        %mul3A_75 = arith.constant 2 : i32
        %mul3A_76 = arith.muli %mul3A_75, %add3A_74 : i32
        %add3A_77 = arith.constant 1 : i32
        %add3A_78 = arith.addi %mul3A_76, %add3A_77 : i32
        %dma_wait3A_79 = arith.constant 0 : i32
        %dma_wait3A_80 = tpu.memref_slice %arg9[%mul3A_76, %dma_wait3A_79] : memref<40x128xi32, #tpu.memory_space<vmem>> -> memref<1x128xi32, #tpu.memory_space<vmem>>
        %dma_wait3A_81 = tpu.memref_squeeze %dma_wait3A_80 : memref<1x128xi32, #tpu.memory_space<vmem>> -> memref<128xi32, #tpu.memory_space<vmem>>
        %dma_wait3A_82 = arith.constant 0 : i32
        %dma_wait3A_83 = arith.constant 0 : i32
        %dma_wait3A_84 = tpu.memref_slice %arg2[%dma_wait3A_82, %dma_wait3A_83] : memref<10000x128xf32, #tpu.memory_space<hbm>> -> memref<10000x128xf32, #tpu.memory_space<hbm>>
        tpu.wait_indirect_dma semaphore(%arg14 : memref<!tpu.dma_semaphore, #tpu.memory_space<semaphore_mem>>) src(%dma_wait3A_84 : memref<10000x128xf32, #tpu.memory_space<hbm>>) dst(%arg11 : memref<128x128xf32, #tpu.memory_space<vmem>>)
        %dma_start3A_85 = arith.constant 0 : i32
        %dma_start3A_86 = tpu.memref_slice %arg10[%mul3A_76, %dma_start3A_85] : memref<40x128xi32, #tpu.memory_space<vmem>> -> memref<1x128xi32, #tpu.memory_space<vmem>>
        %dma_start3A_87 = tpu.memref_squeeze %dma_start3A_86 : memref<1x128xi32, #tpu.memory_space<vmem>> -> memref<128xi32, #tpu.memory_space<vmem>>
        %dma_start3A_88 = arith.constant 0 : i32
        %dma_start3A_89 = arith.constant 0 : i32
        %dma_start3A_90 = tpu.memref_slice %arg13[%dma_start3A_88, %dma_start3A_89] : memref<10240x128xf32, #tpu.memory_space<vmem_shared>> -> memref<10240x128xf32, #tpu.memory_space<vmem_shared>>
        tpu.enqueue_indirect_dma source(%arg11 : memref<128x128xf32, #tpu.memory_space<vmem>>) target(%dma_start3A_90 : memref<10240x128xf32, #tpu.memory_space<vmem_shared>>) offsets(%dma_start3A_87 : memref<128xi32, #tpu.memory_space<vmem>>) semaphore(%arg16 : memref<!tpu.dma_semaphore, #tpu.memory_space<semaphore_mem>>) {add = true}
        %dma_wait3A_91 = arith.constant 0 : i32
        %dma_wait3A_92 = tpu.memref_slice %arg9[%add3A_78, %dma_wait3A_91] : memref<40x128xi32, #tpu.memory_space<vmem>> -> memref<1x128xi32, #tpu.memory_space<vmem>>
        %dma_wait3A_93 = tpu.memref_squeeze %dma_wait3A_92 : memref<1x128xi32, #tpu.memory_space<vmem>> -> memref<128xi32, #tpu.memory_space<vmem>>
        %dma_wait3A_94 = arith.constant 0 : i32
        %dma_wait3A_95 = arith.constant 0 : i32
        %dma_wait3A_96 = tpu.memref_slice %arg2[%dma_wait3A_94, %dma_wait3A_95] : memref<10000x128xf32, #tpu.memory_space<hbm>> -> memref<10000x128xf32, #tpu.memory_space<hbm>>
        tpu.wait_indirect_dma semaphore(%arg15 : memref<!tpu.dma_semaphore, #tpu.memory_space<semaphore_mem>>) src(%dma_wait3A_96 : memref<10000x128xf32, #tpu.memory_space<hbm>>) dst(%arg12 : memref<128x128xf32, #tpu.memory_space<vmem>>)
        %dma_start3A_97 = arith.constant 0 : i32
        %dma_start3A_98 = tpu.memref_slice %arg10[%add3A_78, %dma_start3A_97] : memref<40x128xi32, #tpu.memory_space<vmem>> -> memref<1x128xi32, #tpu.memory_space<vmem>>
        %dma_start3A_99 = tpu.memref_squeeze %dma_start3A_98 : memref<1x128xi32, #tpu.memory_space<vmem>> -> memref<128xi32, #tpu.memory_space<vmem>>
        %dma_start3A_100 = arith.constant 0 : i32
        %dma_start3A_101 = arith.constant 0 : i32
        %dma_start3A_102 = tpu.memref_slice %arg13[%dma_start3A_100, %dma_start3A_101] : memref<10240x128xf32, #tpu.memory_space<vmem_shared>> -> memref<10240x128xf32, #tpu.memory_space<vmem_shared>>
        tpu.enqueue_indirect_dma source(%arg12 : memref<128x128xf32, #tpu.memory_space<vmem>>) target(%dma_start3A_102 : memref<10240x128xf32, #tpu.memory_space<vmem_shared>>) offsets(%dma_start3A_99 : memref<128xi32, #tpu.memory_space<vmem>>) semaphore(%arg17 : memref<!tpu.dma_semaphore, #tpu.memory_space<semaphore_mem>>) {add = true}
        %dma_wait3A_103 = arith.constant 0 : i32
        %dma_wait3A_104 = tpu.memref_slice %arg10[%mul3A_76, %dma_wait3A_103] : memref<40x128xi32, #tpu.memory_space<vmem>> -> memref<1x128xi32, #tpu.memory_space<vmem>>
        %dma_wait3A_105 = tpu.memref_squeeze %dma_wait3A_104 : memref<1x128xi32, #tpu.memory_space<vmem>> -> memref<128xi32, #tpu.memory_space<vmem>>
        %dma_wait3A_106 = arith.constant 0 : i32
        %dma_wait3A_107 = arith.constant 0 : i32
        %dma_wait3A_108 = tpu.memref_slice %arg13[%dma_wait3A_106, %dma_wait3A_107] : memref<10240x128xf32, #tpu.memory_space<vmem_shared>> -> memref<10240x128xf32, #tpu.memory_space<vmem_shared>>
        tpu.wait_indirect_dma semaphore(%arg16 : memref<!tpu.dma_semaphore, #tpu.memory_space<semaphore_mem>>) src(%arg11 : memref<128x128xf32, #tpu.memory_space<vmem>>) dst(%dma_wait3A_108 : memref<10240x128xf32, #tpu.memory_space<vmem_shared>>)
        %add3A_109 = arith.constant 2 : i32
        %add3A_110 = arith.addi %mul3A_76, %add3A_109 : i32
        %dma_start3A_111 = arith.constant 0 : i32
        %dma_start3A_112 = tpu.memref_slice %arg9[%add3A_110, %dma_start3A_111] : memref<40x128xi32, #tpu.memory_space<vmem>> -> memref<1x128xi32, #tpu.memory_space<vmem>>
        %dma_start3A_113 = tpu.memref_squeeze %dma_start3A_112 : memref<1x128xi32, #tpu.memory_space<vmem>> -> memref<128xi32, #tpu.memory_space<vmem>>
        %dma_start3A_114 = arith.constant 0 : i32
        %dma_start3A_115 = arith.constant 0 : i32
        %dma_start3A_116 = tpu.memref_slice %arg2[%dma_start3A_114, %dma_start3A_115] : memref<10000x128xf32, #tpu.memory_space<hbm>> -> memref<10000x128xf32, #tpu.memory_space<hbm>>
        tpu.enqueue_indirect_dma source(%dma_start3A_116 : memref<10000x128xf32, #tpu.memory_space<hbm>>) target(%arg11 : memref<128x128xf32, #tpu.memory_space<vmem>>) offsets(%dma_start3A_113 : memref<128xi32, #tpu.memory_space<vmem>>) semaphore(%arg14 : memref<!tpu.dma_semaphore, #tpu.memory_space<semaphore_mem>>)
        %dma_wait3A_117 = arith.constant 0 : i32
        %dma_wait3A_118 = tpu.memref_slice %arg10[%add3A_78, %dma_wait3A_117] : memref<40x128xi32, #tpu.memory_space<vmem>> -> memref<1x128xi32, #tpu.memory_space<vmem>>
        %dma_wait3A_119 = tpu.memref_squeeze %dma_wait3A_118 : memref<1x128xi32, #tpu.memory_space<vmem>> -> memref<128xi32, #tpu.memory_space<vmem>>
        %dma_wait3A_120 = arith.constant 0 : i32
        %dma_wait3A_121 = arith.constant 0 : i32
        %dma_wait3A_122 = tpu.memref_slice %arg13[%dma_wait3A_120, %dma_wait3A_121] : memref<10240x128xf32, #tpu.memory_space<vmem_shared>> -> memref<10240x128xf32, #tpu.memory_space<vmem_shared>>
        tpu.wait_indirect_dma semaphore(%arg17 : memref<!tpu.dma_semaphore, #tpu.memory_space<semaphore_mem>>) src(%arg12 : memref<128x128xf32, #tpu.memory_space<vmem>>) dst(%dma_wait3A_122 : memref<10240x128xf32, #tpu.memory_space<vmem_shared>>)
        %add3A_123 = arith.constant 2 : i32
        %add3A_124 = arith.addi %add3A_78, %add3A_123 : i32
        %dma_start3A_125 = arith.constant 0 : i32
        %dma_start3A_126 = tpu.memref_slice %arg9[%add3A_124, %dma_start3A_125] : memref<40x128xi32, #tpu.memory_space<vmem>> -> memref<1x128xi32, #tpu.memory_space<vmem>>
        %dma_start3A_127 = tpu.memref_squeeze %dma_start3A_126 : memref<1x128xi32, #tpu.memory_space<vmem>> -> memref<128xi32, #tpu.memory_space<vmem>>
        %dma_start3A_128 = arith.constant 0 : i32
        %dma_start3A_129 = arith.constant 0 : i32
        %dma_start3A_130 = tpu.memref_slice %arg2[%dma_start3A_128, %dma_start3A_129] : memref<10000x128xf32, #tpu.memory_space<hbm>> -> memref<10000x128xf32, #tpu.memory_space<hbm>>
        tpu.enqueue_indirect_dma source(%dma_start3A_130 : memref<10000x128xf32, #tpu.memory_space<hbm>>) target(%arg12 : memref<128x128xf32, #tpu.memory_space<vmem>>) offsets(%dma_start3A_127 : memref<128xi32, #tpu.memory_space<vmem>>) semaphore(%arg15 : memref<!tpu.dma_semaphore, #tpu.memory_space<semaphore_mem>>)
      }
      %scan3A_29 = arith.constant 9 : i32
      %dma_wait3A = arith.constant 18 : i32
      %dma_wait3A_30 = arith.constant 0 : i32
      %dma_wait3A_31 = tpu.memref_slice %arg9[%dma_wait3A, %dma_wait3A_30] : memref<40x128xi32, #tpu.memory_space<vmem>> -> memref<1x128xi32, #tpu.memory_space<vmem>>
      %dma_wait3A_32 = tpu.memref_squeeze %dma_wait3A_31 : memref<1x128xi32, #tpu.memory_space<vmem>> -> memref<128xi32, #tpu.memory_space<vmem>>
      %dma_wait3A_33 = arith.constant 0 : i32
      %dma_wait3A_34 = arith.constant 0 : i32
      %dma_wait3A_35 = tpu.memref_slice %arg2[%dma_wait3A_33, %dma_wait3A_34] : memref<10000x128xf32, #tpu.memory_space<hbm>> -> memref<10000x128xf32, #tpu.memory_space<hbm>>
      tpu.wait_indirect_dma semaphore(%arg14 : memref<!tpu.dma_semaphore, #tpu.memory_space<semaphore_mem>>) src(%dma_wait3A_35 : memref<10000x128xf32, #tpu.memory_space<hbm>>) dst(%arg11 : memref<128x128xf32, #tpu.memory_space<vmem>>)
      %dma_start3A_36 = arith.constant 18 : i32
      %dma_start3A_37 = arith.constant 0 : i32
      %dma_start3A_38 = tpu.memref_slice %arg10[%dma_start3A_36, %dma_start3A_37] : memref<40x128xi32, #tpu.memory_space<vmem>> -> memref<1x128xi32, #tpu.memory_space<vmem>>
      %dma_start3A_39 = tpu.memref_squeeze %dma_start3A_38 : memref<1x128xi32, #tpu.memory_space<vmem>> -> memref<128xi32, #tpu.memory_space<vmem>>
      %dma_start3A_40 = arith.constant 0 : i32
      %dma_start3A_41 = arith.constant 0 : i32
      %dma_start3A_42 = tpu.memref_slice %arg13[%dma_start3A_40, %dma_start3A_41] : memref<10240x128xf32, #tpu.memory_space<vmem_shared>> -> memref<10240x128xf32, #tpu.memory_space<vmem_shared>>
      tpu.enqueue_indirect_dma source(%arg11 : memref<128x128xf32, #tpu.memory_space<vmem>>) target(%dma_start3A_42 : memref<10240x128xf32, #tpu.memory_space<vmem_shared>>) offsets(%dma_start3A_39 : memref<128xi32, #tpu.memory_space<vmem>>) semaphore(%arg16 : memref<!tpu.dma_semaphore, #tpu.memory_space<semaphore_mem>>) {add = true}
      %dma_wait3A_43 = arith.constant 19 : i32
      %dma_wait3A_44 = arith.constant 0 : i32
      %dma_wait3A_45 = tpu.memref_slice %arg9[%dma_wait3A_43, %dma_wait3A_44] : memref<40x128xi32, #tpu.memory_space<vmem>> -> memref<1x128xi32, #tpu.memory_space<vmem>>
      %dma_wait3A_46 = tpu.memref_squeeze %dma_wait3A_45 : memref<1x128xi32, #tpu.memory_space<vmem>> -> memref<128xi32, #tpu.memory_space<vmem>>
      %dma_wait3A_47 = arith.constant 0 : i32
      %dma_wait3A_48 = arith.constant 0 : i32
      %dma_wait3A_49 = tpu.memref_slice %arg2[%dma_wait3A_47, %dma_wait3A_48] : memref<10000x128xf32, #tpu.memory_space<hbm>> -> memref<10000x128xf32, #tpu.memory_space<hbm>>
      tpu.wait_indirect_dma semaphore(%arg15 : memref<!tpu.dma_semaphore, #tpu.memory_space<semaphore_mem>>) src(%dma_wait3A_49 : memref<10000x128xf32, #tpu.memory_space<hbm>>) dst(%arg12 : memref<128x128xf32, #tpu.memory_space<vmem>>)
      %dma_start3A_50 = arith.constant 19 : i32
      %dma_start3A_51 = arith.constant 0 : i32
      %dma_start3A_52 = tpu.memref_slice %arg10[%dma_start3A_50, %dma_start3A_51] : memref<40x128xi32, #tpu.memory_space<vmem>> -> memref<1x128xi32, #tpu.memory_space<vmem>>
      %dma_start3A_53 = tpu.memref_squeeze %dma_start3A_52 : memref<1x128xi32, #tpu.memory_space<vmem>> -> memref<128xi32, #tpu.memory_space<vmem>>
      %dma_start3A_54 = arith.constant 0 : i32
      %dma_start3A_55 = arith.constant 0 : i32
      %dma_start3A_56 = tpu.memref_slice %arg13[%dma_start3A_54, %dma_start3A_55] : memref<10240x128xf32, #tpu.memory_space<vmem_shared>> -> memref<10240x128xf32, #tpu.memory_space<vmem_shared>>
      tpu.enqueue_indirect_dma source(%arg12 : memref<128x128xf32, #tpu.memory_space<vmem>>) target(%dma_start3A_56 : memref<10240x128xf32, #tpu.memory_space<vmem_shared>>) offsets(%dma_start3A_53 : memref<128xi32, #tpu.memory_space<vmem>>) semaphore(%arg17 : memref<!tpu.dma_semaphore, #tpu.memory_space<semaphore_mem>>) {add = true}
      %dma_wait3A_57 = arith.constant 18 : i32
      %dma_wait3A_58 = arith.constant 0 : i32
      %dma_wait3A_59 = tpu.memref_slice %arg10[%dma_wait3A_57, %dma_wait3A_58] : memref<40x128xi32, #tpu.memory_space<vmem>> -> memref<1x128xi32, #tpu.memory_space<vmem>>
      %dma_wait3A_60 = tpu.memref_squeeze %dma_wait3A_59 : memref<1x128xi32, #tpu.memory_space<vmem>> -> memref<128xi32, #tpu.memory_space<vmem>>
      %dma_wait3A_61 = arith.constant 0 : i32
      %dma_wait3A_62 = arith.constant 0 : i32
      %dma_wait3A_63 = tpu.memref_slice %arg13[%dma_wait3A_61, %dma_wait3A_62] : memref<10240x128xf32, #tpu.memory_space<vmem_shared>> -> memref<10240x128xf32, #tpu.memory_space<vmem_shared>>
      tpu.wait_indirect_dma semaphore(%arg16 : memref<!tpu.dma_semaphore, #tpu.memory_space<semaphore_mem>>) src(%arg11 : memref<128x128xf32, #tpu.memory_space<vmem>>) dst(%dma_wait3A_63 : memref<10240x128xf32, #tpu.memory_space<vmem_shared>>)
      %dma_wait3A_64 = arith.constant 19 : i32
      %dma_wait3A_65 = arith.constant 0 : i32
      %dma_wait3A_66 = tpu.memref_slice %arg10[%dma_wait3A_64, %dma_wait3A_65] : memref<40x128xi32, #tpu.memory_space<vmem>> -> memref<1x128xi32, #tpu.memory_space<vmem>>
      %dma_wait3A_67 = tpu.memref_squeeze %dma_wait3A_66 : memref<1x128xi32, #tpu.memory_space<vmem>> -> memref<128xi32, #tpu.memory_space<vmem>>
      %dma_wait3A_68 = arith.constant 0 : i32
      %dma_wait3A_69 = arith.constant 0 : i32
      %dma_wait3A_70 = tpu.memref_slice %arg13[%dma_wait3A_68, %dma_wait3A_69] : memref<10240x128xf32, #tpu.memory_space<vmem_shared>> -> memref<10240x128xf32, #tpu.memory_space<vmem_shared>>
      tpu.wait_indirect_dma semaphore(%arg17 : memref<!tpu.dma_semaphore, #tpu.memory_space<semaphore_mem>>) src(%arg12 : memref<128x128xf32, #tpu.memory_space<vmem>>) dst(%dma_wait3A_70 : memref<10240x128xf32, #tpu.memory_space<vmem_shared>>)
    } else {
    }
    %barrier3A_8 = arith.constant 0 : index
    tpu.barrier barrier_id(%barrier3A_8)
    %mul3A_9 = arith.constant 640 : i32
    %mul3A_10 = arith.muli %arg1, %mul3A_9 : i32
    %mul3A_11 = arith.constant 640 : i32
    %mul3A_12 = arith.muli %arg1, %mul3A_11 : i32
    "tpu.region"() ({
      %run_scoped3A = tpu.sem_alloc : memref<!tpu.dma_semaphore, #tpu.memory_space<semaphore_mem>>
      %dma_start3A = arith.constant 0 : i32
      %dma_start3A_13 = tpu.memref_slice %arg8[%arg0, %mul3A_12, %dma_start3A] : memref<2x10240x128xf32, #tpu.memory_space<hbm>> -> memref<1x640x128xf32, #tpu.memory_space<hbm>>
      %dma_start3A_14 = tpu.memref_squeeze %dma_start3A_13 : memref<1x640x128xf32, #tpu.memory_space<hbm>> -> memref<640x128xf32, #tpu.memory_space<hbm>>
      %dma_start3A_15 = arith.constant 0 : i32
      %dma_start3A_16 = tpu.memref_slice %arg13[%mul3A_10, %dma_start3A_15] : memref<10240x128xf32, #tpu.memory_space<vmem_shared>> -> memref<640x128xf32, #tpu.memory_space<vmem_shared>>
      tpu.enqueue_dma source(%dma_start3A_16 : memref<640x128xf32, #tpu.memory_space<vmem_shared>>) target(%dma_start3A_14 : memref<640x128xf32, #tpu.memory_space<hbm>>) target_semaphore(%run_scoped3A : memref<!tpu.dma_semaphore, #tpu.memory_space<semaphore_mem>>)
      %dma_wait3A = arith.constant 0 : i32
      %dma_wait3A_17 = tpu.memref_slice %arg8[%arg0, %mul3A_12, %dma_wait3A] : memref<2x10240x128xf32, #tpu.memory_space<hbm>> -> memref<1x640x128xf32, #tpu.memory_space<hbm>>
      %dma_wait3A_18 = tpu.memref_squeeze %dma_wait3A_17 : memref<1x640x128xf32, #tpu.memory_space<hbm>> -> memref<640x128xf32, #tpu.memory_space<hbm>>
      %dma_wait3A_19 = arith.constant 0 : i32
      %dma_wait3A_20 = tpu.memref_slice %arg13[%mul3A_10, %dma_wait3A_19] : memref<10240x128xf32, #tpu.memory_space<vmem_shared>> -> memref<640x128xf32, #tpu.memory_space<vmem_shared>>
      tpu.wait_dma2 semaphore(%run_scoped3A : memref<!tpu.dma_semaphore, #tpu.memory_space<semaphore_mem>>) src(%dma_wait3A_20 : memref<640x128xf32, #tpu.memory_space<vmem_shared>>) dst(%dma_wait3A_18 : memref<640x128xf32, #tpu.memory_space<hbm>>)
      tpu.yield
    }) : () -> ()
    return
  }
}

module attributes {stable_mosaic.version = 14 : i64} {
  func.func @_tc1a_body(%arg0: i32, %arg1: memref<1000x128xf32, #tpu.memory_space<vmem>>, %arg2: memref<128x128xf32, #tpu.memory_space<vmem>>, %arg3: memref<1000x128xf32, #tpu.memory_space<vmem>>) attributes {dimension_semantics = [#tpu.dimension_semantics<arbitrary>], iteration_bounds = array<i64: 10>, scalar_prefetch = 0 : i64, scratch_operands = 0 : i64, tpu.core_type = #tpu.core_type<tc>, window_params = [{transform_indices = @transform_0, window_bounds = array<i64: 1000, 128>}, {pipeline_mode = #tpu.pipeline_mode<synchronous>, transform_indices = @transform_1, window_bounds = array<i64: 128, 128>}, {transform_indices = @transform_2, window_bounds = array<i64: 1000, 128>}]} {
    %get3A = arith.constant 0 : index
    %get3A_0 = arith.constant 0 : index
    %get3A_1 = vector.load %arg1[%get3A, %get3A_0] : memref<1000x128xf32, #tpu.memory_space<vmem>>, vector<1000x128xf32>
    %get3A_2 = arith.constant 0 : index
    %get3A_3 = arith.constant 0 : index
    %get3A_4 = vector.load %arg2[%get3A_2, %get3A_3] : memref<128x128xf32, #tpu.memory_space<vmem>>, vector<128x128xf32>
    %dot_general3A = arith.constant dense<0.000000e+00> : vector<1000x128xf32>
    %dot_general3A_5 = tpu.matmul %get3A_1, %get3A_4, %dot_general3A {dimension_numbers = #tpu.dot_dimension_numbers<[1], [0], [0], [1], [0, 0, 1, 1], [], []>, transpose_lhs_hint = false} : vector<1000x128xf32>, vector<128x128xf32>, vector<1000x128xf32> -> vector<1000x128xf32>
    %swap3A = arith.constant 0 : index
    %swap3A_6 = arith.constant 0 : index
    %swap3A_7 = vector.load %arg3[%swap3A, %swap3A_6] : memref<1000x128xf32, #tpu.memory_space<vmem>>, vector<1000x128xf32>
    tpu.vector_store %arg3[%swap3A, %swap3A_6], %dot_general3A_5 {strides = array<i32>} : memref<1000x128xf32, #tpu.memory_space<vmem>>, vector<1000x128xf32>,
    return
  }
  func.func @transform_0(%arg0: i32) -> (i32, i32) {
    %c0_i32 = arith.constant 0 : i32
    %c0_i32_0 = arith.constant 0 : i32
    return %arg0, %c0_i32 : i32, i32
  }
  func.func @transform_1(%arg0: i32) -> (i32, i32) {
    %c0_i32 = arith.constant 0 : i32
    %c0_i32_0 = arith.constant 0 : i32
    %c0_i32_1 = arith.constant 0 : i32
    return %c0_i32, %c0_i32_0 : i32, i32
  }
  func.func @transform_2(%arg0: i32) -> (i32, i32) {
    %c0_i32 = arith.constant 0 : i32
    %c0_i32_0 = arith.constant 0 : i32
    return %arg0, %c0_i32 : i32, i32
  }
}

module attributes {stable_mosaic.version = 14 : i64} {
  func.func @_tc1b_body(%arg0: i32, %arg1: memref<2x1000x128xf32, #tpu.memory_space<vmem>>, %arg2: memref<1000x128xf32, #tpu.memory_space<vmem>>, %arg3: memref<1000x128xf32, #tpu.memory_space<vmem>>) attributes {dimension_semantics = [#tpu.dimension_semantics<arbitrary>], iteration_bounds = array<i64: 10>, scalar_prefetch = 0 : i64, scratch_operands = 0 : i64, tpu.core_type = #tpu.core_type<tc>, window_params = [{transform_indices = @transform_0, window_bounds = array<i64: 2, 1000, 128>}, {transform_indices = @transform_1, window_bounds = array<i64: 1000, 128>}, {transform_indices = @transform_2, window_bounds = array<i64: 1000, 128>}]} {
    %get3A = arith.constant 0 : index
    %get3A_0 = arith.constant 0 : index
    %get3A_1 = vector.load %arg2[%get3A, %get3A_0] : memref<1000x128xf32, #tpu.memory_space<vmem>>, vector<1000x128xf32>
    %get3A_2 = arith.constant 0 : index
    %get3A_3 = arith.constant 0 : index
    %get3A_4 = arith.constant 0 : index
    %get3A_5 = vector.load %arg1[%get3A_2, %get3A_3, %get3A_4] : memref<2x1000x128xf32, #tpu.memory_space<vmem>>, vector<2x1000x128xf32>
    %slice3A = vector.extract_strided_slice %get3A_5 {offsets = [0, 0, 0], sizes = [1, 1000, 1], strides = [1, 1, 1]} : vector<2x1000x128xf32> to vector<1x1000x1xf32>
    %squeeze3A = vector.shape_cast %slice3A : vector<1x1000x1xf32> to vector<1000x1xf32>
    %slice3A_6 = vector.extract_strided_slice %get3A_5 {offsets = [1, 0, 0], sizes = [1, 1000, 1], strides = [1, 1, 1]} : vector<2x1000x128xf32> to vector<1x1000x1xf32>
    %squeeze3A_7 = vector.shape_cast %slice3A_6 : vector<1x1000x1xf32> to vector<1000x1xf32>
    %add3A = arith.addf %squeeze3A, %squeeze3A_7 : vector<1000x1xf32>
    %add3A_8 = arith.constant 1.000000e+00 : f32
    %add3A_9 = vector.broadcast %add3A_8 : f32 to vector<1000x1xf32>
    %add3A_10 = arith.addf %add3A, %add3A_9 : vector<1000x1xf32>
    %rsqrt3A = math.rsqrt %add3A_10 : vector<1000x1xf32>
    %mul3A = vector.broadcast %rsqrt3A : vector<1000x1xf32> to vector<1000x128xf32>
    %mul3A_11 = arith.mulf %get3A_1, %mul3A : vector<1000x128xf32>
    %swap3A = arith.constant 0 : index
    %swap3A_12 = arith.constant 0 : index
    %swap3A_13 = vector.load %arg3[%swap3A, %swap3A_12] : memref<1000x128xf32, #tpu.memory_space<vmem>>, vector<1000x128xf32>
    tpu.vector_store %arg3[%swap3A, %swap3A_12], %mul3A_11 {strides = array<i32>} : memref<1000x128xf32, #tpu.memory_space<vmem>>, vector<1000x128xf32>,
    return
  }
  func.func @transform_0(%arg0: i32) -> (i32, i32, i32) {
    %c0_i32 = arith.constant 0 : i32
    %c0_i32_0 = arith.constant 0 : i32
    %c0_i32_1 = arith.constant 0 : i32
    return %c0_i32, %arg0, %c0_i32_0 : i32, i32, i32
  }
  func.func @transform_1(%arg0: i32) -> (i32, i32) {
    %c0_i32 = arith.constant 0 : i32
    %c0_i32_0 = arith.constant 0 : i32
    return %arg0, %c0_i32 : i32, i32
  }
  func.func @transform_2(%arg0: i32) -> (i32, i32) {
    %c0_i32 = arith.constant 0 : i32
    %c0_i32_0 = arith.constant 0 : i32
    return %arg0, %c0_i32 : i32, i32
  }
}

module attributes {stable_mosaic.version = 14 : i64} {
  func.func @_tc2_body(%arg0: i32, %arg1: memref<2x1000x128xf32, #tpu.memory_space<vmem>>, %arg2: memref<2x1000x128xf32, #tpu.memory_space<vmem>>, %arg3: memref<1000x128xf32, #tpu.memory_space<vmem>>, %arg4: memref<1x128xf32, #tpu.memory_space<vmem>>, %arg5: memref<128x128xf32, #tpu.memory_space<vmem>>, %arg6: memref<1000x128xf32, #tpu.memory_space<vmem>>) attributes {dimension_semantics = [#tpu.dimension_semantics<arbitrary>], iteration_bounds = array<i64: 10>, scalar_prefetch = 0 : i64, scratch_operands = 0 : i64, tpu.core_type = #tpu.core_type<tc>, window_params = [{transform_indices = @transform_0, window_bounds = array<i64: 2, 1000, 128>}, {transform_indices = @transform_1, window_bounds = array<i64: 2, 1000, 128>}, {transform_indices = @transform_2, window_bounds = array<i64: 1000, 128>}, {pipeline_mode = #tpu.pipeline_mode<synchronous>, transform_indices = @transform_3, window_bounds = array<i64: 1, 128>}, {pipeline_mode = #tpu.pipeline_mode<synchronous>, transform_indices = @transform_4, window_bounds = array<i64: 128, 128>}, {transform_indices = @transform_5, window_bounds = array<i64: 1000, 128>}]} {
    %get3A = arith.constant 0 : index
    %get3A_0 = arith.constant 0 : index
    %get3A_1 = arith.constant 0 : index
    %get3A_2 = vector.load %arg1[%get3A, %get3A_0, %get3A_1] : memref<2x1000x128xf32, #tpu.memory_space<vmem>>, vector<2x1000x128xf32>
    %slice3A = vector.extract_strided_slice %get3A_2 {offsets = [0, 0, 0], sizes = [1, 1000, 1], strides = [1, 1, 1]} : vector<2x1000x128xf32> to vector<1x1000x1xf32>
    %squeeze3A = vector.shape_cast %slice3A : vector<1x1000x1xf32> to vector<1000x1xf32>
    %slice3A_3 = vector.extract_strided_slice %get3A_2 {offsets = [1, 0, 0], sizes = [1, 1000, 1], strides = [1, 1, 1]} : vector<2x1000x128xf32> to vector<1x1000x1xf32>
    %squeeze3A_4 = vector.shape_cast %slice3A_3 : vector<1x1000x1xf32> to vector<1000x1xf32>
    %add3A = arith.addf %squeeze3A, %squeeze3A_4 : vector<1000x1xf32>
    %add3A_5 = arith.constant 1.000000e+00 : f32
    %add3A_6 = vector.broadcast %add3A_5 : f32 to vector<1000x1xf32>
    %add3A_7 = arith.addf %add3A, %add3A_6 : vector<1000x1xf32>
    %rsqrt3A = math.rsqrt %add3A_7 : vector<1000x1xf32>
    %get3A_8 = arith.constant 0 : index
    %get3A_9 = arith.constant 0 : index
    %get3A_10 = arith.constant 0 : index
    %get3A_11 = vector.load %arg2[%get3A_8, %get3A_9, %get3A_10] : memref<2x1000x128xf32, #tpu.memory_space<vmem>>, vector<1x1000x128xf32>
    %get3A_12 = vector.shape_cast %get3A_11 : vector<1x1000x128xf32> to vector<1000x128xf32>
    %get3A_13 = arith.constant 1 : index
    %get3A_14 = arith.constant 0 : index
    %get3A_15 = arith.constant 0 : index
    %get3A_16 = vector.load %arg2[%get3A_13, %get3A_14, %get3A_15] : memref<2x1000x128xf32, #tpu.memory_space<vmem>>, vector<1x1000x128xf32>
    %get3A_17 = vector.shape_cast %get3A_16 : vector<1x1000x128xf32> to vector<1000x128xf32>
    %add3A_18 = arith.addf %get3A_12, %get3A_17 : vector<1000x128xf32>
    %get3A_19 = arith.constant 0 : index
    %get3A_20 = arith.constant 0 : index
    %get3A_21 = vector.load %arg3[%get3A_19, %get3A_20] : memref<1000x128xf32, #tpu.memory_space<vmem>>, vector<1000x128xf32>
    %add3A_22 = arith.addf %add3A_18, %get3A_21 : vector<1000x128xf32>
    %mul3A = vector.broadcast %rsqrt3A : vector<1000x1xf32> to vector<1000x128xf32>
    %mul3A_23 = arith.mulf %mul3A, %add3A_22 : vector<1000x128xf32>
    %get3A_24 = arith.constant 0 : index
    %get3A_25 = arith.constant 0 : index
    %get3A_26 = vector.load %arg4[%get3A_24, %get3A_25] : memref<1x128xf32, #tpu.memory_space<vmem>>, vector<1x128xf32>
    %add3A_27 = vector.broadcast %get3A_26 : vector<1x128xf32> to vector<1000x128xf32>
    %add3A_28 = arith.addf %mul3A_23, %add3A_27 : vector<1000x128xf32>
    %gt3A = arith.constant 0.000000e+00 : f32
    %gt3A_29 = vector.broadcast %gt3A : f32 to vector<1000x128xf32>
    %gt3A_30 = arith.cmpf ogt, %add3A_28, %gt3A_29 : vector<1000x128xf32>
    %min3A = arith.constant 0.000000e+00 : f32
    %min3A_31 = vector.broadcast %min3A : f32 to vector<1000x128xf32>
    %min3A_32 = arith.minimumf %add3A_28, %min3A_31 : vector<1000x128xf32>
    %exp3A = math.exp %min3A_32 : vector<1000x128xf32>
    %sub3A = arith.constant 1.000000e+00 : f32
    %sub3A_33 = vector.broadcast %sub3A : f32 to vector<1000x128xf32>
    %sub3A_34 = arith.subf %exp3A, %sub3A_33 : vector<1000x128xf32>
    %mul3A_35 = arith.constant 1.67326319 : f32
    %mul3A_36 = vector.broadcast %mul3A_35 : f32 to vector<1000x128xf32>
    %mul3A_37 = arith.mulf %mul3A_36, %sub3A_34 : vector<1000x128xf32>
    %select_n3A = arith.select %gt3A_30, %add3A_28, %mul3A_37 : vector<1000x128xi1>, vector<1000x128xf32>
    %mul3A_38 = arith.constant 1.05070102 : f32
    %mul3A_39 = vector.broadcast %mul3A_38 : f32 to vector<1000x128xf32>
    %mul3A_40 = arith.mulf %mul3A_39, %select_n3A : vector<1000x128xf32>
    %get3A_41 = arith.constant 0 : index
    %get3A_42 = arith.constant 0 : index
    %get3A_43 = vector.load %arg5[%get3A_41, %get3A_42] : memref<128x128xf32, #tpu.memory_space<vmem>>, vector<128x128xf32>
    %dot_general3A = arith.constant dense<0.000000e+00> : vector<1000x128xf32>
    %dot_general3A_44 = tpu.matmul %mul3A_40, %get3A_43, %dot_general3A {dimension_numbers = #tpu.dot_dimension_numbers<[1], [0], [0], [1], [0, 0, 1, 1], [], []>, transpose_lhs_hint = false} : vector<1000x128xf32>, vector<128x128xf32>, vector<1000x128xf32> -> vector<1000x128xf32>
    %mul3A_45 = vector.broadcast %rsqrt3A : vector<1000x1xf32> to vector<1000x128xf32>
    %mul3A_46 = arith.mulf %dot_general3A_44, %mul3A_45 : vector<1000x128xf32>
    %swap3A = arith.constant 0 : index
    %swap3A_47 = arith.constant 0 : index
    %swap3A_48 = vector.load %arg6[%swap3A, %swap3A_47] : memref<1000x128xf32, #tpu.memory_space<vmem>>, vector<1000x128xf32>
    tpu.vector_store %arg6[%swap3A, %swap3A_47], %mul3A_46 {strides = array<i32>} : memref<1000x128xf32, #tpu.memory_space<vmem>>, vector<1000x128xf32>,
    return
  }
  func.func @transform_0(%arg0: i32) -> (i32, i32, i32) {
    %c0_i32 = arith.constant 0 : i32
    %c0_i32_0 = arith.constant 0 : i32
    %c0_i32_1 = arith.constant 0 : i32
    return %c0_i32, %arg0, %c0_i32_0 : i32, i32, i32
  }
  func.func @transform_1(%arg0: i32) -> (i32, i32, i32) {
    %c0_i32 = arith.constant 0 : i32
    %c0_i32_0 = arith.constant 0 : i32
    %c0_i32_1 = arith.constant 0 : i32
    return %c0_i32, %arg0, %c0_i32_0 : i32, i32, i32
  }
  func.func @transform_2(%arg0: i32) -> (i32, i32) {
    %c0_i32 = arith.constant 0 : i32
    %c0_i32_0 = arith.constant 0 : i32
    return %arg0, %c0_i32 : i32, i32
  }
  func.func @transform_3(%arg0: i32) -> (i32, i32) {
    %c0_i32 = arith.constant 0 : i32
    %c0_i32_0 = arith.constant 0 : i32
    %c0_i32_1 = arith.constant 0 : i32
    return %c0_i32, %c0_i32_0 : i32, i32
  }
  func.func @transform_4(%arg0: i32) -> (i32, i32) {
    %c0_i32 = arith.constant 0 : i32
    %c0_i32_0 = arith.constant 0 : i32
    %c0_i32_1 = arith.constant 0 : i32
    return %c0_i32, %c0_i32_0 : i32, i32
  }
  func.func @transform_5(%arg0: i32) -> (i32, i32) {
    %c0_i32 = arith.constant 0 : i32
    %c0_i32_0 = arith.constant 0 : i32
    return %arg0, %c0_i32 : i32, i32
  }
}

module attributes {stable_mosaic.version = 14 : i64} {
  func.func @_tc3_body(%arg0: i32, %arg1: memref<2x1000x128xf32, #tpu.memory_space<vmem>>, %arg2: memref<2x1000x128xf32, #tpu.memory_space<vmem>>, %arg3: memref<1000x128xf32, #tpu.memory_space<vmem>>, %arg4: memref<1x128xf32, #tpu.memory_space<vmem>>, %arg5: memref<1000x128xf32, #tpu.memory_space<vmem>>) attributes {dimension_semantics = [#tpu.dimension_semantics<arbitrary>], iteration_bounds = array<i64: 10>, scalar_prefetch = 0 : i64, scratch_operands = 0 : i64, tpu.core_type = #tpu.core_type<tc>, window_params = [{transform_indices = @transform_0, window_bounds = array<i64: 2, 1000, 128>}, {transform_indices = @transform_1, window_bounds = array<i64: 2, 1000, 128>}, {transform_indices = @transform_2, window_bounds = array<i64: 1000, 128>}, {pipeline_mode = #tpu.pipeline_mode<synchronous>, transform_indices = @transform_3, window_bounds = array<i64: 1, 128>}, {transform_indices = @transform_4, window_bounds = array<i64: 1000, 128>}]} {
    %get3A = arith.constant 0 : index
    %get3A_0 = arith.constant 0 : index
    %get3A_1 = arith.constant 0 : index
    %get3A_2 = vector.load %arg1[%get3A, %get3A_0, %get3A_1] : memref<2x1000x128xf32, #tpu.memory_space<vmem>>, vector<2x1000x128xf32>
    %slice3A = vector.extract_strided_slice %get3A_2 {offsets = [0, 0, 0], sizes = [1, 1000, 1], strides = [1, 1, 1]} : vector<2x1000x128xf32> to vector<1x1000x1xf32>
    %squeeze3A = vector.shape_cast %slice3A : vector<1x1000x1xf32> to vector<1000x1xf32>
    %slice3A_3 = vector.extract_strided_slice %get3A_2 {offsets = [1, 0, 0], sizes = [1, 1000, 1], strides = [1, 1, 1]} : vector<2x1000x128xf32> to vector<1x1000x1xf32>
    %squeeze3A_4 = vector.shape_cast %slice3A_3 : vector<1x1000x1xf32> to vector<1000x1xf32>
    %add3A = arith.addf %squeeze3A, %squeeze3A_4 : vector<1000x1xf32>
    %add3A_5 = arith.constant 1.000000e+00 : f32
    %add3A_6 = vector.broadcast %add3A_5 : f32 to vector<1000x1xf32>
    %add3A_7 = arith.addf %add3A, %add3A_6 : vector<1000x1xf32>
    %rsqrt3A = math.rsqrt %add3A_7 : vector<1000x1xf32>
    %get3A_8 = arith.constant 0 : index
    %get3A_9 = arith.constant 0 : index
    %get3A_10 = arith.constant 0 : index
    %get3A_11 = vector.load %arg2[%get3A_8, %get3A_9, %get3A_10] : memref<2x1000x128xf32, #tpu.memory_space<vmem>>, vector<1x1000x128xf32>
    %get3A_12 = vector.shape_cast %get3A_11 : vector<1x1000x128xf32> to vector<1000x128xf32>
    %get3A_13 = arith.constant 1 : index
    %get3A_14 = arith.constant 0 : index
    %get3A_15 = arith.constant 0 : index
    %get3A_16 = vector.load %arg2[%get3A_13, %get3A_14, %get3A_15] : memref<2x1000x128xf32, #tpu.memory_space<vmem>>, vector<1x1000x128xf32>
    %get3A_17 = vector.shape_cast %get3A_16 : vector<1x1000x128xf32> to vector<1000x128xf32>
    %add3A_18 = arith.addf %get3A_12, %get3A_17 : vector<1000x128xf32>
    %get3A_19 = arith.constant 0 : index
    %get3A_20 = arith.constant 0 : index
    %get3A_21 = vector.load %arg3[%get3A_19, %get3A_20] : memref<1000x128xf32, #tpu.memory_space<vmem>>, vector<1000x128xf32>
    %add3A_22 = arith.addf %add3A_18, %get3A_21 : vector<1000x128xf32>
    %mul3A = vector.broadcast %rsqrt3A : vector<1000x1xf32> to vector<1000x128xf32>
    %mul3A_23 = arith.mulf %mul3A, %add3A_22 : vector<1000x128xf32>
    %get3A_24 = arith.constant 0 : index
    %get3A_25 = arith.constant 0 : index
    %get3A_26 = vector.load %arg4[%get3A_24, %get3A_25] : memref<1x128xf32, #tpu.memory_space<vmem>>, vector<1x128xf32>
    %add3A_27 = vector.broadcast %get3A_26 : vector<1x128xf32> to vector<1000x128xf32>
    %add3A_28 = arith.addf %mul3A_23, %add3A_27 : vector<1000x128xf32>
    %reduce_max3A = arith.constant dense<0xFF800000> : vector<1000xf32>
    %reduce_max3A_29 = vector.multi_reduction <maximumf>, %add3A_28, %reduce_max3A [1] : vector<1000x128xf32> to vector<1000xf32>
    %broadcast_in_dim3A = vector.shape_cast %reduce_max3A_29 : vector<1000xf32> to vector<1000x1xf32>
    %sub3A = vector.broadcast %broadcast_in_dim3A : vector<1000x1xf32> to vector<1000x128xf32>
    %sub3A_30 = arith.subf %add3A_28, %sub3A : vector<1000x128xf32>
    %exp3A = math.exp %sub3A_30 : vector<1000x128xf32>
    %reduce_sum3A = arith.constant dense<0.000000e+00> : vector<1000xf32>
    %reduce_sum3A_31 = vector.multi_reduction <add>, %exp3A, %reduce_sum3A [1] : vector<1000x128xf32> to vector<1000xf32>
    %broadcast_in_dim3A_32 = vector.shape_cast %reduce_sum3A_31 : vector<1000xf32> to vector<1000x1xf32>
    %log3A = math.log %broadcast_in_dim3A_32 : vector<1000x1xf32>
    %sub3A_33 = vector.broadcast %log3A : vector<1000x1xf32> to vector<1000x128xf32>
    %sub3A_34 = arith.subf %sub3A_30, %sub3A_33 : vector<1000x128xf32>
    %swap3A = arith.constant 0 : index
    %swap3A_35 = arith.constant 0 : index
    %swap3A_36 = vector.load %arg5[%swap3A, %swap3A_35] : memref<1000x128xf32, #tpu.memory_space<vmem>>, vector<1000x128xf32>
    tpu.vector_store %arg5[%swap3A, %swap3A_35], %sub3A_34 {strides = array<i32>} : memref<1000x128xf32, #tpu.memory_space<vmem>>, vector<1000x128xf32>,
    return
  }
  func.func @transform_0(%arg0: i32) -> (i32, i32, i32) {
    %c0_i32 = arith.constant 0 : i32
    %c0_i32_0 = arith.constant 0 : i32
    %c0_i32_1 = arith.constant 0 : i32
    return %c0_i32, %arg0, %c0_i32_0 : i32, i32, i32
  }
  func.func @transform_1(%arg0: i32) -> (i32, i32, i32) {
    %c0_i32 = arith.constant 0 : i32
    %c0_i32_0 = arith.constant 0 : i32
    %c0_i32_1 = arith.constant 0 : i32
    return %c0_i32, %arg0, %c0_i32_0 : i32, i32, i32
  }
  func.func @transform_2(%arg0: i32) -> (i32, i32) {
    %c0_i32 = arith.constant 0 : i32
    %c0_i32_0 = arith.constant 0 : i32
    return %arg0, %c0_i32 : i32, i32
  }
  func.func @transform_3(%arg0: i32) -> (i32, i32) {
    %c0_i32 = arith.constant 0 : i32
    %c0_i32_0 = arith.constant 0 : i32
    %c0_i32_1 = arith.constant 0 : i32
    return %c0_i32, %c0_i32_0 : i32, i32
  }
  func.func @transform_4(%arg0: i32) -> (i32, i32) {
    %c0_i32 = arith.constant 0 : i32
    %c0_i32_0 = arith.constant 0 : i32
    return %arg0, %c0_i32 : i32, i32
  }
}

</mosaic_0001>

<sc_bundles>
// kernel: _run.12.cloned.1.call-start
scs
__scs_entry_jumppad:
0x0: {  	(pc) =	sbr.rel $0x88, $3  }
0x1: {  	(tag) =	ssettag $0x0;
	lr =	simm.s32 $0x1  }
0x2: {  	[smem:$0x3F9B] =	sst lr;
	_ =	strace $0xD0000000  }
0x3: {  	_ = 	snop  }
0x4: {  	_ = 	snop  }
0x5: {  	_ = 	snop  }
0x6: {  	_ = 	snop  }
0x7: {  	_ = 	snop  }
__scs_overlays_trampoline_lowered:
0x8: {  	[smem:$0x3FAA] =	sst s0  }
0x9: {  	[smem:$0x3FAB] =	sst s1  }
0xa: {  	[smem:$0x3FAC] =	sst s2  }
0xb: {  	[smem:$0x3FAD] =	sst s3  }
0xc: {  	[smem:$0x3FAE] =	sst s4  }
0xd: {  	[smem:$0x3FAF] =	sst s5  }
0xe: {  	[smem:$0x3FB0] =	sst s6  }
0xf: {  	[smem:$0x3FB1] =	sst s7  }
0x10: {  	[smem:$0x3FB2] =	sst s8  }
0x11: {  	[smem:$0x3FB3] =	sst s9;
	s0 =	simm.s32 @!p0 $0x0  }
0x12: {  	s1 =	sld [smem:$0x3F99];
	s0 =	simm.s32 @p0 $0x1  }
0x13: {  	[smem:$0x3FB4] =	sst s0;
	s0 =	simm.s32 @!p1 $0x0  }
0x14: {  	s2 =	sld [smem:$0x3F98];
	s0 =	simm.s32 @p1 $0x1  }
0x15: {  	[smem:$0x3FB5] =	sst s0;
	s0 =	simm.s32 @!p2 $0x0  }
0x16: {  	s3 =	sld [smem:$0x3FDB];
	s0 =	simm.s32 @p2 $0x1  }
0x17: {  	s4 =	simm.s32 $0x1BF5;
	[smem:$0x3FB7] =	sst s0  }
0x18: {  	s0 =	sld [smem:$0x3F9A];
	_ =	swait.ge [sflag:s4], $0x0  }
0x19: {  	s7 =	sld [smem:$0x3F9B]  }
0x1a: {  	s8 =	sadd.s32 $0xFFFFE003, lr  }
0x1b: {  	s9 =	sadd.s32 $0xFFFFFEF7, lr;
	s5 =	simm.s32 $0xFFFFFFFF;
	p2 =	slt.u32 s8, $0xFFFFF086  }
0x1c: {  	p1 =	slt.u32 s9, $0xF7A;
	s5 =	simm.s32 @!p2 $0x0  }
0x1d: {  	s5 =	simm.s32 @p1 $0x1;
	p0 =	seq.s32 s7, s2  }
0x1e: {  	s7 =	smul.u32 @!p0 $0xF7A, s2;
	p2 =	seq.s32 @!p0 s5, $0x0  }
0x1f: {  	s9 =	smul.u32 $0xF7A, s1;
	s8 =	simm.s32 @!p0 $0x1BF5;
	p2 =	por !p2, p0  }
0x20: {  	[sflag:s8] =	ssyncset.s32 @!p0 $0xFFFFF086;
	s6 =	sadd.s32 @!p0 s3, s7;
	s7 =	simm.s32 @!p0 $0x108  }
0x21: {  	s3 =	sadd.s32 s3, s9;
	s6 =	sadd.s32 @!p0 $0x88, s6;
	s7 =	simm.s32 @p2 $0x1082  }
0x22: {  	[simem:s7], [sflag:s8] =	dma.local @!p0 [hbm:s6], $0xF7A  }
0x23: {  	s9 =	sor.u32 $0xD0000000, s2;
	s6 =	simm.s32 $0x108;
	_ =	swait.ge @!p0 [sflag:s8], $0x0  }
0x24: {  	s3 =	sadd.s32 $0x88, s3;
	s6 =	simm.s32 @!p1 $0x1082;
	[sflag:s4] =	ssyncset.s32 $0xFFFFF086  }
0x25: {  	[simem:s6], [sflag:s4] =	dma.local [hbm:s3], $0xF7A  }
0x26: {  	[smem:$0x3F9B] =	sst s1;
	(tag) =	ssettag s2;
	_ =	strace s9  }
0x27: {  	s1 =	sld [smem:$0x3FAB]  }
0x28: {  	s2 =	sld [smem:$0x3FAC]  }
0x29: {  	s4 =	sld [smem:$0x3FAE]  }
0x2a: {  	p0 =	seq.s32 s5, $0x0;
	s5 =	sld [smem:$0x3FAF]  }
0x2b: {  	s6 =	sld [smem:$0x3FB0]  }
0x2c: {  	s7 =	sld [smem:$0x3FB1]  }
0x2d: {  	s3 =	simm.s32 $0x108;
	s8 =	sld [smem:$0x3FB2]  }
0x2e: {  	s3 =	simm.s32 @!p0 $0x1082;
	s9 =	sld [smem:$0x3FB3]  }
0x2f: {  	lr =	sadd.s32 s0, s3;
	s0 =	sld [smem:$0x3FAA]  }
0x30: {  	s3 =	sld [smem:$0x3FAD]  }
0x31: {  	[smem:$0x3FB6] =	sst s10  }
0x32: {  	s10 =	sld [smem:$0x3FB4];
	_ =	sdelay $0x3  }
0x33: {  	p0 =	seq.s32 s10, $0x1;
	s10 =	sld [smem:$0x3FB6];
	_ =	sdelay $0x3  }
0x34: {  	[smem:$0x3FB6] =	sst s10  }
0x35: {  	s10 =	sld [smem:$0x3FB5];
	_ =	sdelay $0x3  }
0x36: {  	p1 =	seq.s32 s10, $0x1;
	s10 =	sld [smem:$0x3FB6];
	_ =	sdelay $0x3  }
0x37: {  	[smem:$0x3FB6] =	sst s10  }
0x38: {  	s10 =	sld [smem:$0x3FB7]  }
0x39: {  	_ = 	snop;
	(pc) =	sbr.ind lr, $3  }
0x3a: {  	_ = 	snop  }
0x3b: {  	_ = 	snop  }
0x3c: {  	p2 =	seq.s32 s10, $0x1;
	s10 =	sld [smem:$0x3FB6]  }
0x3d: {  	_ =	shalt  }
0x3e: {  	_ =	shalt  }
0x3f: {  	_ =	shalt  }
0x40: {  	_ =	shalt  }
0x41: {  	_ =	shalt  }
0x42: {  	_ =	shalt  }
0x43: {  	_ =	shalt  }
0x44: {  	_ =	shalt  }
0x45: {  	_ =	shalt  }
0x46: {  	_ =	shalt  }
0x47: {  	_ =	shalt  }
0x48: {  	_ =	shalt  }
0x49: {  	_ =	shalt  }
0x4a: {  	_ =	shalt  }
0x4b: {  	_ =	shalt  }
0x4c: {  	_ =	shalt  }
0x4d: {  	_ =	shalt  }
0x4e: {  	_ =	shalt  }
0x4f: {  	_ =	shalt  }
0x50: {  	_ =	shalt  }
0x51: {  	_ =	shalt  }
0x52: {  	_ =	shalt  }
0x53: {  	_ =	shalt  }
0x54: {  	_ =	shalt  }
0x55: {  	_ =	shalt  }
0x56: {  	_ =	shalt  }
0x57: {  	_ =	shalt  }
0x58: {  	_ =	shalt  }
0x59: {  	_ =	shalt  }
0x5a: {  	_ =	shalt  }
0x5b: {  	_ =	shalt  }
0x5c: {  	_ =	shalt  }
0x5d: {  	_ =	shalt  }
0x5e: {  	_ =	shalt  }
0x5f: {  	_ =	shalt  }
0x60: {  	_ =	shalt  }
0x61: {  	_ =	shalt  }
0x62: {  	_ =	shalt  }
0x63: {  	_ =	shalt  }
0x64: {  	_ =	shalt  }
0x65: {  	_ =	shalt  }
0x66: {  	_ =	shalt  }
0x67: {  	_ =	shalt  }
0x68: {  	_ =	shalt  }
0x69: {  	_ =	shalt  }
0x6a: {  	_ =	shalt  }
0x6b: {  	_ =	shalt  }
0x6c: {  	_ =	shalt  }
0x6d: {  	_ =	shalt  }
0x6e: {  	_ =	shalt  }
0x6f: {  	_ =	shalt  }
0x70: {  	_ =	shalt  }
0x71: {  	_ =	shalt  }
0x72: {  	_ =	shalt  }
0x73: {  	_ =	shalt  }
0x74: {  	_ =	shalt  }
0x75: {  	_ =	shalt  }
0x76: {  	_ =	shalt  }
0x77: {  	_ =	shalt  }
0x78: {  	_ =	shalt  }
0x79: {  	_ =	shalt  }
0x7a: {  	_ =	shalt  }
0x7b: {  	_ =	shalt  }
0x7c: {  	_ =	shalt  }
0x7d: {  	_ =	shalt  }
0x7e: {  	_ =	shalt  }
0x7f: {  	_ =	shalt  }
0x80: {  	_ =	shalt  }
0x81: {  	_ =	shalt  }
0x82: {  	_ =	shalt  }
0x83: {  	_ =	shalt  }
0x84: {  	_ =	shalt  }
0x85: {  	_ =	shalt  }
0x86: {  	_ =	shalt  }
0x87: {  	_ =	shalt  }
.Lfunc_end0:
.L_simem_size_0:
called_computation.1_lowered:
.L_overlay_start_0:
0x88: {  	s2 =	sld [smem:$0x3FD9]  }
0x89: {  	s3 =	sld [smem:$0x3FFE];
	_ =	sdelay $0x1  }
0x8a: {  	s1 =	srdreg.scid  }
0x8b: {  	s0 =	sand.u32 $0x1, s1  }
0x8c: {  	s17 =	sshll.u32 s0, $0xA;
	s2 =	sadd.s32 s3, s2  }
0x8d: {  	s2 =	sadd.s32 s2, s17  }
0x8e: {  	[smem:$0x3FC2] =	sst s2  }
0x8f: {  	_ = 	snop  }
0x90: {  	s2 =	sld [smem:$0x3FD0];
	(tm) =	ssettm $0x1  }
0x91: {  	s18 =	sld [smem:$0x3FFB];
	_ =	sdelay $0x3  }
0x92: {  	_ =	strace s18  }
0x93: {  	s3 =	sld [smem:$0x3FFC];
	_ =	sdelay $0x3  }
0x94: {  	_ =	strace s3  }
0x95: {  	s3 =	sld [smem:$0x3FFD];
	_ =	sdelay $0x3  }
0x96: {  	_ =	strace s3  }
0x97: {  	_ =	strace $0x8FFFFFFF  }
0x98: {  	s19 =	sld [smem:$0x3FDB];
	_ =	sdelay $0x1  }
0x99: {  	s4 =	simm.s32 $_scs_section_size  }
0x9a: {  	s5 =	simm.s32 $_size__tile_overlayer_lowered;
	s6 =	simm.s32 $_tile_overlayer_lowered  }
0x9b: {  	s22 =	simm.s32 $0x1BFF;
	s21 =	sshll.u32 s6, $0x1;
	s3 =	sadd.s32 s4, s19  }
0x9c: {  	s7 =	simm.s32 $0x0;
	s20 =	sshll.u32 s5, $0x1;
	s5 =	sadd.s32 s21, s3  }
0x9d: {  	[timem:s7], [sflag:s22] =	dma.local [hbm:s5], s20  }
0x9e: {  	_ =	swait.ge [sflag:s22], s20  }
0x9f: {  	s4 =	ssub.s32 $0x0, s20;
	[sflag:s22] =	ssyncset.done $0x0  }
0xa0: {  	[sflag:s22] =	ssyncadd.s32 s4;
	_ =	sdelay $0x1  }
0xa1: {  	s23 =	simm.s32 $0x1B8B  }
0xa2: {  	_ =	swait.ge [sflag:s23], $0x1  }
0xa3: {  	[sflag:s23] =	ssyncset.done $0x0  }
0xa4: {  	s25 =	simm.s32 $0x1B8E;
	s24 =	sld [smem:$0x3FFE];
	[sflag:s23] =	ssyncadd.s32 $0xFFFFFFFF  }
0xa5: {  	s26 =	simm.s32 $execute0_lowered;
	[smem:$0x3FD2] =	sst s25  }
0xa6: {  	s5 =	sshll.u32 s26, $0x1;
	_ =	strace $0x80000049;
	[dreg:$0x1] =	wrdreg $0xFFFFFFFF  }
0xa7: {  	s28 =	simm.s32 $_size_execute0_lowered;
	s3 =	sadd.s32 s3, s5;
	[dreg:$0x0] =	wrdreg $0x0  }
0xa8: {  	s5 =	sshll.u32 s28, $0x1;
	[dreg:$0x2] =	wrdreg s3  }
0xa9: {  	[dreg:$0x3] =	wrdreg s5  }
0xaa: {  	[dreg:$0x4] =	wrdreg $0xC0  }
0xab: {  	_ =	task [dreg:s7], $0x5FFFF  }
0xac: {  	[dreg:$0x1] =	wrdreg $0xFFFFFFFF  }
0xad: {  	[dreg:$0x0] =	wrdreg $0x60  }
0xae: {  	[dreg:$0x2] =	wrdreg s2  }
0xaf: {  	[dreg:$0x3] =	wrdreg s24  }
0xb0: {  	[dreg:$0x4] =	wrdreg $0xA8000  }
0xb1: {  	[dreg:$0x5] =	wrdreg $0x9  }
0xb2: {  	_ =	task.clear_ibuf [dreg:s7], $0x6FFFF;
	_ =	strace $0x90000049  }
0xb3: {  	s29 =	simm.s32 $0x9;
	_ =	strace $0x8000004B  }
0xb4: {  	_ =	swait.ge [sflag:s29], $0x1  }
0xb5: {  	[sflag:s29] =	ssyncadd.s32 $0xFFFFFFFF  }
0xb6: {  	_ =	strace $0x9000004B  }
0xb7: {  	_ =	sfence  }
0xb8: {  	s30 =	sld [smem:$0x0];
	_ =	sdelay $0x2  }
0xb9: {  	s31 =	sshll.u32 s1, $0xD;
	s1 =	sshrl.u32 s1, $0x2  }
0xba: {  	s3 =	sand.u32 $0x4000, s31;
	s1 =	sadd.s32 s1, s30  }
0xbb: {  	s0 =	sor.u32 s3, s0;
	s1 =	sshll.u32 s1, $0x11  }
0xbc: {  	s0 =	sor.u32 s1, s0  }
0xbd: {  	s0 =	sadd.s32 $0x8F2B, s0  }
0xbe: {  	[sflag:s0] =	ssyncadd.remote.s32 $0x1  }
0xbf: {  	_ =	sfence.sel $0xFFFF  }
0xc0: {  	[dreg:$0x0] =	wrdreg $0xFFFFFFFF;
	(pc) =	sbr.abs _section_cstart, $3  }
0xc1: {  	[dreg:$0x1] =	wrdreg $0xFFFFFFFF  }
0xc2: {  	_ =	task.clear_ibuf [dreg:s7], $0x2FFFF;
	_ =	strace $0x9FFFFFFF  }
0xc3: {  	(tm) =	ssettm $0x7FFFFFFF  }
tec
execute0_lowered:
.L_overlay_start_1:
0x0: {  	(tag) =	ssettag $0x1  }
0x1: {  	s2 =	rddreg [dreg:$0x0]  }
0x2: {  	s0 =	rddreg [dreg:$0x1]  }
0x3: {  	s3 =	rddreg [dreg:$0x2]  }
0x4: {  	s14 =	stileid.u32;
	s1 =	srdreg.scid;
	s4 =	simm.s32 $0x0  }
0x5: {  	s15 =	simm.s32 $0x1480;
	s29 =	simm.s32 $0x3;
	s5 =	smul.u32 $0x180, s14  }
0x6: {  	s31 =	simm.s32 $0x4;
	s28 =	simm.s32 $0x1C80;
	s7 =	smul.u32 $0x14000, s14  }
0x7: {  	s30 =	simm.s32 $0x1D00;
	s1 =	sand.u32 $0x1, s1;
	s11 =	smul.u32 $0x50000, s14  }
0x8: {  	[smem:$0x7FF] =	sst s4;
	s8 =	sadd.s32 $0x5D800, s0;
	s13 =	smul.u32 $0x4800, s14  }
0x9: {  	s9 =	sadd.s32 $0x54800, s0;
	s18 =	sshll.u32 s14, $0x6;
	s6 =	smul.u32 $0x140000, s1  }
0xa: {  	_ =	strace $0x8000004A;
	s16 =	ssub.s32 $0x2, s1;
	p0 =	seq.s32 s1, $0x1  }
0xb: {  	s10 =	sadd.s32 s5, s0;
	s5 =	sadd.s32 $0x2000, s0;
	s12 =	sshrl.u32 s16, $0x1  }
0xc: {  	s17 =	sshrl.u32 s11, $0x2;
	s19 =	sshrl.u32 s13, $0x3;
	s6 =	sadd.s32 s7, s6  }
0xd: {  	s12 =	ssub.s32 s16, s12;
	s7 =	sor.u32 $0x1C05, s18;
	s20 =	sadd.s32 $0x280, s19  }
0xe: {  	s13 =	sadd.s32 s8, s19;
	s21 =	sadd.s32 s9, s19;
	s23 =	sadd.s32 $0x500, s19  }
0xf: {  	s11 =	sadd.s32 $0x780, s19;
	s16 =	sadd.s32 $0x66800, s10;
	[dreg:$0x4] =	wrdreg s13  }
0x10: {  	s6 =	sshrl.u32 s6, $0x3;
	[dreg:$0x5] =	wrdreg s21;
	s22 =	sadd.s32 s8, s20  }
0x11: {  	s1 =	sadd.s32 s9, s20;
	s24 =	sadd.s32 s8, s23;
	s25 =	sadd.s32 s8, s11  }
0x12: {  	s26 =	sadd.s32 s9, s11;
	s19 =	smax.u32 s12, $0x1;
	s20 =	simm.s32 $0x5  }
0x13: {  	s21 =	simm.s32 $0x1400;
	s12 =	simm.s32 $0x900;
	[dreg:$0x6] =	wrdreg s22  }
0x14: {  	s13 =	simm.s32 $0x980;
	s8 =	simm.s32 $0x2780;
	[dreg:$0x7] =	wrdreg s1  }
0x15: {  	s0 =	sadd.s32 s6, s0;
	s6 =	sadd.s32 s17, s3;
	[dreg:$0x8] =	wrdreg s24  }
.Ltmp0:
0x16: {  	s1 =	sadd.s32 s9, s23;
	[dreg:$0xa] =	wrdreg s25;
	(pc) =	sbr.rel .LBB2_1-.Ltmp0, $4  }
0x17: {  	[dreg:$0xb] =	wrdreg s26;
	s17 =	sadd.s32 $0x68000, s10;
	s22 =	simm.s32 $0x80  }
0x18: {  	s23 =	simm.s32 $0x2800;
	s24 =	simm.s32 $0x6800;
	s25 =	simm.s32 $0x1  }
0x19: {  	s26 =	simm.s32 $0x2;
	s9 =	simm.s32 $0x0;
	[dreg:$0x9] =	wrdreg s1  }
0x1a: {  	s18 =	sadd.s32 $0x4800, s0;
	s0 =	simm.s32 $0x1D80;
	s1 =	simm.s32 $0x2700  }
.LBB2_8:
0x1b: {  	[tilespmem:s24], [sflag:$0x2] =	stream.indirect.gather [hbm4b:s2+s22], $0x80, s11, s22, $0xb8;
	[tilespmem:$0x1E800] =	vst v63  }
0x1c: {  	_ =	swait.ge [sflag:s25], $0x4000  }
0x1d: {  	[sflag:s25] =	ssyncset.done $0x0  }
0x1e: {  	[sflag:s25] =	ssyncadd.s32 $0xFFFFC000  }
0x1f: {  	[spmem:s3] =	stream.indirect.scatter.add.f32 [tilespmem:s23], [sflag:$0x3], $0x80, s1, s22, $0xb8;
	[tilespmem:$0x1E800] =	vst v63  }
0x20: {  	_ =	swait.ge [sflag:s26], $0x4000  }
0x21: {  	[sflag:s26] =	ssyncset.done $0x0  }
0x22: {  	[sflag:s26] =	ssyncadd.s32 $0xFFFFC000  }
0x23: {  	[spmem:s3] =	stream.indirect.scatter.add.f32 [tilespmem:s24], [sflag:$0x4], $0x80, s8, s22, $0xb8;
	[tilespmem:$0x1E800] =	vst v63  }
0x24: {  	_ =	swait.ge [sflag:s29], $0x4000  }
0x25: {  	[sflag:s29] =	ssyncset.done $0x0  }
0x26: {  	[sflag:s29] =	ssyncadd.s32 $0xFFFFC000  }
0x27: {  	_ =	swait.ge [sflag:s31], $0x4000  }
0x28: {  	[sflag:s31] =	ssyncset.done $0x0;
	s11 =	rddreg [dreg:$0xa]  }
0x29: {  	s15 =	simm.s32 $0x1480;
	s14 =	rddreg [dreg:$0xb];
	[sflag:s31] =	ssyncadd.s32 $0xFFFFC000  }
.LBB2_9:
0x2a: {  	[tilespmem:s4], [sflag:$0x5] =	stream.linear.gather [hbm4b:s11+s4], $0xA00, $0x38;
	[tilespmem:$0x1E800] =	vst v63  }
0x2b: {  	_ =	swait.ge [sflag:s20], $0xA00  }
0x2c: {  	[sflag:s20] =	ssyncset.done $0x0  }
0x2d: {  	[sflag:s20] =	ssyncadd.s32 $0xFFFFF600  }
0x2e: {  	[tilespmem:s21], [sflag:$0x5] =	stream.linear.gather [hbm4b:s14+s4], $0xA00, $0x38;
	[tilespmem:$0x1E800] =	vst v63  }
0x2f: {  	_ =	swait.ge [sflag:s20], $0xA00  }
0x30: {  	[sflag:s20] =	ssyncset.done $0x0  }
0x31: {  	[sflag:s20] =	ssyncadd.s32 $0xFFFFF600  }
0x32: {  	[tilespmem:s23], [sflag:$0x1] =	stream.indirect.gather [hbm4b:s2+s22], $0x80, s4, s22, $0xb8;
	[tilespmem:$0x1E800] =	vst v63  }
0x33: {  	_ = 	snop  }
0x34: {  	[tilespmem:s24], [sflag:$0x2] =	stream.indirect.gather [hbm4b:s2+s22], $0x80, s22, s22, $0xb8;
	[tilespmem:$0x1E800] =	vst v63  }
0x35: {  	_ =	swait.ge [sflag:s25], $0x4000  }
0x36: {  	[sflag:s25] =	ssyncset.done $0x0  }
0x37: {  	[sflag:s25] =	ssyncadd.s32 $0xFFFFC000  }
0x38: {  	[spmem:s3] =	stream.indirect.scatter.add.f32 [tilespmem:s23], [sflag:$0x3], $0x80, s21, s22, $0xb8;
	[tilespmem:$0x1E800] =	vst v63  }
0x39: {  	_ =	swait.ge [sflag:s26], $0x4000  }
0x3a: {  	[sflag:s26] =	ssyncset.done $0x0  }
0x3b: {  	[sflag:s26] =	ssyncadd.s32 $0xFFFFC000  }
0x3c: {  	[spmem:s3] =	stream.indirect.scatter.add.f32 [tilespmem:s24], [sflag:$0x4], $0x80, s15, s22, $0xb8;
	[tilespmem:$0x1E800] =	vst v63  }
0x3d: {  	_ =	swait.ge [sflag:s29], $0x4000  }
0x3e: {  	[sflag:s29] =	ssyncset.done $0x0  }
0x3f: {  	s14 =	simm.s32 $0x100;
	[sflag:s29] =	ssyncadd.s32 $0xFFFFC000  }
0x40: {  	[tilespmem:s23], [sflag:$0x1] =	stream.indirect.gather [hbm4b:s2+s22], $0x80, s14, s22, $0xb8;
	[tilespmem:$0x1E800] =	vst v63  }
0x41: {  	_ =	swait.ge [sflag:s31], $0x4000  }
0x42: {  	[sflag:s31] =	ssyncset.done $0x0  }
0x43: {  	s14 =	simm.s32 $0x180;
	[sflag:s31] =	ssyncadd.s32 $0xFFFFC000  }
0x44: {  	[tilespmem:s24], [sflag:$0x2] =	stream.indirect.gather [hbm4b:s2+s22], $0x80, s14, s22, $0xb8;
	[tilespmem:$0x1E800] =	vst v63  }
0x45: {  	_ =	swait.ge [sflag:s25], $0x4000  }
0x46: {  	[sflag:s25] =	ssyncset.done $0x0  }
0x47: {  	s14 =	simm.s32 $0x1500;
	[sflag:s25] =	ssyncadd.s32 $0xFFFFC000  }
0x48: {  	[spmem:s3] =	stream.indirect.scatter.add.f32 [tilespmem:s23], [sflag:$0x3], $0x80, s14, s22, $0xb8;
	[tilespmem:$0x1E800] =	vst v63  }
0x49: {  	_ =	swait.ge [sflag:s26], $0x4000  }
0x4a: {  	[sflag:s26] =	ssyncset.done $0x0  }
0x4b: {  	s14 =	simm.s32 $0x1580;
	[sflag:s26] =	ssyncadd.s32 $0xFFFFC000  }
0x4c: {  	[spmem:s3] =	stream.indirect.scatter.add.f32 [tilespmem:s24], [sflag:$0x4], $0x80, s14, s22, $0xb8;
	[tilespmem:$0x1E800] =	vst v63  }
0x4d: {  	_ =	swait.ge [sflag:s29], $0x4000  }
0x4e: {  	[sflag:s29] =	ssyncset.done $0x0  }
0x4f: {  	s14 =	simm.s32 $0x200;
	[sflag:s29] =	ssyncadd.s32 $0xFFFFC000  }
0x50: {  	[tilespmem:s23], [sflag:$0x1] =	stream.indirect.gather [hbm4b:s2+s22], $0x80, s14, s22, $0xb8;
	[tilespmem:$0x1E800] =	vst v63  }
0x51: {  	_ =	swait.ge [sflag:s31], $0x4000  }
0x52: {  	[sflag:s31] =	ssyncset.done $0x0  }
0x53: {  	s14 =	simm.s32 $0x280;
	[sflag:s31] =	ssyncadd.s32 $0xFFFFC000  }
0x54: {  	[tilespmem:s24], [sflag:$0x2] =	stream.indirect.gather [hbm4b:s2+s22], $0x80, s14, s22, $0xb8;
	[tilespmem:$0x1E800] =	vst v63  }
0x55: {  	_ =	swait.ge [sflag:s25], $0x4000  }
0x56: {  	[sflag:s25] =	ssyncset.done $0x0  }
0x57: {  	s14 =	simm.s32 $0x1600;
	[sflag:s25] =	ssyncadd.s32 $0xFFFFC000  }
0x58: {  	[spmem:s3] =	stream.indirect.scatter.add.f32 [tilespmem:s23], [sflag:$0x3], $0x80, s14, s22, $0xb8;
	[tilespmem:$0x1E800] =	vst v63  }
0x59: {  	_ =	swait.ge [sflag:s26], $0x4000  }
0x5a: {  	[sflag:s26] =	ssyncset.done $0x0  }
0x5b: {  	s14 =	simm.s32 $0x1680;
	[sflag:s26] =	ssyncadd.s32 $0xFFFFC000  }
0x5c: {  	[spmem:s3] =	stream.indirect.scatter.add.f32 [tilespmem:s24], [sflag:$0x4], $0x80, s14, s22, $0xb8;
	[tilespmem:$0x1E800] =	vst v63  }
0x5d: {  	_ =	swait.ge [sflag:s29], $0x4000  }
0x5e: {  	[sflag:s29] =	ssyncset.done $0x0  }
0x5f: {  	s14 =	simm.s32 $0x300;
	[sflag:s29] =	ssyncadd.s32 $0xFFFFC000  }
0x60: {  	[tilespmem:s23], [sflag:$0x1] =	stream.indirect.gather [hbm4b:s2+s22], $0x80, s14, s22, $0xb8;
	[tilespmem:$0x1E800] =	vst v63  }
0x61: {  	_ =	swait.ge [sflag:s31], $0x4000  }
0x62: {  	[sflag:s31] =	ssyncset.done $0x0  }
0x63: {  	s14 =	simm.s32 $0x380;
	[sflag:s31] =	ssyncadd.s32 $0xFFFFC000  }
0x64: {  	[tilespmem:s24], [sflag:$0x2] =	stream.indirect.gather [hbm4b:s2+s22], $0x80, s14, s22, $0xb8;
	[tilespmem:$0x1E800] =	vst v63  }
0x65: {  	_ =	swait.ge [sflag:s25], $0x4000  }
0x66: {  	[sflag:s25] =	ssyncset.done $0x0  }
0x67: {  	s14 =	simm.s32 $0x1700;
	[sflag:s25] =	ssyncadd.s32 $0xFFFFC000  }
0x68: {  	[spmem:s3] =	stream.indirect.scatter.add.f32 [tilespmem:s23], [sflag:$0x3], $0x80, s14, s22, $0xb8;
	[tilespmem:$0x1E800] =	vst v63  }
0x69: {  	_ =	swait.ge [sflag:s26], $0x4000  }
0x6a: {  	[sflag:s26] =	ssyncset.done $0x0  }
0x6b: {  	s14 =	simm.s32 $0x1780;
	[sflag:s26] =	ssyncadd.s32 $0xFFFFC000  }
0x6c: {  	[spmem:s3] =	stream.indirect.scatter.add.f32 [tilespmem:s24], [sflag:$0x4], $0x80, s14, s22, $0xb8;
	[tilespmem:$0x1E800] =	vst v63  }
0x6d: {  	_ =	swait.ge [sflag:s29], $0x4000  }
0x6e: {  	[sflag:s29] =	ssyncset.done $0x0  }
0x6f: {  	s14 =	simm.s32 $0x400;
	[sflag:s29] =	ssyncadd.s32 $0xFFFFC000  }
0x70: {  	[tilespmem:s23], [sflag:$0x1] =	stream.indirect.gather [hbm4b:s2+s22], $0x80, s14, s22, $0xb8;
	[tilespmem:$0x1E800] =	vst v63  }
0x71: {  	_ =	swait.ge [sflag:s31], $0x4000  }
0x72: {  	[sflag:s31] =	ssyncset.done $0x0  }
0x73: {  	s14 =	simm.s32 $0x480;
	[sflag:s31] =	ssyncadd.s32 $0xFFFFC000  }
0x74: {  	[tilespmem:s24], [sflag:$0x2] =	stream.indirect.gather [hbm4b:s2+s22], $0x80, s14, s22, $0xb8;
	[tilespmem:$0x1E800] =	vst v63  }
0x75: {  	_ =	swait.ge [sflag:s25], $0x4000  }
0x76: {  	[sflag:s25] =	ssyncset.done $0x0  }
0x77: {  	s14 =	simm.s32 $0x1800;
	[sflag:s25] =	ssyncadd.s32 $0xFFFFC000  }
0x78: {  	[spmem:s3] =	stream.indirect.scatter.add.f32 [tilespmem:s23], [sflag:$0x3], $0x80, s14, s22, $0xb8;
	[tilespmem:$0x1E800] =	vst v63  }
0x79: {  	_ =	swait.ge [sflag:s26], $0x4000  }
0x7a: {  	[sflag:s26] =	ssyncset.done $0x0  }
0x7b: {  	s14 =	simm.s32 $0x1880;
	[sflag:s26] =	ssyncadd.s32 $0xFFFFC000  }
0x7c: {  	[spmem:s3] =	stream.indirect.scatter.add.f32 [tilespmem:s24], [sflag:$0x4], $0x80, s14, s22, $0xb8;
	[tilespmem:$0x1E800] =	vst v63  }
0x7d: {  	_ =	swait.ge [sflag:s29], $0x4000  }
0x7e: {  	[sflag:s29] =	ssyncset.done $0x0  }
0x7f: {  	s14 =	simm.s32 $0x500;
	[sflag:s29] =	ssyncadd.s32 $0xFFFFC000  }
0x80: {  	[tilespmem:s23], [sflag:$0x1] =	stream.indirect.gather [hbm4b:s2+s22], $0x80, s14, s22, $0xb8;
	[tilespmem:$0x1E800] =	vst v63  }
0x81: {  	_ =	swait.ge [sflag:s31], $0x4000  }
0x82: {  	[sflag:s31] =	ssyncset.done $0x0  }
0x83: {  	s14 =	simm.s32 $0x580;
	[sflag:s31] =	ssyncadd.s32 $0xFFFFC000  }
0x84: {  	[tilespmem:s24], [sflag:$0x2] =	stream.indirect.gather [hbm4b:s2+s22], $0x80, s14, s22, $0xb8;
	[tilespmem:$0x1E800] =	vst v63  }
0x85: {  	_ =	swait.ge [sflag:s25], $0x4000  }
0x86: {  	[sflag:s25] =	ssyncset.done $0x0  }
0x87: {  	s14 =	simm.s32 $0x1900;
	[sflag:s25] =	ssyncadd.s32 $0xFFFFC000  }
0x88: {  	[spmem:s3] =	stream.indirect.scatter.add.f32 [tilespmem:s23], [sflag:$0x3], $0x80, s14, s22, $0xb8;
	[tilespmem:$0x1E800] =	vst v63  }
0x89: {  	_ =	swait.ge [sflag:s26], $0x4000  }
0x8a: {  	[sflag:s26] =	ssyncset.done $0x0  }
0x8b: {  	s14 =	simm.s32 $0x1980;
	[sflag:s26] =	ssyncadd.s32 $0xFFFFC000  }
0x8c: {  	[spmem:s3] =	stream.indirect.scatter.add.f32 [tilespmem:s24], [sflag:$0x4], $0x80, s14, s22, $0xb8;
	[tilespmem:$0x1E800] =	vst v63  }
0x8d: {  	_ =	swait.ge [sflag:s29], $0x4000  }
0x8e: {  	[sflag:s29] =	ssyncset.done $0x0  }
0x8f: {  	s14 =	simm.s32 $0x600;
	[sflag:s29] =	ssyncadd.s32 $0xFFFFC000  }
0x90: {  	[tilespmem:s23], [sflag:$0x1] =	stream.indirect.gather [hbm4b:s2+s22], $0x80, s14, s22, $0xb8;
	[tilespmem:$0x1E800] =	vst v63  }
0x91: {  	_ =	swait.ge [sflag:s31], $0x4000  }
0x92: {  	[sflag:s31] =	ssyncset.done $0x0  }
0x93: {  	s14 =	simm.s32 $0x680;
	[sflag:s31] =	ssyncadd.s32 $0xFFFFC000  }
0x94: {  	[tilespmem:s24], [sflag:$0x2] =	stream.indirect.gather [hbm4b:s2+s22], $0x80, s14, s22, $0xb8;
	[tilespmem:$0x1E800] =	vst v63  }
0x95: {  	_ =	swait.ge [sflag:s25], $0x4000  }
0x96: {  	[sflag:s25] =	ssyncset.done $0x0  }
0x97: {  	s14 =	simm.s32 $0x1A00;
	[sflag:s25] =	ssyncadd.s32 $0xFFFFC000  }
0x98: {  	[spmem:s3] =	stream.indirect.scatter.add.f32 [tilespmem:s23], [sflag:$0x3], $0x80, s14, s22, $0xb8;
	[tilespmem:$0x1E800] =	vst v63  }
0x99: {  	_ =	swait.ge [sflag:s26], $0x4000  }
0x9a: {  	[sflag:s26] =	ssyncset.done $0x0  }
0x9b: {  	s14 =	simm.s32 $0x1A80;
	[sflag:s26] =	ssyncadd.s32 $0xFFFFC000  }
0x9c: {  	[spmem:s3] =	stream.indirect.scatter.add.f32 [tilespmem:s24], [sflag:$0x4], $0x80, s14, s22, $0xb8;
	[tilespmem:$0x1E800] =	vst v63  }
0x9d: {  	_ =	swait.ge [sflag:s29], $0x4000  }
0x9e: {  	[sflag:s29] =	ssyncset.done $0x0  }
0x9f: {  	s14 =	simm.s32 $0x700;
	[sflag:s29] =	ssyncadd.s32 $0xFFFFC000  }
0xa0: {  	[tilespmem:s23], [sflag:$0x1] =	stream.indirect.gather [hbm4b:s2+s22], $0x80, s14, s22, $0xb8;
	[tilespmem:$0x1E800] =	vst v63  }
0xa1: {  	_ =	swait.ge [sflag:s31], $0x4000  }
0xa2: {  	[sflag:s31] =	ssyncset.done $0x0  }
0xa3: {  	s14 =	simm.s32 $0x780;
	[sflag:s31] =	ssyncadd.s32 $0xFFFFC000  }
0xa4: {  	[tilespmem:s24], [sflag:$0x2] =	stream.indirect.gather [hbm4b:s2+s22], $0x80, s14, s22, $0xb8;
	[tilespmem:$0x1E800] =	vst v63  }
0xa5: {  	_ =	swait.ge [sflag:s25], $0x4000  }
0xa6: {  	[sflag:s25] =	ssyncset.done $0x0  }
0xa7: {  	s14 =	simm.s32 $0x1B00;
	[sflag:s25] =	ssyncadd.s32 $0xFFFFC000  }
0xa8: {  	[spmem:s3] =	stream.indirect.scatter.add.f32 [tilespmem:s23], [sflag:$0x3], $0x80, s14, s22, $0xb8;
	[tilespmem:$0x1E800] =	vst v63  }
0xa9: {  	_ =	swait.ge [sflag:s26], $0x4000  }
0xaa: {  	[sflag:s26] =	ssyncset.done $0x0  }
0xab: {  	s14 =	simm.s32 $0x1B80;
	[sflag:s26] =	ssyncadd.s32 $0xFFFFC000  }
0xac: {  	[spmem:s3] =	stream.indirect.scatter.add.f32 [tilespmem:s24], [sflag:$0x4], $0x80, s14, s22, $0xb8;
	[tilespmem:$0x1E800] =	vst v63  }
0xad: {  	_ =	swait.ge [sflag:s29], $0x4000  }
0xae: {  	[sflag:s29] =	ssyncset.done $0x0  }
0xaf: {  	s14 =	simm.s32 $0x800;
	[sflag:s29] =	ssyncadd.s32 $0xFFFFC000  }
0xb0: {  	[tilespmem:s23], [sflag:$0x1] =	stream.indirect.gather [hbm4b:s2+s22], $0x80, s14, s22, $0xb8;
	[tilespmem:$0x1E800] =	vst v63  }
0xb1: {  	_ =	swait.ge [sflag:s31], $0x4000  }
0xb2: {  	[sflag:s31] =	ssyncset.done $0x0  }
0xb3: {  	s14 =	simm.s32 $0x880;
	[sflag:s31] =	ssyncadd.s32 $0xFFFFC000  }
0xb4: {  	[tilespmem:s24], [sflag:$0x2] =	stream.indirect.gather [hbm4b:s2+s22], $0x80, s14, s22, $0xb8;
	[tilespmem:$0x1E800] =	vst v63  }
0xb5: {  	_ =	swait.ge [sflag:s25], $0x4000  }
0xb6: {  	[sflag:s25] =	ssyncset.done $0x0  }
0xb7: {  	s14 =	simm.s32 $0x1C00;
	[sflag:s25] =	ssyncadd.s32 $0xFFFFC000  }
0xb8: {  	[spmem:s3] =	stream.indirect.scatter.add.f32 [tilespmem:s23], [sflag:$0x3], $0x80, s14, s22, $0xb8;
	[tilespmem:$0x1E800] =	vst v63  }
0xb9: {  	_ =	swait.ge [sflag:s26], $0x4000  }
0xba: {  	[sflag:s26] =	ssyncset.done $0x0  }
0xbb: {  	[sflag:s26] =	ssyncadd.s32 $0xFFFFC000  }
0xbc: {  	[spmem:s3] =	stream.indirect.scatter.add.f32 [tilespmem:s24], [sflag:$0x4], $0x80, s28, s22, $0xb8;
	[tilespmem:$0x1E800] =	vst v63  }
0xbd: {  	_ =	swait.ge [sflag:s29], $0x4000  }
0xbe: {  	[sflag:s29] =	ssyncset.done $0x0  }
0xbf: {  	[sflag:s29] =	ssyncadd.s32 $0xFFFFC000  }
0xc0: {  	[tilespmem:s23], [sflag:$0x1] =	stream.indirect.gather [hbm4b:s2+s22], $0x80, s12, s22, $0xb8;
	[tilespmem:$0x1E800] =	vst v63  }
0xc1: {  	_ =	swait.ge [sflag:s31], $0x4000  }
0xc2: {  	[sflag:s31] =	ssyncset.done $0x0  }
0xc3: {  	[sflag:s31] =	ssyncadd.s32 $0xFFFFC000  }
0xc4: {  	[tilespmem:s24], [sflag:$0x2] =	stream.indirect.gather [hbm4b:s2+s22], $0x80, s13, s22, $0xb8;
	[tilespmem:$0x1E800] =	vst v63  }
0xc5: {  	_ =	swait.ge [sflag:s25], $0x4000  }
0xc6: {  	[sflag:s25] =	ssyncset.done $0x0  }
0xc7: {  	[sflag:s25] =	ssyncadd.s32 $0xFFFFC000  }
0xc8: {  	[spmem:s3] =	stream.indirect.scatter.add.f32 [tilespmem:s23], [sflag:$0x3], $0x80, s30, s22, $0xb8;
	[tilespmem:$0x1E800] =	vst v63  }
0xc9: {  	_ =	swait.ge [sflag:s26], $0x4000  }
0xca: {  	[sflag:s26] =	ssyncset.done $0x0  }
0xcb: {  	[sflag:s26] =	ssyncadd.s32 $0xFFFFC000  }
0xcc: {  	[spmem:s3] =	stream.indirect.scatter.add.f32 [tilespmem:s24], [sflag:$0x4], $0x80, s0, s22, $0xb8;
	[tilespmem:$0x1E800] =	vst v63  }
0xcd: {  	_ =	swait.ge [sflag:s29], $0x4000  }
0xce: {  	[sflag:s29] =	ssyncset.done $0x0  }
0xcf: {  	[sflag:s29] =	ssyncadd.s32 $0xFFFFC000  }
0xd0: {  	_ =	swait.ge [sflag:s31], $0x4000  }
0xd1: {  	s9 =	sadd.s32 $0x1, s9;
	[sflag:s31] =	ssyncset.done $0x0  }
0xd2: {  	p1 =	sne.s32 s9, s19;
	[sflag:s31] =	ssyncadd.s32 $0xFFFFC000  }
.Ltmp1:
0xd3: {  	[bflag:$0x0] =	sbarrier.arrive $0xFFFF;
	(pc) =	sbr.rel @!p1 .LBB2_10-.Ltmp1, $4  }
0xd4: {  	[hbm:s18], [sflag:s7] =	dma.local [spmem:s10], $0x2800  }
0xd5: {  	_ =	swait.ge [sflag:s20], $0x2800  }
0xd6: {  	[sflag:s20] =	ssyncset.done $0x0  }
0xd7: {  	[sflag:s20] =	ssyncadd.s32 $0xFFFFD800  }
.LBB2_1:
0xd8: {  	s10 =	sshrl.u32 s6, $0x3  }
0xd9: {  	[spmem:s10], [sflag:s7] =	dma.local [hbm:s5], $0x2800  }
.Ltmp2:
0xda: {  	_ =	swait.ge [sflag:s20], $0x2800;
	(pc) =	sbr.rel @p0 .LBB2_9-.Ltmp2, $4  }
0xdb: {  	[sflag:s20] =	ssyncset.done $0x0  }
0xdc: {  	[sflag:s20] =	ssyncadd.s32 $0xFFFFD800  }
0xdd: {  	[bflag:$0x0] =	sbarrier.arrive $0xFFFF  }
0xde: {  	s11 =	smov.u32 s16;
	s14 =	smov.u32 s17  }
0xdf: {  	s11 =	simm.s32 $0x0;
	s14 =	rddreg [dreg:$0x4]  }
0xe0: {  	[tilespmem:s11], [sflag:$0x5] =	stream.linear.gather [hbm4b:s14+s11], $0x1400, $0x38;
	[tilespmem:$0x1E800] =	vst v63  }
0xe1: {  	_ =	swait.ge [sflag:s20], $0x1400  }
0xe2: {  	[sflag:s20] =	ssyncset.done $0x0  }
0xe3: {  	s15 =	rddreg [dreg:$0x5];
	[sflag:s20] =	ssyncadd.s32 $0xFFFFEC00  }
0xe4: {  	[tilespmem:s21], [sflag:$0x5] =	stream.linear.gather [hbm4b:s15+s11], $0x1400, $0x38;
	[tilespmem:$0x1E800] =	vst v63  }
0xe5: {  	_ =	swait.ge [sflag:s20], $0x1400  }
0xe6: {  	[sflag:s20] =	ssyncset.done $0x0  }
0xe7: {  	[sflag:s20] =	ssyncadd.s32 $0xFFFFEC00  }
0xe8: {  	[tilespmem:s23], [sflag:$0x1] =	stream.indirect.gather [hbm4b:s2+s22], $0x80, s11, s22, $0xb8;
	[tilespmem:$0x1E800] =	vst v63  }
0xe9: {  	_ = 	snop  }
0xea: {  	[tilespmem:s24], [sflag:$0x2] =	stream.indirect.gather [hbm4b:s2+s22], $0x80, s22, s22, $0xb8;
	[tilespmem:$0x1E800] =	vst v63  }
0xeb: {  	_ =	swait.ge [sflag:s25], $0x4000  }
0xec: {  	[sflag:s25] =	ssyncset.done $0x0  }
0xed: {  	s15 =	simm.s32 $0x1400;
	[sflag:s25] =	ssyncadd.s32 $0xFFFFC000  }
0xee: {  	[spmem:s3] =	stream.indirect.scatter.add.f32 [tilespmem:s23], [sflag:$0x3], $0x80, s15, s22, $0xb8;
	[tilespmem:$0x1E800] =	vst v63  }
0xef: {  	_ =	swait.ge [sflag:s26], $0x4000  }
0xf0: {  	[sflag:s26] =	ssyncset.done $0x0  }
0xf1: {  	s14 =	simm.s32 $0x1480;
	[sflag:s26] =	ssyncadd.s32 $0xFFFFC000  }
0xf2: {  	[spmem:s3] =	stream.indirect.scatter.add.f32 [tilespmem:s24], [sflag:$0x4], $0x80, s14, s22, $0xb8;
	[tilespmem:$0x1E800] =	vst v63  }
0xf3: {  	_ =	swait.ge [sflag:s29], $0x4000  }
0xf4: {  	[sflag:s29] =	ssyncset.done $0x0  }
0xf5: {  	s15 =	simm.s32 $0x100;
	[sflag:s29] =	ssyncadd.s32 $0xFFFFC000  }
0xf6: {  	[tilespmem:s23], [sflag:$0x1] =	stream.indirect.gather [hbm4b:s2+s22], $0x80, s15, s22, $0xb8;
	[tilespmem:$0x1E800] =	vst v63  }
0xf7: {  	_ =	swait.ge [sflag:s31], $0x4000  }
0xf8: {  	[sflag:s31] =	ssyncset.done $0x0  }
0xf9: {  	s11 =	simm.s32 $0x180;
	s14 =	simm.s32 $0x400;
	[sflag:s31] =	ssyncadd.s32 $0xFFFFC000  }
.LBB2_3:
0xfa: {  	[tilespmem:s24], [sflag:$0x2] =	stream.indirect.gather [hbm4b:s2+s22], $0x80, s11, s22, $0xb8;
	[tilespmem:$0x1E800] =	vst v63  }
0xfb: {  	s11 =	smov.u32 s14  }
0xfc: {  	p1 =	sne.s32 s14, $0x4800;
	s14 =	sadd.s32 $0x400, s14;
	_ =	swait.ge [sflag:s25], $0x4000  }
0xfd: {  	s11 =	sshra.s32 s11, $0x2;
	[sflag:s25] =	ssyncset.done $0x0  }
0xfe: {  	s15 =	sadd.s32 $0x1400, s11;
	[sflag:s25] =	ssyncadd.s32 $0xFFFFC000  }
0xff: {  	[spmem:s3] =	stream.indirect.scatter.add.f32 [tilespmem:s23], [sflag:$0x3], $0x80, s15, s22, $0xb8;
	[tilespmem:$0x1E800] =	vst v63  }
0x100: {  	_ =	swait.ge [sflag:s26], $0x4000  }
0x101: {  	[sflag:s26] =	ssyncset.done $0x0  }
0x102: {  	s15 =	sadd.s32 $0x1480, s11;
	[sflag:s26] =	ssyncadd.s32 $0xFFFFC000  }
0x103: {  	[spmem:s3] =	stream.indirect.scatter.add.f32 [tilespmem:s24], [sflag:$0x4], $0x80, s15, s22, $0xb8;
	[tilespmem:$0x1E800] =	vst v63  }
0x104: {  	_ =	swait.ge [sflag:s29], $0x4000  }
0x105: {  	[sflag:s29] =	ssyncset.done $0x0  }
.Ltmp3:
0x106: {  	s15 =	sadd.s32 $0x100, s11;
	[sflag:s29] =	ssyncadd.s32 $0xFFFFC000;
	(pc) =	sbr.rel @p1 .LBB2_3-.Ltmp3, $4  }
0x107: {  	[tilespmem:s23], [sflag:$0x1] =	stream.indirect.gather [hbm4b:s2+s22], $0x80, s15, s22, $0xb8;
	[tilespmem:$0x1E800] =	vst v63  }
0x108: {  	_ =	swait.ge [sflag:s31], $0x4000  }
0x109: {  	[sflag:s31] =	ssyncset.done $0x0  }
0x10a: {  	s11 =	sadd.s32 $0x180, s11;
	[sflag:s31] =	ssyncadd.s32 $0xFFFFC000  }
0x10b: {  	[tilespmem:s24], [sflag:$0x2] =	stream.indirect.gather [hbm4b:s2+s22], $0x80, s11, s22, $0xb8;
	[tilespmem:$0x1E800] =	vst v63  }
0x10c: {  	_ =	swait.ge [sflag:s25], $0x4000  }
0x10d: {  	[sflag:s25] =	ssyncset.done $0x0  }
0x10e: {  	[sflag:s25] =	ssyncadd.s32 $0xFFFFC000  }
0x10f: {  	[spmem:s3] =	stream.indirect.scatter.add.f32 [tilespmem:s23], [sflag:$0x3], $0x80, s1, s22, $0xb8;
	[tilespmem:$0x1E800] =	vst v63  }
0x110: {  	_ =	swait.ge [sflag:s26], $0x4000  }
0x111: {  	[sflag:s26] =	ssyncset.done $0x0  }
0x112: {  	[sflag:s26] =	ssyncadd.s32 $0xFFFFC000  }
0x113: {  	[spmem:s3] =	stream.indirect.scatter.add.f32 [tilespmem:s24], [sflag:$0x4], $0x80, s8, s22, $0xb8;
	[tilespmem:$0x1E800] =	vst v63  }
0x114: {  	_ =	swait.ge [sflag:s29], $0x4000  }
0x115: {  	[sflag:s29] =	ssyncset.done $0x0  }
0x116: {  	[sflag:s29] =	ssyncadd.s32 $0xFFFFC000  }
0x117: {  	_ =	swait.ge [sflag:s31], $0x4000  }
0x118: {  	[sflag:s31] =	ssyncset.done $0x0  }
0x119: {  	s11 =	simm.s32 $0x0;
	s14 =	rddreg [dreg:$0x6];
	[sflag:s31] =	ssyncadd.s32 $0xFFFFC000  }
0x11a: {  	[tilespmem:s11], [sflag:$0x5] =	stream.linear.gather [hbm4b:s14+s11], $0x1400, $0x38;
	[tilespmem:$0x1E800] =	vst v63  }
0x11b: {  	_ =	swait.ge [sflag:s20], $0x1400  }
0x11c: {  	[sflag:s20] =	ssyncset.done $0x0  }
0x11d: {  	s15 =	rddreg [dreg:$0x7];
	[sflag:s20] =	ssyncadd.s32 $0xFFFFEC00  }
0x11e: {  	[tilespmem:s21], [sflag:$0x5] =	stream.linear.gather [hbm4b:s15+s11], $0x1400, $0x38;
	[tilespmem:$0x1E800] =	vst v63  }
0x11f: {  	_ =	swait.ge [sflag:s20], $0x1400  }
0x120: {  	[sflag:s20] =	ssyncset.done $0x0  }
0x121: {  	[sflag:s20] =	ssyncadd.s32 $0xFFFFEC00  }
0x122: {  	[tilespmem:s23], [sflag:$0x1] =	stream.indirect.gather [hbm4b:s2+s22], $0x80, s11, s22, $0xb8;
	[tilespmem:$0x1E800] =	vst v63  }
0x123: {  	_ = 	snop  }
0x124: {  	[tilespmem:s24], [sflag:$0x2] =	stream.indirect.gather [hbm4b:s2+s22], $0x80, s22, s22, $0xb8;
	[tilespmem:$0x1E800] =	vst v63  }
0x125: {  	_ =	swait.ge [sflag:s25], $0x4000  }
0x126: {  	[sflag:s25] =	ssyncset.done $0x0  }
0x127: {  	s15 =	simm.s32 $0x1400;
	[sflag:s25] =	ssyncadd.s32 $0xFFFFC000  }
0x128: {  	[spmem:s3] =	stream.indirect.scatter.add.f32 [tilespmem:s23], [sflag:$0x3], $0x80, s15, s22, $0xb8;
	[tilespmem:$0x1E800] =	vst v63  }
0x129: {  	_ =	swait.ge [sflag:s26], $0x4000  }
0x12a: {  	[sflag:s26] =	ssyncset.done $0x0  }
0x12b: {  	s14 =	simm.s32 $0x1480;
	[sflag:s26] =	ssyncadd.s32 $0xFFFFC000  }
0x12c: {  	[spmem:s3] =	stream.indirect.scatter.add.f32 [tilespmem:s24], [sflag:$0x4], $0x80, s14, s22, $0xb8;
	[tilespmem:$0x1E800] =	vst v63  }
0x12d: {  	_ =	swait.ge [sflag:s29], $0x4000  }
0x12e: {  	[sflag:s29] =	ssyncset.done $0x0  }
0x12f: {  	s15 =	simm.s32 $0x100;
	[sflag:s29] =	ssyncadd.s32 $0xFFFFC000  }
0x130: {  	[tilespmem:s23], [sflag:$0x1] =	stream.indirect.gather [hbm4b:s2+s22], $0x80, s15, s22, $0xb8;
	[tilespmem:$0x1E800] =	vst v63  }
0x131: {  	_ =	swait.ge [sflag:s31], $0x4000  }
0x132: {  	[sflag:s31] =	ssyncset.done $0x0  }
0x133: {  	s11 =	simm.s32 $0x180;
	s14 =	simm.s32 $0x400;
	[sflag:s31] =	ssyncadd.s32 $0xFFFFC000  }
.LBB2_5:
0x134: {  	[tilespmem:s24], [sflag:$0x2] =	stream.indirect.gather [hbm4b:s2+s22], $0x80, s11, s22, $0xb8;
	[tilespmem:$0x1E800] =	vst v63  }
0x135: {  	s11 =	smov.u32 s14  }
0x136: {  	p1 =	sne.s32 s14, $0x4800;
	s14 =	sadd.s32 $0x400, s14;
	_ =	swait.ge [sflag:s25], $0x4000  }
0x137: {  	s11 =	sshra.s32 s11, $0x2;
	[sflag:s25] =	ssyncset.done $0x0  }
0x138: {  	s15 =	sadd.s32 $0x1400, s11;
	[sflag:s25] =	ssyncadd.s32 $0xFFFFC000  }
0x139: {  	[spmem:s3] =	stream.indirect.scatter.add.f32 [tilespmem:s23], [sflag:$0x3], $0x80, s15, s22, $0xb8;
	[tilespmem:$0x1E800] =	vst v63  }
0x13a: {  	_ =	swait.ge [sflag:s26], $0x4000  }
0x13b: {  	[sflag:s26] =	ssyncset.done $0x0  }
0x13c: {  	s15 =	sadd.s32 $0x1480, s11;
	[sflag:s26] =	ssyncadd.s32 $0xFFFFC000  }
0x13d: {  	[spmem:s3] =	stream.indirect.scatter.add.f32 [tilespmem:s24], [sflag:$0x4], $0x80, s15, s22, $0xb8;
	[tilespmem:$0x1E800] =	vst v63  }
0x13e: {  	_ =	swait.ge [sflag:s29], $0x4000  }
0x13f: {  	[sflag:s29] =	ssyncset.done $0x0  }
.Ltmp4:
0x140: {  	s15 =	sadd.s32 $0x100, s11;
	[sflag:s29] =	ssyncadd.s32 $0xFFFFC000;
	(pc) =	sbr.rel @p1 .LBB2_5-.Ltmp4, $4  }
0x141: {  	[tilespmem:s23], [sflag:$0x1] =	stream.indirect.gather [hbm4b:s2+s22], $0x80, s15, s22, $0xb8;
	[tilespmem:$0x1E800] =	vst v63  }
0x142: {  	_ =	swait.ge [sflag:s31], $0x4000  }
0x143: {  	[sflag:s31] =	ssyncset.done $0x0  }
0x144: {  	s11 =	sadd.s32 $0x180, s11;
	[sflag:s31] =	ssyncadd.s32 $0xFFFFC000  }
0x145: {  	[tilespmem:s24], [sflag:$0x2] =	stream.indirect.gather [hbm4b:s2+s22], $0x80, s11, s22, $0xb8;
	[tilespmem:$0x1E800] =	vst v63  }
0x146: {  	_ =	swait.ge [sflag:s25], $0x4000  }
0x147: {  	[sflag:s25] =	ssyncset.done $0x0  }
0x148: {  	[sflag:s25] =	ssyncadd.s32 $0xFFFFC000  }
0x149: {  	[spmem:s3] =	stream.indirect.scatter.add.f32 [tilespmem:s23], [sflag:$0x3], $0x80, s1, s22, $0xb8;
	[tilespmem:$0x1E800] =	vst v63  }
0x14a: {  	_ =	swait.ge [sflag:s26], $0x4000  }
0x14b: {  	[sflag:s26] =	ssyncset.done $0x0  }
0x14c: {  	[sflag:s26] =	ssyncadd.s32 $0xFFFFC000  }
0x14d: {  	[spmem:s3] =	stream.indirect.scatter.add.f32 [tilespmem:s24], [sflag:$0x4], $0x80, s8, s22, $0xb8;
	[tilespmem:$0x1E800] =	vst v63  }
0x14e: {  	_ =	swait.ge [sflag:s29], $0x4000  }
0x14f: {  	[sflag:s29] =	ssyncset.done $0x0  }
0x150: {  	[sflag:s29] =	ssyncadd.s32 $0xFFFFC000  }
0x151: {  	_ =	swait.ge [sflag:s31], $0x4000  }
0x152: {  	[sflag:s31] =	ssyncset.done $0x0  }
0x153: {  	s11 =	simm.s32 $0x0;
	s14 =	rddreg [dreg:$0x8];
	[sflag:s31] =	ssyncadd.s32 $0xFFFFC000  }
0x154: {  	[tilespmem:s11], [sflag:$0x5] =	stream.linear.gather [hbm4b:s14+s11], $0x1400, $0x38;
	[tilespmem:$0x1E800] =	vst v63  }
0x155: {  	_ =	swait.ge [sflag:s20], $0x1400  }
0x156: {  	[sflag:s20] =	ssyncset.done $0x0  }
0x157: {  	s15 =	rddreg [dreg:$0x9];
	[sflag:s20] =	ssyncadd.s32 $0xFFFFEC00  }
0x158: {  	[tilespmem:s21], [sflag:$0x5] =	stream.linear.gather [hbm4b:s15+s11], $0x1400, $0x38;
	[tilespmem:$0x1E800] =	vst v63  }
0x159: {  	_ =	swait.ge [sflag:s20], $0x1400  }
0x15a: {  	[sflag:s20] =	ssyncset.done $0x0  }
0x15b: {  	[sflag:s20] =	ssyncadd.s32 $0xFFFFEC00  }
0x15c: {  	[tilespmem:s23], [sflag:$0x1] =	stream.indirect.gather [hbm4b:s2+s22], $0x80, s11, s22, $0xb8;
	[tilespmem:$0x1E800] =	vst v63  }
0x15d: {  	_ = 	snop  }
0x15e: {  	[tilespmem:s24], [sflag:$0x2] =	stream.indirect.gather [hbm4b:s2+s22], $0x80, s22, s22, $0xb8;
	[tilespmem:$0x1E800] =	vst v63  }
0x15f: {  	_ =	swait.ge [sflag:s25], $0x4000  }
0x160: {  	[sflag:s25] =	ssyncset.done $0x0  }
0x161: {  	s15 =	simm.s32 $0x1400;
	[sflag:s25] =	ssyncadd.s32 $0xFFFFC000  }
0x162: {  	[spmem:s3] =	stream.indirect.scatter.add.f32 [tilespmem:s23], [sflag:$0x3], $0x80, s15, s22, $0xb8;
	[tilespmem:$0x1E800] =	vst v63  }
0x163: {  	_ =	swait.ge [sflag:s26], $0x4000  }
0x164: {  	[sflag:s26] =	ssyncset.done $0x0  }
0x165: {  	s14 =	simm.s32 $0x1480;
	[sflag:s26] =	ssyncadd.s32 $0xFFFFC000  }
0x166: {  	[spmem:s3] =	stream.indirect.scatter.add.f32 [tilespmem:s24], [sflag:$0x4], $0x80, s14, s22, $0xb8;
	[tilespmem:$0x1E800] =	vst v63  }
0x167: {  	_ =	swait.ge [sflag:s29], $0x4000  }
0x168: {  	[sflag:s29] =	ssyncset.done $0x0  }
0x169: {  	s15 =	simm.s32 $0x100;
	[sflag:s29] =	ssyncadd.s32 $0xFFFFC000  }
0x16a: {  	[tilespmem:s23], [sflag:$0x1] =	stream.indirect.gather [hbm4b:s2+s22], $0x80, s15, s22, $0xb8;
	[tilespmem:$0x1E800] =	vst v63  }
0x16b: {  	_ =	swait.ge [sflag:s31], $0x4000  }
0x16c: {  	[sflag:s31] =	ssyncset.done $0x0  }
0x16d: {  	s11 =	simm.s32 $0x180;
	s14 =	simm.s32 $0x400;
	[sflag:s31] =	ssyncadd.s32 $0xFFFFC000  }
.LBB2_7:
0x16e: {  	[tilespmem:s24], [sflag:$0x2] =	stream.indirect.gather [hbm4b:s2+s22], $0x80, s11, s22, $0xb8;
	[tilespmem:$0x1E800] =	vst v63  }
0x16f: {  	s11 =	smov.u32 s14  }
0x170: {  	p1 =	sne.s32 s14, $0x4800;
	s14 =	sadd.s32 $0x400, s14;
	_ =	swait.ge [sflag:s25], $0x4000  }
0x171: {  	s11 =	sshra.s32 s11, $0x2;
	[sflag:s25] =	ssyncset.done $0x0  }
0x172: {  	s15 =	sadd.s32 $0x1400, s11;
	[sflag:s25] =	ssyncadd.s32 $0xFFFFC000  }
0x173: {  	[spmem:s3] =	stream.indirect.scatter.add.f32 [tilespmem:s23], [sflag:$0x3], $0x80, s15, s22, $0xb8;
	[tilespmem:$0x1E800] =	vst v63  }
0x174: {  	_ =	swait.ge [sflag:s26], $0x4000  }
0x175: {  	[sflag:s26] =	ssyncset.done $0x0  }
0x176: {  	s15 =	sadd.s32 $0x1480, s11;
	[sflag:s26] =	ssyncadd.s32 $0xFFFFC000  }
0x177: {  	[spmem:s3] =	stream.indirect.scatter.add.f32 [tilespmem:s24], [sflag:$0x4], $0x80, s15, s22, $0xb8;
	[tilespmem:$0x1E800] =	vst v63  }
0x178: {  	_ =	swait.ge [sflag:s29], $0x4000  }
0x179: {  	[sflag:s29] =	ssyncset.done $0x0  }
.Ltmp5:
0x17a: {  	s15 =	sadd.s32 $0x100, s11;
	[sflag:s29] =	ssyncadd.s32 $0xFFFFC000;
	(pc) =	sbr.rel @p1 .LBB2_7-.Ltmp5, $4  }
0x17b: {  	[tilespmem:s23], [sflag:$0x1] =	stream.indirect.gather [hbm4b:s2+s22], $0x80, s15, s22, $0xb8;
	[tilespmem:$0x1E800] =	vst v63  }
0x17c: {  	_ =	swait.ge [sflag:s31], $0x4000  }
0x17d: {  	[sflag:s31] =	ssyncset.done $0x0  }
0x17e: {  	s11 =	sadd.s32 $0x180, s11;
	[sflag:s31] =	ssyncadd.s32 $0xFFFFC000  }
.Ltmp6:
0x17f: {  	_ = 	snop;
	(pc) =	sbr.rel .LBB2_8-.Ltmp6, $1  }
0x180: {  	_ =	sdelay $0x3  }
.LBB2_10:
0x181: {  	_ =	sfence.sel $0x180000  }
0x182: {  	[bflag:$0x0] =	sbarrier.arrive $0xFFFF  }
0x183: {  	_ =	strace $0x9000004A  }
0x184: {  	s0 =	stileid.u32;
	[bflag:$0x2] =	sbarrier.arrive $0xFFFF  }
0x185: {  	p0 =	sne.s32 s0, $0x0;
	s0 =	rddreg [dreg:$0x3]  }
0x186: {  	s0 =	sadd.s32 @!p0 $0x100000, s0  }
0x187: {  	[sflag:s0] =	ssyncadd.tile.s32 @!p0 $0x1;
	_ =	shalt  }
.Lfunc_end2:
_tile_overlayer_lowered:
.L_overlay_start_2:
0x188: {  	(tag) =	ssettag $0x2  }
0x189: {  	s0 =	rddreg [dreg:$0x0];
	s2 =	stileid.u32  }
0x18a: {  	s1 =	rddreg [dreg:$0x1];
	p0 =	sne.s32 s2, $0x0  }
0x18b: {  	s3 =	rddreg [dreg:$0x2];
	[bflag:$0x3] =	sbarrier.arrive $0xFFFF;
	s2 =	simm.s32 @!p0 $0x1C05  }
0x18c: {  	[timem:s3], [sflag:s2] =	dma.local @!p0 [hbm:s0], s1  }
0x18d: {  	s0 =	simm.s32 @!p0 $0x5  }
0x18e: {  	_ =	swait.ge @!p0 [sflag:s0], s1  }
0x18f: {  	s1 =	ssub.s32 @!p0 $0x0, s1;
	[sflag:s0] =	ssyncset.done @!p0 $0x0  }
0x190: {  	[sflag:s0] =	ssyncadd.s32 @!p0 s1  }
0x191: {  	[bflag:$0x3] =	sbarrier.arrive $0xFFFF  }
0x192: {  	_ =	shalt  }

// kernel: _run.15.cloned.1.call-start
scs
__scs_entry_jumppad:
0x0: {  	(pc) =	sbr.rel $0x88, $3  }
0x1: {  	(tag) =	ssettag $0x0;
	lr =	simm.s32 $0x1  }
0x2: {  	[smem:$0x3F9B] =	sst lr;
	_ =	strace $0xD0000000  }
0x3: {  	_ = 	snop  }
0x4: {  	_ = 	snop  }
0x5: {  	_ = 	snop  }
0x6: {  	_ = 	snop  }
0x7: {  	_ = 	snop  }
__scs_overlays_trampoline_lowered:
0x8: {  	[smem:$0x3FAA] =	sst s0  }
0x9: {  	[smem:$0x3FAB] =	sst s1  }
0xa: {  	[smem:$0x3FAC] =	sst s2  }
0xb: {  	[smem:$0x3FAD] =	sst s3  }
0xc: {  	[smem:$0x3FAE] =	sst s4  }
0xd: {  	[smem:$0x3FAF] =	sst s5  }
0xe: {  	[smem:$0x3FB0] =	sst s6  }
0xf: {  	[smem:$0x3FB1] =	sst s7  }
0x10: {  	[smem:$0x3FB2] =	sst s8  }
0x11: {  	[smem:$0x3FB3] =	sst s9;
	s0 =	simm.s32 @!p0 $0x0  }
0x12: {  	s1 =	sld [smem:$0x3F99];
	s0 =	simm.s32 @p0 $0x1  }
0x13: {  	[smem:$0x3FB4] =	sst s0;
	s0 =	simm.s32 @!p1 $0x0  }
0x14: {  	s2 =	sld [smem:$0x3F98];
	s0 =	simm.s32 @p1 $0x1  }
0x15: {  	[smem:$0x3FB5] =	sst s0;
	s0 =	simm.s32 @!p2 $0x0  }
0x16: {  	s3 =	sld [smem:$0x3FDB];
	s0 =	simm.s32 @p2 $0x1  }
0x17: {  	s4 =	simm.s32 $0x1BF5;
	[smem:$0x3FB7] =	sst s0  }
0x18: {  	s0 =	sld [smem:$0x3F9A];
	_ =	swait.ge [sflag:s4], $0x0  }
0x19: {  	s7 =	sld [smem:$0x3F9B]  }
0x1a: {  	s8 =	sadd.s32 $0xFFFFE003, lr  }
0x1b: {  	s9 =	sadd.s32 $0xFFFFFEF7, lr;
	s5 =	simm.s32 $0xFFFFFFFF;
	p2 =	slt.u32 s8, $0xFFFFF086  }
0x1c: {  	p1 =	slt.u32 s9, $0xF7A;
	s5 =	simm.s32 @!p2 $0x0  }
0x1d: {  	s5 =	simm.s32 @p1 $0x1;
	p0 =	seq.s32 s7, s2  }
0x1e: {  	s7 =	smul.u32 @!p0 $0xF7A, s2;
	p2 =	seq.s32 @!p0 s5, $0x0  }
0x1f: {  	s9 =	smul.u32 $0xF7A, s1;
	s8 =	simm.s32 @!p0 $0x1BF5;
	p2 =	por !p2, p0  }
0x20: {  	[sflag:s8] =	ssyncset.s32 @!p0 $0xFFFFF086;
	s6 =	sadd.s32 @!p0 s3, s7;
	s7 =	simm.s32 @!p0 $0x108  }
0x21: {  	s3 =	sadd.s32 s3, s9;
	s6 =	sadd.s32 @!p0 $0x88, s6;
	s7 =	simm.s32 @p2 $0x1082  }
0x22: {  	[simem:s7], [sflag:s8] =	dma.local @!p0 [hbm:s6], $0xF7A  }
0x23: {  	s9 =	sor.u32 $0xD0000000, s2;
	s6 =	simm.s32 $0x108;
	_ =	swait.ge @!p0 [sflag:s8], $0x0  }
0x24: {  	s3 =	sadd.s32 $0x88, s3;
	s6 =	simm.s32 @!p1 $0x1082;
	[sflag:s4] =	ssyncset.s32 $0xFFFFF086  }
0x25: {  	[simem:s6], [sflag:s4] =	dma.local [hbm:s3], $0xF7A  }
0x26: {  	[smem:$0x3F9B] =	sst s1;
	(tag) =	ssettag s2;
	_ =	strace s9  }
0x27: {  	s1 =	sld [smem:$0x3FAB]  }
0x28: {  	s2 =	sld [smem:$0x3FAC]  }
0x29: {  	s4 =	sld [smem:$0x3FAE]  }
0x2a: {  	p0 =	seq.s32 s5, $0x0;
	s5 =	sld [smem:$0x3FAF]  }
0x2b: {  	s6 =	sld [smem:$0x3FB0]  }
0x2c: {  	s7 =	sld [smem:$0x3FB1]  }
0x2d: {  	s3 =	simm.s32 $0x108;
	s8 =	sld [smem:$0x3FB2]  }
0x2e: {  	s3 =	simm.s32 @!p0 $0x1082;
	s9 =	sld [smem:$0x3FB3]  }
0x2f: {  	lr =	sadd.s32 s0, s3;
	s0 =	sld [smem:$0x3FAA]  }
0x30: {  	s3 =	sld [smem:$0x3FAD]  }
0x31: {  	[smem:$0x3FB6] =	sst s10  }
0x32: {  	s10 =	sld [smem:$0x3FB4];
	_ =	sdelay $0x3  }
0x33: {  	p0 =	seq.s32 s10, $0x1;
	s10 =	sld [smem:$0x3FB6];
	_ =	sdelay $0x3  }
0x34: {  	[smem:$0x3FB6] =	sst s10  }
0x35: {  	s10 =	sld [smem:$0x3FB5];
	_ =	sdelay $0x3  }
0x36: {  	p1 =	seq.s32 s10, $0x1;
	s10 =	sld [smem:$0x3FB6];
	_ =	sdelay $0x3  }
0x37: {  	[smem:$0x3FB6] =	sst s10  }
0x38: {  	s10 =	sld [smem:$0x3FB7]  }
0x39: {  	_ = 	snop;
	(pc) =	sbr.ind lr, $3  }
0x3a: {  	_ = 	snop  }
0x3b: {  	_ = 	snop  }
0x3c: {  	p2 =	seq.s32 s10, $0x1;
	s10 =	sld [smem:$0x3FB6]  }
0x3d: {  	_ =	shalt  }
0x3e: {  	_ =	shalt  }
0x3f: {  	_ =	shalt  }
0x40: {  	_ =	shalt  }
0x41: {  	_ =	shalt  }
0x42: {  	_ =	shalt  }
0x43: {  	_ =	shalt  }
0x44: {  	_ =	shalt  }
0x45: {  	_ =	shalt  }
0x46: {  	_ =	shalt  }
0x47: {  	_ =	shalt  }
0x48: {  	_ =	shalt  }
0x49: {  	_ =	shalt  }
0x4a: {  	_ =	shalt  }
0x4b: {  	_ =	shalt  }
0x4c: {  	_ =	shalt  }
0x4d: {  	_ =	shalt  }
0x4e: {  	_ =	shalt  }
0x4f: {  	_ =	shalt  }
0x50: {  	_ =	shalt  }
0x51: {  	_ =	shalt  }
0x52: {  	_ =	shalt  }
0x53: {  	_ =	shalt  }
0x54: {  	_ =	shalt  }
0x55: {  	_ =	shalt  }
0x56: {  	_ =	shalt  }
0x57: {  	_ =	shalt  }
0x58: {  	_ =	shalt  }
0x59: {  	_ =	shalt  }
0x5a: {  	_ =	shalt  }
0x5b: {  	_ =	shalt  }
0x5c: {  	_ =	shalt  }
0x5d: {  	_ =	shalt  }
0x5e: {  	_ =	shalt  }
0x5f: {  	_ =	shalt  }
0x60: {  	_ =	shalt  }
0x61: {  	_ =	shalt  }
0x62: {  	_ =	shalt  }
0x63: {  	_ =	shalt  }
0x64: {  	_ =	shalt  }
0x65: {  	_ =	shalt  }
0x66: {  	_ =	shalt  }
0x67: {  	_ =	shalt  }
0x68: {  	_ =	shalt  }
0x69: {  	_ =	shalt  }
0x6a: {  	_ =	shalt  }
0x6b: {  	_ =	shalt  }
0x6c: {  	_ =	shalt  }
0x6d: {  	_ =	shalt  }
0x6e: {  	_ =	shalt  }
0x6f: {  	_ =	shalt  }
0x70: {  	_ =	shalt  }
0x71: {  	_ =	shalt  }
0x72: {  	_ =	shalt  }
0x73: {  	_ =	shalt  }
0x74: {  	_ =	shalt  }
0x75: {  	_ =	shalt  }
0x76: {  	_ =	shalt  }
0x77: {  	_ =	shalt  }
0x78: {  	_ =	shalt  }
0x79: {  	_ =	shalt  }
0x7a: {  	_ =	shalt  }
0x7b: {  	_ =	shalt  }
0x7c: {  	_ =	shalt  }
0x7d: {  	_ =	shalt  }
0x7e: {  	_ =	shalt  }
0x7f: {  	_ =	shalt  }
0x80: {  	_ =	shalt  }
0x81: {  	_ =	shalt  }
0x82: {  	_ =	shalt  }
0x83: {  	_ =	shalt  }
0x84: {  	_ =	shalt  }
0x85: {  	_ =	shalt  }
0x86: {  	_ =	shalt  }
0x87: {  	_ =	shalt  }
.Lfunc_end0:
.L_simem_size_0:
called_computation.2_lowered:
.L_overlay_start_0:
0x88: {  	s2 =	sld [smem:$0x3FD9]  }
0x89: {  	s3 =	sld [smem:$0x3FFE];
	_ =	sdelay $0x1  }
0x8a: {  	s1 =	srdreg.scid  }
0x8b: {  	s0 =	sand.u32 $0x1, s1  }
0x8c: {  	s17 =	sshll.u32 s0, $0xA;
	s2 =	sadd.s32 s3, s2  }
0x8d: {  	s2 =	sadd.s32 s2, s17  }
0x8e: {  	[smem:$0x3FC2] =	sst s2  }
0x8f: {  	_ = 	snop  }
0x90: {  	s2 =	sld [smem:$0x3FD0];
	(tm) =	ssettm $0x1  }
0x91: {  	s18 =	sld [smem:$0x3FFB];
	_ =	sdelay $0x3  }
0x92: {  	_ =	strace s18  }
0x93: {  	s3 =	sld [smem:$0x3FFC];
	_ =	sdelay $0x3  }
0x94: {  	_ =	strace s3  }
0x95: {  	s3 =	sld [smem:$0x3FFD];
	_ =	sdelay $0x3  }
0x96: {  	_ =	strace s3  }
0x97: {  	_ =	strace $0x8FFFFFFF  }
0x98: {  	s19 =	sld [smem:$0x3FDB];
	_ =	sdelay $0x1  }
0x99: {  	s4 =	simm.s32 $_scs_section_size  }
0x9a: {  	s5 =	simm.s32 $_size__tile_overlayer_lowered;
	s6 =	simm.s32 $_tile_overlayer_lowered  }
0x9b: {  	s22 =	simm.s32 $0x1BFF;
	s21 =	sshll.u32 s6, $0x1;
	s3 =	sadd.s32 s4, s19  }
0x9c: {  	s7 =	simm.s32 $0x0;
	s20 =	sshll.u32 s5, $0x1;
	s5 =	sadd.s32 s21, s3  }
0x9d: {  	[timem:s7], [sflag:s22] =	dma.local [hbm:s5], s20  }
0x9e: {  	_ =	swait.ge [sflag:s22], s20  }
0x9f: {  	s4 =	ssub.s32 $0x0, s20;
	[sflag:s22] =	ssyncset.done $0x0  }
0xa0: {  	[sflag:s22] =	ssyncadd.s32 s4;
	_ =	sdelay $0x1  }
0xa1: {  	s23 =	simm.s32 $0x1B8B  }
0xa2: {  	_ =	swait.ge [sflag:s23], $0x1  }
0xa3: {  	[sflag:s23] =	ssyncset.done $0x0  }
0xa4: {  	s25 =	simm.s32 $0x1B8E;
	s24 =	sld [smem:$0x3FFE];
	[sflag:s23] =	ssyncadd.s32 $0xFFFFFFFF  }
0xa5: {  	s26 =	simm.s32 $execute0_lowered;
	[smem:$0x3FD2] =	sst s25  }
0xa6: {  	s5 =	sshll.u32 s26, $0x1;
	_ =	strace $0x8000004C;
	[dreg:$0x1] =	wrdreg $0xFFFFFFFF  }
0xa7: {  	s28 =	simm.s32 $_size_execute0_lowered;
	s3 =	sadd.s32 s3, s5;
	[dreg:$0x0] =	wrdreg $0x0  }
0xa8: {  	s5 =	sshll.u32 s28, $0x1;
	[dreg:$0x2] =	wrdreg s3  }
0xa9: {  	[dreg:$0x3] =	wrdreg s5  }
0xaa: {  	[dreg:$0x4] =	wrdreg $0xC0  }
0xab: {  	_ =	task [dreg:s7], $0x5FFFF  }
0xac: {  	[dreg:$0x1] =	wrdreg $0xFFFFFFFF  }
0xad: {  	[dreg:$0x0] =	wrdreg $0x60  }
0xae: {  	[dreg:$0x2] =	wrdreg s2  }
0xaf: {  	[dreg:$0x3] =	wrdreg s24  }
0xb0: {  	[dreg:$0x4] =	wrdreg $0xA8000  }
0xb1: {  	[dreg:$0x5] =	wrdreg $0x9  }
0xb2: {  	_ =	task.clear_ibuf [dreg:s7], $0x6FFFF;
	_ =	strace $0x9000004C  }
0xb3: {  	s29 =	simm.s32 $0x9;
	_ =	strace $0x8000004E  }
0xb4: {  	_ =	swait.ge [sflag:s29], $0x1  }
0xb5: {  	[sflag:s29] =	ssyncadd.s32 $0xFFFFFFFF  }
0xb6: {  	_ =	strace $0x9000004E  }
0xb7: {  	_ =	sfence  }
0xb8: {  	s30 =	sld [smem:$0x0];
	_ =	sdelay $0x2  }
0xb9: {  	s31 =	sshll.u32 s1, $0xD;
	s1 =	sshrl.u32 s1, $0x2  }
0xba: {  	s3 =	sand.u32 $0x4000, s31;
	s1 =	sadd.s32 s1, s30  }
0xbb: {  	s0 =	sor.u32 s3, s0;
	s1 =	sshll.u32 s1, $0x11  }
0xbc: {  	s0 =	sor.u32 s1, s0  }
0xbd: {  	s0 =	sadd.s32 $0x8F2B, s0  }
0xbe: {  	[sflag:s0] =	ssyncadd.remote.s32 $0x1  }
0xbf: {  	_ =	sfence.sel $0xFFFF  }
0xc0: {  	[dreg:$0x0] =	wrdreg $0xFFFFFFFF;
	(pc) =	sbr.abs _section_cstart, $3  }
0xc1: {  	[dreg:$0x1] =	wrdreg $0xFFFFFFFF  }
0xc2: {  	_ =	task.clear_ibuf [dreg:s7], $0x2FFFF;
	_ =	strace $0x9FFFFFFF  }
0xc3: {  	(tm) =	ssettm $0x7FFFFFFF  }
tec
execute0_lowered:
.L_overlay_start_1:
0x0: {  	(tag) =	ssettag $0x1  }
0x1: {  	s2 =	rddreg [dreg:$0x0]  }
0x2: {  	s0 =	rddreg [dreg:$0x1]  }
0x3: {  	s3 =	rddreg [dreg:$0x2]  }
0x4: {  	s14 =	stileid.u32;
	s1 =	srdreg.scid;
	s4 =	simm.s32 $0x0  }
0x5: {  	s15 =	simm.s32 $0x1480;
	s29 =	simm.s32 $0x3;
	s5 =	smul.u32 $0x180, s14  }
0x6: {  	s31 =	simm.s32 $0x4;
	s28 =	simm.s32 $0x1C80;
	s7 =	smul.u32 $0x14000, s14  }
0x7: {  	s30 =	simm.s32 $0x1D00;
	s1 =	sand.u32 $0x1, s1;
	s11 =	smul.u32 $0x50000, s14  }
0x8: {  	[smem:$0x7FF] =	sst s4;
	s8 =	sadd.s32 $0x5D800, s0;
	s13 =	smul.u32 $0x4800, s14  }
0x9: {  	s9 =	sadd.s32 $0x54800, s0;
	s18 =	sshll.u32 s14, $0x6;
	s6 =	smul.u32 $0x140000, s1  }
0xa: {  	_ =	strace $0x8000004D;
	s16 =	ssub.s32 $0x2, s1;
	p0 =	seq.s32 s1, $0x1  }
0xb: {  	s10 =	sadd.s32 s5, s0;
	s5 =	sadd.s32 $0x2000, s0;
	s12 =	sshrl.u32 s16, $0x1  }
0xc: {  	s17 =	sshrl.u32 s11, $0x2;
	s19 =	sshrl.u32 s13, $0x3;
	s6 =	sadd.s32 s7, s6  }
0xd: {  	s12 =	ssub.s32 s16, s12;
	s7 =	sor.u32 $0x1C05, s18;
	s20 =	sadd.s32 $0x280, s19  }
0xe: {  	s13 =	sadd.s32 s8, s19;
	s21 =	sadd.s32 s9, s19;
	s23 =	sadd.s32 $0x500, s19  }
0xf: {  	s11 =	sadd.s32 $0x780, s19;
	s16 =	sadd.s32 $0x66800, s10;
	[dreg:$0x4] =	wrdreg s13  }
0x10: {  	s6 =	sshrl.u32 s6, $0x3;
	[dreg:$0x5] =	wrdreg s21;
	s22 =	sadd.s32 s8, s20  }
0x11: {  	s1 =	sadd.s32 s9, s20;
	s24 =	sadd.s32 s8, s23;
	s25 =	sadd.s32 s8, s11  }
0x12: {  	s26 =	sadd.s32 s9, s11;
	s19 =	smax.u32 s12, $0x1;
	s20 =	simm.s32 $0x5  }
0x13: {  	s21 =	simm.s32 $0x1400;
	s12 =	simm.s32 $0x900;
	[dreg:$0x6] =	wrdreg s22  }
0x14: {  	s13 =	simm.s32 $0x980;
	s8 =	simm.s32 $0x2780;
	[dreg:$0x7] =	wrdreg s1  }
0x15: {  	s0 =	sadd.s32 s6, s0;
	s6 =	sadd.s32 s17, s3;
	[dreg:$0x8] =	wrdreg s24  }
.Ltmp0:
0x16: {  	s1 =	sadd.s32 s9, s23;
	[dreg:$0xa] =	wrdreg s25;
	(pc) =	sbr.rel .LBB2_1-.Ltmp0, $4  }
0x17: {  	[dreg:$0xb] =	wrdreg s26;
	s17 =	sadd.s32 $0x68000, s10;
	s22 =	simm.s32 $0x80  }
0x18: {  	s23 =	simm.s32 $0x2800;
	s24 =	simm.s32 $0x6800;
	s25 =	simm.s32 $0x1  }
0x19: {  	s26 =	simm.s32 $0x2;
	s9 =	simm.s32 $0x0;
	[dreg:$0x9] =	wrdreg s1  }
0x1a: {  	s18 =	sadd.s32 $0x4800, s0;
	s0 =	simm.s32 $0x1D80;
	s1 =	simm.s32 $0x2700  }
.LBB2_8:
0x1b: {  	[tilespmem:s24], [sflag:$0x2] =	stream.indirect.gather [hbm4b:s2+s22], $0x80, s11, s22, $0xb8;
	[tilespmem:$0x1E800] =	vst v63  }
0x1c: {  	_ =	swait.ge [sflag:s25], $0x4000  }
0x1d: {  	[sflag:s25] =	ssyncset.done $0x0  }
0x1e: {  	[sflag:s25] =	ssyncadd.s32 $0xFFFFC000  }
0x1f: {  	[spmem:s3] =	stream.indirect.scatter.add.f32 [tilespmem:s23], [sflag:$0x3], $0x80, s1, s22, $0xb8;
	[tilespmem:$0x1E800] =	vst v63  }
0x20: {  	_ =	swait.ge [sflag:s26], $0x4000  }
0x21: {  	[sflag:s26] =	ssyncset.done $0x0  }
0x22: {  	[sflag:s26] =	ssyncadd.s32 $0xFFFFC000  }
0x23: {  	[spmem:s3] =	stream.indirect.scatter.add.f32 [tilespmem:s24], [sflag:$0x4], $0x80, s8, s22, $0xb8;
	[tilespmem:$0x1E800] =	vst v63  }
0x24: {  	_ =	swait.ge [sflag:s29], $0x4000  }
0x25: {  	[sflag:s29] =	ssyncset.done $0x0  }
0x26: {  	[sflag:s29] =	ssyncadd.s32 $0xFFFFC000  }
0x27: {  	_ =	swait.ge [sflag:s31], $0x4000  }
0x28: {  	[sflag:s31] =	ssyncset.done $0x0;
	s11 =	rddreg [dreg:$0xa]  }
0x29: {  	s15 =	simm.s32 $0x1480;
	s14 =	rddreg [dreg:$0xb];
	[sflag:s31] =	ssyncadd.s32 $0xFFFFC000  }
.LBB2_9:
0x2a: {  	[tilespmem:s4], [sflag:$0x5] =	stream.linear.gather [hbm4b:s11+s4], $0xA00, $0x38;
	[tilespmem:$0x1E800] =	vst v63  }
0x2b: {  	_ =	swait.ge [sflag:s20], $0xA00  }
0x2c: {  	[sflag:s20] =	ssyncset.done $0x0  }
0x2d: {  	[sflag:s20] =	ssyncadd.s32 $0xFFFFF600  }
0x2e: {  	[tilespmem:s21], [sflag:$0x5] =	stream.linear.gather [hbm4b:s14+s4], $0xA00, $0x38;
	[tilespmem:$0x1E800] =	vst v63  }
0x2f: {  	_ =	swait.ge [sflag:s20], $0xA00  }
0x30: {  	[sflag:s20] =	ssyncset.done $0x0  }
0x31: {  	[sflag:s20] =	ssyncadd.s32 $0xFFFFF600  }
0x32: {  	[tilespmem:s23], [sflag:$0x1] =	stream.indirect.gather [hbm4b:s2+s22], $0x80, s4, s22, $0xb8;
	[tilespmem:$0x1E800] =	vst v63  }
0x33: {  	_ = 	snop  }
0x34: {  	[tilespmem:s24], [sflag:$0x2] =	stream.indirect.gather [hbm4b:s2+s22], $0x80, s22, s22, $0xb8;
	[tilespmem:$0x1E800] =	vst v63  }
0x35: {  	_ =	swait.ge [sflag:s25], $0x4000  }
0x36: {  	[sflag:s25] =	ssyncset.done $0x0  }
0x37: {  	[sflag:s25] =	ssyncadd.s32 $0xFFFFC000  }
0x38: {  	[spmem:s3] =	stream.indirect.scatter.add.f32 [tilespmem:s23], [sflag:$0x3], $0x80, s21, s22, $0xb8;
	[tilespmem:$0x1E800] =	vst v63  }
0x39: {  	_ =	swait.ge [sflag:s26], $0x4000  }
0x3a: {  	[sflag:s26] =	ssyncset.done $0x0  }
0x3b: {  	[sflag:s26] =	ssyncadd.s32 $0xFFFFC000  }
0x3c: {  	[spmem:s3] =	stream.indirect.scatter.add.f32 [tilespmem:s24], [sflag:$0x4], $0x80, s15, s22, $0xb8;
	[tilespmem:$0x1E800] =	vst v63  }
0x3d: {  	_ =	swait.ge [sflag:s29], $0x4000  }
0x3e: {  	[sflag:s29] =	ssyncset.done $0x0  }
0x3f: {  	s14 =	simm.s32 $0x100;
	[sflag:s29] =	ssyncadd.s32 $0xFFFFC000  }
0x40: {  	[tilespmem:s23], [sflag:$0x1] =	stream.indirect.gather [hbm4b:s2+s22], $0x80, s14, s22, $0xb8;
	[tilespmem:$0x1E800] =	vst v63  }
0x41: {  	_ =	swait.ge [sflag:s31], $0x4000  }
0x42: {  	[sflag:s31] =	ssyncset.done $0x0  }
0x43: {  	s14 =	simm.s32 $0x180;
	[sflag:s31] =	ssyncadd.s32 $0xFFFFC000  }
0x44: {  	[tilespmem:s24], [sflag:$0x2] =	stream.indirect.gather [hbm4b:s2+s22], $0x80, s14, s22, $0xb8;
	[tilespmem:$0x1E800] =	vst v63  }
0x45: {  	_ =	swait.ge [sflag:s25], $0x4000  }
0x46: {  	[sflag:s25] =	ssyncset.done $0x0  }
0x47: {  	s14 =	simm.s32 $0x1500;
	[sflag:s25] =	ssyncadd.s32 $0xFFFFC000  }
0x48: {  	[spmem:s3] =	stream.indirect.scatter.add.f32 [tilespmem:s23], [sflag:$0x3], $0x80, s14, s22, $0xb8;
	[tilespmem:$0x1E800] =	vst v63  }
0x49: {  	_ =	swait.ge [sflag:s26], $0x4000  }
0x4a: {  	[sflag:s26] =	ssyncset.done $0x0  }
0x4b: {  	s14 =	simm.s32 $0x1580;
	[sflag:s26] =	ssyncadd.s32 $0xFFFFC000  }
0x4c: {  	[spmem:s3] =	stream.indirect.scatter.add.f32 [tilespmem:s24], [sflag:$0x4], $0x80, s14, s22, $0xb8;
	[tilespmem:$0x1E800] =	vst v63  }
0x4d: {  	_ =	swait.ge [sflag:s29], $0x4000  }
0x4e: {  	[sflag:s29] =	ssyncset.done $0x0  }
0x4f: {  	s14 =	simm.s32 $0x200;
	[sflag:s29] =	ssyncadd.s32 $0xFFFFC000  }
0x50: {  	[tilespmem:s23], [sflag:$0x1] =	stream.indirect.gather [hbm4b:s2+s22], $0x80, s14, s22, $0xb8;
	[tilespmem:$0x1E800] =	vst v63  }
0x51: {  	_ =	swait.ge [sflag:s31], $0x4000  }
0x52: {  	[sflag:s31] =	ssyncset.done $0x0  }
0x53: {  	s14 =	simm.s32 $0x280;
	[sflag:s31] =	ssyncadd.s32 $0xFFFFC000  }
0x54: {  	[tilespmem:s24], [sflag:$0x2] =	stream.indirect.gather [hbm4b:s2+s22], $0x80, s14, s22, $0xb8;
	[tilespmem:$0x1E800] =	vst v63  }
0x55: {  	_ =	swait.ge [sflag:s25], $0x4000  }
0x56: {  	[sflag:s25] =	ssyncset.done $0x0  }
0x57: {  	s14 =	simm.s32 $0x1600;
	[sflag:s25] =	ssyncadd.s32 $0xFFFFC000  }
0x58: {  	[spmem:s3] =	stream.indirect.scatter.add.f32 [tilespmem:s23], [sflag:$0x3], $0x80, s14, s22, $0xb8;
	[tilespmem:$0x1E800] =	vst v63  }
0x59: {  	_ =	swait.ge [sflag:s26], $0x4000  }
0x5a: {  	[sflag:s26] =	ssyncset.done $0x0  }
0x5b: {  	s14 =	simm.s32 $0x1680;
	[sflag:s26] =	ssyncadd.s32 $0xFFFFC000  }
0x5c: {  	[spmem:s3] =	stream.indirect.scatter.add.f32 [tilespmem:s24], [sflag:$0x4], $0x80, s14, s22, $0xb8;
	[tilespmem:$0x1E800] =	vst v63  }
0x5d: {  	_ =	swait.ge [sflag:s29], $0x4000  }
0x5e: {  	[sflag:s29] =	ssyncset.done $0x0  }
0x5f: {  	s14 =	simm.s32 $0x300;
	[sflag:s29] =	ssyncadd.s32 $0xFFFFC000  }
0x60: {  	[tilespmem:s23], [sflag:$0x1] =	stream.indirect.gather [hbm4b:s2+s22], $0x80, s14, s22, $0xb8;
	[tilespmem:$0x1E800] =	vst v63  }
0x61: {  	_ =	swait.ge [sflag:s31], $0x4000  }
0x62: {  	[sflag:s31] =	ssyncset.done $0x0  }
0x63: {  	s14 =	simm.s32 $0x380;
	[sflag:s31] =	ssyncadd.s32 $0xFFFFC000  }
0x64: {  	[tilespmem:s24], [sflag:$0x2] =	stream.indirect.gather [hbm4b:s2+s22], $0x80, s14, s22, $0xb8;
	[tilespmem:$0x1E800] =	vst v63  }
0x65: {  	_ =	swait.ge [sflag:s25], $0x4000  }
0x66: {  	[sflag:s25] =	ssyncset.done $0x0  }
0x67: {  	s14 =	simm.s32 $0x1700;
	[sflag:s25] =	ssyncadd.s32 $0xFFFFC000  }
0x68: {  	[spmem:s3] =	stream.indirect.scatter.add.f32 [tilespmem:s23], [sflag:$0x3], $0x80, s14, s22, $0xb8;
	[tilespmem:$0x1E800] =	vst v63  }
0x69: {  	_ =	swait.ge [sflag:s26], $0x4000  }
0x6a: {  	[sflag:s26] =	ssyncset.done $0x0  }
0x6b: {  	s14 =	simm.s32 $0x1780;
	[sflag:s26] =	ssyncadd.s32 $0xFFFFC000  }
0x6c: {  	[spmem:s3] =	stream.indirect.scatter.add.f32 [tilespmem:s24], [sflag:$0x4], $0x80, s14, s22, $0xb8;
	[tilespmem:$0x1E800] =	vst v63  }
0x6d: {  	_ =	swait.ge [sflag:s29], $0x4000  }
0x6e: {  	[sflag:s29] =	ssyncset.done $0x0  }
0x6f: {  	s14 =	simm.s32 $0x400;
	[sflag:s29] =	ssyncadd.s32 $0xFFFFC000  }
0x70: {  	[tilespmem:s23], [sflag:$0x1] =	stream.indirect.gather [hbm4b:s2+s22], $0x80, s14, s22, $0xb8;
	[tilespmem:$0x1E800] =	vst v63  }
0x71: {  	_ =	swait.ge [sflag:s31], $0x4000  }
0x72: {  	[sflag:s31] =	ssyncset.done $0x0  }
0x73: {  	s14 =	simm.s32 $0x480;
	[sflag:s31] =	ssyncadd.s32 $0xFFFFC000  }
0x74: {  	[tilespmem:s24], [sflag:$0x2] =	stream.indirect.gather [hbm4b:s2+s22], $0x80, s14, s22, $0xb8;
	[tilespmem:$0x1E800] =	vst v63  }
0x75: {  	_ =	swait.ge [sflag:s25], $0x4000  }
0x76: {  	[sflag:s25] =	ssyncset.done $0x0  }
0x77: {  	s14 =	simm.s32 $0x1800;
	[sflag:s25] =	ssyncadd.s32 $0xFFFFC000  }
0x78: {  	[spmem:s3] =	stream.indirect.scatter.add.f32 [tilespmem:s23], [sflag:$0x3], $0x80, s14, s22, $0xb8;
	[tilespmem:$0x1E800] =	vst v63  }
0x79: {  	_ =	swait.ge [sflag:s26], $0x4000  }
0x7a: {  	[sflag:s26] =	ssyncset.done $0x0  }
0x7b: {  	s14 =	simm.s32 $0x1880;
	[sflag:s26] =	ssyncadd.s32 $0xFFFFC000  }
0x7c: {  	[spmem:s3] =	stream.indirect.scatter.add.f32 [tilespmem:s24], [sflag:$0x4], $0x80, s14, s22, $0xb8;
	[tilespmem:$0x1E800] =	vst v63  }
0x7d: {  	_ =	swait.ge [sflag:s29], $0x4000  }
0x7e: {  	[sflag:s29] =	ssyncset.done $0x0  }
0x7f: {  	s14 =	simm.s32 $0x500;
	[sflag:s29] =	ssyncadd.s32 $0xFFFFC000  }
0x80: {  	[tilespmem:s23], [sflag:$0x1] =	stream.indirect.gather [hbm4b:s2+s22], $0x80, s14, s22, $0xb8;
	[tilespmem:$0x1E800] =	vst v63  }
0x81: {  	_ =	swait.ge [sflag:s31], $0x4000  }
0x82: {  	[sflag:s31] =	ssyncset.done $0x0  }
0x83: {  	s14 =	simm.s32 $0x580;
	[sflag:s31] =	ssyncadd.s32 $0xFFFFC000  }
0x84: {  	[tilespmem:s24], [sflag:$0x2] =	stream.indirect.gather [hbm4b:s2+s22], $0x80, s14, s22, $0xb8;
	[tilespmem:$0x1E800] =	vst v63  }
0x85: {  	_ =	swait.ge [sflag:s25], $0x4000  }
0x86: {  	[sflag:s25] =	ssyncset.done $0x0  }
0x87: {  	s14 =	simm.s32 $0x1900;
	[sflag:s25] =	ssyncadd.s32 $0xFFFFC000  }
0x88: {  	[spmem:s3] =	stream.indirect.scatter.add.f32 [tilespmem:s23], [sflag:$0x3], $0x80, s14, s22, $0xb8;
	[tilespmem:$0x1E800] =	vst v63  }
0x89: {  	_ =	swait.ge [sflag:s26], $0x4000  }
0x8a: {  	[sflag:s26] =	ssyncset.done $0x0  }
0x8b: {  	s14 =	simm.s32 $0x1980;
	[sflag:s26] =	ssyncadd.s32 $0xFFFFC000  }
0x8c: {  	[spmem:s3] =	stream.indirect.scatter.add.f32 [tilespmem:s24], [sflag:$0x4], $0x80, s14, s22, $0xb8;
	[tilespmem:$0x1E800] =	vst v63  }
0x8d: {  	_ =	swait.ge [sflag:s29], $0x4000  }
0x8e: {  	[sflag:s29] =	ssyncset.done $0x0  }
0x8f: {  	s14 =	simm.s32 $0x600;
	[sflag:s29] =	ssyncadd.s32 $0xFFFFC000  }
0x90: {  	[tilespmem:s23], [sflag:$0x1] =	stream.indirect.gather [hbm4b:s2+s22], $0x80, s14, s22, $0xb8;
	[tilespmem:$0x1E800] =	vst v63  }
0x91: {  	_ =	swait.ge [sflag:s31], $0x4000  }
0x92: {  	[sflag:s31] =	ssyncset.done $0x0  }
0x93: {  	s14 =	simm.s32 $0x680;
	[sflag:s31] =	ssyncadd.s32 $0xFFFFC000  }
0x94: {  	[tilespmem:s24], [sflag:$0x2] =	stream.indirect.gather [hbm4b:s2+s22], $0x80, s14, s22, $0xb8;
	[tilespmem:$0x1E800] =	vst v63  }
0x95: {  	_ =	swait.ge [sflag:s25], $0x4000  }
0x96: {  	[sflag:s25] =	ssyncset.done $0x0  }
0x97: {  	s14 =	simm.s32 $0x1A00;
	[sflag:s25] =	ssyncadd.s32 $0xFFFFC000  }
0x98: {  	[spmem:s3] =	stream.indirect.scatter.add.f32 [tilespmem:s23], [sflag:$0x3], $0x80, s14, s22, $0xb8;
	[tilespmem:$0x1E800] =	vst v63  }
0x99: {  	_ =	swait.ge [sflag:s26], $0x4000  }
0x9a: {  	[sflag:s26] =	ssyncset.done $0x0  }
0x9b: {  	s14 =	simm.s32 $0x1A80;
	[sflag:s26] =	ssyncadd.s32 $0xFFFFC000  }
0x9c: {  	[spmem:s3] =	stream.indirect.scatter.add.f32 [tilespmem:s24], [sflag:$0x4], $0x80, s14, s22, $0xb8;
	[tilespmem:$0x1E800] =	vst v63  }
0x9d: {  	_ =	swait.ge [sflag:s29], $0x4000  }
0x9e: {  	[sflag:s29] =	ssyncset.done $0x0  }
0x9f: {  	s14 =	simm.s32 $0x700;
	[sflag:s29] =	ssyncadd.s32 $0xFFFFC000  }
0xa0: {  	[tilespmem:s23], [sflag:$0x1] =	stream.indirect.gather [hbm4b:s2+s22], $0x80, s14, s22, $0xb8;
	[tilespmem:$0x1E800] =	vst v63  }
0xa1: {  	_ =	swait.ge [sflag:s31], $0x4000  }
0xa2: {  	[sflag:s31] =	ssyncset.done $0x0  }
0xa3: {  	s14 =	simm.s32 $0x780;
	[sflag:s31] =	ssyncadd.s32 $0xFFFFC000  }
0xa4: {  	[tilespmem:s24], [sflag:$0x2] =	stream.indirect.gather [hbm4b:s2+s22], $0x80, s14, s22, $0xb8;
	[tilespmem:$0x1E800] =	vst v63  }
0xa5: {  	_ =	swait.ge [sflag:s25], $0x4000  }
0xa6: {  	[sflag:s25] =	ssyncset.done $0x0  }
0xa7: {  	s14 =	simm.s32 $0x1B00;
	[sflag:s25] =	ssyncadd.s32 $0xFFFFC000  }
0xa8: {  	[spmem:s3] =	stream.indirect.scatter.add.f32 [tilespmem:s23], [sflag:$0x3], $0x80, s14, s22, $0xb8;
	[tilespmem:$0x1E800] =	vst v63  }
0xa9: {  	_ =	swait.ge [sflag:s26], $0x4000  }
0xaa: {  	[sflag:s26] =	ssyncset.done $0x0  }
0xab: {  	s14 =	simm.s32 $0x1B80;
	[sflag:s26] =	ssyncadd.s32 $0xFFFFC000  }
0xac: {  	[spmem:s3] =	stream.indirect.scatter.add.f32 [tilespmem:s24], [sflag:$0x4], $0x80, s14, s22, $0xb8;
	[tilespmem:$0x1E800] =	vst v63  }
0xad: {  	_ =	swait.ge [sflag:s29], $0x4000  }
0xae: {  	[sflag:s29] =	ssyncset.done $0x0  }
0xaf: {  	s14 =	simm.s32 $0x800;
	[sflag:s29] =	ssyncadd.s32 $0xFFFFC000  }
0xb0: {  	[tilespmem:s23], [sflag:$0x1] =	stream.indirect.gather [hbm4b:s2+s22], $0x80, s14, s22, $0xb8;
	[tilespmem:$0x1E800] =	vst v63  }
0xb1: {  	_ =	swait.ge [sflag:s31], $0x4000  }
0xb2: {  	[sflag:s31] =	ssyncset.done $0x0  }
0xb3: {  	s14 =	simm.s32 $0x880;
	[sflag:s31] =	ssyncadd.s32 $0xFFFFC000  }
0xb4: {  	[tilespmem:s24], [sflag:$0x2] =	stream.indirect.gather [hbm4b:s2+s22], $0x80, s14, s22, $0xb8;
	[tilespmem:$0x1E800] =	vst v63  }
0xb5: {  	_ =	swait.ge [sflag:s25], $0x4000  }
0xb6: {  	[sflag:s25] =	ssyncset.done $0x0  }
0xb7: {  	s14 =	simm.s32 $0x1C00;
	[sflag:s25] =	ssyncadd.s32 $0xFFFFC000  }
0xb8: {  	[spmem:s3] =	stream.indirect.scatter.add.f32 [tilespmem:s23], [sflag:$0x3], $0x80, s14, s22, $0xb8;
	[tilespmem:$0x1E800] =	vst v63  }
0xb9: {  	_ =	swait.ge [sflag:s26], $0x4000  }
0xba: {  	[sflag:s26] =	ssyncset.done $0x0  }
0xbb: {  	[sflag:s26] =	ssyncadd.s32 $0xFFFFC000  }
0xbc: {  	[spmem:s3] =	stream.indirect.scatter.add.f32 [tilespmem:s24], [sflag:$0x4], $0x80, s28, s22, $0xb8;
	[tilespmem:$0x1E800] =	vst v63  }
0xbd: {  	_ =	swait.ge [sflag:s29], $0x4000  }
0xbe: {  	[sflag:s29] =	ssyncset.done $0x0  }
0xbf: {  	[sflag:s29] =	ssyncadd.s32 $0xFFFFC000  }
0xc0: {  	[tilespmem:s23], [sflag:$0x1] =	stream.indirect.gather [hbm4b:s2+s22], $0x80, s12, s22, $0xb8;
	[tilespmem:$0x1E800] =	vst v63  }
0xc1: {  	_ =	swait.ge [sflag:s31], $0x4000  }
0xc2: {  	[sflag:s31] =	ssyncset.done $0x0  }
0xc3: {  	[sflag:s31] =	ssyncadd.s32 $0xFFFFC000  }
0xc4: {  	[tilespmem:s24], [sflag:$0x2] =	stream.indirect.gather [hbm4b:s2+s22], $0x80, s13, s22, $0xb8;
	[tilespmem:$0x1E800] =	vst v63  }
0xc5: {  	_ =	swait.ge [sflag:s25], $0x4000  }
0xc6: {  	[sflag:s25] =	ssyncset.done $0x0  }
0xc7: {  	[sflag:s25] =	ssyncadd.s32 $0xFFFFC000  }
0xc8: {  	[spmem:s3] =	stream.indirect.scatter.add.f32 [tilespmem:s23], [sflag:$0x3], $0x80, s30, s22, $0xb8;
	[tilespmem:$0x1E800] =	vst v63  }
0xc9: {  	_ =	swait.ge [sflag:s26], $0x4000  }
0xca: {  	[sflag:s26] =	ssyncset.done $0x0  }
0xcb: {  	[sflag:s26] =	ssyncadd.s32 $0xFFFFC000  }
0xcc: {  	[spmem:s3] =	stream.indirect.scatter.add.f32 [tilespmem:s24], [sflag:$0x4], $0x80, s0, s22, $0xb8;
	[tilespmem:$0x1E800] =	vst v63  }
0xcd: {  	_ =	swait.ge [sflag:s29], $0x4000  }
0xce: {  	[sflag:s29] =	ssyncset.done $0x0  }
0xcf: {  	[sflag:s29] =	ssyncadd.s32 $0xFFFFC000  }
0xd0: {  	_ =	swait.ge [sflag:s31], $0x4000  }
0xd1: {  	s9 =	sadd.s32 $0x1, s9;
	[sflag:s31] =	ssyncset.done $0x0  }
0xd2: {  	p1 =	sne.s32 s9, s19;
	[sflag:s31] =	ssyncadd.s32 $0xFFFFC000  }
.Ltmp1:
0xd3: {  	[bflag:$0x0] =	sbarrier.arrive $0xFFFF;
	(pc) =	sbr.rel @!p1 .LBB2_10-.Ltmp1, $4  }
0xd4: {  	[hbm:s18], [sflag:s7] =	dma.local [spmem:s10], $0x2800  }
0xd5: {  	_ =	swait.ge [sflag:s20], $0x2800  }
0xd6: {  	[sflag:s20] =	ssyncset.done $0x0  }
0xd7: {  	[sflag:s20] =	ssyncadd.s32 $0xFFFFD800  }
.LBB2_1:
0xd8: {  	s10 =	sshrl.u32 s6, $0x3  }
0xd9: {  	[spmem:s10], [sflag:s7] =	dma.local [hbm:s5], $0x2800  }
.Ltmp2:
0xda: {  	_ =	swait.ge [sflag:s20], $0x2800;
	(pc) =	sbr.rel @p0 .LBB2_9-.Ltmp2, $4  }
0xdb: {  	[sflag:s20] =	ssyncset.done $0x0  }
0xdc: {  	[sflag:s20] =	ssyncadd.s32 $0xFFFFD800  }
0xdd: {  	[bflag:$0x0] =	sbarrier.arrive $0xFFFF  }
0xde: {  	s11 =	smov.u32 s16;
	s14 =	smov.u32 s17  }
0xdf: {  	s11 =	simm.s32 $0x0;
	s14 =	rddreg [dreg:$0x4]  }
0xe0: {  	[tilespmem:s11], [sflag:$0x5] =	stream.linear.gather [hbm4b:s14+s11], $0x1400, $0x38;
	[tilespmem:$0x1E800] =	vst v63  }
0xe1: {  	_ =	swait.ge [sflag:s20], $0x1400  }
0xe2: {  	[sflag:s20] =	ssyncset.done $0x0  }
0xe3: {  	s15 =	rddreg [dreg:$0x5];
	[sflag:s20] =	ssyncadd.s32 $0xFFFFEC00  }
0xe4: {  	[tilespmem:s21], [sflag:$0x5] =	stream.linear.gather [hbm4b:s15+s11], $0x1400, $0x38;
	[tilespmem:$0x1E800] =	vst v63  }
0xe5: {  	_ =	swait.ge [sflag:s20], $0x1400  }
0xe6: {  	[sflag:s20] =	ssyncset.done $0x0  }
0xe7: {  	[sflag:s20] =	ssyncadd.s32 $0xFFFFEC00  }
0xe8: {  	[tilespmem:s23], [sflag:$0x1] =	stream.indirect.gather [hbm4b:s2+s22], $0x80, s11, s22, $0xb8;
	[tilespmem:$0x1E800] =	vst v63  }
0xe9: {  	_ = 	snop  }
0xea: {  	[tilespmem:s24], [sflag:$0x2] =	stream.indirect.gather [hbm4b:s2+s22], $0x80, s22, s22, $0xb8;
	[tilespmem:$0x1E800] =	vst v63  }
0xeb: {  	_ =	swait.ge [sflag:s25], $0x4000  }
0xec: {  	[sflag:s25] =	ssyncset.done $0x0  }
0xed: {  	s15 =	simm.s32 $0x1400;
	[sflag:s25] =	ssyncadd.s32 $0xFFFFC000  }
0xee: {  	[spmem:s3] =	stream.indirect.scatter.add.f32 [tilespmem:s23], [sflag:$0x3], $0x80, s15, s22, $0xb8;
	[tilespmem:$0x1E800] =	vst v63  }
0xef: {  	_ =	swait.ge [sflag:s26], $0x4000  }
0xf0: {  	[sflag:s26] =	ssyncset.done $0x0  }
0xf1: {  	s14 =	simm.s32 $0x1480;
	[sflag:s26] =	ssyncadd.s32 $0xFFFFC000  }
0xf2: {  	[spmem:s3] =	stream.indirect.scatter.add.f32 [tilespmem:s24], [sflag:$0x4], $0x80, s14, s22, $0xb8;
	[tilespmem:$0x1E800] =	vst v63  }
0xf3: {  	_ =	swait.ge [sflag:s29], $0x4000  }
0xf4: {  	[sflag:s29] =	ssyncset.done $0x0  }
0xf5: {  	s15 =	simm.s32 $0x100;
	[sflag:s29] =	ssyncadd.s32 $0xFFFFC000  }
0xf6: {  	[tilespmem:s23], [sflag:$0x1] =	stream.indirect.gather [hbm4b:s2+s22], $0x80, s15, s22, $0xb8;
	[tilespmem:$0x1E800] =	vst v63  }
0xf7: {  	_ =	swait.ge [sflag:s31], $0x4000  }
0xf8: {  	[sflag:s31] =	ssyncset.done $0x0  }
0xf9: {  	s11 =	simm.s32 $0x180;
	s14 =	simm.s32 $0x400;
	[sflag:s31] =	ssyncadd.s32 $0xFFFFC000  }
.LBB2_3:
0xfa: {  	[tilespmem:s24], [sflag:$0x2] =	stream.indirect.gather [hbm4b:s2+s22], $0x80, s11, s22, $0xb8;
	[tilespmem:$0x1E800] =	vst v63  }
0xfb: {  	s11 =	smov.u32 s14  }
0xfc: {  	p1 =	sne.s32 s14, $0x4800;
	s14 =	sadd.s32 $0x400, s14;
	_ =	swait.ge [sflag:s25], $0x4000  }
0xfd: {  	s11 =	sshra.s32 s11, $0x2;
	[sflag:s25] =	ssyncset.done $0x0  }
0xfe: {  	s15 =	sadd.s32 $0x1400, s11;
	[sflag:s25] =	ssyncadd.s32 $0xFFFFC000  }
0xff: {  	[spmem:s3] =	stream.indirect.scatter.add.f32 [tilespmem:s23], [sflag:$0x3], $0x80, s15, s22, $0xb8;
	[tilespmem:$0x1E800] =	vst v63  }
0x100: {  	_ =	swait.ge [sflag:s26], $0x4000  }
0x101: {  	[sflag:s26] =	ssyncset.done $0x0  }
0x102: {  	s15 =	sadd.s32 $0x1480, s11;
	[sflag:s26] =	ssyncadd.s32 $0xFFFFC000  }
0x103: {  	[spmem:s3] =	stream.indirect.scatter.add.f32 [tilespmem:s24], [sflag:$0x4], $0x80, s15, s22, $0xb8;
	[tilespmem:$0x1E800] =	vst v63  }
0x104: {  	_ =	swait.ge [sflag:s29], $0x4000  }
0x105: {  	[sflag:s29] =	ssyncset.done $0x0  }
.Ltmp3:
0x106: {  	s15 =	sadd.s32 $0x100, s11;
	[sflag:s29] =	ssyncadd.s32 $0xFFFFC000;
	(pc) =	sbr.rel @p1 .LBB2_3-.Ltmp3, $4  }
0x107: {  	[tilespmem:s23], [sflag:$0x1] =	stream.indirect.gather [hbm4b:s2+s22], $0x80, s15, s22, $0xb8;
	[tilespmem:$0x1E800] =	vst v63  }
0x108: {  	_ =	swait.ge [sflag:s31], $0x4000  }
0x109: {  	[sflag:s31] =	ssyncset.done $0x0  }
0x10a: {  	s11 =	sadd.s32 $0x180, s11;
	[sflag:s31] =	ssyncadd.s32 $0xFFFFC000  }
0x10b: {  	[tilespmem:s24], [sflag:$0x2] =	stream.indirect.gather [hbm4b:s2+s22], $0x80, s11, s22, $0xb8;
	[tilespmem:$0x1E800] =	vst v63  }
0x10c: {  	_ =	swait.ge [sflag:s25], $0x4000  }
0x10d: {  	[sflag:s25] =	ssyncset.done $0x0  }
0x10e: {  	[sflag:s25] =	ssyncadd.s32 $0xFFFFC000  }
0x10f: {  	[spmem:s3] =	stream.indirect.scatter.add.f32 [tilespmem:s23], [sflag:$0x3], $0x80, s1, s22, $0xb8;
	[tilespmem:$0x1E800] =	vst v63  }
0x110: {  	_ =	swait.ge [sflag:s26], $0x4000  }
0x111: {  	[sflag:s26] =	ssyncset.done $0x0  }
0x112: {  	[sflag:s26] =	ssyncadd.s32 $0xFFFFC000  }
0x113: {  	[spmem:s3] =	stream.indirect.scatter.add.f32 [tilespmem:s24], [sflag:$0x4], $0x80, s8, s22, $0xb8;
	[tilespmem:$0x1E800] =	vst v63  }
0x114: {  	_ =	swait.ge [sflag:s29], $0x4000  }
0x115: {  	[sflag:s29] =	ssyncset.done $0x0  }
0x116: {  	[sflag:s29] =	ssyncadd.s32 $0xFFFFC000  }
0x117: {  	_ =	swait.ge [sflag:s31], $0x4000  }
0x118: {  	[sflag:s31] =	ssyncset.done $0x0  }
0x119: {  	s11 =	simm.s32 $0x0;
	s14 =	rddreg [dreg:$0x6];
	[sflag:s31] =	ssyncadd.s32 $0xFFFFC000  }
0x11a: {  	[tilespmem:s11], [sflag:$0x5] =	stream.linear.gather [hbm4b:s14+s11], $0x1400, $0x38;
	[tilespmem:$0x1E800] =	vst v63  }
0x11b: {  	_ =	swait.ge [sflag:s20], $0x1400  }
0x11c: {  	[sflag:s20] =	ssyncset.done $0x0  }
0x11d: {  	s15 =	rddreg [dreg:$0x7];
	[sflag:s20] =	ssyncadd.s32 $0xFFFFEC00  }
0x11e: {  	[tilespmem:s21], [sflag:$0x5] =	stream.linear.gather [hbm4b:s15+s11], $0x1400, $0x38;
	[tilespmem:$0x1E800] =	vst v63  }
0x11f: {  	_ =	swait.ge [sflag:s20], $0x1400  }
0x120: {  	[sflag:s20] =	ssyncset.done $0x0  }
0x121: {  	[sflag:s20] =	ssyncadd.s32 $0xFFFFEC00  }
0x122: {  	[tilespmem:s23], [sflag:$0x1] =	stream.indirect.gather [hbm4b:s2+s22], $0x80, s11, s22, $0xb8;
	[tilespmem:$0x1E800] =	vst v63  }
0x123: {  	_ = 	snop  }
0x124: {  	[tilespmem:s24], [sflag:$0x2] =	stream.indirect.gather [hbm4b:s2+s22], $0x80, s22, s22, $0xb8;
	[tilespmem:$0x1E800] =	vst v63  }
0x125: {  	_ =	swait.ge [sflag:s25], $0x4000  }
0x126: {  	[sflag:s25] =	ssyncset.done $0x0  }
0x127: {  	s15 =	simm.s32 $0x1400;
	[sflag:s25] =	ssyncadd.s32 $0xFFFFC000  }
0x128: {  	[spmem:s3] =	stream.indirect.scatter.add.f32 [tilespmem:s23], [sflag:$0x3], $0x80, s15, s22, $0xb8;
	[tilespmem:$0x1E800] =	vst v63  }
0x129: {  	_ =	swait.ge [sflag:s26], $0x4000  }
0x12a: {  	[sflag:s26] =	ssyncset.done $0x0  }
0x12b: {  	s14 =	simm.s32 $0x1480;
	[sflag:s26] =	ssyncadd.s32 $0xFFFFC000  }
0x12c: {  	[spmem:s3] =	stream.indirect.scatter.add.f32 [tilespmem:s24], [sflag:$0x4], $0x80, s14, s22, $0xb8;
	[tilespmem:$0x1E800] =	vst v63  }
0x12d: {  	_ =	swait.ge [sflag:s29], $0x4000  }
0x12e: {  	[sflag:s29] =	ssyncset.done $0x0  }
0x12f: {  	s15 =	simm.s32 $0x100;
	[sflag:s29] =	ssyncadd.s32 $0xFFFFC000  }
0x130: {  	[tilespmem:s23], [sflag:$0x1] =	stream.indirect.gather [hbm4b:s2+s22], $0x80, s15, s22, $0xb8;
	[tilespmem:$0x1E800] =	vst v63  }
0x131: {  	_ =	swait.ge [sflag:s31], $0x4000  }
0x132: {  	[sflag:s31] =	ssyncset.done $0x0  }
0x133: {  	s11 =	simm.s32 $0x180;
	s14 =	simm.s32 $0x400;
	[sflag:s31] =	ssyncadd.s32 $0xFFFFC000  }
.LBB2_5:
0x134: {  	[tilespmem:s24], [sflag:$0x2] =	stream.indirect.gather [hbm4b:s2+s22], $0x80, s11, s22, $0xb8;
	[tilespmem:$0x1E800] =	vst v63  }
0x135: {  	s11 =	smov.u32 s14  }
0x136: {  	p1 =	sne.s32 s14, $0x4800;
	s14 =	sadd.s32 $0x400, s14;
	_ =	swait.ge [sflag:s25], $0x4000  }
0x137: {  	s11 =	sshra.s32 s11, $0x2;
	[sflag:s25] =	ssyncset.done $0x0  }
0x138: {  	s15 =	sadd.s32 $0x1400, s11;
	[sflag:s25] =	ssyncadd.s32 $0xFFFFC000  }
0x139: {  	[spmem:s3] =	stream.indirect.scatter.add.f32 [tilespmem:s23], [sflag:$0x3], $0x80, s15, s22, $0xb8;
	[tilespmem:$0x1E800] =	vst v63  }
0x13a: {  	_ =	swait.ge [sflag:s26], $0x4000  }
0x13b: {  	[sflag:s26] =	ssyncset.done $0x0  }
0x13c: {  	s15 =	sadd.s32 $0x1480, s11;
	[sflag:s26] =	ssyncadd.s32 $0xFFFFC000  }
0x13d: {  	[spmem:s3] =	stream.indirect.scatter.add.f32 [tilespmem:s24], [sflag:$0x4], $0x80, s15, s22, $0xb8;
	[tilespmem:$0x1E800] =	vst v63  }
0x13e: {  	_ =	swait.ge [sflag:s29], $0x4000  }
0x13f: {  	[sflag:s29] =	ssyncset.done $0x0  }
.Ltmp4:
0x140: {  	s15 =	sadd.s32 $0x100, s11;
	[sflag:s29] =	ssyncadd.s32 $0xFFFFC000;
	(pc) =	sbr.rel @p1 .LBB2_5-.Ltmp4, $4  }
0x141: {  	[tilespmem:s23], [sflag:$0x1] =	stream.indirect.gather [hbm4b:s2+s22], $0x80, s15, s22, $0xb8;
	[tilespmem:$0x1E800] =	vst v63  }
0x142: {  	_ =	swait.ge [sflag:s31], $0x4000  }
0x143: {  	[sflag:s31] =	ssyncset.done $0x0  }
0x144: {  	s11 =	sadd.s32 $0x180, s11;
	[sflag:s31] =	ssyncadd.s32 $0xFFFFC000  }
0x145: {  	[tilespmem:s24], [sflag:$0x2] =	stream.indirect.gather [hbm4b:s2+s22], $0x80, s11, s22, $0xb8;
	[tilespmem:$0x1E800] =	vst v63  }
0x146: {  	_ =	swait.ge [sflag:s25], $0x4000  }
0x147: {  	[sflag:s25] =	ssyncset.done $0x0  }
0x148: {  	[sflag:s25] =	ssyncadd.s32 $0xFFFFC000  }
0x149: {  	[spmem:s3] =	stream.indirect.scatter.add.f32 [tilespmem:s23], [sflag:$0x3], $0x80, s1, s22, $0xb8;
	[tilespmem:$0x1E800] =	vst v63  }
0x14a: {  	_ =	swait.ge [sflag:s26], $0x4000  }
0x14b: {  	[sflag:s26] =	ssyncset.done $0x0  }
0x14c: {  	[sflag:s26] =	ssyncadd.s32 $0xFFFFC000  }
0x14d: {  	[spmem:s3] =	stream.indirect.scatter.add.f32 [tilespmem:s24], [sflag:$0x4], $0x80, s8, s22, $0xb8;
	[tilespmem:$0x1E800] =	vst v63  }
0x14e: {  	_ =	swait.ge [sflag:s29], $0x4000  }
0x14f: {  	[sflag:s29] =	ssyncset.done $0x0  }
0x150: {  	[sflag:s29] =	ssyncadd.s32 $0xFFFFC000  }
0x151: {  	_ =	swait.ge [sflag:s31], $0x4000  }
0x152: {  	[sflag:s31] =	ssyncset.done $0x0  }
0x153: {  	s11 =	simm.s32 $0x0;
	s14 =	rddreg [dreg:$0x8];
	[sflag:s31] =	ssyncadd.s32 $0xFFFFC000  }
0x154: {  	[tilespmem:s11], [sflag:$0x5] =	stream.linear.gather [hbm4b:s14+s11], $0x1400, $0x38;
	[tilespmem:$0x1E800] =	vst v63  }
0x155: {  	_ =	swait.ge [sflag:s20], $0x1400  }
0x156: {  	[sflag:s20] =	ssyncset.done $0x0  }
0x157: {  	s15 =	rddreg [dreg:$0x9];
	[sflag:s20] =	ssyncadd.s32 $0xFFFFEC00  }
0x158: {  	[tilespmem:s21], [sflag:$0x5] =	stream.linear.gather [hbm4b:s15+s11], $0x1400, $0x38;
	[tilespmem:$0x1E800] =	vst v63  }
0x159: {  	_ =	swait.ge [sflag:s20], $0x1400  }
0x15a: {  	[sflag:s20] =	ssyncset.done $0x0  }
0x15b: {  	[sflag:s20] =	ssyncadd.s32 $0xFFFFEC00  }
0x15c: {  	[tilespmem:s23], [sflag:$0x1] =	stream.indirect.gather [hbm4b:s2+s22], $0x80, s11, s22, $0xb8;
	[tilespmem:$0x1E800] =	vst v63  }
0x15d: {  	_ = 	snop  }
0x15e: {  	[tilespmem:s24], [sflag:$0x2] =	stream.indirect.gather [hbm4b:s2+s22], $0x80, s22, s22, $0xb8;
	[tilespmem:$0x1E800] =	vst v63  }
0x15f: {  	_ =	swait.ge [sflag:s25], $0x4000  }
0x160: {  	[sflag:s25] =	ssyncset.done $0x0  }
0x161: {  	s15 =	simm.s32 $0x1400;
	[sflag:s25] =	ssyncadd.s32 $0xFFFFC000  }
0x162: {  	[spmem:s3] =	stream.indirect.scatter.add.f32 [tilespmem:s23], [sflag:$0x3], $0x80, s15, s22, $0xb8;
	[tilespmem:$0x1E800] =	vst v63  }
0x163: {  	_ =	swait.ge [sflag:s26], $0x4000  }
0x164: {  	[sflag:s26] =	ssyncset.done $0x0  }
0x165: {  	s14 =	simm.s32 $0x1480;
	[sflag:s26] =	ssyncadd.s32 $0xFFFFC000  }
0x166: {  	[spmem:s3] =	stream.indirect.scatter.add.f32 [tilespmem:s24], [sflag:$0x4], $0x80, s14, s22, $0xb8;
	[tilespmem:$0x1E800] =	vst v63  }
0x167: {  	_ =	swait.ge [sflag:s29], $0x4000  }
0x168: {  	[sflag:s29] =	ssyncset.done $0x0  }
0x169: {  	s15 =	simm.s32 $0x100;
	[sflag:s29] =	ssyncadd.s32 $0xFFFFC000  }
0x16a: {  	[tilespmem:s23], [sflag:$0x1] =	stream.indirect.gather [hbm4b:s2+s22], $0x80, s15, s22, $0xb8;
	[tilespmem:$0x1E800] =	vst v63  }
0x16b: {  	_ =	swait.ge [sflag:s31], $0x4000  }
0x16c: {  	[sflag:s31] =	ssyncset.done $0x0  }
0x16d: {  	s11 =	simm.s32 $0x180;
	s14 =	simm.s32 $0x400;
	[sflag:s31] =	ssyncadd.s32 $0xFFFFC000  }
.LBB2_7:
0x16e: {  	[tilespmem:s24], [sflag:$0x2] =	stream.indirect.gather [hbm4b:s2+s22], $0x80, s11, s22, $0xb8;
	[tilespmem:$0x1E800] =	vst v63  }
0x16f: {  	s11 =	smov.u32 s14  }
0x170: {  	p1 =	sne.s32 s14, $0x4800;
	s14 =	sadd.s32 $0x400, s14;
	_ =	swait.ge [sflag:s25], $0x4000  }
0x171: {  	s11 =	sshra.s32 s11, $0x2;
	[sflag:s25] =	ssyncset.done $0x0  }
0x172: {  	s15 =	sadd.s32 $0x1400, s11;
	[sflag:s25] =	ssyncadd.s32 $0xFFFFC000  }
0x173: {  	[spmem:s3] =	stream.indirect.scatter.add.f32 [tilespmem:s23], [sflag:$0x3], $0x80, s15, s22, $0xb8;
	[tilespmem:$0x1E800] =	vst v63  }
0x174: {  	_ =	swait.ge [sflag:s26], $0x4000  }
0x175: {  	[sflag:s26] =	ssyncset.done $0x0  }
0x176: {  	s15 =	sadd.s32 $0x1480, s11;
	[sflag:s26] =	ssyncadd.s32 $0xFFFFC000  }
0x177: {  	[spmem:s3] =	stream.indirect.scatter.add.f32 [tilespmem:s24], [sflag:$0x4], $0x80, s15, s22, $0xb8;
	[tilespmem:$0x1E800] =	vst v63  }
0x178: {  	_ =	swait.ge [sflag:s29], $0x4000  }
0x179: {  	[sflag:s29] =	ssyncset.done $0x0  }
.Ltmp5:
0x17a: {  	s15 =	sadd.s32 $0x100, s11;
	[sflag:s29] =	ssyncadd.s32 $0xFFFFC000;
	(pc) =	sbr.rel @p1 .LBB2_7-.Ltmp5, $4  }
0x17b: {  	[tilespmem:s23], [sflag:$0x1] =	stream.indirect.gather [hbm4b:s2+s22], $0x80, s15, s22, $0xb8;
	[tilespmem:$0x1E800] =	vst v63  }
0x17c: {  	_ =	swait.ge [sflag:s31], $0x4000  }
0x17d: {  	[sflag:s31] =	ssyncset.done $0x0  }
0x17e: {  	s11 =	sadd.s32 $0x180, s11;
	[sflag:s31] =	ssyncadd.s32 $0xFFFFC000  }
.Ltmp6:
0x17f: {  	_ = 	snop;
	(pc) =	sbr.rel .LBB2_8-.Ltmp6, $1  }
0x180: {  	_ =	sdelay $0x3  }
.LBB2_10:
0x181: {  	_ =	sfence.sel $0x180000  }
0x182: {  	[bflag:$0x0] =	sbarrier.arrive $0xFFFF  }
0x183: {  	_ =	strace $0x9000004D  }
0x184: {  	s0 =	stileid.u32;
	[bflag:$0x2] =	sbarrier.arrive $0xFFFF  }
0x185: {  	p0 =	sne.s32 s0, $0x0;
	s0 =	rddreg [dreg:$0x3]  }
0x186: {  	s0 =	sadd.s32 @!p0 $0x100000, s0  }
0x187: {  	[sflag:s0] =	ssyncadd.tile.s32 @!p0 $0x1;
	_ =	shalt  }
.Lfunc_end2:
_tile_overlayer_lowered:
.L_overlay_start_2:
0x188: {  	(tag) =	ssettag $0x2  }
0x189: {  	s0 =	rddreg [dreg:$0x0];
	s2 =	stileid.u32  }
0x18a: {  	s1 =	rddreg [dreg:$0x1];
	p0 =	sne.s32 s2, $0x0  }
0x18b: {  	s3 =	rddreg [dreg:$0x2];
	[bflag:$0x3] =	sbarrier.arrive $0xFFFF;
	s2 =	simm.s32 @!p0 $0x1C05  }
0x18c: {  	[timem:s3], [sflag:s2] =	dma.local @!p0 [hbm:s0], s1  }
0x18d: {  	s0 =	simm.s32 @!p0 $0x5  }
0x18e: {  	_ =	swait.ge @!p0 [sflag:s0], s1  }
0x18f: {  	s1 =	ssub.s32 @!p0 $0x0, s1;
	[sflag:s0] =	ssyncset.done @!p0 $0x0  }
0x190: {  	[sflag:s0] =	ssyncadd.s32 @!p0 s1  }
0x191: {  	[bflag:$0x3] =	sbarrier.arrive $0xFFFF  }
0x192: {  	_ =	shalt  }

// kernel: _run.9.cloned.1.call-start
scs
__scs_entry_jumppad:
0x0: {  	(pc) =	sbr.rel $0x88, $3  }
0x1: {  	(tag) =	ssettag $0x0;
	lr =	simm.s32 $0x1  }
0x2: {  	[smem:$0x3F9B] =	sst lr;
	_ =	strace $0xD0000000  }
0x3: {  	_ = 	snop  }
0x4: {  	_ = 	snop  }
0x5: {  	_ = 	snop  }
0x6: {  	_ = 	snop  }
0x7: {  	_ = 	snop  }
__scs_overlays_trampoline_lowered:
0x8: {  	[smem:$0x3FAA] =	sst s0  }
0x9: {  	[smem:$0x3FAB] =	sst s1  }
0xa: {  	[smem:$0x3FAC] =	sst s2  }
0xb: {  	[smem:$0x3FAD] =	sst s3  }
0xc: {  	[smem:$0x3FAE] =	sst s4  }
0xd: {  	[smem:$0x3FAF] =	sst s5  }
0xe: {  	[smem:$0x3FB0] =	sst s6  }
0xf: {  	[smem:$0x3FB1] =	sst s7  }
0x10: {  	[smem:$0x3FB2] =	sst s8  }
0x11: {  	[smem:$0x3FB3] =	sst s9;
	s0 =	simm.s32 @!p0 $0x0  }
0x12: {  	s1 =	sld [smem:$0x3F99];
	s0 =	simm.s32 @p0 $0x1  }
0x13: {  	[smem:$0x3FB4] =	sst s0;
	s0 =	simm.s32 @!p1 $0x0  }
0x14: {  	s2 =	sld [smem:$0x3F98];
	s0 =	simm.s32 @p1 $0x1  }
0x15: {  	[smem:$0x3FB5] =	sst s0;
	s0 =	simm.s32 @!p2 $0x0  }
0x16: {  	s3 =	sld [smem:$0x3FDB];
	s0 =	simm.s32 @p2 $0x1  }
0x17: {  	s4 =	simm.s32 $0x1BF5;
	[smem:$0x3FB7] =	sst s0  }
0x18: {  	s0 =	sld [smem:$0x3F9A];
	_ =	swait.ge [sflag:s4], $0x0  }
0x19: {  	s7 =	sld [smem:$0x3F9B]  }
0x1a: {  	s8 =	sadd.s32 $0xFFFFE003, lr  }
0x1b: {  	s9 =	sadd.s32 $0xFFFFFEF7, lr;
	s5 =	simm.s32 $0xFFFFFFFF;
	p2 =	slt.u32 s8, $0xFFFFF086  }
0x1c: {  	p1 =	slt.u32 s9, $0xF7A;
	s5 =	simm.s32 @!p2 $0x0  }
0x1d: {  	s5 =	simm.s32 @p1 $0x1;
	p0 =	seq.s32 s7, s2  }
0x1e: {  	s7 =	smul.u32 @!p0 $0xF7A, s2;
	p2 =	seq.s32 @!p0 s5, $0x0  }
0x1f: {  	s9 =	smul.u32 $0xF7A, s1;
	s8 =	simm.s32 @!p0 $0x1BF5;
	p2 =	por !p2, p0  }
0x20: {  	[sflag:s8] =	ssyncset.s32 @!p0 $0xFFFFF086;
	s6 =	sadd.s32 @!p0 s3, s7;
	s7 =	simm.s32 @!p0 $0x108  }
0x21: {  	s3 =	sadd.s32 s3, s9;
	s6 =	sadd.s32 @!p0 $0x88, s6;
	s7 =	simm.s32 @p2 $0x1082  }
0x22: {  	[simem:s7], [sflag:s8] =	dma.local @!p0 [hbm:s6], $0xF7A  }
0x23: {  	s9 =	sor.u32 $0xD0000000, s2;
	s6 =	simm.s32 $0x108;
	_ =	swait.ge @!p0 [sflag:s8], $0x0  }
0x24: {  	s3 =	sadd.s32 $0x88, s3;
	s6 =	simm.s32 @!p1 $0x1082;
	[sflag:s4] =	ssyncset.s32 $0xFFFFF086  }
0x25: {  	[simem:s6], [sflag:s4] =	dma.local [hbm:s3], $0xF7A  }
0x26: {  	[smem:$0x3F9B] =	sst s1;
	(tag) =	ssettag s2;
	_ =	strace s9  }
0x27: {  	s1 =	sld [smem:$0x3FAB]  }
0x28: {  	s2 =	sld [smem:$0x3FAC]  }
0x29: {  	s4 =	sld [smem:$0x3FAE]  }
0x2a: {  	p0 =	seq.s32 s5, $0x0;
	s5 =	sld [smem:$0x3FAF]  }
0x2b: {  	s6 =	sld [smem:$0x3FB0]  }
0x2c: {  	s7 =	sld [smem:$0x3FB1]  }
0x2d: {  	s3 =	simm.s32 $0x108;
	s8 =	sld [smem:$0x3FB2]  }
0x2e: {  	s3 =	simm.s32 @!p0 $0x1082;
	s9 =	sld [smem:$0x3FB3]  }
0x2f: {  	lr =	sadd.s32 s0, s3;
	s0 =	sld [smem:$0x3FAA]  }
0x30: {  	s3 =	sld [smem:$0x3FAD]  }
0x31: {  	[smem:$0x3FB6] =	sst s10  }
0x32: {  	s10 =	sld [smem:$0x3FB4];
	_ =	sdelay $0x3  }
0x33: {  	p0 =	seq.s32 s10, $0x1;
	s10 =	sld [smem:$0x3FB6];
	_ =	sdelay $0x3  }
0x34: {  	[smem:$0x3FB6] =	sst s10  }
0x35: {  	s10 =	sld [smem:$0x3FB5];
	_ =	sdelay $0x3  }
0x36: {  	p1 =	seq.s32 s10, $0x1;
	s10 =	sld [smem:$0x3FB6];
	_ =	sdelay $0x3  }
0x37: {  	[smem:$0x3FB6] =	sst s10  }
0x38: {  	s10 =	sld [smem:$0x3FB7]  }
0x39: {  	_ = 	snop;
	(pc) =	sbr.ind lr, $3  }
0x3a: {  	_ = 	snop  }
0x3b: {  	_ = 	snop  }
0x3c: {  	p2 =	seq.s32 s10, $0x1;
	s10 =	sld [smem:$0x3FB6]  }
0x3d: {  	_ =	shalt  }
0x3e: {  	_ =	shalt  }
0x3f: {  	_ =	shalt  }
0x40: {  	_ =	shalt  }
0x41: {  	_ =	shalt  }
0x42: {  	_ =	shalt  }
0x43: {  	_ =	shalt  }
0x44: {  	_ =	shalt  }
0x45: {  	_ =	shalt  }
0x46: {  	_ =	shalt  }
0x47: {  	_ =	shalt  }
0x48: {  	_ =	shalt  }
0x49: {  	_ =	shalt  }
0x4a: {  	_ =	shalt  }
0x4b: {  	_ =	shalt  }
0x4c: {  	_ =	shalt  }
0x4d: {  	_ =	shalt  }
0x4e: {  	_ =	shalt  }
0x4f: {  	_ =	shalt  }
0x50: {  	_ =	shalt  }
0x51: {  	_ =	shalt  }
0x52: {  	_ =	shalt  }
0x53: {  	_ =	shalt  }
0x54: {  	_ =	shalt  }
0x55: {  	_ =	shalt  }
0x56: {  	_ =	shalt  }
0x57: {  	_ =	shalt  }
0x58: {  	_ =	shalt  }
0x59: {  	_ =	shalt  }
0x5a: {  	_ =	shalt  }
0x5b: {  	_ =	shalt  }
0x5c: {  	_ =	shalt  }
0x5d: {  	_ =	shalt  }
0x5e: {  	_ =	shalt  }
0x5f: {  	_ =	shalt  }
0x60: {  	_ =	shalt  }
0x61: {  	_ =	shalt  }
0x62: {  	_ =	shalt  }
0x63: {  	_ =	shalt  }
0x64: {  	_ =	shalt  }
0x65: {  	_ =	shalt  }
0x66: {  	_ =	shalt  }
0x67: {  	_ =	shalt  }
0x68: {  	_ =	shalt  }
0x69: {  	_ =	shalt  }
0x6a: {  	_ =	shalt  }
0x6b: {  	_ =	shalt  }
0x6c: {  	_ =	shalt  }
0x6d: {  	_ =	shalt  }
0x6e: {  	_ =	shalt  }
0x6f: {  	_ =	shalt  }
0x70: {  	_ =	shalt  }
0x71: {  	_ =	shalt  }
0x72: {  	_ =	shalt  }
0x73: {  	_ =	shalt  }
0x74: {  	_ =	shalt  }
0x75: {  	_ =	shalt  }
0x76: {  	_ =	shalt  }
0x77: {  	_ =	shalt  }
0x78: {  	_ =	shalt  }
0x79: {  	_ =	shalt  }
0x7a: {  	_ =	shalt  }
0x7b: {  	_ =	shalt  }
0x7c: {  	_ =	shalt  }
0x7d: {  	_ =	shalt  }
0x7e: {  	_ =	shalt  }
0x7f: {  	_ =	shalt  }
0x80: {  	_ =	shalt  }
0x81: {  	_ =	shalt  }
0x82: {  	_ =	shalt  }
0x83: {  	_ =	shalt  }
0x84: {  	_ =	shalt  }
0x85: {  	_ =	shalt  }
0x86: {  	_ =	shalt  }
0x87: {  	_ =	shalt  }
.Lfunc_end0:
.L_simem_size_0:
called_computation_lowered:
.L_overlay_start_0:
0x88: {  	s2 =	sld [smem:$0x3FD9]  }
0x89: {  	s3 =	sld [smem:$0x3FFE];
	_ =	sdelay $0x1  }
0x8a: {  	s1 =	srdreg.scid  }
0x8b: {  	s0 =	sand.u32 $0x1, s1  }
0x8c: {  	s17 =	sshll.u32 s0, $0xA;
	s2 =	sadd.s32 s3, s2  }
0x8d: {  	s2 =	sadd.s32 s2, s17  }
0x8e: {  	[smem:$0x3FC2] =	sst s2  }
0x8f: {  	_ = 	snop  }
0x90: {  	s2 =	sld [smem:$0x3FD0];
	(tm) =	ssettm $0x1  }
0x91: {  	s18 =	sld [smem:$0x3FFB];
	_ =	sdelay $0x3  }
0x92: {  	_ =	strace s18  }
0x93: {  	s3 =	sld [smem:$0x3FFC];
	_ =	sdelay $0x3  }
0x94: {  	_ =	strace s3  }
0x95: {  	s3 =	sld [smem:$0x3FFD];
	_ =	sdelay $0x3  }
0x96: {  	_ =	strace s3  }
0x97: {  	_ =	strace $0x8FFFFFFF  }
0x98: {  	s19 =	sld [smem:$0x3FDB];
	_ =	sdelay $0x1  }
0x99: {  	s4 =	simm.s32 $_scs_section_size  }
0x9a: {  	s5 =	simm.s32 $_size__tile_overlayer_lowered;
	s6 =	simm.s32 $_tile_overlayer_lowered  }
0x9b: {  	s22 =	simm.s32 $0x1BFF;
	s21 =	sshll.u32 s6, $0x1;
	s3 =	sadd.s32 s4, s19  }
0x9c: {  	s7 =	simm.s32 $0x0;
	s20 =	sshll.u32 s5, $0x1;
	s5 =	sadd.s32 s21, s3  }
0x9d: {  	[timem:s7], [sflag:s22] =	dma.local [hbm:s5], s20  }
0x9e: {  	_ =	swait.ge [sflag:s22], s20  }
0x9f: {  	s4 =	ssub.s32 $0x0, s20;
	[sflag:s22] =	ssyncset.done $0x0  }
0xa0: {  	[sflag:s22] =	ssyncadd.s32 s4;
	_ =	sdelay $0x1  }
0xa1: {  	s23 =	simm.s32 $0x1B8B  }
0xa2: {  	_ =	swait.ge [sflag:s23], $0x1  }
0xa3: {  	[sflag:s23] =	ssyncset.done $0x0  }
0xa4: {  	s25 =	simm.s32 $0x1B8E;
	s24 =	sld [smem:$0x3FFE];
	[sflag:s23] =	ssyncadd.s32 $0xFFFFFFFF  }
0xa5: {  	s26 =	simm.s32 $execute0_lowered;
	[smem:$0x3FD2] =	sst s25  }
0xa6: {  	s5 =	sshll.u32 s26, $0x1;
	_ =	strace $0x80000046;
	[dreg:$0x1] =	wrdreg $0xFFFFFFFF  }
0xa7: {  	s28 =	simm.s32 $_size_execute0_lowered;
	s3 =	sadd.s32 s3, s5;
	[dreg:$0x0] =	wrdreg $0x0  }
0xa8: {  	s5 =	sshll.u32 s28, $0x1;
	[dreg:$0x2] =	wrdreg s3  }
0xa9: {  	[dreg:$0x3] =	wrdreg s5  }
0xaa: {  	[dreg:$0x4] =	wrdreg $0xC0  }
0xab: {  	_ =	task [dreg:s7], $0x5FFFF  }
0xac: {  	[dreg:$0x1] =	wrdreg $0xFFFFFFFF  }
0xad: {  	[dreg:$0x0] =	wrdreg $0x60  }
0xae: {  	[dreg:$0x2] =	wrdreg s2  }
0xaf: {  	[dreg:$0x3] =	wrdreg s24  }
0xb0: {  	[dreg:$0x4] =	wrdreg $0x68000  }
0xb1: {  	[dreg:$0x5] =	wrdreg $0x9  }
0xb2: {  	_ =	task.clear_ibuf [dreg:s7], $0x6FFFF;
	_ =	strace $0x90000046  }
0xb3: {  	s29 =	simm.s32 $0x9;
	_ =	strace $0x80000048  }
0xb4: {  	_ =	swait.ge [sflag:s29], $0x1  }
0xb5: {  	[sflag:s29] =	ssyncadd.s32 $0xFFFFFFFF  }
0xb6: {  	_ =	strace $0x90000048  }
0xb7: {  	_ =	sfence  }
0xb8: {  	s30 =	sld [smem:$0x0];
	_ =	sdelay $0x2  }
0xb9: {  	s31 =	sshll.u32 s1, $0xD;
	s1 =	sshrl.u32 s1, $0x2  }
0xba: {  	s3 =	sand.u32 $0x4000, s31;
	s1 =	sadd.s32 s1, s30  }
0xbb: {  	s0 =	sor.u32 s3, s0;
	s1 =	sshll.u32 s1, $0x11  }
0xbc: {  	s0 =	sor.u32 s1, s0  }
0xbd: {  	s0 =	sadd.s32 $0x8F2B, s0  }
0xbe: {  	[sflag:s0] =	ssyncadd.remote.s32 $0x1  }
0xbf: {  	_ =	sfence.sel $0xFFFF  }
0xc0: {  	[dreg:$0x0] =	wrdreg $0xFFFFFFFF;
	(pc) =	sbr.abs _section_cstart, $3  }
0xc1: {  	[dreg:$0x1] =	wrdreg $0xFFFFFFFF  }
0xc2: {  	_ =	task.clear_ibuf [dreg:s7], $0x2FFFF;
	_ =	strace $0x9FFFFFFF  }
0xc3: {  	(tm) =	ssettm $0x7FFFFFFF  }
tec
execute0_lowered:
.L_overlay_start_1:
0x0: {  	(tag) =	ssettag $0x1  }
0x1: {  	s6 =	rddreg [dreg:$0x0]  }
0x2: {  	s7 =	rddreg [dreg:$0x1]  }
0x3: {  	s1 =	rddreg [dreg:$0x2]  }
0x4: {  	s0 =	rddreg [dreg:$0x3];
	s3 =	simm.s32 $0x0;
	s2 =	srdreg.scid  }
0x5: {  	s13 =	simm.s32 $0x80;
	[smem:$0x7FF] =	sst s3;
	s8 =	sand.u32 $0x1, s2  }
0x6: {  	s14 =	simm.s32 $0x0;
	s2 =	stileid.u32;
	s9 =	smul.u32 $0x140000, s8  }
0x7: {  	s4 =	sadd.s32 $0x2000, s7;
	s5 =	sadd.s32 $0x1800, s7;
	s10 =	smul.u32 $0x14000, s2  }
0x8: {  	_ =	strace $0x80000047;
	s11 =	sshll.u32 s2, $0x1;
	s29 =	smul.u32 $0x50000, s2  }
0x9: {  	s31 =	sshll.u32 s2, $0x6;
	s28 =	sor.u32 s8, s11;
	s8 =	ssub.s32 $0x2, s8  }
0xa: {  	s9 =	sadd.s32 s10, s9;
	s10 =	smul.u32 $0x500, s28;
	s30 =	sshrl.u32 s8, $0x1  }
0xb: {  	s11 =	sshrl.u32 s29, $0x2;
	s9 =	sshrl.u32 s9, $0x3;
	s8 =	ssub.s32 s8, s30  }
0xc: {  	s12 =	sadd.s32 s11, s1;
	s11 =	sor.u32 $0x1C01, s31;
	s7 =	sadd.s32 s9, s7  }
0xd: {  	s6 =	sadd.s32 s6, s10;
	s8 =	smax.u32 s8, $0x1;
	s9 =	simm.s32 $0x1  }
0xe: {  	s10 =	simm.s32 $0x2800;
	s12 =	sshrl.u32 s12, $0x3;
	s7 =	sadd.s32 $0x4800, s7  }
.LBB2_1:
0xf: {  	[tilespmem:s3], [sflag:$0x1] =	stream.linear.gather [hbm4b:s6+s3], $0x2800, $0x38;
	[tilespmem:$0x1A800] =	vst v63  }
0x10: {  	_ =	swait.ge [sflag:s9], $0x2800  }
0x11: {  	[sflag:s9] =	ssyncset.done $0x0  }
0x12: {  	[sflag:s9] =	ssyncadd.s32 $0xFFFFD800  }
0x13: {  	[tilespmem:s10], [sflag:$0x1] =	stream.linear.gather [hbm4b:s5+s3], $0x4000, $0x38;
	[tilespmem:$0x1A800] =	vst v63  }
0x14: {  	_ =	swait.ge [sflag:s9], $0x4000  }
0x15: {  	[sflag:s9] =	ssyncset.done $0x0  }
0x16: {  	[sflag:s9] =	ssyncadd.s32 $0xFFFFC000  }
0x17: {  	[spmem:s12], [sflag:s11] =	dma.local [hbm:s4], $0x2800  }
0x18: {  	_ =	swait.ge [sflag:s9], $0x2800  }
0x19: {  	[sflag:s9] =	ssyncset.done $0x0  }
0x1a: {  	[sflag:s9] =	ssyncadd.s32 $0xFFFFD800  }
0x1b: {  	s15 =	simm.s32 $0x0;
	[bflag:$0x0] =	sbarrier.arrive $0xFFFF  }
0x1c: {  	[spmem:s1] =	stream.indirect.scatter.add.f32 [tilespmem:s10], [sflag:$0x1], $0x80, s15, s13, $0xb8;
	[tilespmem:$0x1A800] =	vst v63  }
0x1d: {  	_ =	swait.ge [sflag:s9], $0x4000  }
0x1e: {  	s15 =	simm.s32 $0x200;
	[sflag:s9] =	ssyncset.done $0x0  }
.LBB2_2:
0x1f: {  	s16 =	sshra.s32 s15, $0x2;
	[sflag:s9] =	ssyncadd.s32 $0xFFFFC000;
	p0 =	sne.s32 s15, $0x9E00  }
0x20: {  	[spmem:s1] =	stream.indirect.scatter.add.f32 [tilespmem:s10], [sflag:$0x1], $0x80, s16, s13, $0xb8;
	[tilespmem:$0x1A800] =	vst v63  }
.Ltmp0:
0x21: {  	_ = 	snop;
	(pc) =	sbr.rel @p0 .LBB2_2-.Ltmp0, $4  }
0x22: {  	_ = 	snop  }
0x23: {  	s15 =	sadd.s32 $0x200, s15  }
0x24: {  	_ =	swait.ge [sflag:s9], $0x4000  }
0x25: {  	[sflag:s9] =	ssyncset.done $0x0  }
0x26: {  	s14 =	sadd.s32 $0x1, s14  }
0x27: {  	[sflag:s9] =	ssyncadd.s32 $0xFFFFC000;
	p0 =	sne.s32 s14, s8  }
.Ltmp1:
0x28: {  	[bflag:$0x0] =	sbarrier.arrive $0xFFFF;
	(pc) =	sbr.rel @p0 .LBB2_1-.Ltmp1, $4  }
0x29: {  	[hbm:s7], [sflag:s11] =	dma.local [spmem:s12], $0x2800  }
0x2a: {  	_ =	swait.ge [sflag:s9], $0x2800  }
0x2b: {  	[sflag:s9] =	ssyncset.done $0x0  }
0x2c: {  	[sflag:s9] =	ssyncadd.s32 $0xFFFFD800  }
0x2d: {  	_ =	sfence.sel $0x180000  }
0x2e: {  	[bflag:$0x0] =	sbarrier.arrive $0xFFFF  }
0x2f: {  	p0 =	sne.s32 s2, $0x0;
	_ =	strace $0x90000047  }
0x30: {  	s0 =	sadd.s32 @!p0 $0x100000, s0;
	[bflag:$0x2] =	sbarrier.arrive $0xFFFF  }
0x31: {  	[sflag:s0] =	ssyncadd.tile.s32 @!p0 $0x1;
	_ =	shalt  }
.Lfunc_end2:
_tile_overlayer_lowered:
.L_overlay_start_2:
0x32: {  	(tag) =	ssettag $0x2  }
0x33: {  	s0 =	rddreg [dreg:$0x0];
	s2 =	stileid.u32  }
0x34: {  	s1 =	rddreg [dreg:$0x1];
	p0 =	sne.s32 s2, $0x0  }
0x35: {  	s3 =	rddreg [dreg:$0x2];
	[bflag:$0x3] =	sbarrier.arrive $0xFFFF;
	s2 =	simm.s32 @!p0 $0x1C01  }
0x36: {  	[timem:s3], [sflag:s2] =	dma.local @!p0 [hbm:s0], s1  }
0x37: {  	s0 =	simm.s32 @!p0 $0x1  }
0x38: {  	_ =	swait.ge @!p0 [sflag:s0], s1  }
0x39: {  	s1 =	ssub.s32 @!p0 $0x0, s1;
	[sflag:s0] =	ssyncset.done @!p0 $0x0  }
0x3a: {  	[sflag:s0] =	ssyncadd.s32 @!p0 s1  }
0x3b: {  	[bflag:$0x3] =	sbarrier.arrive $0xFFFF  }
0x3c: {  	_ =	shalt  }

</sc_bundles>
